<compile_context>
chip_gen: v7x
topology: tpu7x:2x2x1
jax: 0.10.2.dev20260603
libtpu: 0.0.44.dev20260713+nightly
codegen_flags: <defaults>
</compile_context>

<pallas_src>
import functools

import jax
import jax.numpy as jnp
from jax import lax
from jax.experimental import pallas as pl
from jax.experimental.pallas import tpu as pltpu
from jax.experimental.pallas import tpu_sc as plsc

NN = 100000
EE = 3200000
NT = 32
EPT = EE // NT
CH = 2000
PADT = EPT
ETOT = EE
NROOT = 50000
NWALK = 100000
WPT = 3200
WVAL = NWALK // NT
STEPS = 4
CBIAS = -1

_mesh = plsc.VectorSubcoreMesh(core_axis_name="c", subcore_axis_name="s")


def _wid():
    return lax.axis_index("s") * 2 + lax.axis_index("c")


def _iota16():
    return lax.iota(jnp.int32, 16)


@functools.partial(
    pl.kernel,
    out_type=jax.ShapeDtypeStruct((NT * NN,), jnp.int32),
    mesh=_mesh,
    compiler_params=pltpu.CompilerParams(needs_layout_passes=False),
    scratch_types=[
        pltpu.VMEM((NN + 16,), jnp.int32),
        pltpu.VMEM((CH,), jnp.int32),
        pltpu.SemaphoreType.DMA,
    ],
)
def _hist_k(row_hbm, h_hbm, hist_v, buf_v, sem):
    w = _wid()
    zero = jnp.zeros((16,), jnp.int32)

    def zbody(i, _):
        hist_v[pl.ds(i * 16, 16)] = zero
        return 0

    lax.fori_loop(0, (NN + 16) // 16, zbody, 0)

    def chunk(ch, _):
        pltpu.sync_copy(row_hbm.at[pl.ds(w * PADT + ch * CH, CH)], buf_v)

        def vbody(i, _):
            v = buf_v[pl.ds(i * 16, 16)]
            cur = plsc.load_gather(hist_v, [v])
            dc, last = plsc.scan_count(v)
            plsc.store_scatter(hist_v, [v], cur + dc + (CBIAS + 1), mask=last)
            return 0

        lax.fori_loop(0, CH // 16, vbody, 0)
        return 0

    lax.fori_loop(0, PADT // CH, chunk, 0)
    pltpu.sync_copy(hist_v.at[pl.ds(0, NN)], h_hbm.at[pl.ds(w * NN, NN)])


HALF = ETOT // 2
SHARE = HALF // 16


@functools.partial(
    pl.kernel,
    out_type=jax.ShapeDtypeStruct((ETOT,), jnp.int32),
    mesh=_mesh,
    compiler_params=pltpu.CompilerParams(needs_layout_passes=False),
    scratch_types=[
        pltpu.VMEM((NN + 16,), jnp.int32),
        pltpu.VMEM((CH,), jnp.int32),
        pltpu.VMEM((CH,), jnp.int32),
        pltpu.SemaphoreType.DMA,
    ],
)
def _pos_k(row_hbm, start_hbm, pos_hbm, cnt_v, buf_v, pos_v, sem_in):
    w = _wid()
    pltpu.sync_copy(start_hbm.at[pl.ds(w * NN, NN)], cnt_v.at[pl.ds(0, NN)])

    def chunk(ch, _):
        pltpu.sync_copy(row_hbm.at[pl.ds(w * PADT + ch * CH, CH)], buf_v)

        def vbody(i, _):
            v = buf_v[pl.ds(i * 16, 16)]
            cur = plsc.load_gather(cnt_v, [v])
            dc, last = plsc.scan_count(v)
            pos = cur + dc + CBIAS
            plsc.store_scatter(cnt_v, [v], pos + 1, mask=last)
            pos_v[pl.ds(i * 16, 16)] = pos
            return 0

        lax.fori_loop(0, CH // 16, vbody, 0)
        pltpu.sync_copy(pos_v, pos_hbm.at[pl.ds(w * PADT + ch * CH, CH)])
        return 0

    lax.fori_loop(0, PADT // CH, chunk, 0)


@functools.partial(
    pl.kernel,
    out_type=jax.ShapeDtypeStruct((ETOT + 8,), jnp.int32),
    mesh=_mesh,
    compiler_params=pltpu.CompilerParams(needs_layout_passes=False),
    scratch_types=[
        pltpu.VMEM_SHARED((HALF + 8,), jnp.int32),
        pltpu.VMEM((CH,), jnp.int32),
        pltpu.VMEM((CH,), jnp.int32),
        pltpu.VMEM((CH,), jnp.int32),
        pltpu.VMEM((CH,), jnp.int32),
        pltpu.VMEM((CH,), jnp.int32),
        pltpu.VMEM((CH,), jnp.int32),
        pltpu.VMEM((CH,), jnp.int32),
        pltpu.VMEM((CH,), jnp.int32),
        pltpu.VMEM((CH,), jnp.int32),
        pltpu.VMEM((CH,), jnp.int32),
        pltpu.SemaphoreType.DMA,
        pltpu.SemaphoreType.DMA,
    ],
)
def _place_k(pos_hbm, perm_hbm, sh_v,
             pbuf_v, idx0_v, idx1_v, idx2_v, idx3_v,
             val0_v, val1_v, val2_v, val3_v, cbuf_v, sem_in, sem_sc):
    cid = lax.axis_index("c")
    sid = lax.axis_index("s")
    base = cid * HALF
    iota = _iota16()
    nch = PADT // CH
    idxs = (idx0_v, idx1_v, idx2_v, idx3_v)
    vals = (val0_v, val1_v, val2_v, val3_v)

    def group(grp, _):
        for bi in range(4):
            t = grp * 4 + bi

            @pl.when(grp >= 1)
            def _():
                pltpu.make_async_copy(
                    vals[bi], sh_v.at[idxs[bi]], sem_sc).wait()

            g = sid * 2 + t // nch
            ch = t % nch
            pltpu.sync_copy(pos_hbm.at[pl.ds(g * PADT + ch * CH, CH)], pbuf_v)
            vbase = g * EPT + ch * CH

            def vbody(i, _, bi=bi, vbase=vbase):
                pos = pbuf_v[pl.ds(i * 16, 16)]
                rel = pos - base
                ok = jnp.logical_and(rel >= 0, rel < HALF)
                idxs[bi][pl.ds(i * 16, 16)] = jnp.where(ok, rel, HALF)
                vals[bi][pl.ds(i * 16, 16)] = (
                    jnp.full((16,), vbase, jnp.int32) + i * 16 + iota)
                return 0

            lax.fori_loop(0, CH // 16, vbody, 0)
            pltpu.async_copy(vals[bi], sh_v.at[idxs[bi]], sem_sc)
        return 0

    lax.fori_loop(0, (2 * nch) // 4, group, 0)
    for bi in range(4):
        pltpu.make_async_copy(vals[bi], sh_v.at[idxs[bi]], sem_sc).wait()
    plsc.subcore_barrier()

    def cp(ch, _):
        src = sid * SHARE + ch * CH
        pltpu.sync_copy(sh_v.at[pl.ds(src, CH)], cbuf_v)
        pltpu.sync_copy(cbuf_v, perm_hbm.at[pl.ds(base + src, CH)])
        return 0

    lax.fori_loop(0, SHARE // CH, cp, 0)

    @pl.when(jnp.logical_and(cid == 0, sid == 0))
    def _():
        cbuf_v[pl.ds(0, 16)] = jnp.zeros((16,), jnp.int32)
        pltpu.sync_copy(cbuf_v.at[pl.ds(0, 8)], perm_hbm.at[pl.ds(ETOT, 8)])


QPT = 1568
QTOT = NT * QPT


@functools.partial(
    pl.kernel,
    out_type=jax.ShapeDtypeStruct((QTOT,), jnp.int32),
    mesh=_mesh,
    compiler_params=pltpu.CompilerParams(needs_layout_passes=False),
    scratch_types=[
        pltpu.VMEM((NN + 16,), jnp.float32),
        pltpu.VMEM((QPT,), jnp.float32),
        pltpu.VMEM((QPT,), jnp.int32),
        pltpu.SemaphoreType.DMA,
    ],
)
def _root_k(pc_hbm, r_hbm, roots_hbm, pc_v, r_v, o_v, sem):
    w = _wid()
    pltpu.sync_copy(pc_hbm, pc_v.at[pl.ds(0, NN)])
    pltpu.sync_copy(r_hbm.at[pl.ds(w * QPT, QPT)], r_v)

    def vbody(i, _):
        v = r_v[pl.ds(i * 16, 16)]
        lo = jnp.zeros((16,), jnp.int32)
        for sbit in range(16, -1, -1):
            step = 1 << sbit
            cand = lo + step
            idx = jnp.minimum(cand - 1, NN - 1)
            a = plsc.load_gather(pc_v, [idx])
            c = jnp.logical_and(cand <= NN, a < v)
            lo = jnp.where(c, cand, lo)
        o_v[pl.ds(i * 16, 16)] = lo
        return 0

    lax.fori_loop(0, QPT // 16, vbody, 0)
    pltpu.sync_copy(o_v, roots_hbm.at[pl.ds(w * QPT, QPT)])


@functools.partial(
    pl.kernel,
    out_type=jax.ShapeDtypeStruct((STEPS * NT * WPT,), jnp.int32),
    mesh=_mesh,
    compiler_params=pltpu.CompilerParams(needs_layout_passes=False),
    scratch_types=[
        pltpu.VMEM((NN + 8,), jnp.int32),
        pltpu.VMEM((WPT,), jnp.int32),
        pltpu.VMEM((WPT,), jnp.float32),
        pltpu.VMEM((WPT,), jnp.int32),
        pltpu.VMEM((WPT,), jnp.int32),
        pltpu.VMEM((WPT,), jnp.int32),
        pltpu.VMEM((WPT,), jnp.int32),
        pltpu.SemaphoreType.DMA,
        pltpu.SemaphoreType.DMA,
    ],
)
def _walk_k(rp_hbm, n0_hbm, u_hbm, perm_hbm, col_hbm, jall_hbm,
            rp_v, n_v, u_v, e_v, jt_v, c_v, jo_v, sem_in, sem_g):
    w = _wid()
    pltpu.sync_copy(rp_hbm, rp_v)
    pltpu.sync_copy(n0_hbm.at[pl.ds(w * WPT, WPT)], n_v)
    iota = _iota16()
    for step in range(STEPS):
        pltpu.sync_copy(u_hbm.at[pl.ds((step * NT + w) * WPT, WPT)], u_v)

        def p1(b, _):
            n = n_v[pl.ds(b * 16, 16)]
            rp0 = plsc.load_gather(rp_v, [n])
            rp1 = plsc.load_gather(rp_v, [n + 1])
            d = rp1 - rp0
            x = u_v[pl.ds(b * 16, 16)] * d.astype(jnp.float32)
            off = jnp.minimum(x.astype(jnp.int32),
                              jnp.maximum(d - 1, 0))
            lane = jnp.full((16,), b * 16, jnp.int32) + iota
            valid = jnp.logical_and(d > 0, lane < WVAL)
            e_v[pl.ds(b * 16, 16)] = jnp.where(valid, rp0 + off, EE)
            return 0

        lax.fori_loop(0, WPT // 16, p1, 0)

        def gfire(k, _):
            pltpu.async_copy(perm_hbm.at[e_v.at[pl.ds(k * 128, 128)]],
                             jt_v.at[pl.ds(k * 128, 128)], sem_g)
            return 0

        def gdrain(k, _):
            pltpu.make_async_copy(perm_hbm.at[e_v.at[pl.ds(k * 128, 128)]],
                                  jt_v.at[pl.ds(k * 128, 128)], sem_g).wait()
            return 0

        lax.fori_loop(0, WPT // 128, gfire, 0)
        lax.fori_loop(0, WPT // 128, gdrain, 0)

        def cfire(k, _):
            pltpu.async_copy(col_hbm.at[jt_v.at[pl.ds(k * 128, 128)]],
                             c_v.at[pl.ds(k * 128, 128)], sem_g)
            return 0

        def cdrain(k, _):
            pltpu.make_async_copy(col_hbm.at[jt_v.at[pl.ds(k * 128, 128)]],
                                  c_v.at[pl.ds(k * 128, 128)], sem_g).wait()
            return 0

        lax.fori_loop(0, WPT // 128, cfire, 0)
        lax.fori_loop(0, WPT // 128, cdrain, 0)

        def p3(b, _):
            sl = pl.ds(b * 16, 16)
            e = e_v[sl]
            ok = e < EE
            n_v[sl] = jnp.where(ok, c_v[sl], n_v[sl])
            jo_v[sl] = jnp.where(ok, jt_v[sl], EE)
            return 0

        lax.fori_loop(0, WPT // 16, p3, 0)
        pltpu.sync_copy(jo_v, jall_hbm.at[pl.ds((step * NT + w) * WPT, WPT)])


def kernel(edge_index, edge_weight):
    row = edge_index[0].astype(jnp.int32)
    col = edge_index[1].astype(jnp.int32)

    h_flat = _hist_k(row)
    H = h_flat.reshape(NT, NN)
    deg = jnp.sum(H, axis=0, dtype=jnp.int32)
    csum = jnp.cumsum(deg)
    rowptr = jnp.concatenate([jnp.zeros((1,), deg.dtype), csum])
    excl = jnp.cumsum(H, axis=0) - H
    start = (excl + rowptr[:NN][None, :]).astype(jnp.int32).reshape(-1)

    probs = deg.astype(jnp.float32) / jnp.sum(deg).astype(jnp.float32)
    p_cuml = jnp.cumsum(probs)
    kroot, kwalk = jax.random.split(jax.random.key(42))
    u_root = jax.random.uniform(kroot, (NROOT,), dtype=jnp.float32)
    r = p_cuml[-1] * (1 - u_root)
    rq = jnp.pad(r, (0, QTOT - NROOT))
    roots = _root_k(p_cuml, rq)[:NROOT]
    n0 = jnp.tile(roots, NWALK // NROOT)
    us = []
    for _ in range(STEPS):
        kwalk, ks = jax.random.split(kwalk)
        us.append(jax.random.uniform(ks, (NWALK,), dtype=jnp.float32))

    n0p = jnp.pad(n0.reshape(NT, WVAL), ((0, 0), (0, WPT - WVAL))).reshape(-1)
    up = jnp.pad(jnp.stack(us).reshape(STEPS, NT, WVAL),
                 ((0, 0), (0, 0), (0, WPT - WVAL))).reshape(-1)
    rowptr_pad = jnp.pad(rowptr, (0, 7)).astype(jnp.int32)

    pos = _pos_k(row, start)
    perm = _place_k(pos)
    jall = _walk_k(rowptr_pad, n0p, up, perm, col)

    hits = jnp.zeros((EE,), jnp.int32).at[jall].add(1, mode="drop")
    return edge_index, edge_weight * (hits == 0).astype(edge_weight.dtype)

# --- scband reference (transcript-rebuilt; emitter-appended) ---
"""Pipeline reference for scband-drop-path-51505247814302 (READ-ONLY COPY).

The authoritative reference and input builder live on the scoring server;
editing this copy changes nothing except your own understanding.
"""

import jax, jax.numpy as jnp
import numpy as np

NUM_NODES = 100000
N_EDGES = 3200000
R = 0.5
WALKS_PER_NODE = 2
WALK_LENGTH = 4


def setup_inputs(seed: int = 0):
    key = jax.random.key(seed)
    k1, k2 = jax.random.split(key)
    edge_index = jax.random.randint(k1, (2, N_EDGES), 0, NUM_NODES, dtype=jnp.int32)
    edge_weight = jax.random.uniform(k2, (N_EDGES,), dtype=jnp.float32)
    return {"edge_index": edge_index, "edge_weight": edge_weight}


def _keep_mask(edge_index):
    # Faithful re-implementation of graphwar drop_path with p=q=1 (uniform
    # random walk, matching torch_cluster.random_walk semantics):
    # 1) build CSR (sort edges by src row), 2) sample root nodes by degree
    # distribution, 3) run walks_per_node uniform random walks of length
    # walk_length from each root, 4) mark every traversed edge id as dropped.
    row = edge_index[0]
    col = edge_index[1]
    E = row.shape[0]
    perm = jnp.argsort(row)
    row_s = row[perm]
    col_s = col[perm]
    deg = jnp.bincount(row_s, length=NUM_NODES)
    rowptr = jnp.concatenate([jnp.zeros((1,), deg.dtype), jnp.cumsum(deg)])
    kroot, kwalk = jax.random.split(jax.random.key(42))
    probs = deg.astype(jnp.float32) / jnp.sum(deg).astype(jnp.float32)
    num_roots = int(R * NUM_NODES)
    roots = jax.random.choice(kroot, NUM_NODES, shape=(num_roots,), replace=True, p=probs)
    start = jnp.tile(roots, WALKS_PER_NODE)  # torch Tensor.repeat == tile
    n = start.astype(jnp.int32)
    e_list = []
    for _ in range(WALK_LENGTH):
        kwalk, ks = jax.random.split(kwalk)
        d = deg[n]
        u = jax.random.uniform(ks, n.shape, dtype=jnp.float32)
        off = jnp.floor(u * d.astype(jnp.float32)).astype(deg.dtype)
        off = jnp.minimum(off, jnp.maximum(d - 1, 0))
        e = rowptr[n] + off
        valid = d > 0
        e = jnp.where(valid, e, E)  # sentinel: out-of-bounds, dropped at scatter
        nxt = jnp.where(valid, col_s[jnp.clip(e, 0, E - 1)], n)
        e_list.append(e)
        n = nxt
    e_all = jnp.concatenate(e_list)
    mask_sorted = jnp.ones((E,), dtype=bool).at[e_all].set(False, mode='drop')
    # map the keep-mask from CSR-sorted edge order back to input edge order
    mask = jnp.ones((E,), dtype=bool).at[perm].set(mask_sorted)
    return mask


def reference(edge_index, edge_weight):
    mask = _keep_mask(edge_index)
    # Dropped edges are represented by zeroing their weight (static-shape
    # equivalent of removing the edge columns).
    return edge_index, edge_weight * mask.astype(edge_weight.dtype)

if __name__ == "__main__":
    import jax
    _d = setup_inputs()
    print(jax.jit(kernel)(*tuple(_d.values())))

</pallas_src>

<mosaic_0001>
#map = affine_map<(d0, d1) -> (0)>
module attributes {stable_mosaic.version = 14 : i64} {
  func.func @_pos_k(%arg0: i32, %arg1: i32, %arg2: memref<3200000xi32, #tpu.memory_space<hbm>>, %arg3: memref<3200000xi32, #tpu.memory_space<hbm>>, %arg4: memref<3200000xi32, #tpu.memory_space<hbm>>, %arg5: memref<100016xi32, #tpu.memory_space<vmem>>, %arg6: memref<2000xi32, #tpu.memory_space<vmem>>, %arg7: memref<2000xi32, #tpu.memory_space<vmem>>, %arg8: memref<!tpu.dma_semaphore, #tpu.memory_space<semaphore_mem>>) attributes {dimension_semantics = [#tpu.dimension_semantics<core_parallel>, #tpu.dimension_semantics<subcore_parallel>], iteration_bounds = array<i64: 2, 16>, scalar_prefetch = 0 : i64, scratch_operands = 4 : i64, tpu.core_type = #tpu.core_type<sc_vector_subcore>, window_params = [{transform_indices = #map}, {transform_indices = #map}, {transform_indices = #map}]} {
    %mul3A = arith.constant 2 : i32
    %mul3A_0 = arith.muli %arg1, %mul3A : i32
    %add3A = arith.addi %mul3A_0, %arg0 : i32
    %mul3A_1 = arith.constant 100000 : i32
    %mul3A_2 = arith.muli %add3A, %mul3A_1 : i32
    "tpu.region"() ({
      %run_scoped3A = tpu.sem_alloc : memref<!tpu.dma_semaphore, #tpu.memory_space<semaphore_mem>>
      %dma_start3A = arith.constant 0 : i32
      %dma_start3A_9 = tpu.memref_slice %arg5[%dma_start3A] : memref<100016xi32, #tpu.memory_space<vmem>> -> memref<100000xi32, #tpu.memory_space<vmem>>
      %dma_start3A_10 = tpu.memref_slice %arg3[%mul3A_2] : memref<3200000xi32, #tpu.memory_space<hbm>> -> memref<100000xi32, #tpu.memory_space<hbm>>
      %dma_start3A_11 = arith.constant 0 : i32
      %dma_start3A_12 = tpu.memref_slice %arg5[%dma_start3A_11] : memref<100016xi32, #tpu.memory_space<vmem>> -> memref<100000xi32, #tpu.memory_space<vmem>>
      %dma_start3A_13 = tpu.memref_slice %arg3[%mul3A_2] : memref<3200000xi32, #tpu.memory_space<hbm>> -> memref<100000xi32, #tpu.memory_space<hbm>>
      tpu.enqueue_dma source(%dma_start3A_13 : memref<100000xi32, #tpu.memory_space<hbm>>) target(%dma_start3A_12 : memref<100000xi32, #tpu.memory_space<vmem>>) target_semaphore(%run_scoped3A : memref<!tpu.dma_semaphore, #tpu.memory_space<semaphore_mem>>)
      %dma_wait3A = arith.constant 0 : i32
      %dma_wait3A_14 = tpu.memref_slice %arg5[%dma_wait3A] : memref<100016xi32, #tpu.memory_space<vmem>> -> memref<100000xi32, #tpu.memory_space<vmem>>
      %dma_wait3A_15 = tpu.memref_slice %arg3[%mul3A_2] : memref<3200000xi32, #tpu.memory_space<hbm>> -> memref<100000xi32, #tpu.memory_space<hbm>>
      %dma_wait3A_16 = arith.constant 0 : i32
      %dma_wait3A_17 = tpu.memref_slice %arg5[%dma_wait3A_16] : memref<100016xi32, #tpu.memory_space<vmem>> -> memref<100000xi32, #tpu.memory_space<vmem>>
      %dma_wait3A_18 = tpu.memref_slice %arg3[%mul3A_2] : memref<3200000xi32, #tpu.memory_space<hbm>> -> memref<100000xi32, #tpu.memory_space<hbm>>
      tpu.wait_dma2 semaphore(%run_scoped3A : memref<!tpu.dma_semaphore, #tpu.memory_space<semaphore_mem>>) src(%dma_wait3A_18 : memref<100000xi32, #tpu.memory_space<hbm>>) dst(%dma_wait3A_17 : memref<100000xi32, #tpu.memory_space<vmem>>)
      tpu.yield
    }) : () -> ()
    %scan3A = arith.constant 0 : i32
    %scan3A_3 = arith.constant 0 : i32
    %scan3A_4 = arith.constant 50 : i32
    %scan3A_5 = arith.addi %scan3A_3, %scan3A_4 : i32
    %scan3A_6 = arith.constant 1 : i32
    %scan3A_7 = scf.for %scan3A_9 = %scan3A_3 to %scan3A_5 step %scan3A_6 iter_args(%scan3A_10 = %scan3A) -> (i32)  : i32 {
      %mul3A_11 = arith.constant 100000 : i32
      %mul3A_12 = arith.muli %add3A, %mul3A_11 : i32
      %mul3A_13 = arith.constant 2000 : i32
      %mul3A_14 = arith.muli %scan3A_9, %mul3A_13 : i32
      %add3A_15 = arith.addi %mul3A_12, %mul3A_14 : i32
      "tpu.region"() ({
        %run_scoped3A = tpu.sem_alloc : memref<!tpu.dma_semaphore, #tpu.memory_space<semaphore_mem>>
        %dma_start3A = tpu.memref_slice %arg2[%add3A_15] : memref<3200000xi32, #tpu.memory_space<hbm>> -> memref<2000xi32, #tpu.memory_space<hbm>>
        %dma_start3A_29 = tpu.memref_slice %arg2[%add3A_15] : memref<3200000xi32, #tpu.memory_space<hbm>> -> memref<2000xi32, #tpu.memory_space<hbm>>
        tpu.enqueue_dma source(%dma_start3A_29 : memref<2000xi32, #tpu.memory_space<hbm>>) target(%arg6 : memref<2000xi32, #tpu.memory_space<vmem>>) target_semaphore(%run_scoped3A : memref<!tpu.dma_semaphore, #tpu.memory_space<semaphore_mem>>)
        %dma_wait3A = tpu.memref_slice %arg2[%add3A_15] : memref<3200000xi32, #tpu.memory_space<hbm>> -> memref<2000xi32, #tpu.memory_space<hbm>>
        %dma_wait3A_30 = tpu.memref_slice %arg2[%add3A_15] : memref<3200000xi32, #tpu.memory_space<hbm>> -> memref<2000xi32, #tpu.memory_space<hbm>>
        tpu.wait_dma2 semaphore(%run_scoped3A : memref<!tpu.dma_semaphore, #tpu.memory_space<semaphore_mem>>) src(%dma_wait3A_30 : memref<2000xi32, #tpu.memory_space<hbm>>) dst(%arg6 : memref<2000xi32, #tpu.memory_space<vmem>>)
        tpu.yield
      }) : () -> ()
      %scan3A_16 = arith.constant 0 : i32
      %scan3A_17 = arith.constant 0 : i32
      %scan3A_18 = arith.constant 125 : i32
      %scan3A_19 = arith.addi %scan3A_17, %scan3A_18 : i32
      %scan3A_20 = arith.constant 1 : i32
      %scan3A_21 = scf.for %scan3A_29 = %scan3A_17 to %scan3A_19 step %scan3A_20 iter_args(%scan3A_30 = %scan3A_16) -> (i32)  : i32 {
        %mul3A_31 = arith.constant 16 : i32
        %mul3A_32 = arith.muli %scan3A_29, %mul3A_31 : i32
        %get3A = arith.index_cast %mul3A_32 : i32 to index
        %get3A_33 = tpu.vector_load %arg6[%get3A] {strides = array<i32>} : memref<2000xi32, #tpu.memory_space<vmem>>, vector<16xi32>,
        %gather3A = tpu.vector_load_idx %arg5[%get3A_33] : memref<100016xi32, #tpu.memory_space<vmem>>[vector<16xi32>], vector<16xi32>,
        %broadcast_in_dim3A = arith.constant true
        %broadcast_in_dim3A_34 = vector.broadcast %broadcast_in_dim3A : i1 to vector<16xi1>
        %unique3A, %unique3A_35 = tpu.scan_count mask(%broadcast_in_dim3A_34 : vector<16xi1>) value(%get3A_33 : vector<16xi32>) : vector<16xi1>, vector<16xi32>
        %add3A_36 = arith.addi %gather3A, %unique3A_35 : vector<16xi32>
        %add3A_37 = arith.constant -1 : i32
        %add3A_38 = vector.broadcast %add3A_37 : i32 to vector<16xi32>
        %add3A_39 = arith.addi %add3A_36, %add3A_38 : vector<16xi32>
        %add3A_40 = arith.constant 1 : i32
        %add3A_41 = vector.broadcast %add3A_40 : i32 to vector<16xi32>
        %add3A_42 = arith.addi %add3A_39, %add3A_41 : vector<16xi32>
        tpu.vector_store_idx %arg5[%get3A_33], %add3A_42 masked %unique3A : memref<100016xi32, #tpu.memory_space<vmem>>[vector<16xi32>], vector<16xi32>, vector<16xi1>
        %mul3A_43 = arith.constant 16 : i32
        %mul3A_44 = arith.muli %scan3A_29, %mul3A_43 : i32
        %swap3A = arith.index_cast %mul3A_44 : i32 to index
        %swap3A_45 = tpu.vector_load %arg7[%swap3A] {strides = array<i32>} : memref<2000xi32, #tpu.memory_space<vmem>>, vector<16xi32>,
        tpu.vector_store %arg7[%swap3A], %add3A_39 {strides = array<i32>} : memref<2000xi32, #tpu.memory_space<vmem>>, vector<16xi32>,
        %scan3A_46 = arith.constant 0 : i32
        scf.yield %scan3A_46 : i32
      }
      %scan3A_22 = arith.constant 125 : i32
      %mul3A_23 = arith.constant 100000 : i32
      %mul3A_24 = arith.muli %add3A, %mul3A_23 : i32
      %mul3A_25 = arith.constant 2000 : i32
      %mul3A_26 = arith.muli %scan3A_9, %mul3A_25 : i32
      %add3A_27 = arith.addi %mul3A_24, %mul3A_26 : i32
      "tpu.region"() ({
        %run_scoped3A = tpu.sem_alloc : memref<!tpu.dma_semaphore, #tpu.memory_space<semaphore_mem>>
        %dma_start3A = tpu.memref_slice %arg4[%add3A_27] : memref<3200000xi32, #tpu.memory_space<hbm>> -> memref<2000xi32, #tpu.memory_space<hbm>>
        %dma_start3A_29 = tpu.memref_slice %arg4[%add3A_27] : memref<3200000xi32, #tpu.memory_space<hbm>> -> memref<2000xi32, #tpu.memory_space<hbm>>
        tpu.enqueue_dma source(%arg7 : memref<2000xi32, #tpu.memory_space<vmem>>) target(%dma_start3A_29 : memref<2000xi32, #tpu.memory_space<hbm>>) target_semaphore(%run_scoped3A : memref<!tpu.dma_semaphore, #tpu.memory_space<semaphore_mem>>)
        %dma_wait3A = tpu.memref_slice %arg4[%add3A_27] : memref<3200000xi32, #tpu.memory_space<hbm>> -> memref<2000xi32, #tpu.memory_space<hbm>>
        %dma_wait3A_30 = tpu.memref_slice %arg4[%add3A_27] : memref<3200000xi32, #tpu.memory_space<hbm>> -> memref<2000xi32, #tpu.memory_space<hbm>>
        tpu.wait_dma2 semaphore(%run_scoped3A : memref<!tpu.dma_semaphore, #tpu.memory_space<semaphore_mem>>) src(%arg7 : memref<2000xi32, #tpu.memory_space<vmem>>) dst(%dma_wait3A_30 : memref<2000xi32, #tpu.memory_space<hbm>>)
        tpu.yield
      }) : () -> ()
      %scan3A_28 = arith.constant 0 : i32
      scf.yield %scan3A_28 : i32
    }
    %scan3A_8 = arith.constant 50 : i32
    return
  }
}

#map = affine_map<(d0, d1) -> (0)>
module attributes {stable_mosaic.version = 14 : i64} {
  func.func @_hist_k(%arg0: i32, %arg1: i32, %arg2: memref<3200000xi32, #tpu.memory_space<hbm>>, %arg3: memref<3200000xi32, #tpu.memory_space<hbm>>, %arg4: memref<100016xi32, #tpu.memory_space<vmem>>, %arg5: memref<2000xi32, #tpu.memory_space<vmem>>, %arg6: memref<!tpu.dma_semaphore, #tpu.memory_space<semaphore_mem>>) attributes {dimension_semantics = [#tpu.dimension_semantics<core_parallel>, #tpu.dimension_semantics<subcore_parallel>], iteration_bounds = array<i64: 2, 16>, scalar_prefetch = 0 : i64, scratch_operands = 3 : i64, tpu.core_type = #tpu.core_type<sc_vector_subcore>, window_params = [{transform_indices = #map}, {transform_indices = #map}]} {
    %mul3A = arith.constant 2 : i32
    %mul3A_0 = arith.muli %arg1, %mul3A : i32
    %add3A = arith.addi %mul3A_0, %arg0 : i32
    %broadcast_in_dim3A = arith.constant 0 : i32
    %broadcast_in_dim3A_1 = vector.broadcast %broadcast_in_dim3A : i32 to vector<16xi32>
    %scan3A = arith.constant 0 : i32
    %scan3A_2 = arith.constant 0 : i32
    %scan3A_3 = arith.constant 6251 : i32
    %scan3A_4 = arith.addi %scan3A_2, %scan3A_3 : i32
    %scan3A_5 = arith.constant 1 : i32
    %scan3A_6 = scf.for %scan3A_17 = %scan3A_2 to %scan3A_4 step %scan3A_5 iter_args(%scan3A_18 = %scan3A) -> (i32)  : i32 {
      %mul3A_19 = arith.constant 16 : i32
      %mul3A_20 = arith.muli %scan3A_17, %mul3A_19 : i32
      %swap3A = arith.index_cast %mul3A_20 : i32 to index
      %swap3A_21 = tpu.vector_load %arg4[%swap3A] {strides = array<i32>} : memref<100016xi32, #tpu.memory_space<vmem>>, vector<16xi32>,
      tpu.vector_store %arg4[%swap3A], %broadcast_in_dim3A_1 {strides = array<i32>} : memref<100016xi32, #tpu.memory_space<vmem>>, vector<16xi32>,
      %scan3A_22 = arith.constant 0 : i32
      scf.yield %scan3A_22 : i32
    }
    %scan3A_7 = arith.constant 6251 : i32
    %scan3A_8 = arith.constant 0 : i32
    %scan3A_9 = arith.constant 0 : i32
    %scan3A_10 = arith.constant 50 : i32
    %scan3A_11 = arith.addi %scan3A_9, %scan3A_10 : i32
    %scan3A_12 = arith.constant 1 : i32
    %scan3A_13 = scf.for %scan3A_17 = %scan3A_9 to %scan3A_11 step %scan3A_12 iter_args(%scan3A_18 = %scan3A_8) -> (i32)  : i32 {
      %mul3A_19 = arith.constant 100000 : i32
      %mul3A_20 = arith.muli %add3A, %mul3A_19 : i32
      %mul3A_21 = arith.constant 2000 : i32
      %mul3A_22 = arith.muli %scan3A_17, %mul3A_21 : i32
      %add3A_23 = arith.addi %mul3A_20, %mul3A_22 : i32
      "tpu.region"() ({
        %run_scoped3A = tpu.sem_alloc : memref<!tpu.dma_semaphore, #tpu.memory_space<semaphore_mem>>
        %dma_start3A = tpu.memref_slice %arg2[%add3A_23] : memref<3200000xi32, #tpu.memory_space<hbm>> -> memref<2000xi32, #tpu.memory_space<hbm>>
        %dma_start3A_32 = tpu.memref_slice %arg2[%add3A_23] : memref<3200000xi32, #tpu.memory_space<hbm>> -> memref<2000xi32, #tpu.memory_space<hbm>>
        tpu.enqueue_dma source(%dma_start3A_32 : memref<2000xi32, #tpu.memory_space<hbm>>) target(%arg5 : memref<2000xi32, #tpu.memory_space<vmem>>) target_semaphore(%run_scoped3A : memref<!tpu.dma_semaphore, #tpu.memory_space<semaphore_mem>>)
        %dma_wait3A = tpu.memref_slice %arg2[%add3A_23] : memref<3200000xi32, #tpu.memory_space<hbm>> -> memref<2000xi32, #tpu.memory_space<hbm>>
        %dma_wait3A_33 = tpu.memref_slice %arg2[%add3A_23] : memref<3200000xi32, #tpu.memory_space<hbm>> -> memref<2000xi32, #tpu.memory_space<hbm>>
        tpu.wait_dma2 semaphore(%run_scoped3A : memref<!tpu.dma_semaphore, #tpu.memory_space<semaphore_mem>>) src(%dma_wait3A_33 : memref<2000xi32, #tpu.memory_space<hbm>>) dst(%arg5 : memref<2000xi32, #tpu.memory_space<vmem>>)
        tpu.yield
      }) : () -> ()
      %scan3A_24 = arith.constant 0 : i32
      %scan3A_25 = arith.constant 0 : i32
      %scan3A_26 = arith.constant 125 : i32
      %scan3A_27 = arith.addi %scan3A_25, %scan3A_26 : i32
      %scan3A_28 = arith.constant 1 : i32
      %scan3A_29 = scf.for %scan3A_32 = %scan3A_25 to %scan3A_27 step %scan3A_28 iter_args(%scan3A_33 = %scan3A_24) -> (i32)  : i32 {
        %mul3A_34 = arith.constant 16 : i32
        %mul3A_35 = arith.muli %scan3A_32, %mul3A_34 : i32
        %get3A = arith.index_cast %mul3A_35 : i32 to index
        %get3A_36 = tpu.vector_load %arg5[%get3A] {strides = array<i32>} : memref<2000xi32, #tpu.memory_space<vmem>>, vector<16xi32>,
        %gather3A = tpu.vector_load_idx %arg4[%get3A_36] : memref<100016xi32, #tpu.memory_space<vmem>>[vector<16xi32>], vector<16xi32>,
        %broadcast_in_dim3A_37 = arith.constant true
        %broadcast_in_dim3A_38 = vector.broadcast %broadcast_in_dim3A_37 : i1 to vector<16xi1>
        %unique3A, %unique3A_39 = tpu.scan_count mask(%broadcast_in_dim3A_38 : vector<16xi1>) value(%get3A_36 : vector<16xi32>) : vector<16xi1>, vector<16xi32>
        %add3A_40 = arith.addi %gather3A, %unique3A_39 : vector<16xi32>
        %add3A_41 = arith.constant 0 : i32
        %add3A_42 = vector.broadcast %add3A_41 : i32 to vector<16xi32>
        %add3A_43 = arith.addi %add3A_40, %add3A_42 : vector<16xi32>
        tpu.vector_store_idx %arg4[%get3A_36], %add3A_43 masked %unique3A : memref<100016xi32, #tpu.memory_space<vmem>>[vector<16xi32>], vector<16xi32>, vector<16xi1>
        %scan3A_44 = arith.constant 0 : i32
        scf.yield %scan3A_44 : i32
      }
      %scan3A_30 = arith.constant 125 : i32
      %scan3A_31 = arith.constant 0 : i32
      scf.yield %scan3A_31 : i32
    }
    %scan3A_14 = arith.constant 50 : i32
    %mul3A_15 = arith.constant 100000 : i32
    %mul3A_16 = arith.muli %add3A, %mul3A_15 : i32
    "tpu.region"() ({
      %run_scoped3A = tpu.sem_alloc : memref<!tpu.dma_semaphore, #tpu.memory_space<semaphore_mem>>
      %dma_start3A = arith.constant 0 : i32
      %dma_start3A_17 = tpu.memref_slice %arg4[%dma_start3A] : memref<100016xi32, #tpu.memory_space<vmem>> -> memref<100000xi32, #tpu.memory_space<vmem>>
      %dma_start3A_18 = tpu.memref_slice %arg3[%mul3A_16] : memref<3200000xi32, #tpu.memory_space<hbm>> -> memref<100000xi32, #tpu.memory_space<hbm>>
      %dma_start3A_19 = tpu.memref_slice %arg3[%mul3A_16] : memref<3200000xi32, #tpu.memory_space<hbm>> -> memref<100000xi32, #tpu.memory_space<hbm>>
      %dma_start3A_20 = arith.constant 0 : i32
      %dma_start3A_21 = tpu.memref_slice %arg4[%dma_start3A_20] : memref<100016xi32, #tpu.memory_space<vmem>> -> memref<100000xi32, #tpu.memory_space<vmem>>
      tpu.enqueue_dma source(%dma_start3A_21 : memref<100000xi32, #tpu.memory_space<vmem>>) target(%dma_start3A_19 : memref<100000xi32, #tpu.memory_space<hbm>>) target_semaphore(%run_scoped3A : memref<!tpu.dma_semaphore, #tpu.memory_space<semaphore_mem>>)
      %dma_wait3A = arith.constant 0 : i32
      %dma_wait3A_22 = tpu.memref_slice %arg4[%dma_wait3A] : memref<100016xi32, #tpu.memory_space<vmem>> -> memref<100000xi32, #tpu.memory_space<vmem>>
      %dma_wait3A_23 = tpu.memref_slice %arg3[%mul3A_16] : memref<3200000xi32, #tpu.memory_space<hbm>> -> memref<100000xi32, #tpu.memory_space<hbm>>
      %dma_wait3A_24 = tpu.memref_slice %arg3[%mul3A_16] : memref<3200000xi32, #tpu.memory_space<hbm>> -> memref<100000xi32, #tpu.memory_space<hbm>>
      %dma_wait3A_25 = arith.constant 0 : i32
      %dma_wait3A_26 = tpu.memref_slice %arg4[%dma_wait3A_25] : memref<100016xi32, #tpu.memory_space<vmem>> -> memref<100000xi32, #tpu.memory_space<vmem>>
      tpu.wait_dma2 semaphore(%run_scoped3A : memref<!tpu.dma_semaphore, #tpu.memory_space<semaphore_mem>>) src(%dma_wait3A_26 : memref<100000xi32, #tpu.memory_space<vmem>>) dst(%dma_wait3A_24 : memref<100000xi32, #tpu.memory_space<hbm>>)
      tpu.yield
    }) : () -> ()
    return
  }
}

#map = affine_map<(d0, d1) -> (0)>
module attributes {stable_mosaic.version = 14 : i64} {
  func.func @_place_k(%arg0: i32, %arg1: i32, %arg2: memref<3200000xi32, #tpu.memory_space<hbm>>, %arg3: memref<3200008xi32, #tpu.memory_space<hbm>>, %arg4: memref<1600008xi32, #tpu.memory_space<vmem_shared>>, %arg5: memref<2000xi32, #tpu.memory_space<vmem>>, %arg6: memref<2000xi32, #tpu.memory_space<vmem>>, %arg7: memref<2000xi32, #tpu.memory_space<vmem>>, %arg8: memref<2000xi32, #tpu.memory_space<vmem>>, %arg9: memref<2000xi32, #tpu.memory_space<vmem>>, %arg10: memref<2000xi32, #tpu.memory_space<vmem>>, %arg11: memref<2000xi32, #tpu.memory_space<vmem>>, %arg12: memref<2000xi32, #tpu.memory_space<vmem>>, %arg13: memref<2000xi32, #tpu.memory_space<vmem>>, %arg14: memref<2000xi32, #tpu.memory_space<vmem>>, %arg15: memref<!tpu.dma_semaphore, #tpu.memory_space<semaphore_mem>>, %arg16: memref<!tpu.dma_semaphore, #tpu.memory_space<semaphore_mem>>) attributes {dimension_semantics = [#tpu.dimension_semantics<core_parallel>, #tpu.dimension_semantics<subcore_parallel>], iteration_bounds = array<i64: 2, 16>, scalar_prefetch = 0 : i64, scratch_operands = 13 : i64, tpu.core_type = #tpu.core_type<sc_vector_subcore>, window_params = [{transform_indices = #map}, {transform_indices = #map}]} {
    %mul3A = arith.constant 1600000 : i32
    %mul3A_0 = arith.muli %arg0, %mul3A : i32
    %iota3A = tpu.iota {dimensions = array<i32: 0>} : vector<16xi32>
    %scan3A = arith.constant 0 : i32
    %scan3A_1 = arith.constant 0 : i32
    %scan3A_2 = arith.constant 25 : i32
    %scan3A_3 = arith.addi %scan3A_1, %scan3A_2 : i32
    %scan3A_4 = arith.constant 1 : i32
    %scan3A_5 = scf.for %scan3A_25 = %scan3A_1 to %scan3A_3 step %scan3A_4 iter_args(%scan3A_26 = %scan3A) -> (i32)  : i32 {
      %mul3A_27 = arith.constant 4 : i32
      %mul3A_28 = arith.muli %scan3A_25, %mul3A_27 : i32
      %add3A = arith.constant 0 : i32
      %add3A_29 = arith.addi %mul3A_28, %add3A : i32
      %ge3A = arith.constant 1 : i32
      %ge3A_30 = arith.cmpi sge, %scan3A_25, %ge3A : i32
      %convert_element_type3A_31 = arith.extui %ge3A_30 : i1 to i32
      %cond3A_32 = arith.constant 0 : i32
      %cond3A_33 = arith.cmpi ne, %convert_element_type3A_31, %cond3A_32 : i32
      scf.if %cond3A_33 {
        %dma_wait3A_301 = arith.constant 0 : i32
        %dma_wait3A_302 = tpu.memref_slice %arg4[%dma_wait3A_301] : memref<1600008xi32, #tpu.memory_space<vmem_shared>> -> memref<1600008xi32, #tpu.memory_space<vmem_shared>>
        tpu.wait_indirect_dma semaphore(%arg16 : memref<!tpu.dma_semaphore, #tpu.memory_space<semaphore_mem>>) src(%arg10 : memref<2000xi32, #tpu.memory_space<vmem>>) dst(%dma_wait3A_302 : memref<1600008xi32, #tpu.memory_space<vmem_shared>>)
      } else {
      }
      %mul3A_34 = arith.constant 2 : i32
      %mul3A_35 = arith.muli %arg1, %mul3A_34 : i32
      %jit3A = arith.constant 50 : i32
      %div3A = arith.divsi %add3A_29, %jit3A : i32
      %sign3A = arith.constant 0 : i32
      %sign3A_36 = arith.cmpi sgt, %add3A_29, %sign3A : i32
      %sign3A_37 = arith.extui %sign3A_36 : i1 to i32
      %sign3A_38 = arith.constant 0 : i32
      %sign3A_39 = arith.cmpi slt, %add3A_29, %sign3A_38 : i32
      %sign3A_40 = arith.extui %sign3A_39 : i1 to i32
      %sign3A_41 = arith.subi %sign3A_37, %sign3A_40 : i32
      %sign3A_42 = arith.constant 0 : i32
      %sign3A_43 = arith.cmpi sgt, %jit3A, %sign3A_42 : i32
      %sign3A_44 = arith.extui %sign3A_43 : i1 to i32
      %sign3A_45 = arith.constant 0 : i32
      %sign3A_46 = arith.cmpi slt, %jit3A, %sign3A_45 : i32
      %sign3A_47 = arith.extui %sign3A_46 : i1 to i32
      %sign3A_48 = arith.subi %sign3A_44, %sign3A_47 : i32
      %ne3A = arith.cmpi ne, %sign3A_41, %sign3A_48 : i32
      %rem3A = arith.remsi %add3A_29, %jit3A : i32
      %ne3A_49 = arith.constant 0 : i32
      %ne3A_50 = arith.cmpi ne, %rem3A, %ne3A_49 : i32
      %and3A_51 = arith.andi %ne3A, %ne3A_50 : i1
      %sub3A = arith.constant 1 : i32
      %sub3A_52 = arith.subi %div3A, %sub3A : i32
      %select_n3A = arith.select %and3A_51, %sub3A_52, %div3A : i32
      %add3A_53 = arith.addi %mul3A_35, %select_n3A : i32
      %jit3A_54 = arith.constant 50 : i32
      %eq3A_55 = arith.constant 0 : i32
      %eq3A_56 = arith.cmpi eq, %jit3A_54, %eq3A_55 : i32
      %jit3A_57 = arith.constant 1 : i32
      %select_n3A_58 = arith.select %eq3A_56, %jit3A_57, %jit3A_54 : i32
      %rem3A_59 = arith.remsi %add3A_29, %select_n3A_58 : i32
      %ne3A_60 = arith.constant 0 : i32
      %ne3A_61 = arith.cmpi ne, %rem3A_59, %ne3A_60 : i32
      %lt3A = arith.constant 0 : i32
      %lt3A_62 = arith.cmpi slt, %rem3A_59, %lt3A : i32
      %lt3A_63 = arith.constant 0 : i32
      %lt3A_64 = arith.cmpi slt, %select_n3A_58, %lt3A_63 : i32
      %ne3A_65 = arith.xori %lt3A_62, %lt3A_64 : i1
      %and3A_66 = arith.andi %ne3A_65, %ne3A_61 : i1
      %add3A_67 = arith.addi %rem3A_59, %select_n3A_58 : i32
      %select_n3A_68 = arith.select %and3A_66, %add3A_67, %rem3A_59 : i32
      %mul3A_69 = arith.constant 100000 : i32
      %mul3A_70 = arith.muli %add3A_53, %mul3A_69 : i32
      %mul3A_71 = arith.constant 2000 : i32
      %mul3A_72 = arith.muli %select_n3A_68, %mul3A_71 : i32
      %add3A_73 = arith.addi %mul3A_70, %mul3A_72 : i32
      "tpu.region"() ({
        %run_scoped3A = tpu.sem_alloc : memref<!tpu.dma_semaphore, #tpu.memory_space<semaphore_mem>>
        %dma_start3A_301 = tpu.memref_slice %arg2[%add3A_73] : memref<3200000xi32, #tpu.memory_space<hbm>> -> memref<2000xi32, #tpu.memory_space<hbm>>
        %dma_start3A_302 = tpu.memref_slice %arg2[%add3A_73] : memref<3200000xi32, #tpu.memory_space<hbm>> -> memref<2000xi32, #tpu.memory_space<hbm>>
        tpu.enqueue_dma source(%dma_start3A_302 : memref<2000xi32, #tpu.memory_space<hbm>>) target(%arg5 : memref<2000xi32, #tpu.memory_space<vmem>>) target_semaphore(%run_scoped3A : memref<!tpu.dma_semaphore, #tpu.memory_space<semaphore_mem>>)
        %dma_wait3A_303 = tpu.memref_slice %arg2[%add3A_73] : memref<3200000xi32, #tpu.memory_space<hbm>> -> memref<2000xi32, #tpu.memory_space<hbm>>
        %dma_wait3A_304 = tpu.memref_slice %arg2[%add3A_73] : memref<3200000xi32, #tpu.memory_space<hbm>> -> memref<2000xi32, #tpu.memory_space<hbm>>
        tpu.wait_dma2 semaphore(%run_scoped3A : memref<!tpu.dma_semaphore, #tpu.memory_space<semaphore_mem>>) src(%dma_wait3A_304 : memref<2000xi32, #tpu.memory_space<hbm>>) dst(%arg5 : memref<2000xi32, #tpu.memory_space<vmem>>)
        tpu.yield
      }) : () -> ()
      %mul3A_74 = arith.constant 100000 : i32
      %mul3A_75 = arith.muli %add3A_53, %mul3A_74 : i32
      %mul3A_76 = arith.constant 2000 : i32
      %mul3A_77 = arith.muli %select_n3A_68, %mul3A_76 : i32
      %add3A_78 = arith.addi %mul3A_75, %mul3A_77 : i32
      %scan3A_79 = arith.constant 0 : i32
      %scan3A_80 = arith.constant 0 : i32
      %scan3A_81 = arith.constant 125 : i32
      %scan3A_82 = arith.addi %scan3A_80, %scan3A_81 : i32
      %scan3A_83 = arith.constant 1 : i32
      %scan3A_84 = scf.for %scan3A_301 = %scan3A_80 to %scan3A_82 step %scan3A_83 iter_args(%scan3A_302 = %scan3A_79) -> (i32)  : i32 {
        %mul3A_303 = arith.constant 16 : i32
        %mul3A_304 = arith.muli %scan3A_301, %mul3A_303 : i32
        %get3A = arith.index_cast %mul3A_304 : i32 to index
        %get3A_305 = tpu.vector_load %arg5[%get3A] {strides = array<i32>} : memref<2000xi32, #tpu.memory_space<vmem>>, vector<16xi32>,
        %sub3A_306 = vector.broadcast %mul3A_0 : i32 to vector<16xi32>
        %sub3A_307 = arith.subi %get3A_305, %sub3A_306 : vector<16xi32>
        %ge3A_308 = arith.constant 0 : i32
        %ge3A_309 = vector.broadcast %ge3A_308 : i32 to vector<16xi32>
        %ge3A_310 = arith.cmpi sge, %sub3A_307, %ge3A_309 : vector<16xi32>
        %lt3A_311 = arith.constant 1600000 : i32
        %lt3A_312 = vector.broadcast %lt3A_311 : i32 to vector<16xi32>
        %lt3A_313 = arith.cmpi slt, %sub3A_307, %lt3A_312 : vector<16xi32>
        %and3A_314 = arith.andi %ge3A_310, %lt3A_313 : vector<16xi1>
        %jit3A_315 = arith.constant 1600000 : i32
        %broadcast_in_dim3A = vector.broadcast %jit3A_315 : i32 to vector<16xi32>
        %select_n3A_316 = arith.select %and3A_314, %sub3A_307, %broadcast_in_dim3A : vector<16xi1>, vector<16xi32>
        %mul3A_317 = arith.constant 16 : i32
        %mul3A_318 = arith.muli %scan3A_301, %mul3A_317 : i32
        %swap3A = arith.index_cast %mul3A_318 : i32 to index
        %swap3A_319 = tpu.vector_load %arg6[%swap3A] {strides = array<i32>} : memref<2000xi32, #tpu.memory_space<vmem>>, vector<16xi32>,
        tpu.vector_store %arg6[%swap3A], %select_n3A_316 {strides = array<i32>} : memref<2000xi32, #tpu.memory_space<vmem>>, vector<16xi32>,
        %broadcast_in_dim3A_320 = vector.broadcast %add3A_78 : i32 to vector<16xi32>
        %mul3A_321 = arith.constant 16 : i32
        %mul3A_322 = arith.muli %scan3A_301, %mul3A_321 : i32
        %add3A_323 = vector.broadcast %mul3A_322 : i32 to vector<16xi32>
        %add3A_324 = arith.addi %broadcast_in_dim3A_320, %add3A_323 : vector<16xi32>
        %add3A_325 = arith.addi %add3A_324, %iota3A : vector<16xi32>
        %mul3A_326 = arith.constant 16 : i32
        %mul3A_327 = arith.muli %scan3A_301, %mul3A_326 : i32
        %swap3A_328 = arith.index_cast %mul3A_327 : i32 to index
        %swap3A_329 = tpu.vector_load %arg10[%swap3A_328] {strides = array<i32>} : memref<2000xi32, #tpu.memory_space<vmem>>, vector<16xi32>,
        tpu.vector_store %arg10[%swap3A_328], %add3A_325 {strides = array<i32>} : memref<2000xi32, #tpu.memory_space<vmem>>, vector<16xi32>,
        %scan3A_330 = arith.constant 0 : i32
        scf.yield %scan3A_330 : i32
      }
      %scan3A_85 = arith.constant 125 : i32
      %dma_start3A = arith.constant 0 : i32
      %dma_start3A_86 = tpu.memref_slice %arg4[%dma_start3A] : memref<1600008xi32, #tpu.memory_space<vmem_shared>> -> memref<1600008xi32, #tpu.memory_space<vmem_shared>>
      tpu.enqueue_indirect_dma source(%arg10 : memref<2000xi32, #tpu.memory_space<vmem>>) target(%dma_start3A_86 : memref<1600008xi32, #tpu.memory_space<vmem_shared>>) offsets(%arg6 : memref<2000xi32, #tpu.memory_space<vmem>>) semaphore(%arg16 : memref<!tpu.dma_semaphore, #tpu.memory_space<semaphore_mem>>)
      %mul3A_87 = arith.constant 4 : i32
      %mul3A_88 = arith.muli %scan3A_25, %mul3A_87 : i32
      %add3A_89 = arith.constant 1 : i32
      %add3A_90 = arith.addi %mul3A_88, %add3A_89 : i32
      %ge3A_91 = arith.constant 1 : i32
      %ge3A_92 = arith.cmpi sge, %scan3A_25, %ge3A_91 : i32
      %convert_element_type3A_93 = arith.extui %ge3A_92 : i1 to i32
      %cond3A_94 = arith.constant 0 : i32
      %cond3A_95 = arith.cmpi ne, %convert_element_type3A_93, %cond3A_94 : i32
      scf.if %cond3A_95 {
        %dma_wait3A_301 = arith.constant 0 : i32
        %dma_wait3A_302 = tpu.memref_slice %arg4[%dma_wait3A_301] : memref<1600008xi32, #tpu.memory_space<vmem_shared>> -> memref<1600008xi32, #tpu.memory_space<vmem_shared>>
        tpu.wait_indirect_dma semaphore(%arg16 : memref<!tpu.dma_semaphore, #tpu.memory_space<semaphore_mem>>) src(%arg11 : memref<2000xi32, #tpu.memory_space<vmem>>) dst(%dma_wait3A_302 : memref<1600008xi32, #tpu.memory_space<vmem_shared>>)
      } else {
      }
      %mul3A_96 = arith.constant 2 : i32
      %mul3A_97 = arith.muli %arg1, %mul3A_96 : i32
      %jit3A_98 = arith.constant 50 : i32
      %div3A_99 = arith.divsi %add3A_90, %jit3A_98 : i32
      %sign3A_100 = arith.constant 0 : i32
      %sign3A_101 = arith.cmpi sgt, %add3A_90, %sign3A_100 : i32
      %sign3A_102 = arith.extui %sign3A_101 : i1 to i32
      %sign3A_103 = arith.constant 0 : i32
      %sign3A_104 = arith.cmpi slt, %add3A_90, %sign3A_103 : i32
      %sign3A_105 = arith.extui %sign3A_104 : i1 to i32
      %sign3A_106 = arith.subi %sign3A_102, %sign3A_105 : i32
      %sign3A_107 = arith.constant 0 : i32
      %sign3A_108 = arith.cmpi sgt, %jit3A_98, %sign3A_107 : i32
      %sign3A_109 = arith.extui %sign3A_108 : i1 to i32
      %sign3A_110 = arith.constant 0 : i32
      %sign3A_111 = arith.cmpi slt, %jit3A_98, %sign3A_110 : i32
      %sign3A_112 = arith.extui %sign3A_111 : i1 to i32
      %sign3A_113 = arith.subi %sign3A_109, %sign3A_112 : i32
      %ne3A_114 = arith.cmpi ne, %sign3A_106, %sign3A_113 : i32
      %rem3A_115 = arith.remsi %add3A_90, %jit3A_98 : i32
      %ne3A_116 = arith.constant 0 : i32
      %ne3A_117 = arith.cmpi ne, %rem3A_115, %ne3A_116 : i32
      %and3A_118 = arith.andi %ne3A_114, %ne3A_117 : i1
      %sub3A_119 = arith.constant 1 : i32
      %sub3A_120 = arith.subi %div3A_99, %sub3A_119 : i32
      %select_n3A_121 = arith.select %and3A_118, %sub3A_120, %div3A_99 : i32
      %add3A_122 = arith.addi %mul3A_97, %select_n3A_121 : i32
      %jit3A_123 = arith.constant 50 : i32
      %eq3A_124 = arith.constant 0 : i32
      %eq3A_125 = arith.cmpi eq, %jit3A_123, %eq3A_124 : i32
      %jit3A_126 = arith.constant 1 : i32
      %select_n3A_127 = arith.select %eq3A_125, %jit3A_126, %jit3A_123 : i32
      %rem3A_128 = arith.remsi %add3A_90, %select_n3A_127 : i32
      %ne3A_129 = arith.constant 0 : i32
      %ne3A_130 = arith.cmpi ne, %rem3A_128, %ne3A_129 : i32
      %lt3A_131 = arith.constant 0 : i32
      %lt3A_132 = arith.cmpi slt, %rem3A_128, %lt3A_131 : i32
      %lt3A_133 = arith.constant 0 : i32
      %lt3A_134 = arith.cmpi slt, %select_n3A_127, %lt3A_133 : i32
      %ne3A_135 = arith.xori %lt3A_132, %lt3A_134 : i1
      %and3A_136 = arith.andi %ne3A_135, %ne3A_130 : i1
      %add3A_137 = arith.addi %rem3A_128, %select_n3A_127 : i32
      %select_n3A_138 = arith.select %and3A_136, %add3A_137, %rem3A_128 : i32
      %mul3A_139 = arith.constant 100000 : i32
      %mul3A_140 = arith.muli %add3A_122, %mul3A_139 : i32
      %mul3A_141 = arith.constant 2000 : i32
      %mul3A_142 = arith.muli %select_n3A_138, %mul3A_141 : i32
      %add3A_143 = arith.addi %mul3A_140, %mul3A_142 : i32
      "tpu.region"() ({
        %run_scoped3A = tpu.sem_alloc : memref<!tpu.dma_semaphore, #tpu.memory_space<semaphore_mem>>
        %dma_start3A_301 = tpu.memref_slice %arg2[%add3A_143] : memref<3200000xi32, #tpu.memory_space<hbm>> -> memref<2000xi32, #tpu.memory_space<hbm>>
        %dma_start3A_302 = tpu.memref_slice %arg2[%add3A_143] : memref<3200000xi32, #tpu.memory_space<hbm>> -> memref<2000xi32, #tpu.memory_space<hbm>>
        tpu.enqueue_dma source(%dma_start3A_302 : memref<2000xi32, #tpu.memory_space<hbm>>) target(%arg5 : memref<2000xi32, #tpu.memory_space<vmem>>) target_semaphore(%run_scoped3A : memref<!tpu.dma_semaphore, #tpu.memory_space<semaphore_mem>>)
        %dma_wait3A_303 = tpu.memref_slice %arg2[%add3A_143] : memref<3200000xi32, #tpu.memory_space<hbm>> -> memref<2000xi32, #tpu.memory_space<hbm>>
        %dma_wait3A_304 = tpu.memref_slice %arg2[%add3A_143] : memref<3200000xi32, #tpu.memory_space<hbm>> -> memref<2000xi32, #tpu.memory_space<hbm>>
        tpu.wait_dma2 semaphore(%run_scoped3A : memref<!tpu.dma_semaphore, #tpu.memory_space<semaphore_mem>>) src(%dma_wait3A_304 : memref<2000xi32, #tpu.memory_space<hbm>>) dst(%arg5 : memref<2000xi32, #tpu.memory_space<vmem>>)
        tpu.yield
      }) : () -> ()
      %mul3A_144 = arith.constant 100000 : i32
      %mul3A_145 = arith.muli %add3A_122, %mul3A_144 : i32
      %mul3A_146 = arith.constant 2000 : i32
      %mul3A_147 = arith.muli %select_n3A_138, %mul3A_146 : i32
      %add3A_148 = arith.addi %mul3A_145, %mul3A_147 : i32
      %scan3A_149 = arith.constant 0 : i32
      %scan3A_150 = arith.constant 0 : i32
      %scan3A_151 = arith.constant 125 : i32
      %scan3A_152 = arith.addi %scan3A_150, %scan3A_151 : i32
      %scan3A_153 = arith.constant 1 : i32
      %scan3A_154 = scf.for %scan3A_301 = %scan3A_150 to %scan3A_152 step %scan3A_153 iter_args(%scan3A_302 = %scan3A_149) -> (i32)  : i32 {
        %mul3A_303 = arith.constant 16 : i32
        %mul3A_304 = arith.muli %scan3A_301, %mul3A_303 : i32
        %get3A = arith.index_cast %mul3A_304 : i32 to index
        %get3A_305 = tpu.vector_load %arg5[%get3A] {strides = array<i32>} : memref<2000xi32, #tpu.memory_space<vmem>>, vector<16xi32>,
        %sub3A_306 = vector.broadcast %mul3A_0 : i32 to vector<16xi32>
        %sub3A_307 = arith.subi %get3A_305, %sub3A_306 : vector<16xi32>
        %ge3A_308 = arith.constant 0 : i32
        %ge3A_309 = vector.broadcast %ge3A_308 : i32 to vector<16xi32>
        %ge3A_310 = arith.cmpi sge, %sub3A_307, %ge3A_309 : vector<16xi32>
        %lt3A_311 = arith.constant 1600000 : i32
        %lt3A_312 = vector.broadcast %lt3A_311 : i32 to vector<16xi32>
        %lt3A_313 = arith.cmpi slt, %sub3A_307, %lt3A_312 : vector<16xi32>
        %and3A_314 = arith.andi %ge3A_310, %lt3A_313 : vector<16xi1>
        %jit3A_315 = arith.constant 1600000 : i32
        %broadcast_in_dim3A = vector.broadcast %jit3A_315 : i32 to vector<16xi32>
        %select_n3A_316 = arith.select %and3A_314, %sub3A_307, %broadcast_in_dim3A : vector<16xi1>, vector<16xi32>
        %mul3A_317 = arith.constant 16 : i32
        %mul3A_318 = arith.muli %scan3A_301, %mul3A_317 : i32
        %swap3A = arith.index_cast %mul3A_318 : i32 to index
        %swap3A_319 = tpu.vector_load %arg7[%swap3A] {strides = array<i32>} : memref<2000xi32, #tpu.memory_space<vmem>>, vector<16xi32>,
        tpu.vector_store %arg7[%swap3A], %select_n3A_316 {strides = array<i32>} : memref<2000xi32, #tpu.memory_space<vmem>>, vector<16xi32>,
        %broadcast_in_dim3A_320 = vector.broadcast %add3A_148 : i32 to vector<16xi32>
        %mul3A_321 = arith.constant 16 : i32
        %mul3A_322 = arith.muli %scan3A_301, %mul3A_321 : i32
        %add3A_323 = vector.broadcast %mul3A_322 : i32 to vector<16xi32>
        %add3A_324 = arith.addi %broadcast_in_dim3A_320, %add3A_323 : vector<16xi32>
        %add3A_325 = arith.addi %add3A_324, %iota3A : vector<16xi32>
        %mul3A_326 = arith.constant 16 : i32
        %mul3A_327 = arith.muli %scan3A_301, %mul3A_326 : i32
        %swap3A_328 = arith.index_cast %mul3A_327 : i32 to index
        %swap3A_329 = tpu.vector_load %arg11[%swap3A_328] {strides = array<i32>} : memref<2000xi32, #tpu.memory_space<vmem>>, vector<16xi32>,
        tpu.vector_store %arg11[%swap3A_328], %add3A_325 {strides = array<i32>} : memref<2000xi32, #tpu.memory_space<vmem>>, vector<16xi32>,
        %scan3A_330 = arith.constant 0 : i32
        scf.yield %scan3A_330 : i32
      }
      %scan3A_155 = arith.constant 125 : i32
      %dma_start3A_156 = arith.constant 0 : i32
      %dma_start3A_157 = tpu.memref_slice %arg4[%dma_start3A_156] : memref<1600008xi32, #tpu.memory_space<vmem_shared>> -> memref<1600008xi32, #tpu.memory_space<vmem_shared>>
      tpu.enqueue_indirect_dma source(%arg11 : memref<2000xi32, #tpu.memory_space<vmem>>) target(%dma_start3A_157 : memref<1600008xi32, #tpu.memory_space<vmem_shared>>) offsets(%arg7 : memref<2000xi32, #tpu.memory_space<vmem>>) semaphore(%arg16 : memref<!tpu.dma_semaphore, #tpu.memory_space<semaphore_mem>>)
      %mul3A_158 = arith.constant 4 : i32
      %mul3A_159 = arith.muli %scan3A_25, %mul3A_158 : i32
      %add3A_160 = arith.constant 2 : i32
      %add3A_161 = arith.addi %mul3A_159, %add3A_160 : i32
      %ge3A_162 = arith.constant 1 : i32
      %ge3A_163 = arith.cmpi sge, %scan3A_25, %ge3A_162 : i32
      %convert_element_type3A_164 = arith.extui %ge3A_163 : i1 to i32
      %cond3A_165 = arith.constant 0 : i32
      %cond3A_166 = arith.cmpi ne, %convert_element_type3A_164, %cond3A_165 : i32
      scf.if %cond3A_166 {
        %dma_wait3A_301 = arith.constant 0 : i32
        %dma_wait3A_302 = tpu.memref_slice %arg4[%dma_wait3A_301] : memref<1600008xi32, #tpu.memory_space<vmem_shared>> -> memref<1600008xi32, #tpu.memory_space<vmem_shared>>
        tpu.wait_indirect_dma semaphore(%arg16 : memref<!tpu.dma_semaphore, #tpu.memory_space<semaphore_mem>>) src(%arg12 : memref<2000xi32, #tpu.memory_space<vmem>>) dst(%dma_wait3A_302 : memref<1600008xi32, #tpu.memory_space<vmem_shared>>)
      } else {
      }
      %mul3A_167 = arith.constant 2 : i32
      %mul3A_168 = arith.muli %arg1, %mul3A_167 : i32
      %jit3A_169 = arith.constant 50 : i32
      %div3A_170 = arith.divsi %add3A_161, %jit3A_169 : i32
      %sign3A_171 = arith.constant 0 : i32
      %sign3A_172 = arith.cmpi sgt, %add3A_161, %sign3A_171 : i32
      %sign3A_173 = arith.extui %sign3A_172 : i1 to i32
      %sign3A_174 = arith.constant 0 : i32
      %sign3A_175 = arith.cmpi slt, %add3A_161, %sign3A_174 : i32
      %sign3A_176 = arith.extui %sign3A_175 : i1 to i32
      %sign3A_177 = arith.subi %sign3A_173, %sign3A_176 : i32
      %sign3A_178 = arith.constant 0 : i32
      %sign3A_179 = arith.cmpi sgt, %jit3A_169, %sign3A_178 : i32
      %sign3A_180 = arith.extui %sign3A_179 : i1 to i32
      %sign3A_181 = arith.constant 0 : i32
      %sign3A_182 = arith.cmpi slt, %jit3A_169, %sign3A_181 : i32
      %sign3A_183 = arith.extui %sign3A_182 : i1 to i32
      %sign3A_184 = arith.subi %sign3A_180, %sign3A_183 : i32
      %ne3A_185 = arith.cmpi ne, %sign3A_177, %sign3A_184 : i32
      %rem3A_186 = arith.remsi %add3A_161, %jit3A_169 : i32
      %ne3A_187 = arith.constant 0 : i32
      %ne3A_188 = arith.cmpi ne, %rem3A_186, %ne3A_187 : i32
      %and3A_189 = arith.andi %ne3A_185, %ne3A_188 : i1
      %sub3A_190 = arith.constant 1 : i32
      %sub3A_191 = arith.subi %div3A_170, %sub3A_190 : i32
      %select_n3A_192 = arith.select %and3A_189, %sub3A_191, %div3A_170 : i32
      %add3A_193 = arith.addi %mul3A_168, %select_n3A_192 : i32
      %jit3A_194 = arith.constant 50 : i32
      %eq3A_195 = arith.constant 0 : i32
      %eq3A_196 = arith.cmpi eq, %jit3A_194, %eq3A_195 : i32
      %jit3A_197 = arith.constant 1 : i32
      %select_n3A_198 = arith.select %eq3A_196, %jit3A_197, %jit3A_194 : i32
      %rem3A_199 = arith.remsi %add3A_161, %select_n3A_198 : i32
      %ne3A_200 = arith.constant 0 : i32
      %ne3A_201 = arith.cmpi ne, %rem3A_199, %ne3A_200 : i32
      %lt3A_202 = arith.constant 0 : i32
      %lt3A_203 = arith.cmpi slt, %rem3A_199, %lt3A_202 : i32
      %lt3A_204 = arith.constant 0 : i32
      %lt3A_205 = arith.cmpi slt, %select_n3A_198, %lt3A_204 : i32
      %ne3A_206 = arith.xori %lt3A_203, %lt3A_205 : i1
      %and3A_207 = arith.andi %ne3A_206, %ne3A_201 : i1
      %add3A_208 = arith.addi %rem3A_199, %select_n3A_198 : i32
      %select_n3A_209 = arith.select %and3A_207, %add3A_208, %rem3A_199 : i32
      %mul3A_210 = arith.constant 100000 : i32
      %mul3A_211 = arith.muli %add3A_193, %mul3A_210 : i32
      %mul3A_212 = arith.constant 2000 : i32
      %mul3A_213 = arith.muli %select_n3A_209, %mul3A_212 : i32
      %add3A_214 = arith.addi %mul3A_211, %mul3A_213 : i32
      "tpu.region"() ({
        %run_scoped3A = tpu.sem_alloc : memref<!tpu.dma_semaphore, #tpu.memory_space<semaphore_mem>>
        %dma_start3A_301 = tpu.memref_slice %arg2[%add3A_214] : memref<3200000xi32, #tpu.memory_space<hbm>> -> memref<2000xi32, #tpu.memory_space<hbm>>
        %dma_start3A_302 = tpu.memref_slice %arg2[%add3A_214] : memref<3200000xi32, #tpu.memory_space<hbm>> -> memref<2000xi32, #tpu.memory_space<hbm>>
        tpu.enqueue_dma source(%dma_start3A_302 : memref<2000xi32, #tpu.memory_space<hbm>>) target(%arg5 : memref<2000xi32, #tpu.memory_space<vmem>>) target_semaphore(%run_scoped3A : memref<!tpu.dma_semaphore, #tpu.memory_space<semaphore_mem>>)
        %dma_wait3A_303 = tpu.memref_slice %arg2[%add3A_214] : memref<3200000xi32, #tpu.memory_space<hbm>> -> memref<2000xi32, #tpu.memory_space<hbm>>
        %dma_wait3A_304 = tpu.memref_slice %arg2[%add3A_214] : memref<3200000xi32, #tpu.memory_space<hbm>> -> memref<2000xi32, #tpu.memory_space<hbm>>
        tpu.wait_dma2 semaphore(%run_scoped3A : memref<!tpu.dma_semaphore, #tpu.memory_space<semaphore_mem>>) src(%dma_wait3A_304 : memref<2000xi32, #tpu.memory_space<hbm>>) dst(%arg5 : memref<2000xi32, #tpu.memory_space<vmem>>)
        tpu.yield
      }) : () -> ()
      %mul3A_215 = arith.constant 100000 : i32
      %mul3A_216 = arith.muli %add3A_193, %mul3A_215 : i32
      %mul3A_217 = arith.constant 2000 : i32
      %mul3A_218 = arith.muli %select_n3A_209, %mul3A_217 : i32
      %add3A_219 = arith.addi %mul3A_216, %mul3A_218 : i32
      %scan3A_220 = arith.constant 0 : i32
      %scan3A_221 = arith.constant 0 : i32
      %scan3A_222 = arith.constant 125 : i32
      %scan3A_223 = arith.addi %scan3A_221, %scan3A_222 : i32
      %scan3A_224 = arith.constant 1 : i32
      %scan3A_225 = scf.for %scan3A_301 = %scan3A_221 to %scan3A_223 step %scan3A_224 iter_args(%scan3A_302 = %scan3A_220) -> (i32)  : i32 {
        %mul3A_303 = arith.constant 16 : i32
        %mul3A_304 = arith.muli %scan3A_301, %mul3A_303 : i32
        %get3A = arith.index_cast %mul3A_304 : i32 to index
        %get3A_305 = tpu.vector_load %arg5[%get3A] {strides = array<i32>} : memref<2000xi32, #tpu.memory_space<vmem>>, vector<16xi32>,
        %sub3A_306 = vector.broadcast %mul3A_0 : i32 to vector<16xi32>
        %sub3A_307 = arith.subi %get3A_305, %sub3A_306 : vector<16xi32>
        %ge3A_308 = arith.constant 0 : i32
        %ge3A_309 = vector.broadcast %ge3A_308 : i32 to vector<16xi32>
        %ge3A_310 = arith.cmpi sge, %sub3A_307, %ge3A_309 : vector<16xi32>
        %lt3A_311 = arith.constant 1600000 : i32
        %lt3A_312 = vector.broadcast %lt3A_311 : i32 to vector<16xi32>
        %lt3A_313 = arith.cmpi slt, %sub3A_307, %lt3A_312 : vector<16xi32>
        %and3A_314 = arith.andi %ge3A_310, %lt3A_313 : vector<16xi1>
        %jit3A_315 = arith.constant 1600000 : i32
        %broadcast_in_dim3A = vector.broadcast %jit3A_315 : i32 to vector<16xi32>
        %select_n3A_316 = arith.select %and3A_314, %sub3A_307, %broadcast_in_dim3A : vector<16xi1>, vector<16xi32>
        %mul3A_317 = arith.constant 16 : i32
        %mul3A_318 = arith.muli %scan3A_301, %mul3A_317 : i32
        %swap3A = arith.index_cast %mul3A_318 : i32 to index
        %swap3A_319 = tpu.vector_load %arg8[%swap3A] {strides = array<i32>} : memref<2000xi32, #tpu.memory_space<vmem>>, vector<16xi32>,
        tpu.vector_store %arg8[%swap3A], %select_n3A_316 {strides = array<i32>} : memref<2000xi32, #tpu.memory_space<vmem>>, vector<16xi32>,
        %broadcast_in_dim3A_320 = vector.broadcast %add3A_219 : i32 to vector<16xi32>
        %mul3A_321 = arith.constant 16 : i32
        %mul3A_322 = arith.muli %scan3A_301, %mul3A_321 : i32
        %add3A_323 = vector.broadcast %mul3A_322 : i32 to vector<16xi32>
        %add3A_324 = arith.addi %broadcast_in_dim3A_320, %add3A_323 : vector<16xi32>
        %add3A_325 = arith.addi %add3A_324, %iota3A : vector<16xi32>
        %mul3A_326 = arith.constant 16 : i32
        %mul3A_327 = arith.muli %scan3A_301, %mul3A_326 : i32
        %swap3A_328 = arith.index_cast %mul3A_327 : i32 to index
        %swap3A_329 = tpu.vector_load %arg12[%swap3A_328] {strides = array<i32>} : memref<2000xi32, #tpu.memory_space<vmem>>, vector<16xi32>,
        tpu.vector_store %arg12[%swap3A_328], %add3A_325 {strides = array<i32>} : memref<2000xi32, #tpu.memory_space<vmem>>, vector<16xi32>,
        %scan3A_330 = arith.constant 0 : i32
        scf.yield %scan3A_330 : i32
      }
      %scan3A_226 = arith.constant 125 : i32
      %dma_start3A_227 = arith.constant 0 : i32
      %dma_start3A_228 = tpu.memref_slice %arg4[%dma_start3A_227] : memref<1600008xi32, #tpu.memory_space<vmem_shared>> -> memref<1600008xi32, #tpu.memory_space<vmem_shared>>
      tpu.enqueue_indirect_dma source(%arg12 : memref<2000xi32, #tpu.memory_space<vmem>>) target(%dma_start3A_228 : memref<1600008xi32, #tpu.memory_space<vmem_shared>>) offsets(%arg8 : memref<2000xi32, #tpu.memory_space<vmem>>) semaphore(%arg16 : memref<!tpu.dma_semaphore, #tpu.memory_space<semaphore_mem>>)
      %mul3A_229 = arith.constant 4 : i32
      %mul3A_230 = arith.muli %scan3A_25, %mul3A_229 : i32
      %add3A_231 = arith.constant 3 : i32
      %add3A_232 = arith.addi %mul3A_230, %add3A_231 : i32
      %ge3A_233 = arith.constant 1 : i32
      %ge3A_234 = arith.cmpi sge, %scan3A_25, %ge3A_233 : i32
      %convert_element_type3A_235 = arith.extui %ge3A_234 : i1 to i32
      %cond3A_236 = arith.constant 0 : i32
      %cond3A_237 = arith.cmpi ne, %convert_element_type3A_235, %cond3A_236 : i32
      scf.if %cond3A_237 {
        %dma_wait3A_301 = arith.constant 0 : i32
        %dma_wait3A_302 = tpu.memref_slice %arg4[%dma_wait3A_301] : memref<1600008xi32, #tpu.memory_space<vmem_shared>> -> memref<1600008xi32, #tpu.memory_space<vmem_shared>>
        tpu.wait_indirect_dma semaphore(%arg16 : memref<!tpu.dma_semaphore, #tpu.memory_space<semaphore_mem>>) src(%arg13 : memref<2000xi32, #tpu.memory_space<vmem>>) dst(%dma_wait3A_302 : memref<1600008xi32, #tpu.memory_space<vmem_shared>>)
      } else {
      }
      %mul3A_238 = arith.constant 2 : i32
      %mul3A_239 = arith.muli %arg1, %mul3A_238 : i32
      %jit3A_240 = arith.constant 50 : i32
      %div3A_241 = arith.divsi %add3A_232, %jit3A_240 : i32
      %sign3A_242 = arith.constant 0 : i32
      %sign3A_243 = arith.cmpi sgt, %add3A_232, %sign3A_242 : i32
      %sign3A_244 = arith.extui %sign3A_243 : i1 to i32
      %sign3A_245 = arith.constant 0 : i32
      %sign3A_246 = arith.cmpi slt, %add3A_232, %sign3A_245 : i32
      %sign3A_247 = arith.extui %sign3A_246 : i1 to i32
      %sign3A_248 = arith.subi %sign3A_244, %sign3A_247 : i32
      %sign3A_249 = arith.constant 0 : i32
      %sign3A_250 = arith.cmpi sgt, %jit3A_240, %sign3A_249 : i32
      %sign3A_251 = arith.extui %sign3A_250 : i1 to i32
      %sign3A_252 = arith.constant 0 : i32
      %sign3A_253 = arith.cmpi slt, %jit3A_240, %sign3A_252 : i32
      %sign3A_254 = arith.extui %sign3A_253 : i1 to i32
      %sign3A_255 = arith.subi %sign3A_251, %sign3A_254 : i32
      %ne3A_256 = arith.cmpi ne, %sign3A_248, %sign3A_255 : i32
      %rem3A_257 = arith.remsi %add3A_232, %jit3A_240 : i32
      %ne3A_258 = arith.constant 0 : i32
      %ne3A_259 = arith.cmpi ne, %rem3A_257, %ne3A_258 : i32
      %and3A_260 = arith.andi %ne3A_256, %ne3A_259 : i1
      %sub3A_261 = arith.constant 1 : i32
      %sub3A_262 = arith.subi %div3A_241, %sub3A_261 : i32
      %select_n3A_263 = arith.select %and3A_260, %sub3A_262, %div3A_241 : i32
      %add3A_264 = arith.addi %mul3A_239, %select_n3A_263 : i32
      %jit3A_265 = arith.constant 50 : i32
      %eq3A_266 = arith.constant 0 : i32
      %eq3A_267 = arith.cmpi eq, %jit3A_265, %eq3A_266 : i32
      %jit3A_268 = arith.constant 1 : i32
      %select_n3A_269 = arith.select %eq3A_267, %jit3A_268, %jit3A_265 : i32
      %rem3A_270 = arith.remsi %add3A_232, %select_n3A_269 : i32
      %ne3A_271 = arith.constant 0 : i32
      %ne3A_272 = arith.cmpi ne, %rem3A_270, %ne3A_271 : i32
      %lt3A_273 = arith.constant 0 : i32
      %lt3A_274 = arith.cmpi slt, %rem3A_270, %lt3A_273 : i32
      %lt3A_275 = arith.constant 0 : i32
      %lt3A_276 = arith.cmpi slt, %select_n3A_269, %lt3A_275 : i32
      %ne3A_277 = arith.xori %lt3A_274, %lt3A_276 : i1
      %and3A_278 = arith.andi %ne3A_277, %ne3A_272 : i1
      %add3A_279 = arith.addi %rem3A_270, %select_n3A_269 : i32
      %select_n3A_280 = arith.select %and3A_278, %add3A_279, %rem3A_270 : i32
      %mul3A_281 = arith.constant 100000 : i32
      %mul3A_282 = arith.muli %add3A_264, %mul3A_281 : i32
      %mul3A_283 = arith.constant 2000 : i32
      %mul3A_284 = arith.muli %select_n3A_280, %mul3A_283 : i32
      %add3A_285 = arith.addi %mul3A_282, %mul3A_284 : i32
      "tpu.region"() ({
        %run_scoped3A = tpu.sem_alloc : memref<!tpu.dma_semaphore, #tpu.memory_space<semaphore_mem>>
        %dma_start3A_301 = tpu.memref_slice %arg2[%add3A_285] : memref<3200000xi32, #tpu.memory_space<hbm>> -> memref<2000xi32, #tpu.memory_space<hbm>>
        %dma_start3A_302 = tpu.memref_slice %arg2[%add3A_285] : memref<3200000xi32, #tpu.memory_space<hbm>> -> memref<2000xi32, #tpu.memory_space<hbm>>
        tpu.enqueue_dma source(%dma_start3A_302 : memref<2000xi32, #tpu.memory_space<hbm>>) target(%arg5 : memref<2000xi32, #tpu.memory_space<vmem>>) target_semaphore(%run_scoped3A : memref<!tpu.dma_semaphore, #tpu.memory_space<semaphore_mem>>)
        %dma_wait3A_303 = tpu.memref_slice %arg2[%add3A_285] : memref<3200000xi32, #tpu.memory_space<hbm>> -> memref<2000xi32, #tpu.memory_space<hbm>>
        %dma_wait3A_304 = tpu.memref_slice %arg2[%add3A_285] : memref<3200000xi32, #tpu.memory_space<hbm>> -> memref<2000xi32, #tpu.memory_space<hbm>>
        tpu.wait_dma2 semaphore(%run_scoped3A : memref<!tpu.dma_semaphore, #tpu.memory_space<semaphore_mem>>) src(%dma_wait3A_304 : memref<2000xi32, #tpu.memory_space<hbm>>) dst(%arg5 : memref<2000xi32, #tpu.memory_space<vmem>>)
        tpu.yield
      }) : () -> ()
      %mul3A_286 = arith.constant 100000 : i32
      %mul3A_287 = arith.muli %add3A_264, %mul3A_286 : i32
      %mul3A_288 = arith.constant 2000 : i32
      %mul3A_289 = arith.muli %select_n3A_280, %mul3A_288 : i32
      %add3A_290 = arith.addi %mul3A_287, %mul3A_289 : i32
      %scan3A_291 = arith.constant 0 : i32
      %scan3A_292 = arith.constant 0 : i32
      %scan3A_293 = arith.constant 125 : i32
      %scan3A_294 = arith.addi %scan3A_292, %scan3A_293 : i32
      %scan3A_295 = arith.constant 1 : i32
      %scan3A_296 = scf.for %scan3A_301 = %scan3A_292 to %scan3A_294 step %scan3A_295 iter_args(%scan3A_302 = %scan3A_291) -> (i32)  : i32 {
        %mul3A_303 = arith.constant 16 : i32
        %mul3A_304 = arith.muli %scan3A_301, %mul3A_303 : i32
        %get3A = arith.index_cast %mul3A_304 : i32 to index
        %get3A_305 = tpu.vector_load %arg5[%get3A] {strides = array<i32>} : memref<2000xi32, #tpu.memory_space<vmem>>, vector<16xi32>,
        %sub3A_306 = vector.broadcast %mul3A_0 : i32 to vector<16xi32>
        %sub3A_307 = arith.subi %get3A_305, %sub3A_306 : vector<16xi32>
        %ge3A_308 = arith.constant 0 : i32
        %ge3A_309 = vector.broadcast %ge3A_308 : i32 to vector<16xi32>
        %ge3A_310 = arith.cmpi sge, %sub3A_307, %ge3A_309 : vector<16xi32>
        %lt3A_311 = arith.constant 1600000 : i32
        %lt3A_312 = vector.broadcast %lt3A_311 : i32 to vector<16xi32>
        %lt3A_313 = arith.cmpi slt, %sub3A_307, %lt3A_312 : vector<16xi32>
        %and3A_314 = arith.andi %ge3A_310, %lt3A_313 : vector<16xi1>
        %jit3A_315 = arith.constant 1600000 : i32
        %broadcast_in_dim3A = vector.broadcast %jit3A_315 : i32 to vector<16xi32>
        %select_n3A_316 = arith.select %and3A_314, %sub3A_307, %broadcast_in_dim3A : vector<16xi1>, vector<16xi32>
        %mul3A_317 = arith.constant 16 : i32
        %mul3A_318 = arith.muli %scan3A_301, %mul3A_317 : i32
        %swap3A = arith.index_cast %mul3A_318 : i32 to index
        %swap3A_319 = tpu.vector_load %arg9[%swap3A] {strides = array<i32>} : memref<2000xi32, #tpu.memory_space<vmem>>, vector<16xi32>,
        tpu.vector_store %arg9[%swap3A], %select_n3A_316 {strides = array<i32>} : memref<2000xi32, #tpu.memory_space<vmem>>, vector<16xi32>,
        %broadcast_in_dim3A_320 = vector.broadcast %add3A_290 : i32 to vector<16xi32>
        %mul3A_321 = arith.constant 16 : i32
        %mul3A_322 = arith.muli %scan3A_301, %mul3A_321 : i32
        %add3A_323 = vector.broadcast %mul3A_322 : i32 to vector<16xi32>
        %add3A_324 = arith.addi %broadcast_in_dim3A_320, %add3A_323 : vector<16xi32>
        %add3A_325 = arith.addi %add3A_324, %iota3A : vector<16xi32>
        %mul3A_326 = arith.constant 16 : i32
        %mul3A_327 = arith.muli %scan3A_301, %mul3A_326 : i32
        %swap3A_328 = arith.index_cast %mul3A_327 : i32 to index
        %swap3A_329 = tpu.vector_load %arg13[%swap3A_328] {strides = array<i32>} : memref<2000xi32, #tpu.memory_space<vmem>>, vector<16xi32>,
        tpu.vector_store %arg13[%swap3A_328], %add3A_325 {strides = array<i32>} : memref<2000xi32, #tpu.memory_space<vmem>>, vector<16xi32>,
        %scan3A_330 = arith.constant 0 : i32
        scf.yield %scan3A_330 : i32
      }
      %scan3A_297 = arith.constant 125 : i32
      %dma_start3A_298 = arith.constant 0 : i32
      %dma_start3A_299 = tpu.memref_slice %arg4[%dma_start3A_298] : memref<1600008xi32, #tpu.memory_space<vmem_shared>> -> memref<1600008xi32, #tpu.memory_space<vmem_shared>>
      tpu.enqueue_indirect_dma source(%arg13 : memref<2000xi32, #tpu.memory_space<vmem>>) target(%dma_start3A_299 : memref<1600008xi32, #tpu.memory_space<vmem_shared>>) offsets(%arg9 : memref<2000xi32, #tpu.memory_space<vmem>>) semaphore(%arg16 : memref<!tpu.dma_semaphore, #tpu.memory_space<semaphore_mem>>)
      %scan3A_300 = arith.constant 0 : i32
      scf.yield %scan3A_300 : i32
    }
    %scan3A_6 = arith.constant 25 : i32
    %dma_wait3A = arith.constant 0 : i32
    %dma_wait3A_7 = tpu.memref_slice %arg4[%dma_wait3A] : memref<1600008xi32, #tpu.memory_space<vmem_shared>> -> memref<1600008xi32, #tpu.memory_space<vmem_shared>>
    tpu.wait_indirect_dma semaphore(%arg16 : memref<!tpu.dma_semaphore, #tpu.memory_space<semaphore_mem>>) src(%arg10 : memref<2000xi32, #tpu.memory_space<vmem>>) dst(%dma_wait3A_7 : memref<1600008xi32, #tpu.memory_space<vmem_shared>>)
    %dma_wait3A_8 = arith.constant 0 : i32
    %dma_wait3A_9 = tpu.memref_slice %arg4[%dma_wait3A_8] : memref<1600008xi32, #tpu.memory_space<vmem_shared>> -> memref<1600008xi32, #tpu.memory_space<vmem_shared>>
    tpu.wait_indirect_dma semaphore(%arg16 : memref<!tpu.dma_semaphore, #tpu.memory_space<semaphore_mem>>) src(%arg11 : memref<2000xi32, #tpu.memory_space<vmem>>) dst(%dma_wait3A_9 : memref<1600008xi32, #tpu.memory_space<vmem_shared>>)
    %dma_wait3A_10 = arith.constant 0 : i32
    %dma_wait3A_11 = tpu.memref_slice %arg4[%dma_wait3A_10] : memref<1600008xi32, #tpu.memory_space<vmem_shared>> -> memref<1600008xi32, #tpu.memory_space<vmem_shared>>
    tpu.wait_indirect_dma semaphore(%arg16 : memref<!tpu.dma_semaphore, #tpu.memory_space<semaphore_mem>>) src(%arg12 : memref<2000xi32, #tpu.memory_space<vmem>>) dst(%dma_wait3A_11 : memref<1600008xi32, #tpu.memory_space<vmem_shared>>)
    %dma_wait3A_12 = arith.constant 0 : i32
    %dma_wait3A_13 = tpu.memref_slice %arg4[%dma_wait3A_12] : memref<1600008xi32, #tpu.memory_space<vmem_shared>> -> memref<1600008xi32, #tpu.memory_space<vmem_shared>>
    tpu.wait_indirect_dma semaphore(%arg16 : memref<!tpu.dma_semaphore, #tpu.memory_space<semaphore_mem>>) src(%arg13 : memref<2000xi32, #tpu.memory_space<vmem>>) dst(%dma_wait3A_13 : memref<1600008xi32, #tpu.memory_space<vmem_shared>>)
    %barrier3A = arith.constant 0 : index
    tpu.barrier barrier_id(%barrier3A)
    %scan3A_14 = arith.constant 0 : i32
    %scan3A_15 = arith.constant 0 : i32
    %scan3A_16 = arith.constant 50 : i32
    %scan3A_17 = arith.addi %scan3A_15, %scan3A_16 : i32
    %scan3A_18 = arith.constant 1 : i32
    %scan3A_19 = scf.for %scan3A_25 = %scan3A_15 to %scan3A_17 step %scan3A_18 iter_args(%scan3A_26 = %scan3A_14) -> (i32)  : i32 {
      %mul3A_27 = arith.constant 100000 : i32
      %mul3A_28 = arith.muli %arg1, %mul3A_27 : i32
      %mul3A_29 = arith.constant 2000 : i32
      %mul3A_30 = arith.muli %scan3A_25, %mul3A_29 : i32
      %add3A = arith.addi %mul3A_28, %mul3A_30 : i32
      "tpu.region"() ({
        %run_scoped3A = tpu.sem_alloc : memref<!tpu.dma_semaphore, #tpu.memory_space<semaphore_mem>>
        %dma_start3A = tpu.memref_slice %arg4[%add3A] : memref<1600008xi32, #tpu.memory_space<vmem_shared>> -> memref<2000xi32, #tpu.memory_space<vmem_shared>>
        %dma_start3A_33 = tpu.memref_slice %arg4[%add3A] : memref<1600008xi32, #tpu.memory_space<vmem_shared>> -> memref<2000xi32, #tpu.memory_space<vmem_shared>>
        tpu.enqueue_dma source(%dma_start3A_33 : memref<2000xi32, #tpu.memory_space<vmem_shared>>) target(%arg14 : memref<2000xi32, #tpu.memory_space<vmem>>) target_semaphore(%run_scoped3A : memref<!tpu.dma_semaphore, #tpu.memory_space<semaphore_mem>>)
        %dma_wait3A_34 = tpu.memref_slice %arg4[%add3A] : memref<1600008xi32, #tpu.memory_space<vmem_shared>> -> memref<2000xi32, #tpu.memory_space<vmem_shared>>
        %dma_wait3A_35 = tpu.memref_slice %arg4[%add3A] : memref<1600008xi32, #tpu.memory_space<vmem_shared>> -> memref<2000xi32, #tpu.memory_space<vmem_shared>>
        tpu.wait_dma2 semaphore(%run_scoped3A : memref<!tpu.dma_semaphore, #tpu.memory_space<semaphore_mem>>) src(%dma_wait3A_35 : memref<2000xi32, #tpu.memory_space<vmem_shared>>) dst(%arg14 : memref<2000xi32, #tpu.memory_space<vmem>>)
        tpu.yield
      }) : () -> ()
      %add3A_31 = arith.addi %mul3A_0, %add3A : i32
      "tpu.region"() ({
        %run_scoped3A = tpu.sem_alloc : memref<!tpu.dma_semaphore, #tpu.memory_space<semaphore_mem>>
        %dma_start3A = tpu.memref_slice %arg3[%add3A_31] : memref<3200008xi32, #tpu.memory_space<hbm>> -> memref<2000xi32, #tpu.memory_space<hbm>>
        %dma_start3A_33 = tpu.memref_slice %arg3[%add3A_31] : memref<3200008xi32, #tpu.memory_space<hbm>> -> memref<2000xi32, #tpu.memory_space<hbm>>
        tpu.enqueue_dma source(%arg14 : memref<2000xi32, #tpu.memory_space<vmem>>) target(%dma_start3A_33 : memref<2000xi32, #tpu.memory_space<hbm>>) target_semaphore(%run_scoped3A : memref<!tpu.dma_semaphore, #tpu.memory_space<semaphore_mem>>)
        %dma_wait3A_34 = tpu.memref_slice %arg3[%add3A_31] : memref<3200008xi32, #tpu.memory_space<hbm>> -> memref<2000xi32, #tpu.memory_space<hbm>>
        %dma_wait3A_35 = tpu.memref_slice %arg3[%add3A_31] : memref<3200008xi32, #tpu.memory_space<hbm>> -> memref<2000xi32, #tpu.memory_space<hbm>>
        tpu.wait_dma2 semaphore(%run_scoped3A : memref<!tpu.dma_semaphore, #tpu.memory_space<semaphore_mem>>) src(%arg14 : memref<2000xi32, #tpu.memory_space<vmem>>) dst(%dma_wait3A_35 : memref<2000xi32, #tpu.memory_space<hbm>>)
        tpu.yield
      }) : () -> ()
      %scan3A_32 = arith.constant 0 : i32
      scf.yield %scan3A_32 : i32
    }
    %scan3A_20 = arith.constant 50 : i32
    %eq3A = arith.constant 0 : i32
    %eq3A_21 = arith.cmpi eq, %arg0, %eq3A : i32
    %eq3A_22 = arith.constant 0 : i32
    %eq3A_23 = arith.cmpi eq, %arg1, %eq3A_22 : i32
    %and3A = arith.andi %eq3A_21, %eq3A_23 : i1
    %convert_element_type3A = arith.extui %and3A : i1 to i32
    %cond3A = arith.constant 0 : i32
    %cond3A_24 = arith.cmpi ne, %convert_element_type3A, %cond3A : i32
    scf.if %cond3A_24 {
      %broadcast_in_dim3A = arith.constant 0 : i32
      %broadcast_in_dim3A_25 = vector.broadcast %broadcast_in_dim3A : i32 to vector<16xi32>
      %swap3A = arith.constant 0 : index
      %swap3A_26 = tpu.vector_load %arg14[%swap3A] {strides = array<i32>} : memref<2000xi32, #tpu.memory_space<vmem>>, vector<16xi32>,
      tpu.vector_store %arg14[%swap3A], %broadcast_in_dim3A_25 {strides = array<i32>} : memref<2000xi32, #tpu.memory_space<vmem>>, vector<16xi32>,
      "tpu.region"() ({
        %run_scoped3A = tpu.sem_alloc : memref<!tpu.dma_semaphore, #tpu.memory_space<semaphore_mem>>
        %dma_start3A = arith.constant 0 : i32
        %dma_start3A_27 = tpu.memref_slice %arg14[%dma_start3A] : memref<2000xi32, #tpu.memory_space<vmem>> -> memref<8xi32, #tpu.memory_space<vmem>>
        %dma_start3A_28 = arith.constant 3200000 : i32
        %dma_start3A_29 = tpu.memref_slice %arg3[%dma_start3A_28] : memref<3200008xi32, #tpu.memory_space<hbm>> -> memref<8xi32, #tpu.memory_space<hbm>>
        %dma_start3A_30 = arith.constant 3200000 : i32
        %dma_start3A_31 = tpu.memref_slice %arg3[%dma_start3A_30] : memref<3200008xi32, #tpu.memory_space<hbm>> -> memref<8xi32, #tpu.memory_space<hbm>>
        %dma_start3A_32 = arith.constant 0 : i32
        %dma_start3A_33 = tpu.memref_slice %arg14[%dma_start3A_32] : memref<2000xi32, #tpu.memory_space<vmem>> -> memref<8xi32, #tpu.memory_space<vmem>>
        tpu.enqueue_dma source(%dma_start3A_33 : memref<8xi32, #tpu.memory_space<vmem>>) target(%dma_start3A_31 : memref<8xi32, #tpu.memory_space<hbm>>) target_semaphore(%run_scoped3A : memref<!tpu.dma_semaphore, #tpu.memory_space<semaphore_mem>>)
        %dma_wait3A_34 = arith.constant 0 : i32
        %dma_wait3A_35 = tpu.memref_slice %arg14[%dma_wait3A_34] : memref<2000xi32, #tpu.memory_space<vmem>> -> memref<8xi32, #tpu.memory_space<vmem>>
        %dma_wait3A_36 = arith.constant 3200000 : i32
        %dma_wait3A_37 = tpu.memref_slice %arg3[%dma_wait3A_36] : memref<3200008xi32, #tpu.memory_space<hbm>> -> memref<8xi32, #tpu.memory_space<hbm>>
        %dma_wait3A_38 = arith.constant 3200000 : i32
        %dma_wait3A_39 = tpu.memref_slice %arg3[%dma_wait3A_38] : memref<3200008xi32, #tpu.memory_space<hbm>> -> memref<8xi32, #tpu.memory_space<hbm>>
        %dma_wait3A_40 = arith.constant 0 : i32
        %dma_wait3A_41 = tpu.memref_slice %arg14[%dma_wait3A_40] : memref<2000xi32, #tpu.memory_space<vmem>> -> memref<8xi32, #tpu.memory_space<vmem>>
        tpu.wait_dma2 semaphore(%run_scoped3A : memref<!tpu.dma_semaphore, #tpu.memory_space<semaphore_mem>>) src(%dma_wait3A_41 : memref<8xi32, #tpu.memory_space<vmem>>) dst(%dma_wait3A_39 : memref<8xi32, #tpu.memory_space<hbm>>)
        tpu.yield
      }) : () -> ()
    } else {
    }
    return
  }
}

#map = affine_map<(d0, d1) -> (0)>
module attributes {stable_mosaic.version = 14 : i64} {
  func.func @_root_k(%arg0: i32, %arg1: i32, %arg2: memref<100000xf32, #tpu.memory_space<hbm>>, %arg3: memref<50176xf32, #tpu.memory_space<hbm>>, %arg4: memref<50176xi32, #tpu.memory_space<hbm>>, %arg5: memref<100016xf32, #tpu.memory_space<vmem>>, %arg6: memref<1568xf32, #tpu.memory_space<vmem>>, %arg7: memref<1568xi32, #tpu.memory_space<vmem>>, %arg8: memref<!tpu.dma_semaphore, #tpu.memory_space<semaphore_mem>>) attributes {dimension_semantics = [#tpu.dimension_semantics<core_parallel>, #tpu.dimension_semantics<subcore_parallel>], iteration_bounds = array<i64: 2, 16>, scalar_prefetch = 0 : i64, scratch_operands = 4 : i64, tpu.core_type = #tpu.core_type<sc_vector_subcore>, window_params = [{transform_indices = #map}, {transform_indices = #map}, {transform_indices = #map}]} {
    %mul3A = arith.constant 2 : i32
    %mul3A_0 = arith.muli %arg1, %mul3A : i32
    %add3A = arith.addi %mul3A_0, %arg0 : i32
    "tpu.region"() ({
      %run_scoped3A = tpu.sem_alloc : memref<!tpu.dma_semaphore, #tpu.memory_space<semaphore_mem>>
      %dma_start3A = arith.constant 0 : i32
      %dma_start3A_11 = tpu.memref_slice %arg5[%dma_start3A] : memref<100016xf32, #tpu.memory_space<vmem>> -> memref<100000xf32, #tpu.memory_space<vmem>>
      %dma_start3A_12 = arith.constant 0 : i32
      %dma_start3A_13 = tpu.memref_slice %arg5[%dma_start3A_12] : memref<100016xf32, #tpu.memory_space<vmem>> -> memref<100000xf32, #tpu.memory_space<vmem>>
      tpu.enqueue_dma source(%arg2 : memref<100000xf32, #tpu.memory_space<hbm>>) target(%dma_start3A_13 : memref<100000xf32, #tpu.memory_space<vmem>>) target_semaphore(%run_scoped3A : memref<!tpu.dma_semaphore, #tpu.memory_space<semaphore_mem>>)
      %dma_wait3A = arith.constant 0 : i32
      %dma_wait3A_14 = tpu.memref_slice %arg5[%dma_wait3A] : memref<100016xf32, #tpu.memory_space<vmem>> -> memref<100000xf32, #tpu.memory_space<vmem>>
      %dma_wait3A_15 = arith.constant 0 : i32
      %dma_wait3A_16 = tpu.memref_slice %arg5[%dma_wait3A_15] : memref<100016xf32, #tpu.memory_space<vmem>> -> memref<100000xf32, #tpu.memory_space<vmem>>
      tpu.wait_dma2 semaphore(%run_scoped3A : memref<!tpu.dma_semaphore, #tpu.memory_space<semaphore_mem>>) src(%arg2 : memref<100000xf32, #tpu.memory_space<hbm>>) dst(%dma_wait3A_16 : memref<100000xf32, #tpu.memory_space<vmem>>)
      tpu.yield
    }) : () -> ()
    %mul3A_1 = arith.constant 1568 : i32
    %mul3A_2 = arith.muli %add3A, %mul3A_1 : i32
    "tpu.region"() ({
      %run_scoped3A = tpu.sem_alloc : memref<!tpu.dma_semaphore, #tpu.memory_space<semaphore_mem>>
      %dma_start3A = tpu.memref_slice %arg3[%mul3A_2] : memref<50176xf32, #tpu.memory_space<hbm>> -> memref<1568xf32, #tpu.memory_space<hbm>>
      %dma_start3A_11 = tpu.memref_slice %arg3[%mul3A_2] : memref<50176xf32, #tpu.memory_space<hbm>> -> memref<1568xf32, #tpu.memory_space<hbm>>
      tpu.enqueue_dma source(%dma_start3A_11 : memref<1568xf32, #tpu.memory_space<hbm>>) target(%arg6 : memref<1568xf32, #tpu.memory_space<vmem>>) target_semaphore(%run_scoped3A : memref<!tpu.dma_semaphore, #tpu.memory_space<semaphore_mem>>)
      %dma_wait3A = tpu.memref_slice %arg3[%mul3A_2] : memref<50176xf32, #tpu.memory_space<hbm>> -> memref<1568xf32, #tpu.memory_space<hbm>>
      %dma_wait3A_12 = tpu.memref_slice %arg3[%mul3A_2] : memref<50176xf32, #tpu.memory_space<hbm>> -> memref<1568xf32, #tpu.memory_space<hbm>>
      tpu.wait_dma2 semaphore(%run_scoped3A : memref<!tpu.dma_semaphore, #tpu.memory_space<semaphore_mem>>) src(%dma_wait3A_12 : memref<1568xf32, #tpu.memory_space<hbm>>) dst(%arg6 : memref<1568xf32, #tpu.memory_space<vmem>>)
      tpu.yield
    }) : () -> ()
    %scan3A = arith.constant 0 : i32
    %scan3A_3 = arith.constant 0 : i32
    %scan3A_4 = arith.constant 98 : i32
    %scan3A_5 = arith.addi %scan3A_3, %scan3A_4 : i32
    %scan3A_6 = arith.constant 1 : i32
    %scan3A_7 = scf.for %scan3A_11 = %scan3A_3 to %scan3A_5 step %scan3A_6 iter_args(%scan3A_12 = %scan3A) -> (i32)  : i32 {
      %mul3A_13 = arith.constant 16 : i32
      %mul3A_14 = arith.muli %scan3A_11, %mul3A_13 : i32
      %get3A = arith.index_cast %mul3A_14 : i32 to index
      %get3A_15 = tpu.vector_load %arg6[%get3A] {strides = array<i32>} : memref<1568xf32, #tpu.memory_space<vmem>>, vector<16xf32>,
      %broadcast_in_dim3A = arith.constant 0 : i32
      %broadcast_in_dim3A_16 = vector.broadcast %broadcast_in_dim3A : i32 to vector<16xi32>
      %add3A_17 = arith.constant 65536 : i32
      %add3A_18 = vector.broadcast %add3A_17 : i32 to vector<16xi32>
      %add3A_19 = arith.addi %broadcast_in_dim3A_16, %add3A_18 : vector<16xi32>
      %sub3A = arith.constant 1 : i32
      %sub3A_20 = vector.broadcast %sub3A : i32 to vector<16xi32>
      %sub3A_21 = arith.subi %add3A_19, %sub3A_20 : vector<16xi32>
      %min3A = arith.constant 99999 : i32
      %min3A_22 = vector.broadcast %min3A : i32 to vector<16xi32>
      %min3A_23 = arith.minsi %sub3A_21, %min3A_22 : vector<16xi32>
      %gather3A = tpu.vector_load_idx %arg5[%min3A_23] : memref<100016xf32, #tpu.memory_space<vmem>>[vector<16xi32>], vector<16xf32>,
      %le3A = arith.constant 100000 : i32
      %le3A_24 = vector.broadcast %le3A : i32 to vector<16xi32>
      %le3A_25 = arith.cmpi sle, %add3A_19, %le3A_24 : vector<16xi32>
      %lt3A = arith.cmpf olt, %gather3A, %get3A_15 : vector<16xf32>
      %and3A = arith.andi %le3A_25, %lt3A : vector<16xi1>
      %select_n3A = arith.select %and3A, %add3A_19, %broadcast_in_dim3A_16 : vector<16xi1>, vector<16xi32>
      %add3A_26 = arith.constant 32768 : i32
      %add3A_27 = vector.broadcast %add3A_26 : i32 to vector<16xi32>
      %add3A_28 = arith.addi %select_n3A, %add3A_27 : vector<16xi32>
      %sub3A_29 = arith.constant 1 : i32
      %sub3A_30 = vector.broadcast %sub3A_29 : i32 to vector<16xi32>
      %sub3A_31 = arith.subi %add3A_28, %sub3A_30 : vector<16xi32>
      %min3A_32 = arith.constant 99999 : i32
      %min3A_33 = vector.broadcast %min3A_32 : i32 to vector<16xi32>
      %min3A_34 = arith.minsi %sub3A_31, %min3A_33 : vector<16xi32>
      %gather3A_35 = tpu.vector_load_idx %arg5[%min3A_34] : memref<100016xf32, #tpu.memory_space<vmem>>[vector<16xi32>], vector<16xf32>,
      %le3A_36 = arith.constant 100000 : i32
      %le3A_37 = vector.broadcast %le3A_36 : i32 to vector<16xi32>
      %le3A_38 = arith.cmpi sle, %add3A_28, %le3A_37 : vector<16xi32>
      %lt3A_39 = arith.cmpf olt, %gather3A_35, %get3A_15 : vector<16xf32>
      %and3A_40 = arith.andi %le3A_38, %lt3A_39 : vector<16xi1>
      %select_n3A_41 = arith.select %and3A_40, %add3A_28, %select_n3A : vector<16xi1>, vector<16xi32>
      %add3A_42 = arith.constant 16384 : i32
      %add3A_43 = vector.broadcast %add3A_42 : i32 to vector<16xi32>
      %add3A_44 = arith.addi %select_n3A_41, %add3A_43 : vector<16xi32>
      %sub3A_45 = arith.constant 1 : i32
      %sub3A_46 = vector.broadcast %sub3A_45 : i32 to vector<16xi32>
      %sub3A_47 = arith.subi %add3A_44, %sub3A_46 : vector<16xi32>
      %min3A_48 = arith.constant 99999 : i32
      %min3A_49 = vector.broadcast %min3A_48 : i32 to vector<16xi32>
      %min3A_50 = arith.minsi %sub3A_47, %min3A_49 : vector<16xi32>
      %gather3A_51 = tpu.vector_load_idx %arg5[%min3A_50] : memref<100016xf32, #tpu.memory_space<vmem>>[vector<16xi32>], vector<16xf32>,
      %le3A_52 = arith.constant 100000 : i32
      %le3A_53 = vector.broadcast %le3A_52 : i32 to vector<16xi32>
      %le3A_54 = arith.cmpi sle, %add3A_44, %le3A_53 : vector<16xi32>
      %lt3A_55 = arith.cmpf olt, %gather3A_51, %get3A_15 : vector<16xf32>
      %and3A_56 = arith.andi %le3A_54, %lt3A_55 : vector<16xi1>
      %select_n3A_57 = arith.select %and3A_56, %add3A_44, %select_n3A_41 : vector<16xi1>, vector<16xi32>
      %add3A_58 = arith.constant 8192 : i32
      %add3A_59 = vector.broadcast %add3A_58 : i32 to vector<16xi32>
      %add3A_60 = arith.addi %select_n3A_57, %add3A_59 : vector<16xi32>
      %sub3A_61 = arith.constant 1 : i32
      %sub3A_62 = vector.broadcast %sub3A_61 : i32 to vector<16xi32>
      %sub3A_63 = arith.subi %add3A_60, %sub3A_62 : vector<16xi32>
      %min3A_64 = arith.constant 99999 : i32
      %min3A_65 = vector.broadcast %min3A_64 : i32 to vector<16xi32>
      %min3A_66 = arith.minsi %sub3A_63, %min3A_65 : vector<16xi32>
      %gather3A_67 = tpu.vector_load_idx %arg5[%min3A_66] : memref<100016xf32, #tpu.memory_space<vmem>>[vector<16xi32>], vector<16xf32>,
      %le3A_68 = arith.constant 100000 : i32
      %le3A_69 = vector.broadcast %le3A_68 : i32 to vector<16xi32>
      %le3A_70 = arith.cmpi sle, %add3A_60, %le3A_69 : vector<16xi32>
      %lt3A_71 = arith.cmpf olt, %gather3A_67, %get3A_15 : vector<16xf32>
      %and3A_72 = arith.andi %le3A_70, %lt3A_71 : vector<16xi1>
      %select_n3A_73 = arith.select %and3A_72, %add3A_60, %select_n3A_57 : vector<16xi1>, vector<16xi32>
      %add3A_74 = arith.constant 4096 : i32
      %add3A_75 = vector.broadcast %add3A_74 : i32 to vector<16xi32>
      %add3A_76 = arith.addi %select_n3A_73, %add3A_75 : vector<16xi32>
      %sub3A_77 = arith.constant 1 : i32
      %sub3A_78 = vector.broadcast %sub3A_77 : i32 to vector<16xi32>
      %sub3A_79 = arith.subi %add3A_76, %sub3A_78 : vector<16xi32>
      %min3A_80 = arith.constant 99999 : i32
      %min3A_81 = vector.broadcast %min3A_80 : i32 to vector<16xi32>
      %min3A_82 = arith.minsi %sub3A_79, %min3A_81 : vector<16xi32>
      %gather3A_83 = tpu.vector_load_idx %arg5[%min3A_82] : memref<100016xf32, #tpu.memory_space<vmem>>[vector<16xi32>], vector<16xf32>,
      %le3A_84 = arith.constant 100000 : i32
      %le3A_85 = vector.broadcast %le3A_84 : i32 to vector<16xi32>
      %le3A_86 = arith.cmpi sle, %add3A_76, %le3A_85 : vector<16xi32>
      %lt3A_87 = arith.cmpf olt, %gather3A_83, %get3A_15 : vector<16xf32>
      %and3A_88 = arith.andi %le3A_86, %lt3A_87 : vector<16xi1>
      %select_n3A_89 = arith.select %and3A_88, %add3A_76, %select_n3A_73 : vector<16xi1>, vector<16xi32>
      %add3A_90 = arith.constant 2048 : i32
      %add3A_91 = vector.broadcast %add3A_90 : i32 to vector<16xi32>
      %add3A_92 = arith.addi %select_n3A_89, %add3A_91 : vector<16xi32>
      %sub3A_93 = arith.constant 1 : i32
      %sub3A_94 = vector.broadcast %sub3A_93 : i32 to vector<16xi32>
      %sub3A_95 = arith.subi %add3A_92, %sub3A_94 : vector<16xi32>
      %min3A_96 = arith.constant 99999 : i32
      %min3A_97 = vector.broadcast %min3A_96 : i32 to vector<16xi32>
      %min3A_98 = arith.minsi %sub3A_95, %min3A_97 : vector<16xi32>
      %gather3A_99 = tpu.vector_load_idx %arg5[%min3A_98] : memref<100016xf32, #tpu.memory_space<vmem>>[vector<16xi32>], vector<16xf32>,
      %le3A_100 = arith.constant 100000 : i32
      %le3A_101 = vector.broadcast %le3A_100 : i32 to vector<16xi32>
      %le3A_102 = arith.cmpi sle, %add3A_92, %le3A_101 : vector<16xi32>
      %lt3A_103 = arith.cmpf olt, %gather3A_99, %get3A_15 : vector<16xf32>
      %and3A_104 = arith.andi %le3A_102, %lt3A_103 : vector<16xi1>
      %select_n3A_105 = arith.select %and3A_104, %add3A_92, %select_n3A_89 : vector<16xi1>, vector<16xi32>
      %add3A_106 = arith.constant 1024 : i32
      %add3A_107 = vector.broadcast %add3A_106 : i32 to vector<16xi32>
      %add3A_108 = arith.addi %select_n3A_105, %add3A_107 : vector<16xi32>
      %sub3A_109 = arith.constant 1 : i32
      %sub3A_110 = vector.broadcast %sub3A_109 : i32 to vector<16xi32>
      %sub3A_111 = arith.subi %add3A_108, %sub3A_110 : vector<16xi32>
      %min3A_112 = arith.constant 99999 : i32
      %min3A_113 = vector.broadcast %min3A_112 : i32 to vector<16xi32>
      %min3A_114 = arith.minsi %sub3A_111, %min3A_113 : vector<16xi32>
      %gather3A_115 = tpu.vector_load_idx %arg5[%min3A_114] : memref<100016xf32, #tpu.memory_space<vmem>>[vector<16xi32>], vector<16xf32>,
      %le3A_116 = arith.constant 100000 : i32
      %le3A_117 = vector.broadcast %le3A_116 : i32 to vector<16xi32>
      %le3A_118 = arith.cmpi sle, %add3A_108, %le3A_117 : vector<16xi32>
      %lt3A_119 = arith.cmpf olt, %gather3A_115, %get3A_15 : vector<16xf32>
      %and3A_120 = arith.andi %le3A_118, %lt3A_119 : vector<16xi1>
      %select_n3A_121 = arith.select %and3A_120, %add3A_108, %select_n3A_105 : vector<16xi1>, vector<16xi32>
      %add3A_122 = arith.constant 512 : i32
      %add3A_123 = vector.broadcast %add3A_122 : i32 to vector<16xi32>
      %add3A_124 = arith.addi %select_n3A_121, %add3A_123 : vector<16xi32>
      %sub3A_125 = arith.constant 1 : i32
      %sub3A_126 = vector.broadcast %sub3A_125 : i32 to vector<16xi32>
      %sub3A_127 = arith.subi %add3A_124, %sub3A_126 : vector<16xi32>
      %min3A_128 = arith.constant 99999 : i32
      %min3A_129 = vector.broadcast %min3A_128 : i32 to vector<16xi32>
      %min3A_130 = arith.minsi %sub3A_127, %min3A_129 : vector<16xi32>
      %gather3A_131 = tpu.vector_load_idx %arg5[%min3A_130] : memref<100016xf32, #tpu.memory_space<vmem>>[vector<16xi32>], vector<16xf32>,
      %le3A_132 = arith.constant 100000 : i32
      %le3A_133 = vector.broadcast %le3A_132 : i32 to vector<16xi32>
      %le3A_134 = arith.cmpi sle, %add3A_124, %le3A_133 : vector<16xi32>
      %lt3A_135 = arith.cmpf olt, %gather3A_131, %get3A_15 : vector<16xf32>
      %and3A_136 = arith.andi %le3A_134, %lt3A_135 : vector<16xi1>
      %select_n3A_137 = arith.select %and3A_136, %add3A_124, %select_n3A_121 : vector<16xi1>, vector<16xi32>
      %add3A_138 = arith.constant 256 : i32
      %add3A_139 = vector.broadcast %add3A_138 : i32 to vector<16xi32>
      %add3A_140 = arith.addi %select_n3A_137, %add3A_139 : vector<16xi32>
      %sub3A_141 = arith.constant 1 : i32
      %sub3A_142 = vector.broadcast %sub3A_141 : i32 to vector<16xi32>
      %sub3A_143 = arith.subi %add3A_140, %sub3A_142 : vector<16xi32>
      %min3A_144 = arith.constant 99999 : i32
      %min3A_145 = vector.broadcast %min3A_144 : i32 to vector<16xi32>
      %min3A_146 = arith.minsi %sub3A_143, %min3A_145 : vector<16xi32>
      %gather3A_147 = tpu.vector_load_idx %arg5[%min3A_146] : memref<100016xf32, #tpu.memory_space<vmem>>[vector<16xi32>], vector<16xf32>,
      %le3A_148 = arith.constant 100000 : i32
      %le3A_149 = vector.broadcast %le3A_148 : i32 to vector<16xi32>
      %le3A_150 = arith.cmpi sle, %add3A_140, %le3A_149 : vector<16xi32>
      %lt3A_151 = arith.cmpf olt, %gather3A_147, %get3A_15 : vector<16xf32>
      %and3A_152 = arith.andi %le3A_150, %lt3A_151 : vector<16xi1>
      %select_n3A_153 = arith.select %and3A_152, %add3A_140, %select_n3A_137 : vector<16xi1>, vector<16xi32>
      %add3A_154 = arith.constant 128 : i32
      %add3A_155 = vector.broadcast %add3A_154 : i32 to vector<16xi32>
      %add3A_156 = arith.addi %select_n3A_153, %add3A_155 : vector<16xi32>
      %sub3A_157 = arith.constant 1 : i32
      %sub3A_158 = vector.broadcast %sub3A_157 : i32 to vector<16xi32>
      %sub3A_159 = arith.subi %add3A_156, %sub3A_158 : vector<16xi32>
      %min3A_160 = arith.constant 99999 : i32
      %min3A_161 = vector.broadcast %min3A_160 : i32 to vector<16xi32>
      %min3A_162 = arith.minsi %sub3A_159, %min3A_161 : vector<16xi32>
      %gather3A_163 = tpu.vector_load_idx %arg5[%min3A_162] : memref<100016xf32, #tpu.memory_space<vmem>>[vector<16xi32>], vector<16xf32>,
      %le3A_164 = arith.constant 100000 : i32
      %le3A_165 = vector.broadcast %le3A_164 : i32 to vector<16xi32>
      %le3A_166 = arith.cmpi sle, %add3A_156, %le3A_165 : vector<16xi32>
      %lt3A_167 = arith.cmpf olt, %gather3A_163, %get3A_15 : vector<16xf32>
      %and3A_168 = arith.andi %le3A_166, %lt3A_167 : vector<16xi1>
      %select_n3A_169 = arith.select %and3A_168, %add3A_156, %select_n3A_153 : vector<16xi1>, vector<16xi32>
      %add3A_170 = arith.constant 64 : i32
      %add3A_171 = vector.broadcast %add3A_170 : i32 to vector<16xi32>
      %add3A_172 = arith.addi %select_n3A_169, %add3A_171 : vector<16xi32>
      %sub3A_173 = arith.constant 1 : i32
      %sub3A_174 = vector.broadcast %sub3A_173 : i32 to vector<16xi32>
      %sub3A_175 = arith.subi %add3A_172, %sub3A_174 : vector<16xi32>
      %min3A_176 = arith.constant 99999 : i32
      %min3A_177 = vector.broadcast %min3A_176 : i32 to vector<16xi32>
      %min3A_178 = arith.minsi %sub3A_175, %min3A_177 : vector<16xi32>
      %gather3A_179 = tpu.vector_load_idx %arg5[%min3A_178] : memref<100016xf32, #tpu.memory_space<vmem>>[vector<16xi32>], vector<16xf32>,
      %le3A_180 = arith.constant 100000 : i32
      %le3A_181 = vector.broadcast %le3A_180 : i32 to vector<16xi32>
      %le3A_182 = arith.cmpi sle, %add3A_172, %le3A_181 : vector<16xi32>
      %lt3A_183 = arith.cmpf olt, %gather3A_179, %get3A_15 : vector<16xf32>
      %and3A_184 = arith.andi %le3A_182, %lt3A_183 : vector<16xi1>
      %select_n3A_185 = arith.select %and3A_184, %add3A_172, %select_n3A_169 : vector<16xi1>, vector<16xi32>
      %add3A_186 = arith.constant 32 : i32
      %add3A_187 = vector.broadcast %add3A_186 : i32 to vector<16xi32>
      %add3A_188 = arith.addi %select_n3A_185, %add3A_187 : vector<16xi32>
      %sub3A_189 = arith.constant 1 : i32
      %sub3A_190 = vector.broadcast %sub3A_189 : i32 to vector<16xi32>
      %sub3A_191 = arith.subi %add3A_188, %sub3A_190 : vector<16xi32>
      %min3A_192 = arith.constant 99999 : i32
      %min3A_193 = vector.broadcast %min3A_192 : i32 to vector<16xi32>
      %min3A_194 = arith.minsi %sub3A_191, %min3A_193 : vector<16xi32>
      %gather3A_195 = tpu.vector_load_idx %arg5[%min3A_194] : memref<100016xf32, #tpu.memory_space<vmem>>[vector<16xi32>], vector<16xf32>,
      %le3A_196 = arith.constant 100000 : i32
      %le3A_197 = vector.broadcast %le3A_196 : i32 to vector<16xi32>
      %le3A_198 = arith.cmpi sle, %add3A_188, %le3A_197 : vector<16xi32>
      %lt3A_199 = arith.cmpf olt, %gather3A_195, %get3A_15 : vector<16xf32>
      %and3A_200 = arith.andi %le3A_198, %lt3A_199 : vector<16xi1>
      %select_n3A_201 = arith.select %and3A_200, %add3A_188, %select_n3A_185 : vector<16xi1>, vector<16xi32>
      %add3A_202 = arith.constant 16 : i32
      %add3A_203 = vector.broadcast %add3A_202 : i32 to vector<16xi32>
      %add3A_204 = arith.addi %select_n3A_201, %add3A_203 : vector<16xi32>
      %sub3A_205 = arith.constant 1 : i32
      %sub3A_206 = vector.broadcast %sub3A_205 : i32 to vector<16xi32>
      %sub3A_207 = arith.subi %add3A_204, %sub3A_206 : vector<16xi32>
      %min3A_208 = arith.constant 99999 : i32
      %min3A_209 = vector.broadcast %min3A_208 : i32 to vector<16xi32>
      %min3A_210 = arith.minsi %sub3A_207, %min3A_209 : vector<16xi32>
      %gather3A_211 = tpu.vector_load_idx %arg5[%min3A_210] : memref<100016xf32, #tpu.memory_space<vmem>>[vector<16xi32>], vector<16xf32>,
      %le3A_212 = arith.constant 100000 : i32
      %le3A_213 = vector.broadcast %le3A_212 : i32 to vector<16xi32>
      %le3A_214 = arith.cmpi sle, %add3A_204, %le3A_213 : vector<16xi32>
      %lt3A_215 = arith.cmpf olt, %gather3A_211, %get3A_15 : vector<16xf32>
      %and3A_216 = arith.andi %le3A_214, %lt3A_215 : vector<16xi1>
      %select_n3A_217 = arith.select %and3A_216, %add3A_204, %select_n3A_201 : vector<16xi1>, vector<16xi32>
      %add3A_218 = arith.constant 8 : i32
      %add3A_219 = vector.broadcast %add3A_218 : i32 to vector<16xi32>
      %add3A_220 = arith.addi %select_n3A_217, %add3A_219 : vector<16xi32>
      %sub3A_221 = arith.constant 1 : i32
      %sub3A_222 = vector.broadcast %sub3A_221 : i32 to vector<16xi32>
      %sub3A_223 = arith.subi %add3A_220, %sub3A_222 : vector<16xi32>
      %min3A_224 = arith.constant 99999 : i32
      %min3A_225 = vector.broadcast %min3A_224 : i32 to vector<16xi32>
      %min3A_226 = arith.minsi %sub3A_223, %min3A_225 : vector<16xi32>
      %gather3A_227 = tpu.vector_load_idx %arg5[%min3A_226] : memref<100016xf32, #tpu.memory_space<vmem>>[vector<16xi32>], vector<16xf32>,
      %le3A_228 = arith.constant 100000 : i32
      %le3A_229 = vector.broadcast %le3A_228 : i32 to vector<16xi32>
      %le3A_230 = arith.cmpi sle, %add3A_220, %le3A_229 : vector<16xi32>
      %lt3A_231 = arith.cmpf olt, %gather3A_227, %get3A_15 : vector<16xf32>
      %and3A_232 = arith.andi %le3A_230, %lt3A_231 : vector<16xi1>
      %select_n3A_233 = arith.select %and3A_232, %add3A_220, %select_n3A_217 : vector<16xi1>, vector<16xi32>
      %add3A_234 = arith.constant 4 : i32
      %add3A_235 = vector.broadcast %add3A_234 : i32 to vector<16xi32>
      %add3A_236 = arith.addi %select_n3A_233, %add3A_235 : vector<16xi32>
      %sub3A_237 = arith.constant 1 : i32
      %sub3A_238 = vector.broadcast %sub3A_237 : i32 to vector<16xi32>
      %sub3A_239 = arith.subi %add3A_236, %sub3A_238 : vector<16xi32>
      %min3A_240 = arith.constant 99999 : i32
      %min3A_241 = vector.broadcast %min3A_240 : i32 to vector<16xi32>
      %min3A_242 = arith.minsi %sub3A_239, %min3A_241 : vector<16xi32>
      %gather3A_243 = tpu.vector_load_idx %arg5[%min3A_242] : memref<100016xf32, #tpu.memory_space<vmem>>[vector<16xi32>], vector<16xf32>,
      %le3A_244 = arith.constant 100000 : i32
      %le3A_245 = vector.broadcast %le3A_244 : i32 to vector<16xi32>
      %le3A_246 = arith.cmpi sle, %add3A_236, %le3A_245 : vector<16xi32>
      %lt3A_247 = arith.cmpf olt, %gather3A_243, %get3A_15 : vector<16xf32>
      %and3A_248 = arith.andi %le3A_246, %lt3A_247 : vector<16xi1>
      %select_n3A_249 = arith.select %and3A_248, %add3A_236, %select_n3A_233 : vector<16xi1>, vector<16xi32>
      %add3A_250 = arith.constant 2 : i32
      %add3A_251 = vector.broadcast %add3A_250 : i32 to vector<16xi32>
      %add3A_252 = arith.addi %select_n3A_249, %add3A_251 : vector<16xi32>
      %sub3A_253 = arith.constant 1 : i32
      %sub3A_254 = vector.broadcast %sub3A_253 : i32 to vector<16xi32>
      %sub3A_255 = arith.subi %add3A_252, %sub3A_254 : vector<16xi32>
      %min3A_256 = arith.constant 99999 : i32
      %min3A_257 = vector.broadcast %min3A_256 : i32 to vector<16xi32>
      %min3A_258 = arith.minsi %sub3A_255, %min3A_257 : vector<16xi32>
      %gather3A_259 = tpu.vector_load_idx %arg5[%min3A_258] : memref<100016xf32, #tpu.memory_space<vmem>>[vector<16xi32>], vector<16xf32>,
      %le3A_260 = arith.constant 100000 : i32
      %le3A_261 = vector.broadcast %le3A_260 : i32 to vector<16xi32>
      %le3A_262 = arith.cmpi sle, %add3A_252, %le3A_261 : vector<16xi32>
      %lt3A_263 = arith.cmpf olt, %gather3A_259, %get3A_15 : vector<16xf32>
      %and3A_264 = arith.andi %le3A_262, %lt3A_263 : vector<16xi1>
      %select_n3A_265 = arith.select %and3A_264, %add3A_252, %select_n3A_249 : vector<16xi1>, vector<16xi32>
      %add3A_266 = arith.constant 1 : i32
      %add3A_267 = vector.broadcast %add3A_266 : i32 to vector<16xi32>
      %add3A_268 = arith.addi %select_n3A_265, %add3A_267 : vector<16xi32>
      %sub3A_269 = arith.constant 1 : i32
      %sub3A_270 = vector.broadcast %sub3A_269 : i32 to vector<16xi32>
      %sub3A_271 = arith.subi %add3A_268, %sub3A_270 : vector<16xi32>
      %min3A_272 = arith.constant 99999 : i32
      %min3A_273 = vector.broadcast %min3A_272 : i32 to vector<16xi32>
      %min3A_274 = arith.minsi %sub3A_271, %min3A_273 : vector<16xi32>
      %gather3A_275 = tpu.vector_load_idx %arg5[%min3A_274] : memref<100016xf32, #tpu.memory_space<vmem>>[vector<16xi32>], vector<16xf32>,
      %le3A_276 = arith.constant 100000 : i32
      %le3A_277 = vector.broadcast %le3A_276 : i32 to vector<16xi32>
      %le3A_278 = arith.cmpi sle, %add3A_268, %le3A_277 : vector<16xi32>
      %lt3A_279 = arith.cmpf olt, %gather3A_275, %get3A_15 : vector<16xf32>
      %and3A_280 = arith.andi %le3A_278, %lt3A_279 : vector<16xi1>
      %select_n3A_281 = arith.select %and3A_280, %add3A_268, %select_n3A_265 : vector<16xi1>, vector<16xi32>
      %mul3A_282 = arith.constant 16 : i32
      %mul3A_283 = arith.muli %scan3A_11, %mul3A_282 : i32
      %swap3A = arith.index_cast %mul3A_283 : i32 to index
      %swap3A_284 = tpu.vector_load %arg7[%swap3A] {strides = array<i32>} : memref<1568xi32, #tpu.memory_space<vmem>>, vector<16xi32>,
      tpu.vector_store %arg7[%swap3A], %select_n3A_281 {strides = array<i32>} : memref<1568xi32, #tpu.memory_space<vmem>>, vector<16xi32>,
      %scan3A_285 = arith.constant 0 : i32
      scf.yield %scan3A_285 : i32
    }
    %scan3A_8 = arith.constant 98 : i32
    %mul3A_9 = arith.constant 1568 : i32
    %mul3A_10 = arith.muli %add3A, %mul3A_9 : i32
    "tpu.region"() ({
      %run_scoped3A = tpu.sem_alloc : memref<!tpu.dma_semaphore, #tpu.memory_space<semaphore_mem>>
      %dma_start3A = tpu.memref_slice %arg4[%mul3A_10] : memref<50176xi32, #tpu.memory_space<hbm>> -> memref<1568xi32, #tpu.memory_space<hbm>>
      %dma_start3A_11 = tpu.memref_slice %arg4[%mul3A_10] : memref<50176xi32, #tpu.memory_space<hbm>> -> memref<1568xi32, #tpu.memory_space<hbm>>
      tpu.enqueue_dma source(%arg7 : memref<1568xi32, #tpu.memory_space<vmem>>) target(%dma_start3A_11 : memref<1568xi32, #tpu.memory_space<hbm>>) target_semaphore(%run_scoped3A : memref<!tpu.dma_semaphore, #tpu.memory_space<semaphore_mem>>)
      %dma_wait3A = tpu.memref_slice %arg4[%mul3A_10] : memref<50176xi32, #tpu.memory_space<hbm>> -> memref<1568xi32, #tpu.memory_space<hbm>>
      %dma_wait3A_12 = tpu.memref_slice %arg4[%mul3A_10] : memref<50176xi32, #tpu.memory_space<hbm>> -> memref<1568xi32, #tpu.memory_space<hbm>>
      tpu.wait_dma2 semaphore(%run_scoped3A : memref<!tpu.dma_semaphore, #tpu.memory_space<semaphore_mem>>) src(%arg7 : memref<1568xi32, #tpu.memory_space<vmem>>) dst(%dma_wait3A_12 : memref<1568xi32, #tpu.memory_space<hbm>>)
      tpu.yield
    }) : () -> ()
    return
  }
}

#map = affine_map<(d0, d1) -> (0)>
module attributes {stable_mosaic.version = 14 : i64} {
  func.func @_walk_k(%arg0: i32, %arg1: i32, %arg2: memref<100008xi32, #tpu.memory_space<hbm>>, %arg3: memref<102400xi32, #tpu.memory_space<hbm>>, %arg4: memref<409600xf32, #tpu.memory_space<hbm>>, %arg5: memref<3200008xi32, #tpu.memory_space<hbm>>, %arg6: memref<3200000xi32, #tpu.memory_space<hbm>>, %arg7: memref<409600xi32, #tpu.memory_space<hbm>>, %arg8: memref<100008xi32, #tpu.memory_space<vmem>>, %arg9: memref<3200xi32, #tpu.memory_space<vmem>>, %arg10: memref<3200xf32, #tpu.memory_space<vmem>>, %arg11: memref<3200xi32, #tpu.memory_space<vmem>>, %arg12: memref<3200xi32, #tpu.memory_space<vmem>>, %arg13: memref<3200xi32, #tpu.memory_space<vmem>>, %arg14: memref<3200xi32, #tpu.memory_space<vmem>>, %arg15: memref<!tpu.dma_semaphore, #tpu.memory_space<semaphore_mem>>, %arg16: memref<!tpu.dma_semaphore, #tpu.memory_space<semaphore_mem>>) attributes {dimension_semantics = [#tpu.dimension_semantics<core_parallel>, #tpu.dimension_semantics<subcore_parallel>], iteration_bounds = array<i64: 2, 16>, scalar_prefetch = 0 : i64, scratch_operands = 9 : i64, tpu.core_type = #tpu.core_type<sc_vector_subcore>, window_params = [{transform_indices = #map}, {transform_indices = #map}, {transform_indices = #map}, {transform_indices = #map}, {transform_indices = #map}, {transform_indices = #map}]} {
    %mul3A = arith.constant 2 : i32
    %mul3A_0 = arith.muli %arg1, %mul3A : i32
    %add3A = arith.addi %mul3A_0, %arg0 : i32
    "tpu.region"() ({
      %run_scoped3A = tpu.sem_alloc : memref<!tpu.dma_semaphore, #tpu.memory_space<semaphore_mem>>
      tpu.enqueue_dma source(%arg2 : memref<100008xi32, #tpu.memory_space<hbm>>) target(%arg8 : memref<100008xi32, #tpu.memory_space<vmem>>) target_semaphore(%run_scoped3A : memref<!tpu.dma_semaphore, #tpu.memory_space<semaphore_mem>>)
      tpu.wait_dma2 semaphore(%run_scoped3A : memref<!tpu.dma_semaphore, #tpu.memory_space<semaphore_mem>>) src(%arg2 : memref<100008xi32, #tpu.memory_space<hbm>>) dst(%arg8 : memref<100008xi32, #tpu.memory_space<vmem>>)
      tpu.yield
    }) : () -> ()
    %mul3A_1 = arith.constant 3200 : i32
    %mul3A_2 = arith.muli %add3A, %mul3A_1 : i32
    "tpu.region"() ({
      %run_scoped3A = tpu.sem_alloc : memref<!tpu.dma_semaphore, #tpu.memory_space<semaphore_mem>>
      %dma_start3A = tpu.memref_slice %arg3[%mul3A_2] : memref<102400xi32, #tpu.memory_space<hbm>> -> memref<3200xi32, #tpu.memory_space<hbm>>
      %dma_start3A_202 = tpu.memref_slice %arg3[%mul3A_2] : memref<102400xi32, #tpu.memory_space<hbm>> -> memref<3200xi32, #tpu.memory_space<hbm>>
      tpu.enqueue_dma source(%dma_start3A_202 : memref<3200xi32, #tpu.memory_space<hbm>>) target(%arg9 : memref<3200xi32, #tpu.memory_space<vmem>>) target_semaphore(%run_scoped3A : memref<!tpu.dma_semaphore, #tpu.memory_space<semaphore_mem>>)
      %dma_wait3A = tpu.memref_slice %arg3[%mul3A_2] : memref<102400xi32, #tpu.memory_space<hbm>> -> memref<3200xi32, #tpu.memory_space<hbm>>
      %dma_wait3A_203 = tpu.memref_slice %arg3[%mul3A_2] : memref<102400xi32, #tpu.memory_space<hbm>> -> memref<3200xi32, #tpu.memory_space<hbm>>
      tpu.wait_dma2 semaphore(%run_scoped3A : memref<!tpu.dma_semaphore, #tpu.memory_space<semaphore_mem>>) src(%dma_wait3A_203 : memref<3200xi32, #tpu.memory_space<hbm>>) dst(%arg9 : memref<3200xi32, #tpu.memory_space<vmem>>)
      tpu.yield
    }) : () -> ()
    %iota3A = tpu.iota {dimensions = array<i32: 0>} : vector<16xi32>
    %add3A_3 = arith.constant 0 : i32
    %add3A_4 = arith.addi %add3A_3, %add3A : i32
    %mul3A_5 = arith.constant 3200 : i32
    %mul3A_6 = arith.muli %add3A_4, %mul3A_5 : i32
    "tpu.region"() ({
      %run_scoped3A = tpu.sem_alloc : memref<!tpu.dma_semaphore, #tpu.memory_space<semaphore_mem>>
      %dma_start3A = tpu.memref_slice %arg4[%mul3A_6] : memref<409600xf32, #tpu.memory_space<hbm>> -> memref<3200xf32, #tpu.memory_space<hbm>>
      %dma_start3A_202 = tpu.memref_slice %arg4[%mul3A_6] : memref<409600xf32, #tpu.memory_space<hbm>> -> memref<3200xf32, #tpu.memory_space<hbm>>
      tpu.enqueue_dma source(%dma_start3A_202 : memref<3200xf32, #tpu.memory_space<hbm>>) target(%arg10 : memref<3200xf32, #tpu.memory_space<vmem>>) target_semaphore(%run_scoped3A : memref<!tpu.dma_semaphore, #tpu.memory_space<semaphore_mem>>)
      %dma_wait3A = tpu.memref_slice %arg4[%mul3A_6] : memref<409600xf32, #tpu.memory_space<hbm>> -> memref<3200xf32, #tpu.memory_space<hbm>>
      %dma_wait3A_203 = tpu.memref_slice %arg4[%mul3A_6] : memref<409600xf32, #tpu.memory_space<hbm>> -> memref<3200xf32, #tpu.memory_space<hbm>>
      tpu.wait_dma2 semaphore(%run_scoped3A : memref<!tpu.dma_semaphore, #tpu.memory_space<semaphore_mem>>) src(%dma_wait3A_203 : memref<3200xf32, #tpu.memory_space<hbm>>) dst(%arg10 : memref<3200xf32, #tpu.memory_space<vmem>>)
      tpu.yield
    }) : () -> ()
    %scan3A = arith.constant 0 : i32
    %scan3A_7 = arith.constant 0 : i32
    %scan3A_8 = arith.constant 200 : i32
    %scan3A_9 = arith.addi %scan3A_7, %scan3A_8 : i32
    %scan3A_10 = arith.constant 1 : i32
    %scan3A_11 = scf.for %scan3A_202 = %scan3A_7 to %scan3A_9 step %scan3A_10 iter_args(%scan3A_203 = %scan3A) -> (i32)  : i32 {
      %mul3A_204 = arith.constant 16 : i32
      %mul3A_205 = arith.muli %scan3A_202, %mul3A_204 : i32
      %get3A = arith.index_cast %mul3A_205 : i32 to index
      %get3A_206 = tpu.vector_load %arg9[%get3A] {strides = array<i32>} : memref<3200xi32, #tpu.memory_space<vmem>>, vector<16xi32>,
      %gather3A = tpu.vector_load_idx %arg8[%get3A_206] : memref<100008xi32, #tpu.memory_space<vmem>>[vector<16xi32>], vector<16xi32>,
      %add3A_207 = arith.constant 1 : i32
      %add3A_208 = vector.broadcast %add3A_207 : i32 to vector<16xi32>
      %add3A_209 = arith.addi %get3A_206, %add3A_208 : vector<16xi32>
      %gather3A_210 = tpu.vector_load_idx %arg8[%add3A_209] : memref<100008xi32, #tpu.memory_space<vmem>>[vector<16xi32>], vector<16xi32>,
      %sub3A = arith.subi %gather3A_210, %gather3A : vector<16xi32>
      %mul3A_211 = arith.constant 16 : i32
      %mul3A_212 = arith.muli %scan3A_202, %mul3A_211 : i32
      %get3A_213 = arith.index_cast %mul3A_212 : i32 to index
      %get3A_214 = tpu.vector_load %arg10[%get3A_213] {strides = array<i32>} : memref<3200xf32, #tpu.memory_space<vmem>>, vector<16xf32>,
      %convert_element_type3A = arith.sitofp %sub3A : vector<16xi32> to vector<16xf32>
      %mul3A_215 = arith.mulf %get3A_214, %convert_element_type3A : vector<16xf32>
      %convert_element_type3A_216 = arith.fptosi %mul3A_215 : vector<16xf32> to vector<16xi32>
      %sub3A_217 = arith.constant 1 : i32
      %sub3A_218 = vector.broadcast %sub3A_217 : i32 to vector<16xi32>
      %sub3A_219 = arith.subi %sub3A, %sub3A_218 : vector<16xi32>
      %max3A = arith.constant 0 : i32
      %max3A_220 = vector.broadcast %max3A : i32 to vector<16xi32>
      %max3A_221 = arith.maxsi %sub3A_219, %max3A_220 : vector<16xi32>
      %min3A = arith.minsi %convert_element_type3A_216, %max3A_221 : vector<16xi32>
      %mul3A_222 = arith.constant 16 : i32
      %mul3A_223 = arith.muli %scan3A_202, %mul3A_222 : i32
      %broadcast_in_dim3A = vector.broadcast %mul3A_223 : i32 to vector<16xi32>
      %add3A_224 = arith.addi %broadcast_in_dim3A, %iota3A : vector<16xi32>
      %gt3A = arith.constant 0 : i32
      %gt3A_225 = vector.broadcast %gt3A : i32 to vector<16xi32>
      %gt3A_226 = arith.cmpi sgt, %sub3A, %gt3A_225 : vector<16xi32>
      %lt3A = arith.constant 3125 : i32
      %lt3A_227 = vector.broadcast %lt3A : i32 to vector<16xi32>
      %lt3A_228 = arith.cmpi slt, %add3A_224, %lt3A_227 : vector<16xi32>
      %and3A = arith.andi %gt3A_226, %lt3A_228 : vector<16xi1>
      %add3A_229 = arith.addi %gather3A, %min3A : vector<16xi32>
      %jit3A = arith.constant 3200000 : i32
      %broadcast_in_dim3A_230 = vector.broadcast %jit3A : i32 to vector<16xi32>
      %select_n3A = arith.select %and3A, %add3A_229, %broadcast_in_dim3A_230 : vector<16xi1>, vector<16xi32>
      %mul3A_231 = arith.constant 16 : i32
      %mul3A_232 = arith.muli %scan3A_202, %mul3A_231 : i32
      %swap3A = arith.index_cast %mul3A_232 : i32 to index
      %swap3A_233 = tpu.vector_load %arg11[%swap3A] {strides = array<i32>} : memref<3200xi32, #tpu.memory_space<vmem>>, vector<16xi32>,
      tpu.vector_store %arg11[%swap3A], %select_n3A {strides = array<i32>} : memref<3200xi32, #tpu.memory_space<vmem>>, vector<16xi32>,
      %scan3A_234 = arith.constant 0 : i32
      scf.yield %scan3A_234 : i32
    }
    %scan3A_12 = arith.constant 200 : i32
    %scan3A_13 = arith.constant 0 : i32
    %scan3A_14 = arith.constant 0 : i32
    %scan3A_15 = arith.constant 25 : i32
    %scan3A_16 = arith.addi %scan3A_14, %scan3A_15 : i32
    %scan3A_17 = arith.constant 1 : i32
    %scan3A_18 = scf.for %scan3A_202 = %scan3A_14 to %scan3A_16 step %scan3A_17 iter_args(%scan3A_203 = %scan3A_13) -> (i32)  : i32 {
      %mul3A_204 = arith.constant 128 : i32
      %mul3A_205 = arith.muli %scan3A_202, %mul3A_204 : i32
      %mul3A_206 = arith.constant 128 : i32
      %mul3A_207 = arith.muli %scan3A_202, %mul3A_206 : i32
      %dma_start3A = tpu.memref_slice %arg12[%mul3A_207] : memref<3200xi32, #tpu.memory_space<vmem>> -> memref<128xi32, #tpu.memory_space<vmem>>
      %dma_start3A_208 = tpu.memref_slice %arg11[%mul3A_205] : memref<3200xi32, #tpu.memory_space<vmem>> -> memref<128xi32, #tpu.memory_space<vmem>>
      %dma_start3A_209 = arith.constant 0 : i32
      %dma_start3A_210 = tpu.memref_slice %arg5[%dma_start3A_209] : memref<3200008xi32, #tpu.memory_space<hbm>> -> memref<3200008xi32, #tpu.memory_space<hbm>>
      tpu.enqueue_indirect_dma source(%dma_start3A_210 : memref<3200008xi32, #tpu.memory_space<hbm>>) target(%dma_start3A : memref<128xi32, #tpu.memory_space<vmem>>) offsets(%dma_start3A_208 : memref<128xi32, #tpu.memory_space<vmem>>) semaphore(%arg16 : memref<!tpu.dma_semaphore, #tpu.memory_space<semaphore_mem>>)
      %scan3A_211 = arith.constant 0 : i32
      scf.yield %scan3A_211 : i32
    }
    %scan3A_19 = arith.constant 25 : i32
    %scan3A_20 = arith.constant 0 : i32
    %scan3A_21 = arith.constant 0 : i32
    %scan3A_22 = arith.constant 25 : i32
    %scan3A_23 = arith.addi %scan3A_21, %scan3A_22 : i32
    %scan3A_24 = arith.constant 1 : i32
    %scan3A_25 = scf.for %scan3A_202 = %scan3A_21 to %scan3A_23 step %scan3A_24 iter_args(%scan3A_203 = %scan3A_20) -> (i32)  : i32 {
      %mul3A_204 = arith.constant 128 : i32
      %mul3A_205 = arith.muli %scan3A_202, %mul3A_204 : i32
      %mul3A_206 = arith.constant 128 : i32
      %mul3A_207 = arith.muli %scan3A_202, %mul3A_206 : i32
      %dma_wait3A = tpu.memref_slice %arg12[%mul3A_207] : memref<3200xi32, #tpu.memory_space<vmem>> -> memref<128xi32, #tpu.memory_space<vmem>>
      %dma_wait3A_208 = tpu.memref_slice %arg11[%mul3A_205] : memref<3200xi32, #tpu.memory_space<vmem>> -> memref<128xi32, #tpu.memory_space<vmem>>
      %dma_wait3A_209 = arith.constant 0 : i32
      %dma_wait3A_210 = tpu.memref_slice %arg5[%dma_wait3A_209] : memref<3200008xi32, #tpu.memory_space<hbm>> -> memref<3200008xi32, #tpu.memory_space<hbm>>
      tpu.wait_indirect_dma semaphore(%arg16 : memref<!tpu.dma_semaphore, #tpu.memory_space<semaphore_mem>>) src(%dma_wait3A_210 : memref<3200008xi32, #tpu.memory_space<hbm>>) dst(%dma_wait3A : memref<128xi32, #tpu.memory_space<vmem>>)
      %scan3A_211 = arith.constant 0 : i32
      scf.yield %scan3A_211 : i32
    }
    %scan3A_26 = arith.constant 25 : i32
    %scan3A_27 = arith.constant 0 : i32
    %scan3A_28 = arith.constant 0 : i32
    %scan3A_29 = arith.constant 25 : i32
    %scan3A_30 = arith.addi %scan3A_28, %scan3A_29 : i32
    %scan3A_31 = arith.constant 1 : i32
    %scan3A_32 = scf.for %scan3A_202 = %scan3A_28 to %scan3A_30 step %scan3A_31 iter_args(%scan3A_203 = %scan3A_27) -> (i32)  : i32 {
      %mul3A_204 = arith.constant 128 : i32
      %mul3A_205 = arith.muli %scan3A_202, %mul3A_204 : i32
      %mul3A_206 = arith.constant 128 : i32
      %mul3A_207 = arith.muli %scan3A_202, %mul3A_206 : i32
      %dma_start3A = tpu.memref_slice %arg13[%mul3A_207] : memref<3200xi32, #tpu.memory_space<vmem>> -> memref<128xi32, #tpu.memory_space<vmem>>
      %dma_start3A_208 = tpu.memref_slice %arg12[%mul3A_205] : memref<3200xi32, #tpu.memory_space<vmem>> -> memref<128xi32, #tpu.memory_space<vmem>>
      %dma_start3A_209 = arith.constant 0 : i32
      %dma_start3A_210 = tpu.memref_slice %arg6[%dma_start3A_209] : memref<3200000xi32, #tpu.memory_space<hbm>> -> memref<3200000xi32, #tpu.memory_space<hbm>>
      tpu.enqueue_indirect_dma source(%dma_start3A_210 : memref<3200000xi32, #tpu.memory_space<hbm>>) target(%dma_start3A : memref<128xi32, #tpu.memory_space<vmem>>) offsets(%dma_start3A_208 : memref<128xi32, #tpu.memory_space<vmem>>) semaphore(%arg16 : memref<!tpu.dma_semaphore, #tpu.memory_space<semaphore_mem>>)
      %scan3A_211 = arith.constant 0 : i32
      scf.yield %scan3A_211 : i32
    }
    %scan3A_33 = arith.constant 25 : i32
    %scan3A_34 = arith.constant 0 : i32
    %scan3A_35 = arith.constant 0 : i32
    %scan3A_36 = arith.constant 25 : i32
    %scan3A_37 = arith.addi %scan3A_35, %scan3A_36 : i32
    %scan3A_38 = arith.constant 1 : i32
    %scan3A_39 = scf.for %scan3A_202 = %scan3A_35 to %scan3A_37 step %scan3A_38 iter_args(%scan3A_203 = %scan3A_34) -> (i32)  : i32 {
      %mul3A_204 = arith.constant 128 : i32
      %mul3A_205 = arith.muli %scan3A_202, %mul3A_204 : i32
      %mul3A_206 = arith.constant 128 : i32
      %mul3A_207 = arith.muli %scan3A_202, %mul3A_206 : i32
      %dma_wait3A = tpu.memref_slice %arg13[%mul3A_207] : memref<3200xi32, #tpu.memory_space<vmem>> -> memref<128xi32, #tpu.memory_space<vmem>>
      %dma_wait3A_208 = tpu.memref_slice %arg12[%mul3A_205] : memref<3200xi32, #tpu.memory_space<vmem>> -> memref<128xi32, #tpu.memory_space<vmem>>
      %dma_wait3A_209 = arith.constant 0 : i32
      %dma_wait3A_210 = tpu.memref_slice %arg6[%dma_wait3A_209] : memref<3200000xi32, #tpu.memory_space<hbm>> -> memref<3200000xi32, #tpu.memory_space<hbm>>
      tpu.wait_indirect_dma semaphore(%arg16 : memref<!tpu.dma_semaphore, #tpu.memory_space<semaphore_mem>>) src(%dma_wait3A_210 : memref<3200000xi32, #tpu.memory_space<hbm>>) dst(%dma_wait3A : memref<128xi32, #tpu.memory_space<vmem>>)
      %scan3A_211 = arith.constant 0 : i32
      scf.yield %scan3A_211 : i32
    }
    %scan3A_40 = arith.constant 25 : i32
    %scan3A_41 = arith.constant 0 : i32
    %scan3A_42 = arith.constant 0 : i32
    %scan3A_43 = arith.constant 200 : i32
    %scan3A_44 = arith.addi %scan3A_42, %scan3A_43 : i32
    %scan3A_45 = arith.constant 1 : i32
    %scan3A_46 = scf.for %scan3A_202 = %scan3A_42 to %scan3A_44 step %scan3A_45 iter_args(%scan3A_203 = %scan3A_41) -> (i32)  : i32 {
      %mul3A_204 = arith.constant 16 : i32
      %mul3A_205 = arith.muli %scan3A_202, %mul3A_204 : i32
      %get3A = arith.index_cast %mul3A_205 : i32 to index
      %get3A_206 = tpu.vector_load %arg11[%get3A] {strides = array<i32>} : memref<3200xi32, #tpu.memory_space<vmem>>, vector<16xi32>,
      %lt3A = arith.constant 3200000 : i32
      %lt3A_207 = vector.broadcast %lt3A : i32 to vector<16xi32>
      %lt3A_208 = arith.cmpi slt, %get3A_206, %lt3A_207 : vector<16xi32>
      %get3A_209 = arith.index_cast %mul3A_205 : i32 to index
      %get3A_210 = tpu.vector_load %arg13[%get3A_209] {strides = array<i32>} : memref<3200xi32, #tpu.memory_space<vmem>>, vector<16xi32>,
      %get3A_211 = arith.index_cast %mul3A_205 : i32 to index
      %get3A_212 = tpu.vector_load %arg9[%get3A_211] {strides = array<i32>} : memref<3200xi32, #tpu.memory_space<vmem>>, vector<16xi32>,
      %select_n3A = arith.select %lt3A_208, %get3A_210, %get3A_212 : vector<16xi1>, vector<16xi32>
      %swap3A = arith.index_cast %mul3A_205 : i32 to index
      %swap3A_213 = tpu.vector_load %arg9[%swap3A] {strides = array<i32>} : memref<3200xi32, #tpu.memory_space<vmem>>, vector<16xi32>,
      tpu.vector_store %arg9[%swap3A], %select_n3A {strides = array<i32>} : memref<3200xi32, #tpu.memory_space<vmem>>, vector<16xi32>,
      %get3A_214 = arith.index_cast %mul3A_205 : i32 to index
      %get3A_215 = tpu.vector_load %arg12[%get3A_214] {strides = array<i32>} : memref<3200xi32, #tpu.memory_space<vmem>>, vector<16xi32>,
      %jit3A = arith.constant 3200000 : i32
      %broadcast_in_dim3A = vector.broadcast %jit3A : i32 to vector<16xi32>
      %select_n3A_216 = arith.select %lt3A_208, %get3A_215, %broadcast_in_dim3A : vector<16xi1>, vector<16xi32>
      %swap3A_217 = arith.index_cast %mul3A_205 : i32 to index
      %swap3A_218 = tpu.vector_load %arg14[%swap3A_217] {strides = array<i32>} : memref<3200xi32, #tpu.memory_space<vmem>>, vector<16xi32>,
      tpu.vector_store %arg14[%swap3A_217], %select_n3A_216 {strides = array<i32>} : memref<3200xi32, #tpu.memory_space<vmem>>, vector<16xi32>,
      %scan3A_219 = arith.constant 0 : i32
      scf.yield %scan3A_219 : i32
    }
    %scan3A_47 = arith.constant 200 : i32
    %add3A_48 = arith.constant 0 : i32
    %add3A_49 = arith.addi %add3A_48, %add3A : i32
    %mul3A_50 = arith.constant 3200 : i32
    %mul3A_51 = arith.muli %add3A_49, %mul3A_50 : i32
    "tpu.region"() ({
      %run_scoped3A = tpu.sem_alloc : memref<!tpu.dma_semaphore, #tpu.memory_space<semaphore_mem>>
      %dma_start3A = tpu.memref_slice %arg7[%mul3A_51] : memref<409600xi32, #tpu.memory_space<hbm>> -> memref<3200xi32, #tpu.memory_space<hbm>>
      %dma_start3A_202 = tpu.memref_slice %arg7[%mul3A_51] : memref<409600xi32, #tpu.memory_space<hbm>> -> memref<3200xi32, #tpu.memory_space<hbm>>
      tpu.enqueue_dma source(%arg14 : memref<3200xi32, #tpu.memory_space<vmem>>) target(%dma_start3A_202 : memref<3200xi32, #tpu.memory_space<hbm>>) target_semaphore(%run_scoped3A : memref<!tpu.dma_semaphore, #tpu.memory_space<semaphore_mem>>)
      %dma_wait3A = tpu.memref_slice %arg7[%mul3A_51] : memref<409600xi32, #tpu.memory_space<hbm>> -> memref<3200xi32, #tpu.memory_space<hbm>>
      %dma_wait3A_203 = tpu.memref_slice %arg7[%mul3A_51] : memref<409600xi32, #tpu.memory_space<hbm>> -> memref<3200xi32, #tpu.memory_space<hbm>>
      tpu.wait_dma2 semaphore(%run_scoped3A : memref<!tpu.dma_semaphore, #tpu.memory_space<semaphore_mem>>) src(%arg14 : memref<3200xi32, #tpu.memory_space<vmem>>) dst(%dma_wait3A_203 : memref<3200xi32, #tpu.memory_space<hbm>>)
      tpu.yield
    }) : () -> ()
    %add3A_52 = arith.constant 32 : i32
    %add3A_53 = arith.addi %add3A_52, %add3A : i32
    %mul3A_54 = arith.constant 3200 : i32
    %mul3A_55 = arith.muli %add3A_53, %mul3A_54 : i32
    "tpu.region"() ({
      %run_scoped3A = tpu.sem_alloc : memref<!tpu.dma_semaphore, #tpu.memory_space<semaphore_mem>>
      %dma_start3A = tpu.memref_slice %arg4[%mul3A_55] : memref<409600xf32, #tpu.memory_space<hbm>> -> memref<3200xf32, #tpu.memory_space<hbm>>
      %dma_start3A_202 = tpu.memref_slice %arg4[%mul3A_55] : memref<409600xf32, #tpu.memory_space<hbm>> -> memref<3200xf32, #tpu.memory_space<hbm>>
      tpu.enqueue_dma source(%dma_start3A_202 : memref<3200xf32, #tpu.memory_space<hbm>>) target(%arg10 : memref<3200xf32, #tpu.memory_space<vmem>>) target_semaphore(%run_scoped3A : memref<!tpu.dma_semaphore, #tpu.memory_space<semaphore_mem>>)
      %dma_wait3A = tpu.memref_slice %arg4[%mul3A_55] : memref<409600xf32, #tpu.memory_space<hbm>> -> memref<3200xf32, #tpu.memory_space<hbm>>
      %dma_wait3A_203 = tpu.memref_slice %arg4[%mul3A_55] : memref<409600xf32, #tpu.memory_space<hbm>> -> memref<3200xf32, #tpu.memory_space<hbm>>
      tpu.wait_dma2 semaphore(%run_scoped3A : memref<!tpu.dma_semaphore, #tpu.memory_space<semaphore_mem>>) src(%dma_wait3A_203 : memref<3200xf32, #tpu.memory_space<hbm>>) dst(%arg10 : memref<3200xf32, #tpu.memory_space<vmem>>)
      tpu.yield
    }) : () -> ()
    %scan3A_56 = arith.constant 0 : i32
    %scan3A_57 = arith.constant 0 : i32
    %scan3A_58 = arith.constant 200 : i32
    %scan3A_59 = arith.addi %scan3A_57, %scan3A_58 : i32
    %scan3A_60 = arith.constant 1 : i32
    %scan3A_61 = scf.for %scan3A_202 = %scan3A_57 to %scan3A_59 step %scan3A_60 iter_args(%scan3A_203 = %scan3A_56) -> (i32)  : i32 {
      %mul3A_204 = arith.constant 16 : i32
      %mul3A_205 = arith.muli %scan3A_202, %mul3A_204 : i32
      %get3A = arith.index_cast %mul3A_205 : i32 to index
      %get3A_206 = tpu.vector_load %arg9[%get3A] {strides = array<i32>} : memref<3200xi32, #tpu.memory_space<vmem>>, vector<16xi32>,
      %gather3A = tpu.vector_load_idx %arg8[%get3A_206] : memref<100008xi32, #tpu.memory_space<vmem>>[vector<16xi32>], vector<16xi32>,
      %add3A_207 = arith.constant 1 : i32
      %add3A_208 = vector.broadcast %add3A_207 : i32 to vector<16xi32>
      %add3A_209 = arith.addi %get3A_206, %add3A_208 : vector<16xi32>
      %gather3A_210 = tpu.vector_load_idx %arg8[%add3A_209] : memref<100008xi32, #tpu.memory_space<vmem>>[vector<16xi32>], vector<16xi32>,
      %sub3A = arith.subi %gather3A_210, %gather3A : vector<16xi32>
      %mul3A_211 = arith.constant 16 : i32
      %mul3A_212 = arith.muli %scan3A_202, %mul3A_211 : i32
      %get3A_213 = arith.index_cast %mul3A_212 : i32 to index
      %get3A_214 = tpu.vector_load %arg10[%get3A_213] {strides = array<i32>} : memref<3200xf32, #tpu.memory_space<vmem>>, vector<16xf32>,
      %convert_element_type3A = arith.sitofp %sub3A : vector<16xi32> to vector<16xf32>
      %mul3A_215 = arith.mulf %get3A_214, %convert_element_type3A : vector<16xf32>
      %convert_element_type3A_216 = arith.fptosi %mul3A_215 : vector<16xf32> to vector<16xi32>
      %sub3A_217 = arith.constant 1 : i32
      %sub3A_218 = vector.broadcast %sub3A_217 : i32 to vector<16xi32>
      %sub3A_219 = arith.subi %sub3A, %sub3A_218 : vector<16xi32>
      %max3A = arith.constant 0 : i32
      %max3A_220 = vector.broadcast %max3A : i32 to vector<16xi32>
      %max3A_221 = arith.maxsi %sub3A_219, %max3A_220 : vector<16xi32>
      %min3A = arith.minsi %convert_element_type3A_216, %max3A_221 : vector<16xi32>
      %mul3A_222 = arith.constant 16 : i32
      %mul3A_223 = arith.muli %scan3A_202, %mul3A_222 : i32
      %broadcast_in_dim3A = vector.broadcast %mul3A_223 : i32 to vector<16xi32>
      %add3A_224 = arith.addi %broadcast_in_dim3A, %iota3A : vector<16xi32>
      %gt3A = arith.constant 0 : i32
      %gt3A_225 = vector.broadcast %gt3A : i32 to vector<16xi32>
      %gt3A_226 = arith.cmpi sgt, %sub3A, %gt3A_225 : vector<16xi32>
      %lt3A = arith.constant 3125 : i32
      %lt3A_227 = vector.broadcast %lt3A : i32 to vector<16xi32>
      %lt3A_228 = arith.cmpi slt, %add3A_224, %lt3A_227 : vector<16xi32>
      %and3A = arith.andi %gt3A_226, %lt3A_228 : vector<16xi1>
      %add3A_229 = arith.addi %gather3A, %min3A : vector<16xi32>
      %jit3A = arith.constant 3200000 : i32
      %broadcast_in_dim3A_230 = vector.broadcast %jit3A : i32 to vector<16xi32>
      %select_n3A = arith.select %and3A, %add3A_229, %broadcast_in_dim3A_230 : vector<16xi1>, vector<16xi32>
      %mul3A_231 = arith.constant 16 : i32
      %mul3A_232 = arith.muli %scan3A_202, %mul3A_231 : i32
      %swap3A = arith.index_cast %mul3A_232 : i32 to index
      %swap3A_233 = tpu.vector_load %arg11[%swap3A] {strides = array<i32>} : memref<3200xi32, #tpu.memory_space<vmem>>, vector<16xi32>,
      tpu.vector_store %arg11[%swap3A], %select_n3A {strides = array<i32>} : memref<3200xi32, #tpu.memory_space<vmem>>, vector<16xi32>,
      %scan3A_234 = arith.constant 0 : i32
      scf.yield %scan3A_234 : i32
    }
    %scan3A_62 = arith.constant 200 : i32
    %scan3A_63 = arith.constant 0 : i32
    %scan3A_64 = arith.constant 0 : i32
    %scan3A_65 = arith.constant 25 : i32
    %scan3A_66 = arith.addi %scan3A_64, %scan3A_65 : i32
    %scan3A_67 = arith.constant 1 : i32
    %scan3A_68 = scf.for %scan3A_202 = %scan3A_64 to %scan3A_66 step %scan3A_67 iter_args(%scan3A_203 = %scan3A_63) -> (i32)  : i32 {
      %mul3A_204 = arith.constant 128 : i32
      %mul3A_205 = arith.muli %scan3A_202, %mul3A_204 : i32
      %mul3A_206 = arith.constant 128 : i32
      %mul3A_207 = arith.muli %scan3A_202, %mul3A_206 : i32
      %dma_start3A = tpu.memref_slice %arg12[%mul3A_207] : memref<3200xi32, #tpu.memory_space<vmem>> -> memref<128xi32, #tpu.memory_space<vmem>>
      %dma_start3A_208 = tpu.memref_slice %arg11[%mul3A_205] : memref<3200xi32, #tpu.memory_space<vmem>> -> memref<128xi32, #tpu.memory_space<vmem>>
      %dma_start3A_209 = arith.constant 0 : i32
      %dma_start3A_210 = tpu.memref_slice %arg5[%dma_start3A_209] : memref<3200008xi32, #tpu.memory_space<hbm>> -> memref<3200008xi32, #tpu.memory_space<hbm>>
      tpu.enqueue_indirect_dma source(%dma_start3A_210 : memref<3200008xi32, #tpu.memory_space<hbm>>) target(%dma_start3A : memref<128xi32, #tpu.memory_space<vmem>>) offsets(%dma_start3A_208 : memref<128xi32, #tpu.memory_space<vmem>>) semaphore(%arg16 : memref<!tpu.dma_semaphore, #tpu.memory_space<semaphore_mem>>)
      %scan3A_211 = arith.constant 0 : i32
      scf.yield %scan3A_211 : i32
    }
    %scan3A_69 = arith.constant 25 : i32
    %scan3A_70 = arith.constant 0 : i32
    %scan3A_71 = arith.constant 0 : i32
    %scan3A_72 = arith.constant 25 : i32
    %scan3A_73 = arith.addi %scan3A_71, %scan3A_72 : i32
    %scan3A_74 = arith.constant 1 : i32
    %scan3A_75 = scf.for %scan3A_202 = %scan3A_71 to %scan3A_73 step %scan3A_74 iter_args(%scan3A_203 = %scan3A_70) -> (i32)  : i32 {
      %mul3A_204 = arith.constant 128 : i32
      %mul3A_205 = arith.muli %scan3A_202, %mul3A_204 : i32
      %mul3A_206 = arith.constant 128 : i32
      %mul3A_207 = arith.muli %scan3A_202, %mul3A_206 : i32
      %dma_wait3A = tpu.memref_slice %arg12[%mul3A_207] : memref<3200xi32, #tpu.memory_space<vmem>> -> memref<128xi32, #tpu.memory_space<vmem>>
      %dma_wait3A_208 = tpu.memref_slice %arg11[%mul3A_205] : memref<3200xi32, #tpu.memory_space<vmem>> -> memref<128xi32, #tpu.memory_space<vmem>>
      %dma_wait3A_209 = arith.constant 0 : i32
      %dma_wait3A_210 = tpu.memref_slice %arg5[%dma_wait3A_209] : memref<3200008xi32, #tpu.memory_space<hbm>> -> memref<3200008xi32, #tpu.memory_space<hbm>>
      tpu.wait_indirect_dma semaphore(%arg16 : memref<!tpu.dma_semaphore, #tpu.memory_space<semaphore_mem>>) src(%dma_wait3A_210 : memref<3200008xi32, #tpu.memory_space<hbm>>) dst(%dma_wait3A : memref<128xi32, #tpu.memory_space<vmem>>)
      %scan3A_211 = arith.constant 0 : i32
      scf.yield %scan3A_211 : i32
    }
    %scan3A_76 = arith.constant 25 : i32
    %scan3A_77 = arith.constant 0 : i32
    %scan3A_78 = arith.constant 0 : i32
    %scan3A_79 = arith.constant 25 : i32
    %scan3A_80 = arith.addi %scan3A_78, %scan3A_79 : i32
    %scan3A_81 = arith.constant 1 : i32
    %scan3A_82 = scf.for %scan3A_202 = %scan3A_78 to %scan3A_80 step %scan3A_81 iter_args(%scan3A_203 = %scan3A_77) -> (i32)  : i32 {
      %mul3A_204 = arith.constant 128 : i32
      %mul3A_205 = arith.muli %scan3A_202, %mul3A_204 : i32
      %mul3A_206 = arith.constant 128 : i32
      %mul3A_207 = arith.muli %scan3A_202, %mul3A_206 : i32
      %dma_start3A = tpu.memref_slice %arg13[%mul3A_207] : memref<3200xi32, #tpu.memory_space<vmem>> -> memref<128xi32, #tpu.memory_space<vmem>>
      %dma_start3A_208 = tpu.memref_slice %arg12[%mul3A_205] : memref<3200xi32, #tpu.memory_space<vmem>> -> memref<128xi32, #tpu.memory_space<vmem>>
      %dma_start3A_209 = arith.constant 0 : i32
      %dma_start3A_210 = tpu.memref_slice %arg6[%dma_start3A_209] : memref<3200000xi32, #tpu.memory_space<hbm>> -> memref<3200000xi32, #tpu.memory_space<hbm>>
      tpu.enqueue_indirect_dma source(%dma_start3A_210 : memref<3200000xi32, #tpu.memory_space<hbm>>) target(%dma_start3A : memref<128xi32, #tpu.memory_space<vmem>>) offsets(%dma_start3A_208 : memref<128xi32, #tpu.memory_space<vmem>>) semaphore(%arg16 : memref<!tpu.dma_semaphore, #tpu.memory_space<semaphore_mem>>)
      %scan3A_211 = arith.constant 0 : i32
      scf.yield %scan3A_211 : i32
    }
    %scan3A_83 = arith.constant 25 : i32
    %scan3A_84 = arith.constant 0 : i32
    %scan3A_85 = arith.constant 0 : i32
    %scan3A_86 = arith.constant 25 : i32
    %scan3A_87 = arith.addi %scan3A_85, %scan3A_86 : i32
    %scan3A_88 = arith.constant 1 : i32
    %scan3A_89 = scf.for %scan3A_202 = %scan3A_85 to %scan3A_87 step %scan3A_88 iter_args(%scan3A_203 = %scan3A_84) -> (i32)  : i32 {
      %mul3A_204 = arith.constant 128 : i32
      %mul3A_205 = arith.muli %scan3A_202, %mul3A_204 : i32
      %mul3A_206 = arith.constant 128 : i32
      %mul3A_207 = arith.muli %scan3A_202, %mul3A_206 : i32
      %dma_wait3A = tpu.memref_slice %arg13[%mul3A_207] : memref<3200xi32, #tpu.memory_space<vmem>> -> memref<128xi32, #tpu.memory_space<vmem>>
      %dma_wait3A_208 = tpu.memref_slice %arg12[%mul3A_205] : memref<3200xi32, #tpu.memory_space<vmem>> -> memref<128xi32, #tpu.memory_space<vmem>>
      %dma_wait3A_209 = arith.constant 0 : i32
      %dma_wait3A_210 = tpu.memref_slice %arg6[%dma_wait3A_209] : memref<3200000xi32, #tpu.memory_space<hbm>> -> memref<3200000xi32, #tpu.memory_space<hbm>>
      tpu.wait_indirect_dma semaphore(%arg16 : memref<!tpu.dma_semaphore, #tpu.memory_space<semaphore_mem>>) src(%dma_wait3A_210 : memref<3200000xi32, #tpu.memory_space<hbm>>) dst(%dma_wait3A : memref<128xi32, #tpu.memory_space<vmem>>)
      %scan3A_211 = arith.constant 0 : i32
      scf.yield %scan3A_211 : i32
    }
    %scan3A_90 = arith.constant 25 : i32
    %scan3A_91 = arith.constant 0 : i32
    %scan3A_92 = arith.constant 0 : i32
    %scan3A_93 = arith.constant 200 : i32
    %scan3A_94 = arith.addi %scan3A_92, %scan3A_93 : i32
    %scan3A_95 = arith.constant 1 : i32
    %scan3A_96 = scf.for %scan3A_202 = %scan3A_92 to %scan3A_94 step %scan3A_95 iter_args(%scan3A_203 = %scan3A_91) -> (i32)  : i32 {
      %mul3A_204 = arith.constant 16 : i32
      %mul3A_205 = arith.muli %scan3A_202, %mul3A_204 : i32
      %get3A = arith.index_cast %mul3A_205 : i32 to index
      %get3A_206 = tpu.vector_load %arg11[%get3A] {strides = array<i32>} : memref<3200xi32, #tpu.memory_space<vmem>>, vector<16xi32>,
      %lt3A = arith.constant 3200000 : i32
      %lt3A_207 = vector.broadcast %lt3A : i32 to vector<16xi32>
      %lt3A_208 = arith.cmpi slt, %get3A_206, %lt3A_207 : vector<16xi32>
      %get3A_209 = arith.index_cast %mul3A_205 : i32 to index
      %get3A_210 = tpu.vector_load %arg13[%get3A_209] {strides = array<i32>} : memref<3200xi32, #tpu.memory_space<vmem>>, vector<16xi32>,
      %get3A_211 = arith.index_cast %mul3A_205 : i32 to index
      %get3A_212 = tpu.vector_load %arg9[%get3A_211] {strides = array<i32>} : memref<3200xi32, #tpu.memory_space<vmem>>, vector<16xi32>,
      %select_n3A = arith.select %lt3A_208, %get3A_210, %get3A_212 : vector<16xi1>, vector<16xi32>
      %swap3A = arith.index_cast %mul3A_205 : i32 to index
      %swap3A_213 = tpu.vector_load %arg9[%swap3A] {strides = array<i32>} : memref<3200xi32, #tpu.memory_space<vmem>>, vector<16xi32>,
      tpu.vector_store %arg9[%swap3A], %select_n3A {strides = array<i32>} : memref<3200xi32, #tpu.memory_space<vmem>>, vector<16xi32>,
      %get3A_214 = arith.index_cast %mul3A_205 : i32 to index
      %get3A_215 = tpu.vector_load %arg12[%get3A_214] {strides = array<i32>} : memref<3200xi32, #tpu.memory_space<vmem>>, vector<16xi32>,
      %jit3A = arith.constant 3200000 : i32
      %broadcast_in_dim3A = vector.broadcast %jit3A : i32 to vector<16xi32>
      %select_n3A_216 = arith.select %lt3A_208, %get3A_215, %broadcast_in_dim3A : vector<16xi1>, vector<16xi32>
      %swap3A_217 = arith.index_cast %mul3A_205 : i32 to index
      %swap3A_218 = tpu.vector_load %arg14[%swap3A_217] {strides = array<i32>} : memref<3200xi32, #tpu.memory_space<vmem>>, vector<16xi32>,
      tpu.vector_store %arg14[%swap3A_217], %select_n3A_216 {strides = array<i32>} : memref<3200xi32, #tpu.memory_space<vmem>>, vector<16xi32>,
      %scan3A_219 = arith.constant 0 : i32
      scf.yield %scan3A_219 : i32
    }
    %scan3A_97 = arith.constant 200 : i32
    %add3A_98 = arith.constant 32 : i32
    %add3A_99 = arith.addi %add3A_98, %add3A : i32
    %mul3A_100 = arith.constant 3200 : i32
    %mul3A_101 = arith.muli %add3A_99, %mul3A_100 : i32
    "tpu.region"() ({
      %run_scoped3A = tpu.sem_alloc : memref<!tpu.dma_semaphore, #tpu.memory_space<semaphore_mem>>
      %dma_start3A = tpu.memref_slice %arg7[%mul3A_101] : memref<409600xi32, #tpu.memory_space<hbm>> -> memref<3200xi32, #tpu.memory_space<hbm>>
      %dma_start3A_202 = tpu.memref_slice %arg7[%mul3A_101] : memref<409600xi32, #tpu.memory_space<hbm>> -> memref<3200xi32, #tpu.memory_space<hbm>>
      tpu.enqueue_dma source(%arg14 : memref<3200xi32, #tpu.memory_space<vmem>>) target(%dma_start3A_202 : memref<3200xi32, #tpu.memory_space<hbm>>) target_semaphore(%run_scoped3A : memref<!tpu.dma_semaphore, #tpu.memory_space<semaphore_mem>>)
      %dma_wait3A = tpu.memref_slice %arg7[%mul3A_101] : memref<409600xi32, #tpu.memory_space<hbm>> -> memref<3200xi32, #tpu.memory_space<hbm>>
      %dma_wait3A_203 = tpu.memref_slice %arg7[%mul3A_101] : memref<409600xi32, #tpu.memory_space<hbm>> -> memref<3200xi32, #tpu.memory_space<hbm>>
      tpu.wait_dma2 semaphore(%run_scoped3A : memref<!tpu.dma_semaphore, #tpu.memory_space<semaphore_mem>>) src(%arg14 : memref<3200xi32, #tpu.memory_space<vmem>>) dst(%dma_wait3A_203 : memref<3200xi32, #tpu.memory_space<hbm>>)
      tpu.yield
    }) : () -> ()
    %add3A_102 = arith.constant 64 : i32
    %add3A_103 = arith.addi %add3A_102, %add3A : i32
    %mul3A_104 = arith.constant 3200 : i32
    %mul3A_105 = arith.muli %add3A_103, %mul3A_104 : i32
    "tpu.region"() ({
      %run_scoped3A = tpu.sem_alloc : memref<!tpu.dma_semaphore, #tpu.memory_space<semaphore_mem>>
      %dma_start3A = tpu.memref_slice %arg4[%mul3A_105] : memref<409600xf32, #tpu.memory_space<hbm>> -> memref<3200xf32, #tpu.memory_space<hbm>>
      %dma_start3A_202 = tpu.memref_slice %arg4[%mul3A_105] : memref<409600xf32, #tpu.memory_space<hbm>> -> memref<3200xf32, #tpu.memory_space<hbm>>
      tpu.enqueue_dma source(%dma_start3A_202 : memref<3200xf32, #tpu.memory_space<hbm>>) target(%arg10 : memref<3200xf32, #tpu.memory_space<vmem>>) target_semaphore(%run_scoped3A : memref<!tpu.dma_semaphore, #tpu.memory_space<semaphore_mem>>)
      %dma_wait3A = tpu.memref_slice %arg4[%mul3A_105] : memref<409600xf32, #tpu.memory_space<hbm>> -> memref<3200xf32, #tpu.memory_space<hbm>>
      %dma_wait3A_203 = tpu.memref_slice %arg4[%mul3A_105] : memref<409600xf32, #tpu.memory_space<hbm>> -> memref<3200xf32, #tpu.memory_space<hbm>>
      tpu.wait_dma2 semaphore(%run_scoped3A : memref<!tpu.dma_semaphore, #tpu.memory_space<semaphore_mem>>) src(%dma_wait3A_203 : memref<3200xf32, #tpu.memory_space<hbm>>) dst(%arg10 : memref<3200xf32, #tpu.memory_space<vmem>>)
      tpu.yield
    }) : () -> ()
    %scan3A_106 = arith.constant 0 : i32
    %scan3A_107 = arith.constant 0 : i32
    %scan3A_108 = arith.constant 200 : i32
    %scan3A_109 = arith.addi %scan3A_107, %scan3A_108 : i32
    %scan3A_110 = arith.constant 1 : i32
    %scan3A_111 = scf.for %scan3A_202 = %scan3A_107 to %scan3A_109 step %scan3A_110 iter_args(%scan3A_203 = %scan3A_106) -> (i32)  : i32 {
      %mul3A_204 = arith.constant 16 : i32
      %mul3A_205 = arith.muli %scan3A_202, %mul3A_204 : i32
      %get3A = arith.index_cast %mul3A_205 : i32 to index
      %get3A_206 = tpu.vector_load %arg9[%get3A] {strides = array<i32>} : memref<3200xi32, #tpu.memory_space<vmem>>, vector<16xi32>,
      %gather3A = tpu.vector_load_idx %arg8[%get3A_206] : memref<100008xi32, #tpu.memory_space<vmem>>[vector<16xi32>], vector<16xi32>,
      %add3A_207 = arith.constant 1 : i32
      %add3A_208 = vector.broadcast %add3A_207 : i32 to vector<16xi32>
      %add3A_209 = arith.addi %get3A_206, %add3A_208 : vector<16xi32>
      %gather3A_210 = tpu.vector_load_idx %arg8[%add3A_209] : memref<100008xi32, #tpu.memory_space<vmem>>[vector<16xi32>], vector<16xi32>,
      %sub3A = arith.subi %gather3A_210, %gather3A : vector<16xi32>
      %mul3A_211 = arith.constant 16 : i32
      %mul3A_212 = arith.muli %scan3A_202, %mul3A_211 : i32
      %get3A_213 = arith.index_cast %mul3A_212 : i32 to index
      %get3A_214 = tpu.vector_load %arg10[%get3A_213] {strides = array<i32>} : memref<3200xf32, #tpu.memory_space<vmem>>, vector<16xf32>,
      %convert_element_type3A = arith.sitofp %sub3A : vector<16xi32> to vector<16xf32>
      %mul3A_215 = arith.mulf %get3A_214, %convert_element_type3A : vector<16xf32>
      %convert_element_type3A_216 = arith.fptosi %mul3A_215 : vector<16xf32> to vector<16xi32>
      %sub3A_217 = arith.constant 1 : i32
      %sub3A_218 = vector.broadcast %sub3A_217 : i32 to vector<16xi32>
      %sub3A_219 = arith.subi %sub3A, %sub3A_218 : vector<16xi32>
      %max3A = arith.constant 0 : i32
      %max3A_220 = vector.broadcast %max3A : i32 to vector<16xi32>
      %max3A_221 = arith.maxsi %sub3A_219, %max3A_220 : vector<16xi32>
      %min3A = arith.minsi %convert_element_type3A_216, %max3A_221 : vector<16xi32>
      %mul3A_222 = arith.constant 16 : i32
      %mul3A_223 = arith.muli %scan3A_202, %mul3A_222 : i32
      %broadcast_in_dim3A = vector.broadcast %mul3A_223 : i32 to vector<16xi32>
      %add3A_224 = arith.addi %broadcast_in_dim3A, %iota3A : vector<16xi32>
      %gt3A = arith.constant 0 : i32
      %gt3A_225 = vector.broadcast %gt3A : i32 to vector<16xi32>
      %gt3A_226 = arith.cmpi sgt, %sub3A, %gt3A_225 : vector<16xi32>
      %lt3A = arith.constant 3125 : i32
      %lt3A_227 = vector.broadcast %lt3A : i32 to vector<16xi32>
      %lt3A_228 = arith.cmpi slt, %add3A_224, %lt3A_227 : vector<16xi32>
      %and3A = arith.andi %gt3A_226, %lt3A_228 : vector<16xi1>
      %add3A_229 = arith.addi %gather3A, %min3A : vector<16xi32>
      %jit3A = arith.constant 3200000 : i32
      %broadcast_in_dim3A_230 = vector.broadcast %jit3A : i32 to vector<16xi32>
      %select_n3A = arith.select %and3A, %add3A_229, %broadcast_in_dim3A_230 : vector<16xi1>, vector<16xi32>
      %mul3A_231 = arith.constant 16 : i32
      %mul3A_232 = arith.muli %scan3A_202, %mul3A_231 : i32
      %swap3A = arith.index_cast %mul3A_232 : i32 to index
      %swap3A_233 = tpu.vector_load %arg11[%swap3A] {strides = array<i32>} : memref<3200xi32, #tpu.memory_space<vmem>>, vector<16xi32>,
      tpu.vector_store %arg11[%swap3A], %select_n3A {strides = array<i32>} : memref<3200xi32, #tpu.memory_space<vmem>>, vector<16xi32>,
      %scan3A_234 = arith.constant 0 : i32
      scf.yield %scan3A_234 : i32
    }
    %scan3A_112 = arith.constant 200 : i32
    %scan3A_113 = arith.constant 0 : i32
    %scan3A_114 = arith.constant 0 : i32
    %scan3A_115 = arith.constant 25 : i32
    %scan3A_116 = arith.addi %scan3A_114, %scan3A_115 : i32
    %scan3A_117 = arith.constant 1 : i32
    %scan3A_118 = scf.for %scan3A_202 = %scan3A_114 to %scan3A_116 step %scan3A_117 iter_args(%scan3A_203 = %scan3A_113) -> (i32)  : i32 {
      %mul3A_204 = arith.constant 128 : i32
      %mul3A_205 = arith.muli %scan3A_202, %mul3A_204 : i32
      %mul3A_206 = arith.constant 128 : i32
      %mul3A_207 = arith.muli %scan3A_202, %mul3A_206 : i32
      %dma_start3A = tpu.memref_slice %arg12[%mul3A_207] : memref<3200xi32, #tpu.memory_space<vmem>> -> memref<128xi32, #tpu.memory_space<vmem>>
      %dma_start3A_208 = tpu.memref_slice %arg11[%mul3A_205] : memref<3200xi32, #tpu.memory_space<vmem>> -> memref<128xi32, #tpu.memory_space<vmem>>
      %dma_start3A_209 = arith.constant 0 : i32
      %dma_start3A_210 = tpu.memref_slice %arg5[%dma_start3A_209] : memref<3200008xi32, #tpu.memory_space<hbm>> -> memref<3200008xi32, #tpu.memory_space<hbm>>
      tpu.enqueue_indirect_dma source(%dma_start3A_210 : memref<3200008xi32, #tpu.memory_space<hbm>>) target(%dma_start3A : memref<128xi32, #tpu.memory_space<vmem>>) offsets(%dma_start3A_208 : memref<128xi32, #tpu.memory_space<vmem>>) semaphore(%arg16 : memref<!tpu.dma_semaphore, #tpu.memory_space<semaphore_mem>>)
      %scan3A_211 = arith.constant 0 : i32
      scf.yield %scan3A_211 : i32
    }
    %scan3A_119 = arith.constant 25 : i32
    %scan3A_120 = arith.constant 0 : i32
    %scan3A_121 = arith.constant 0 : i32
    %scan3A_122 = arith.constant 25 : i32
    %scan3A_123 = arith.addi %scan3A_121, %scan3A_122 : i32
    %scan3A_124 = arith.constant 1 : i32
    %scan3A_125 = scf.for %scan3A_202 = %scan3A_121 to %scan3A_123 step %scan3A_124 iter_args(%scan3A_203 = %scan3A_120) -> (i32)  : i32 {
      %mul3A_204 = arith.constant 128 : i32
      %mul3A_205 = arith.muli %scan3A_202, %mul3A_204 : i32
      %mul3A_206 = arith.constant 128 : i32
      %mul3A_207 = arith.muli %scan3A_202, %mul3A_206 : i32
      %dma_wait3A = tpu.memref_slice %arg12[%mul3A_207] : memref<3200xi32, #tpu.memory_space<vmem>> -> memref<128xi32, #tpu.memory_space<vmem>>
      %dma_wait3A_208 = tpu.memref_slice %arg11[%mul3A_205] : memref<3200xi32, #tpu.memory_space<vmem>> -> memref<128xi32, #tpu.memory_space<vmem>>
      %dma_wait3A_209 = arith.constant 0 : i32
      %dma_wait3A_210 = tpu.memref_slice %arg5[%dma_wait3A_209] : memref<3200008xi32, #tpu.memory_space<hbm>> -> memref<3200008xi32, #tpu.memory_space<hbm>>
      tpu.wait_indirect_dma semaphore(%arg16 : memref<!tpu.dma_semaphore, #tpu.memory_space<semaphore_mem>>) src(%dma_wait3A_210 : memref<3200008xi32, #tpu.memory_space<hbm>>) dst(%dma_wait3A : memref<128xi32, #tpu.memory_space<vmem>>)
      %scan3A_211 = arith.constant 0 : i32
      scf.yield %scan3A_211 : i32
    }
    %scan3A_126 = arith.constant 25 : i32
    %scan3A_127 = arith.constant 0 : i32
    %scan3A_128 = arith.constant 0 : i32
    %scan3A_129 = arith.constant 25 : i32
    %scan3A_130 = arith.addi %scan3A_128, %scan3A_129 : i32
    %scan3A_131 = arith.constant 1 : i32
    %scan3A_132 = scf.for %scan3A_202 = %scan3A_128 to %scan3A_130 step %scan3A_131 iter_args(%scan3A_203 = %scan3A_127) -> (i32)  : i32 {
      %mul3A_204 = arith.constant 128 : i32
      %mul3A_205 = arith.muli %scan3A_202, %mul3A_204 : i32
      %mul3A_206 = arith.constant 128 : i32
      %mul3A_207 = arith.muli %scan3A_202, %mul3A_206 : i32
      %dma_start3A = tpu.memref_slice %arg13[%mul3A_207] : memref<3200xi32, #tpu.memory_space<vmem>> -> memref<128xi32, #tpu.memory_space<vmem>>
      %dma_start3A_208 = tpu.memref_slice %arg12[%mul3A_205] : memref<3200xi32, #tpu.memory_space<vmem>> -> memref<128xi32, #tpu.memory_space<vmem>>
      %dma_start3A_209 = arith.constant 0 : i32
      %dma_start3A_210 = tpu.memref_slice %arg6[%dma_start3A_209] : memref<3200000xi32, #tpu.memory_space<hbm>> -> memref<3200000xi32, #tpu.memory_space<hbm>>
      tpu.enqueue_indirect_dma source(%dma_start3A_210 : memref<3200000xi32, #tpu.memory_space<hbm>>) target(%dma_start3A : memref<128xi32, #tpu.memory_space<vmem>>) offsets(%dma_start3A_208 : memref<128xi32, #tpu.memory_space<vmem>>) semaphore(%arg16 : memref<!tpu.dma_semaphore, #tpu.memory_space<semaphore_mem>>)
      %scan3A_211 = arith.constant 0 : i32
      scf.yield %scan3A_211 : i32
    }
    %scan3A_133 = arith.constant 25 : i32
    %scan3A_134 = arith.constant 0 : i32
    %scan3A_135 = arith.constant 0 : i32
    %scan3A_136 = arith.constant 25 : i32
    %scan3A_137 = arith.addi %scan3A_135, %scan3A_136 : i32
    %scan3A_138 = arith.constant 1 : i32
    %scan3A_139 = scf.for %scan3A_202 = %scan3A_135 to %scan3A_137 step %scan3A_138 iter_args(%scan3A_203 = %scan3A_134) -> (i32)  : i32 {
      %mul3A_204 = arith.constant 128 : i32
      %mul3A_205 = arith.muli %scan3A_202, %mul3A_204 : i32
      %mul3A_206 = arith.constant 128 : i32
      %mul3A_207 = arith.muli %scan3A_202, %mul3A_206 : i32
      %dma_wait3A = tpu.memref_slice %arg13[%mul3A_207] : memref<3200xi32, #tpu.memory_space<vmem>> -> memref<128xi32, #tpu.memory_space<vmem>>
      %dma_wait3A_208 = tpu.memref_slice %arg12[%mul3A_205] : memref<3200xi32, #tpu.memory_space<vmem>> -> memref<128xi32, #tpu.memory_space<vmem>>
      %dma_wait3A_209 = arith.constant 0 : i32
      %dma_wait3A_210 = tpu.memref_slice %arg6[%dma_wait3A_209] : memref<3200000xi32, #tpu.memory_space<hbm>> -> memref<3200000xi32, #tpu.memory_space<hbm>>
      tpu.wait_indirect_dma semaphore(%arg16 : memref<!tpu.dma_semaphore, #tpu.memory_space<semaphore_mem>>) src(%dma_wait3A_210 : memref<3200000xi32, #tpu.memory_space<hbm>>) dst(%dma_wait3A : memref<128xi32, #tpu.memory_space<vmem>>)
      %scan3A_211 = arith.constant 0 : i32
      scf.yield %scan3A_211 : i32
    }
    %scan3A_140 = arith.constant 25 : i32
    %scan3A_141 = arith.constant 0 : i32
    %scan3A_142 = arith.constant 0 : i32
    %scan3A_143 = arith.constant 200 : i32
    %scan3A_144 = arith.addi %scan3A_142, %scan3A_143 : i32
    %scan3A_145 = arith.constant 1 : i32
    %scan3A_146 = scf.for %scan3A_202 = %scan3A_142 to %scan3A_144 step %scan3A_145 iter_args(%scan3A_203 = %scan3A_141) -> (i32)  : i32 {
      %mul3A_204 = arith.constant 16 : i32
      %mul3A_205 = arith.muli %scan3A_202, %mul3A_204 : i32
      %get3A = arith.index_cast %mul3A_205 : i32 to index
      %get3A_206 = tpu.vector_load %arg11[%get3A] {strides = array<i32>} : memref<3200xi32, #tpu.memory_space<vmem>>, vector<16xi32>,
      %lt3A = arith.constant 3200000 : i32
      %lt3A_207 = vector.broadcast %lt3A : i32 to vector<16xi32>
      %lt3A_208 = arith.cmpi slt, %get3A_206, %lt3A_207 : vector<16xi32>
      %get3A_209 = arith.index_cast %mul3A_205 : i32 to index
      %get3A_210 = tpu.vector_load %arg13[%get3A_209] {strides = array<i32>} : memref<3200xi32, #tpu.memory_space<vmem>>, vector<16xi32>,
      %get3A_211 = arith.index_cast %mul3A_205 : i32 to index
      %get3A_212 = tpu.vector_load %arg9[%get3A_211] {strides = array<i32>} : memref<3200xi32, #tpu.memory_space<vmem>>, vector<16xi32>,
      %select_n3A = arith.select %lt3A_208, %get3A_210, %get3A_212 : vector<16xi1>, vector<16xi32>
      %swap3A = arith.index_cast %mul3A_205 : i32 to index
      %swap3A_213 = tpu.vector_load %arg9[%swap3A] {strides = array<i32>} : memref<3200xi32, #tpu.memory_space<vmem>>, vector<16xi32>,
      tpu.vector_store %arg9[%swap3A], %select_n3A {strides = array<i32>} : memref<3200xi32, #tpu.memory_space<vmem>>, vector<16xi32>,
      %get3A_214 = arith.index_cast %mul3A_205 : i32 to index
      %get3A_215 = tpu.vector_load %arg12[%get3A_214] {strides = array<i32>} : memref<3200xi32, #tpu.memory_space<vmem>>, vector<16xi32>,
      %jit3A = arith.constant 3200000 : i32
      %broadcast_in_dim3A = vector.broadcast %jit3A : i32 to vector<16xi32>
      %select_n3A_216 = arith.select %lt3A_208, %get3A_215, %broadcast_in_dim3A : vector<16xi1>, vector<16xi32>
      %swap3A_217 = arith.index_cast %mul3A_205 : i32 to index
      %swap3A_218 = tpu.vector_load %arg14[%swap3A_217] {strides = array<i32>} : memref<3200xi32, #tpu.memory_space<vmem>>, vector<16xi32>,
      tpu.vector_store %arg14[%swap3A_217], %select_n3A_216 {strides = array<i32>} : memref<3200xi32, #tpu.memory_space<vmem>>, vector<16xi32>,
      %scan3A_219 = arith.constant 0 : i32
      scf.yield %scan3A_219 : i32
    }
    %scan3A_147 = arith.constant 200 : i32
    %add3A_148 = arith.constant 64 : i32
    %add3A_149 = arith.addi %add3A_148, %add3A : i32
    %mul3A_150 = arith.constant 3200 : i32
    %mul3A_151 = arith.muli %add3A_149, %mul3A_150 : i32
    "tpu.region"() ({
      %run_scoped3A = tpu.sem_alloc : memref<!tpu.dma_semaphore, #tpu.memory_space<semaphore_mem>>
      %dma_start3A = tpu.memref_slice %arg7[%mul3A_151] : memref<409600xi32, #tpu.memory_space<hbm>> -> memref<3200xi32, #tpu.memory_space<hbm>>
      %dma_start3A_202 = tpu.memref_slice %arg7[%mul3A_151] : memref<409600xi32, #tpu.memory_space<hbm>> -> memref<3200xi32, #tpu.memory_space<hbm>>
      tpu.enqueue_dma source(%arg14 : memref<3200xi32, #tpu.memory_space<vmem>>) target(%dma_start3A_202 : memref<3200xi32, #tpu.memory_space<hbm>>) target_semaphore(%run_scoped3A : memref<!tpu.dma_semaphore, #tpu.memory_space<semaphore_mem>>)
      %dma_wait3A = tpu.memref_slice %arg7[%mul3A_151] : memref<409600xi32, #tpu.memory_space<hbm>> -> memref<3200xi32, #tpu.memory_space<hbm>>
      %dma_wait3A_203 = tpu.memref_slice %arg7[%mul3A_151] : memref<409600xi32, #tpu.memory_space<hbm>> -> memref<3200xi32, #tpu.memory_space<hbm>>
      tpu.wait_dma2 semaphore(%run_scoped3A : memref<!tpu.dma_semaphore, #tpu.memory_space<semaphore_mem>>) src(%arg14 : memref<3200xi32, #tpu.memory_space<vmem>>) dst(%dma_wait3A_203 : memref<3200xi32, #tpu.memory_space<hbm>>)
      tpu.yield
    }) : () -> ()
    %add3A_152 = arith.constant 96 : i32
    %add3A_153 = arith.addi %add3A_152, %add3A : i32
    %mul3A_154 = arith.constant 3200 : i32
    %mul3A_155 = arith.muli %add3A_153, %mul3A_154 : i32
    "tpu.region"() ({
      %run_scoped3A = tpu.sem_alloc : memref<!tpu.dma_semaphore, #tpu.memory_space<semaphore_mem>>
      %dma_start3A = tpu.memref_slice %arg4[%mul3A_155] : memref<409600xf32, #tpu.memory_space<hbm>> -> memref<3200xf32, #tpu.memory_space<hbm>>
      %dma_start3A_202 = tpu.memref_slice %arg4[%mul3A_155] : memref<409600xf32, #tpu.memory_space<hbm>> -> memref<3200xf32, #tpu.memory_space<hbm>>
      tpu.enqueue_dma source(%dma_start3A_202 : memref<3200xf32, #tpu.memory_space<hbm>>) target(%arg10 : memref<3200xf32, #tpu.memory_space<vmem>>) target_semaphore(%run_scoped3A : memref<!tpu.dma_semaphore, #tpu.memory_space<semaphore_mem>>)
      %dma_wait3A = tpu.memref_slice %arg4[%mul3A_155] : memref<409600xf32, #tpu.memory_space<hbm>> -> memref<3200xf32, #tpu.memory_space<hbm>>
      %dma_wait3A_203 = tpu.memref_slice %arg4[%mul3A_155] : memref<409600xf32, #tpu.memory_space<hbm>> -> memref<3200xf32, #tpu.memory_space<hbm>>
      tpu.wait_dma2 semaphore(%run_scoped3A : memref<!tpu.dma_semaphore, #tpu.memory_space<semaphore_mem>>) src(%dma_wait3A_203 : memref<3200xf32, #tpu.memory_space<hbm>>) dst(%arg10 : memref<3200xf32, #tpu.memory_space<vmem>>)
      tpu.yield
    }) : () -> ()
    %scan3A_156 = arith.constant 0 : i32
    %scan3A_157 = arith.constant 0 : i32
    %scan3A_158 = arith.constant 200 : i32
    %scan3A_159 = arith.addi %scan3A_157, %scan3A_158 : i32
    %scan3A_160 = arith.constant 1 : i32
    %scan3A_161 = scf.for %scan3A_202 = %scan3A_157 to %scan3A_159 step %scan3A_160 iter_args(%scan3A_203 = %scan3A_156) -> (i32)  : i32 {
      %mul3A_204 = arith.constant 16 : i32
      %mul3A_205 = arith.muli %scan3A_202, %mul3A_204 : i32
      %get3A = arith.index_cast %mul3A_205 : i32 to index
      %get3A_206 = tpu.vector_load %arg9[%get3A] {strides = array<i32>} : memref<3200xi32, #tpu.memory_space<vmem>>, vector<16xi32>,
      %gather3A = tpu.vector_load_idx %arg8[%get3A_206] : memref<100008xi32, #tpu.memory_space<vmem>>[vector<16xi32>], vector<16xi32>,
      %add3A_207 = arith.constant 1 : i32
      %add3A_208 = vector.broadcast %add3A_207 : i32 to vector<16xi32>
      %add3A_209 = arith.addi %get3A_206, %add3A_208 : vector<16xi32>
      %gather3A_210 = tpu.vector_load_idx %arg8[%add3A_209] : memref<100008xi32, #tpu.memory_space<vmem>>[vector<16xi32>], vector<16xi32>,
      %sub3A = arith.subi %gather3A_210, %gather3A : vector<16xi32>
      %mul3A_211 = arith.constant 16 : i32
      %mul3A_212 = arith.muli %scan3A_202, %mul3A_211 : i32
      %get3A_213 = arith.index_cast %mul3A_212 : i32 to index
      %get3A_214 = tpu.vector_load %arg10[%get3A_213] {strides = array<i32>} : memref<3200xf32, #tpu.memory_space<vmem>>, vector<16xf32>,
      %convert_element_type3A = arith.sitofp %sub3A : vector<16xi32> to vector<16xf32>
      %mul3A_215 = arith.mulf %get3A_214, %convert_element_type3A : vector<16xf32>
      %convert_element_type3A_216 = arith.fptosi %mul3A_215 : vector<16xf32> to vector<16xi32>
      %sub3A_217 = arith.constant 1 : i32
      %sub3A_218 = vector.broadcast %sub3A_217 : i32 to vector<16xi32>
      %sub3A_219 = arith.subi %sub3A, %sub3A_218 : vector<16xi32>
      %max3A = arith.constant 0 : i32
      %max3A_220 = vector.broadcast %max3A : i32 to vector<16xi32>
      %max3A_221 = arith.maxsi %sub3A_219, %max3A_220 : vector<16xi32>
      %min3A = arith.minsi %convert_element_type3A_216, %max3A_221 : vector<16xi32>
      %mul3A_222 = arith.constant 16 : i32
      %mul3A_223 = arith.muli %scan3A_202, %mul3A_222 : i32
      %broadcast_in_dim3A = vector.broadcast %mul3A_223 : i32 to vector<16xi32>
      %add3A_224 = arith.addi %broadcast_in_dim3A, %iota3A : vector<16xi32>
      %gt3A = arith.constant 0 : i32
      %gt3A_225 = vector.broadcast %gt3A : i32 to vector<16xi32>
      %gt3A_226 = arith.cmpi sgt, %sub3A, %gt3A_225 : vector<16xi32>
      %lt3A = arith.constant 3125 : i32
      %lt3A_227 = vector.broadcast %lt3A : i32 to vector<16xi32>
      %lt3A_228 = arith.cmpi slt, %add3A_224, %lt3A_227 : vector<16xi32>
      %and3A = arith.andi %gt3A_226, %lt3A_228 : vector<16xi1>
      %add3A_229 = arith.addi %gather3A, %min3A : vector<16xi32>
      %jit3A = arith.constant 3200000 : i32
      %broadcast_in_dim3A_230 = vector.broadcast %jit3A : i32 to vector<16xi32>
      %select_n3A = arith.select %and3A, %add3A_229, %broadcast_in_dim3A_230 : vector<16xi1>, vector<16xi32>
      %mul3A_231 = arith.constant 16 : i32
      %mul3A_232 = arith.muli %scan3A_202, %mul3A_231 : i32
      %swap3A = arith.index_cast %mul3A_232 : i32 to index
      %swap3A_233 = tpu.vector_load %arg11[%swap3A] {strides = array<i32>} : memref<3200xi32, #tpu.memory_space<vmem>>, vector<16xi32>,
      tpu.vector_store %arg11[%swap3A], %select_n3A {strides = array<i32>} : memref<3200xi32, #tpu.memory_space<vmem>>, vector<16xi32>,
      %scan3A_234 = arith.constant 0 : i32
      scf.yield %scan3A_234 : i32
    }
    %scan3A_162 = arith.constant 200 : i32
    %scan3A_163 = arith.constant 0 : i32
    %scan3A_164 = arith.constant 0 : i32
    %scan3A_165 = arith.constant 25 : i32
    %scan3A_166 = arith.addi %scan3A_164, %scan3A_165 : i32
    %scan3A_167 = arith.constant 1 : i32
    %scan3A_168 = scf.for %scan3A_202 = %scan3A_164 to %scan3A_166 step %scan3A_167 iter_args(%scan3A_203 = %scan3A_163) -> (i32)  : i32 {
      %mul3A_204 = arith.constant 128 : i32
      %mul3A_205 = arith.muli %scan3A_202, %mul3A_204 : i32
      %mul3A_206 = arith.constant 128 : i32
      %mul3A_207 = arith.muli %scan3A_202, %mul3A_206 : i32
      %dma_start3A = tpu.memref_slice %arg12[%mul3A_207] : memref<3200xi32, #tpu.memory_space<vmem>> -> memref<128xi32, #tpu.memory_space<vmem>>
      %dma_start3A_208 = tpu.memref_slice %arg11[%mul3A_205] : memref<3200xi32, #tpu.memory_space<vmem>> -> memref<128xi32, #tpu.memory_space<vmem>>
      %dma_start3A_209 = arith.constant 0 : i32
      %dma_start3A_210 = tpu.memref_slice %arg5[%dma_start3A_209] : memref<3200008xi32, #tpu.memory_space<hbm>> -> memref<3200008xi32, #tpu.memory_space<hbm>>
      tpu.enqueue_indirect_dma source(%dma_start3A_210 : memref<3200008xi32, #tpu.memory_space<hbm>>) target(%dma_start3A : memref<128xi32, #tpu.memory_space<vmem>>) offsets(%dma_start3A_208 : memref<128xi32, #tpu.memory_space<vmem>>) semaphore(%arg16 : memref<!tpu.dma_semaphore, #tpu.memory_space<semaphore_mem>>)
      %scan3A_211 = arith.constant 0 : i32
      scf.yield %scan3A_211 : i32
    }
    %scan3A_169 = arith.constant 25 : i32
    %scan3A_170 = arith.constant 0 : i32
    %scan3A_171 = arith.constant 0 : i32
    %scan3A_172 = arith.constant 25 : i32
    %scan3A_173 = arith.addi %scan3A_171, %scan3A_172 : i32
    %scan3A_174 = arith.constant 1 : i32
    %scan3A_175 = scf.for %scan3A_202 = %scan3A_171 to %scan3A_173 step %scan3A_174 iter_args(%scan3A_203 = %scan3A_170) -> (i32)  : i32 {
      %mul3A_204 = arith.constant 128 : i32
      %mul3A_205 = arith.muli %scan3A_202, %mul3A_204 : i32
      %mul3A_206 = arith.constant 128 : i32
      %mul3A_207 = arith.muli %scan3A_202, %mul3A_206 : i32
      %dma_wait3A = tpu.memref_slice %arg12[%mul3A_207] : memref<3200xi32, #tpu.memory_space<vmem>> -> memref<128xi32, #tpu.memory_space<vmem>>
      %dma_wait3A_208 = tpu.memref_slice %arg11[%mul3A_205] : memref<3200xi32, #tpu.memory_space<vmem>> -> memref<128xi32, #tpu.memory_space<vmem>>
      %dma_wait3A_209 = arith.constant 0 : i32
      %dma_wait3A_210 = tpu.memref_slice %arg5[%dma_wait3A_209] : memref<3200008xi32, #tpu.memory_space<hbm>> -> memref<3200008xi32, #tpu.memory_space<hbm>>
      tpu.wait_indirect_dma semaphore(%arg16 : memref<!tpu.dma_semaphore, #tpu.memory_space<semaphore_mem>>) src(%dma_wait3A_210 : memref<3200008xi32, #tpu.memory_space<hbm>>) dst(%dma_wait3A : memref<128xi32, #tpu.memory_space<vmem>>)
      %scan3A_211 = arith.constant 0 : i32
      scf.yield %scan3A_211 : i32
    }
    %scan3A_176 = arith.constant 25 : i32
    %scan3A_177 = arith.constant 0 : i32
    %scan3A_178 = arith.constant 0 : i32
    %scan3A_179 = arith.constant 25 : i32
    %scan3A_180 = arith.addi %scan3A_178, %scan3A_179 : i32
    %scan3A_181 = arith.constant 1 : i32
    %scan3A_182 = scf.for %scan3A_202 = %scan3A_178 to %scan3A_180 step %scan3A_181 iter_args(%scan3A_203 = %scan3A_177) -> (i32)  : i32 {
      %mul3A_204 = arith.constant 128 : i32
      %mul3A_205 = arith.muli %scan3A_202, %mul3A_204 : i32
      %mul3A_206 = arith.constant 128 : i32
      %mul3A_207 = arith.muli %scan3A_202, %mul3A_206 : i32
      %dma_start3A = tpu.memref_slice %arg13[%mul3A_207] : memref<3200xi32, #tpu.memory_space<vmem>> -> memref<128xi32, #tpu.memory_space<vmem>>
      %dma_start3A_208 = tpu.memref_slice %arg12[%mul3A_205] : memref<3200xi32, #tpu.memory_space<vmem>> -> memref<128xi32, #tpu.memory_space<vmem>>
      %dma_start3A_209 = arith.constant 0 : i32
      %dma_start3A_210 = tpu.memref_slice %arg6[%dma_start3A_209] : memref<3200000xi32, #tpu.memory_space<hbm>> -> memref<3200000xi32, #tpu.memory_space<hbm>>
      tpu.enqueue_indirect_dma source(%dma_start3A_210 : memref<3200000xi32, #tpu.memory_space<hbm>>) target(%dma_start3A : memref<128xi32, #tpu.memory_space<vmem>>) offsets(%dma_start3A_208 : memref<128xi32, #tpu.memory_space<vmem>>) semaphore(%arg16 : memref<!tpu.dma_semaphore, #tpu.memory_space<semaphore_mem>>)
      %scan3A_211 = arith.constant 0 : i32
      scf.yield %scan3A_211 : i32
    }
    %scan3A_183 = arith.constant 25 : i32
    %scan3A_184 = arith.constant 0 : i32
    %scan3A_185 = arith.constant 0 : i32
    %scan3A_186 = arith.constant 25 : i32
    %scan3A_187 = arith.addi %scan3A_185, %scan3A_186 : i32
    %scan3A_188 = arith.constant 1 : i32
    %scan3A_189 = scf.for %scan3A_202 = %scan3A_185 to %scan3A_187 step %scan3A_188 iter_args(%scan3A_203 = %scan3A_184) -> (i32)  : i32 {
      %mul3A_204 = arith.constant 128 : i32
      %mul3A_205 = arith.muli %scan3A_202, %mul3A_204 : i32
      %mul3A_206 = arith.constant 128 : i32
      %mul3A_207 = arith.muli %scan3A_202, %mul3A_206 : i32
      %dma_wait3A = tpu.memref_slice %arg13[%mul3A_207] : memref<3200xi32, #tpu.memory_space<vmem>> -> memref<128xi32, #tpu.memory_space<vmem>>
      %dma_wait3A_208 = tpu.memref_slice %arg12[%mul3A_205] : memref<3200xi32, #tpu.memory_space<vmem>> -> memref<128xi32, #tpu.memory_space<vmem>>
      %dma_wait3A_209 = arith.constant 0 : i32
      %dma_wait3A_210 = tpu.memref_slice %arg6[%dma_wait3A_209] : memref<3200000xi32, #tpu.memory_space<hbm>> -> memref<3200000xi32, #tpu.memory_space<hbm>>
      tpu.wait_indirect_dma semaphore(%arg16 : memref<!tpu.dma_semaphore, #tpu.memory_space<semaphore_mem>>) src(%dma_wait3A_210 : memref<3200000xi32, #tpu.memory_space<hbm>>) dst(%dma_wait3A : memref<128xi32, #tpu.memory_space<vmem>>)
      %scan3A_211 = arith.constant 0 : i32
      scf.yield %scan3A_211 : i32
    }
    %scan3A_190 = arith.constant 25 : i32
    %scan3A_191 = arith.constant 0 : i32
    %scan3A_192 = arith.constant 0 : i32
    %scan3A_193 = arith.constant 200 : i32
    %scan3A_194 = arith.addi %scan3A_192, %scan3A_193 : i32
    %scan3A_195 = arith.constant 1 : i32
    %scan3A_196 = scf.for %scan3A_202 = %scan3A_192 to %scan3A_194 step %scan3A_195 iter_args(%scan3A_203 = %scan3A_191) -> (i32)  : i32 {
      %mul3A_204 = arith.constant 16 : i32
      %mul3A_205 = arith.muli %scan3A_202, %mul3A_204 : i32
      %get3A = arith.index_cast %mul3A_205 : i32 to index
      %get3A_206 = tpu.vector_load %arg11[%get3A] {strides = array<i32>} : memref<3200xi32, #tpu.memory_space<vmem>>, vector<16xi32>,
      %lt3A = arith.constant 3200000 : i32
      %lt3A_207 = vector.broadcast %lt3A : i32 to vector<16xi32>
      %lt3A_208 = arith.cmpi slt, %get3A_206, %lt3A_207 : vector<16xi32>
      %get3A_209 = arith.index_cast %mul3A_205 : i32 to index
      %get3A_210 = tpu.vector_load %arg13[%get3A_209] {strides = array<i32>} : memref<3200xi32, #tpu.memory_space<vmem>>, vector<16xi32>,
      %get3A_211 = arith.index_cast %mul3A_205 : i32 to index
      %get3A_212 = tpu.vector_load %arg9[%get3A_211] {strides = array<i32>} : memref<3200xi32, #tpu.memory_space<vmem>>, vector<16xi32>,
      %select_n3A = arith.select %lt3A_208, %get3A_210, %get3A_212 : vector<16xi1>, vector<16xi32>
      %swap3A = arith.index_cast %mul3A_205 : i32 to index
      %swap3A_213 = tpu.vector_load %arg9[%swap3A] {strides = array<i32>} : memref<3200xi32, #tpu.memory_space<vmem>>, vector<16xi32>,
      tpu.vector_store %arg9[%swap3A], %select_n3A {strides = array<i32>} : memref<3200xi32, #tpu.memory_space<vmem>>, vector<16xi32>,
      %get3A_214 = arith.index_cast %mul3A_205 : i32 to index
      %get3A_215 = tpu.vector_load %arg12[%get3A_214] {strides = array<i32>} : memref<3200xi32, #tpu.memory_space<vmem>>, vector<16xi32>,
      %jit3A = arith.constant 3200000 : i32
      %broadcast_in_dim3A = vector.broadcast %jit3A : i32 to vector<16xi32>
      %select_n3A_216 = arith.select %lt3A_208, %get3A_215, %broadcast_in_dim3A : vector<16xi1>, vector<16xi32>
      %swap3A_217 = arith.index_cast %mul3A_205 : i32 to index
      %swap3A_218 = tpu.vector_load %arg14[%swap3A_217] {strides = array<i32>} : memref<3200xi32, #tpu.memory_space<vmem>>, vector<16xi32>,
      tpu.vector_store %arg14[%swap3A_217], %select_n3A_216 {strides = array<i32>} : memref<3200xi32, #tpu.memory_space<vmem>>, vector<16xi32>,
      %scan3A_219 = arith.constant 0 : i32
      scf.yield %scan3A_219 : i32
    }
    %scan3A_197 = arith.constant 200 : i32
    %add3A_198 = arith.constant 96 : i32
    %add3A_199 = arith.addi %add3A_198, %add3A : i32
    %mul3A_200 = arith.constant 3200 : i32
    %mul3A_201 = arith.muli %add3A_199, %mul3A_200 : i32
    "tpu.region"() ({
      %run_scoped3A = tpu.sem_alloc : memref<!tpu.dma_semaphore, #tpu.memory_space<semaphore_mem>>
      %dma_start3A = tpu.memref_slice %arg7[%mul3A_201] : memref<409600xi32, #tpu.memory_space<hbm>> -> memref<3200xi32, #tpu.memory_space<hbm>>
      %dma_start3A_202 = tpu.memref_slice %arg7[%mul3A_201] : memref<409600xi32, #tpu.memory_space<hbm>> -> memref<3200xi32, #tpu.memory_space<hbm>>
      tpu.enqueue_dma source(%arg14 : memref<3200xi32, #tpu.memory_space<vmem>>) target(%dma_start3A_202 : memref<3200xi32, #tpu.memory_space<hbm>>) target_semaphore(%run_scoped3A : memref<!tpu.dma_semaphore, #tpu.memory_space<semaphore_mem>>)
      %dma_wait3A = tpu.memref_slice %arg7[%mul3A_201] : memref<409600xi32, #tpu.memory_space<hbm>> -> memref<3200xi32, #tpu.memory_space<hbm>>
      %dma_wait3A_203 = tpu.memref_slice %arg7[%mul3A_201] : memref<409600xi32, #tpu.memory_space<hbm>> -> memref<3200xi32, #tpu.memory_space<hbm>>
      tpu.wait_dma2 semaphore(%run_scoped3A : memref<!tpu.dma_semaphore, #tpu.memory_space<semaphore_mem>>) src(%arg14 : memref<3200xi32, #tpu.memory_space<vmem>>) dst(%dma_wait3A_203 : memref<3200xi32, #tpu.memory_space<hbm>>)
      tpu.yield
    }) : () -> ()
    return
  }
}

</mosaic_0001>

<sc_bundles>
// kernel: kernel.10.cloned.1.call-start
scs
__scs_entry_jumppad:
0x0: {  	(pc) =	sbr.rel $0x88, $3  }
0x1: {  	(tag) =	ssettag $0x0;
	lr =	simm.s32 $0x1  }
0x2: {  	[smem:$0x3F9F] =	sst lr;
	_ =	strace $0xD0000000  }
0x3: {  	_ = 	snop  }
0x4: {  	_ = 	snop  }
0x5: {  	_ = 	snop  }
0x6: {  	_ = 	snop  }
0x7: {  	_ = 	snop  }
__scs_overlays_trampoline_lowered:
0x8: {  	[smem:$0x3FAE] =	sst s0  }
0x9: {  	[smem:$0x3FAF] =	sst s1  }
0xa: {  	[smem:$0x3FB0] =	sst s2  }
0xb: {  	[smem:$0x3FB1] =	sst s3  }
0xc: {  	[smem:$0x3FB2] =	sst s4  }
0xd: {  	[smem:$0x3FB3] =	sst s5  }
0xe: {  	[smem:$0x3FB4] =	sst s6  }
0xf: {  	[smem:$0x3FB5] =	sst s7  }
0x10: {  	[smem:$0x3FB6] =	sst s8  }
0x11: {  	[smem:$0x3FB7] =	sst s9;
	s0 =	simm.s32 @!p0 $0x0  }
0x12: {  	s1 =	sld [smem:$0x3F9D];
	s0 =	simm.s32 @p0 $0x1  }
0x13: {  	[smem:$0x3FB8] =	sst s0;
	s0 =	simm.s32 @!p1 $0x0  }
0x14: {  	s2 =	sld [smem:$0x3F9C];
	s0 =	simm.s32 @p1 $0x1  }
0x15: {  	[smem:$0x3FB9] =	sst s0;
	s0 =	simm.s32 @!p2 $0x0  }
0x16: {  	s3 =	sld [smem:$0x3FDB];
	s0 =	simm.s32 @p2 $0x1  }
0x17: {  	s4 =	simm.s32 $0x1BF5;
	[smem:$0x3FBB] =	sst s0  }
0x18: {  	s0 =	sld [smem:$0x3F9E];
	_ =	swait.ge [sflag:s4], $0x0  }
0x19: {  	s7 =	sld [smem:$0x3F9F]  }
0x1a: {  	s8 =	sadd.s32 $0xFFFFE003, lr  }
0x1b: {  	s9 =	sadd.s32 $0xFFFFFEF7, lr;
	s5 =	simm.s32 $0xFFFFFFFF;
	p2 =	slt.u32 s8, $0xFFFFF086  }
0x1c: {  	p1 =	slt.u32 s9, $0xF7A;
	s5 =	simm.s32 @!p2 $0x0  }
0x1d: {  	s5 =	simm.s32 @p1 $0x1;
	p0 =	seq.s32 s7, s2  }
0x1e: {  	s7 =	smul.u32 @!p0 $0xF7A, s2;
	p2 =	seq.s32 @!p0 s5, $0x0  }
0x1f: {  	s9 =	smul.u32 $0xF7A, s1;
	s8 =	simm.s32 @!p0 $0x1BF5;
	p2 =	por !p2, p0  }
0x20: {  	[sflag:s8] =	ssyncset.s32 @!p0 $0xFFFFF086;
	s6 =	sadd.s32 @!p0 s3, s7;
	s7 =	simm.s32 @!p0 $0x108  }
0x21: {  	s3 =	sadd.s32 s3, s9;
	s6 =	sadd.s32 @!p0 $0x88, s6;
	s7 =	simm.s32 @p2 $0x1082  }
0x22: {  	[simem:s7], [sflag:s8] =	dma.local @!p0 [hbm:s6], $0xF7A  }
0x23: {  	s9 =	sor.u32 $0xD0000000, s2;
	s6 =	simm.s32 $0x108;
	_ =	swait.ge @!p0 [sflag:s8], $0x0  }
0x24: {  	s3 =	sadd.s32 $0x88, s3;
	s6 =	simm.s32 @!p1 $0x1082;
	[sflag:s4] =	ssyncset.s32 $0xFFFFF086  }
0x25: {  	[simem:s6], [sflag:s4] =	dma.local [hbm:s3], $0xF7A  }
0x26: {  	[smem:$0x3F9F] =	sst s1;
	(tag) =	ssettag s2;
	_ =	strace s9  }
0x27: {  	s1 =	sld [smem:$0x3FAF]  }
0x28: {  	s2 =	sld [smem:$0x3FB0]  }
0x29: {  	s4 =	sld [smem:$0x3FB2]  }
0x2a: {  	p0 =	seq.s32 s5, $0x0;
	s5 =	sld [smem:$0x3FB3]  }
0x2b: {  	s6 =	sld [smem:$0x3FB4]  }
0x2c: {  	s7 =	sld [smem:$0x3FB5]  }
0x2d: {  	s3 =	simm.s32 $0x108;
	s8 =	sld [smem:$0x3FB6]  }
0x2e: {  	s3 =	simm.s32 @!p0 $0x1082;
	s9 =	sld [smem:$0x3FB7]  }
0x2f: {  	lr =	sadd.s32 s0, s3;
	s0 =	sld [smem:$0x3FAE]  }
0x30: {  	s3 =	sld [smem:$0x3FB1]  }
0x31: {  	[smem:$0x3FBA] =	sst s10  }
0x32: {  	s10 =	sld [smem:$0x3FB8];
	_ =	sdelay $0x3  }
0x33: {  	p0 =	seq.s32 s10, $0x1;
	s10 =	sld [smem:$0x3FBA];
	_ =	sdelay $0x3  }
0x34: {  	[smem:$0x3FBA] =	sst s10  }
0x35: {  	s10 =	sld [smem:$0x3FB9];
	_ =	sdelay $0x3  }
0x36: {  	p1 =	seq.s32 s10, $0x1;
	s10 =	sld [smem:$0x3FBA];
	_ =	sdelay $0x3  }
0x37: {  	[smem:$0x3FBA] =	sst s10  }
0x38: {  	s10 =	sld [smem:$0x3FBB]  }
0x39: {  	_ = 	snop;
	(pc) =	sbr.ind lr, $3  }
0x3a: {  	_ = 	snop  }
0x3b: {  	_ = 	snop  }
0x3c: {  	p2 =	seq.s32 s10, $0x1;
	s10 =	sld [smem:$0x3FBA]  }
0x3d: {  	_ =	shalt  }
0x3e: {  	_ =	shalt  }
0x3f: {  	_ =	shalt  }
0x40: {  	_ =	shalt  }
0x41: {  	_ =	shalt  }
0x42: {  	_ =	shalt  }
0x43: {  	_ =	shalt  }
0x44: {  	_ =	shalt  }
0x45: {  	_ =	shalt  }
0x46: {  	_ =	shalt  }
0x47: {  	_ =	shalt  }
0x48: {  	_ =	shalt  }
0x49: {  	_ =	shalt  }
0x4a: {  	_ =	shalt  }
0x4b: {  	_ =	shalt  }
0x4c: {  	_ =	shalt  }
0x4d: {  	_ =	shalt  }
0x4e: {  	_ =	shalt  }
0x4f: {  	_ =	shalt  }
0x50: {  	_ =	shalt  }
0x51: {  	_ =	shalt  }
0x52: {  	_ =	shalt  }
0x53: {  	_ =	shalt  }
0x54: {  	_ =	shalt  }
0x55: {  	_ =	shalt  }
0x56: {  	_ =	shalt  }
0x57: {  	_ =	shalt  }
0x58: {  	_ =	shalt  }
0x59: {  	_ =	shalt  }
0x5a: {  	_ =	shalt  }
0x5b: {  	_ =	shalt  }
0x5c: {  	_ =	shalt  }
0x5d: {  	_ =	shalt  }
0x5e: {  	_ =	shalt  }
0x5f: {  	_ =	shalt  }
0x60: {  	_ =	shalt  }
0x61: {  	_ =	shalt  }
0x62: {  	_ =	shalt  }
0x63: {  	_ =	shalt  }
0x64: {  	_ =	shalt  }
0x65: {  	_ =	shalt  }
0x66: {  	_ =	shalt  }
0x67: {  	_ =	shalt  }
0x68: {  	_ =	shalt  }
0x69: {  	_ =	shalt  }
0x6a: {  	_ =	shalt  }
0x6b: {  	_ =	shalt  }
0x6c: {  	_ =	shalt  }
0x6d: {  	_ =	shalt  }
0x6e: {  	_ =	shalt  }
0x6f: {  	_ =	shalt  }
0x70: {  	_ =	shalt  }
0x71: {  	_ =	shalt  }
0x72: {  	_ =	shalt  }
0x73: {  	_ =	shalt  }
0x74: {  	_ =	shalt  }
0x75: {  	_ =	shalt  }
0x76: {  	_ =	shalt  }
0x77: {  	_ =	shalt  }
0x78: {  	_ =	shalt  }
0x79: {  	_ =	shalt  }
0x7a: {  	_ =	shalt  }
0x7b: {  	_ =	shalt  }
0x7c: {  	_ =	shalt  }
0x7d: {  	_ =	shalt  }
0x7e: {  	_ =	shalt  }
0x7f: {  	_ =	shalt  }
0x80: {  	_ =	shalt  }
0x81: {  	_ =	shalt  }
0x82: {  	_ =	shalt  }
0x83: {  	_ =	shalt  }
0x84: {  	_ =	shalt  }
0x85: {  	_ =	shalt  }
0x86: {  	_ =	shalt  }
0x87: {  	_ =	shalt  }
.Lfunc_end0:
.L_simem_size_0:
called_computation.2_lowered:
.L_overlay_start_0:
0x88: {  	s2 =	sld [smem:$0x3FD9]  }
0x89: {  	s3 =	sld [smem:$0x3FFE];
	_ =	sdelay $0x1  }
0x8a: {  	s1 =	srdreg.scid  }
0x8b: {  	s0 =	sand.u32 $0x1, s1  }
0x8c: {  	s17 =	sshll.u32 s0, $0xA;
	s2 =	sadd.s32 s3, s2  }
0x8d: {  	s2 =	sadd.s32 s2, s17  }
0x8e: {  	[smem:$0x3FC6] =	sst s2  }
0x8f: {  	_ = 	snop  }
0x90: {  	(tm) =	ssettm $0x1  }
0x91: {  	s18 =	sld [smem:$0x3FFB];
	_ =	sdelay $0x3  }
0x92: {  	_ =	strace s18  }
0x93: {  	s2 =	sld [smem:$0x3FFC];
	_ =	sdelay $0x3  }
0x94: {  	_ =	strace s2  }
0x95: {  	s2 =	sld [smem:$0x3FFD];
	_ =	sdelay $0x3  }
0x96: {  	_ =	strace s2  }
0x97: {  	_ =	strace $0x8FFFFFFF  }
0x98: {  	s19 =	sld [smem:$0x3FDB];
	_ =	sdelay $0x1  }
0x99: {  	s20 =	simm.s32 $_scs_section_size  }
0x9a: {  	s4 =	simm.s32 $_size__tile_overlayer_lowered;
	s5 =	simm.s32 $_tile_overlayer_lowered  }
0x9b: {  	s6 =	simm.s32 $0x1BFF;
	s21 =	sshll.u32 s5, $0x1;
	s3 =	sadd.s32 s20, s19  }
0x9c: {  	s22 =	simm.s32 $0x0;
	s4 =	sshll.u32 s4, $0x1;
	s5 =	sadd.s32 s21, s3  }
0x9d: {  	[timem:s22], [sflag:s6] =	dma.local [hbm:s5], s4  }
0x9e: {  	_ =	swait.ge [sflag:s6], s4  }
0x9f: {  	s4 =	ssub.s32 $0x0, s4;
	[sflag:s6] =	ssyncset.done $0x0  }
0xa0: {  	[sflag:s6] =	ssyncadd.s32 s4;
	_ =	sdelay $0x1  }
0xa1: {  	s23 =	simm.s32 $0x1B8B  }
0xa2: {  	_ =	swait.ge [sflag:s23], $0x1  }
0xa3: {  	[sflag:s23] =	ssyncset.done $0x0  }
0xa4: {  	[sflag:s23] =	ssyncadd.s32 $0xFFFFFFFF  }
0xa5: {  	s4 =	sld [smem:$0x0]  }
0xa6: {  	s5 =	sand.u32 $0xFFFFFFFE, s1  }
0xa7: {  	p0 =	sne.s32 s1, s5  }
0xa8: {  	s5 =	sshll.u32 @p0 s5, $0xE  }
0xa9: {  	s5 =	sadd.s32 @p0 $0x11B8D, s5;
	s6 =	sshll.u32 @p0 s4, $0x11  }
0xaa: {  	s5 =	sor.u32 @p0 s6, s5  }
0xab: {  	[sflag:s5] =	ssyncadd.remote.s32 @p0 $0x1;
	_ =	sdelay $0x1  }
0xac: {  	s5 =	simm.s32 @p0 $0x1B8D  }
0xad: {  	_ =	swait.eq @p0 [sflag:s5], $0x1  }
0xae: {  	[sflag:s5] =	ssyncadd.s32 @p0 $0xFFFFFFFF  }
0xaf: {  	s6 =	sshll.u32 @!p0 s1, $0xE  }
0xb0: {  	s6 =	sor.u32 @!p0 $0x4000, s6;
	s5 =	simm.s32 @!p0 $0x1B8D  }
0xb1: {  	s4 =	sshll.u32 @!p0 s4, $0x11;
	s6 =	sadd.s32 @!p0 $0x11B8D, s6;
	_ =	swait.eq @!p0 [sflag:s5], $0x1  }
0xb2: {  	s4 =	sor.u32 @!p0 s4, s6;
	[sflag:s5] =	ssyncadd.s32 @!p0 $0xFFFFFFFF  }
0xb3: {  	s25 =	simm.s32 $0x1B8E;
	s24 =	sld [smem:$0x3FFE];
	[sflag:s4] =	ssyncadd.remote.s32 @!p0 $0x1  }
0xb4: {  	s26 =	simm.s32 $execute0_lowered;
	[smem:$0x3FD2] =	sst s25  }
0xb5: {  	s5 =	sshll.u32 s26, $0x1;
	_ =	strace $0x8000004C;
	[dreg:$0x1] =	wrdreg $0xFFFFFFFF  }
0xb6: {  	s28 =	simm.s32 $_size_execute0_lowered;
	s3 =	sadd.s32 s3, s5;
	[dreg:$0x0] =	wrdreg $0x0  }
0xb7: {  	s5 =	sshll.u32 s28, $0x1;
	[dreg:$0x2] =	wrdreg s3  }
0xb8: {  	[dreg:$0x3] =	wrdreg s5  }
0xb9: {  	[dreg:$0x4] =	wrdreg $0xC0  }
0xba: {  	_ =	task [dreg:s22], $0x5FFFF  }
0xbb: {  	[dreg:$0x1] =	wrdreg $0xFFFFFFFF  }
0xbc: {  	[dreg:$0x0] =	wrdreg $0x60  }
0xbd: {  	[dreg:$0x2] =	wrdreg s24  }
0xbe: {  	[dreg:$0x3] =	wrdreg $0x9  }
0xbf: {  	_ =	task.clear_ibuf [dreg:s22], $0x4FFFF;
	_ =	strace $0x9000004C  }
0xc0: {  	s29 =	simm.s32 $0x9;
	_ =	strace $0x8000004E  }
0xc1: {  	_ =	swait.ge [sflag:s29], $0x1  }
0xc2: {  	[sflag:s29] =	ssyncadd.s32 $0xFFFFFFFF  }
0xc3: {  	_ =	strace $0x9000004E  }
0xc4: {  	_ =	sfence  }
0xc5: {  	s30 =	sld [smem:$0x0];
	_ =	sdelay $0x2  }
0xc6: {  	s31 =	sshll.u32 s1, $0xD;
	s1 =	sshrl.u32 s1, $0x2  }
0xc7: {  	s4 =	sand.u32 $0x4000, s31;
	s1 =	sadd.s32 s1, s30  }
0xc8: {  	s0 =	sor.u32 s4, s0;
	s1 =	sshll.u32 s1, $0x11  }
0xc9: {  	s0 =	sor.u32 s1, s0  }
0xca: {  	s0 =	sadd.s32 $0x8F2B, s0  }
0xcb: {  	[sflag:s0] =	ssyncadd.remote.s32 $0x1  }
0xcc: {  	_ =	sfence.sel $0xFFFF  }
0xcd: {  	[dreg:$0x0] =	wrdreg $0xFFFFFFFF;
	(pc) =	sbr.abs _section_cstart, $3  }
0xce: {  	[dreg:$0x1] =	wrdreg $0xFFFFFFFF  }
0xcf: {  	_ =	task.clear_ibuf [dreg:s22], $0x2FFFF;
	_ =	strace $0x9FFFFFFF  }
0xd0: {  	(tm) =	ssettm $0x7FFFFFFF  }
0xd1: {  	_ =	shalt  }
tec
execute0_lowered:
.L_overlay_start_1:
0x0: {  	(tag) =	ssettag $0x1  }
0x1: {  	s1 =	srdreg.scid;
	s0 =	stileid.u32  }
0x2: {  	s4 =	rddreg [dreg:$0x0];
	s2 =	simm.s32 $0x0;
	s8 =	simm.s32 $0x18700  }
0x3: {  	s9 =	simm.s32 $0x18D80;
	s3 =	sand.u32 $0x1, s1;
	s31 =	sshll.u32 s0, $0x1  }
0x4: {  	v0 =	vimm.s32 $0xFFFF;
	s10 =	simm.s32 $0x0;
	s1 =	rddreg [dreg:$0x1];
	s5 =	sor.u32 s3, s31  }
0x5: {  	[smem:$0x7FF] =	sst s2;
	s6 =	ssub.s32 $0x2, s3;
	s5 =	smul.u32 $0xC4, s5  }
0x6: {  	_ =	strace $0x8000004D;
	s3 =	sadd.s32 $0xC3E00, s4;
	s7 =	sshrl.u32 s6, $0x1  }
0x7: {  	s6 =	ssub.s32 s6, s7;
	s7 =	simm.s32 $0x1;
	s5 =	sadd.s32 s5, s4  }
0x8: {  	v1 =	vimm.s32 $0x0;
	s6 =	smax.u32 s6, $0x1;
	s4 =	sadd.s32 $0xC7000, s5;
	s5 =	sadd.s32 $0xC8A00, s5  }
.LBB2_1:
0x9: {  	[tilespmem:s2], [sflag:$0x1] =	stream.linear.gather [hbm4b:s3+s2], $0x186A0, $0x38;
	[tilespmem:$0x19400] =	vst v63  }
0xa: {  	_ =	swait.ge [sflag:s7], $0x186A0  }
0xb: {  	[sflag:s7] =	ssyncset.done $0x0  }
0xc: {  	[sflag:s7] =	ssyncadd.s32 $0xFFFE7960  }
0xd: {  	[tilespmem:s8], [sflag:$0x1] =	stream.linear.gather [hbm4b:s4+s2], $0x620, $0x38;
	[tilespmem:$0x19400] =	vst v63  }
0xe: {  	_ =	swait.ge [sflag:s7], $0x620  }
0xf: {  	[sflag:s7] =	ssyncset.done $0x0  }
0x10: {  	s11 =	simm.s32 $0x0;
	[sflag:s7] =	ssyncadd.s32 $0xFFFFF9E0  }
.LBB2_2:
0x11: {  	s12 =	sshra.s32 s11, $0x2;
	v3 =	vld.idx.msk [tilespmem:v0+s2+$0x0], $0xffff  }
0x12: {  	v2 =	vld [tilespmem:s12+$0x18700];
	_ =	sdelay $0x4  }
0x13: {  	vm0 =	vlt.f32 v3, v2  }
0x14: {  	v3 =	vsel vm0, $0x10000, v1  }
0x15: {  	v4 =	vor.u32 $0x7FFF, v3;
	_ =	sdelay $0x4  }
0x16: {  	v4 =	vld.idx.msk [tilespmem:v4+s2+$0x0], $0xffff;
	_ =	sdelay $0x4  }
0x17: {  	v5 =	vor.u32 $0x8000, v3;
	vm11 =	vlt.f32 v4, v2  }
0x18: {  	v3 =	vsel vm11, v5, v3  }
0x19: {  	v49 =	vor.u32 $0x3FFF, v3  }
0x1a: {  	v4 =	vmin.u32 v49, $0x1869F;
	_ =	sdelay $0x4  }
0x1b: {  	v4 =	vld.idx.msk [tilespmem:v4+s2+$0x0], $0xffff;
	_ =	sdelay $0x3  }
0x1c: {  	v5 =	vor.u32 $0x4000, v3  }
0x1d: {  	vm12 =	vlt.u32 v5, $0x186A1;
	vm1 =	vlt.f32 v4, v2  }
0x1e: {  	vm0 =	vmand vm1, vm12  }
0x1f: {  	v3 =	vsel vm0, v5, v3  }
0x20: {  	v50 =	vor.u32 $0x1FFF, v3  }
0x21: {  	v4 =	vmin.u32 v50, $0x1869F;
	_ =	sdelay $0x4  }
0x22: {  	v4 =	vld.idx.msk [tilespmem:v4+s2+$0x0], $0xffff;
	_ =	sdelay $0x3  }
0x23: {  	v5 =	vor.u32 $0x2000, v3  }
0x24: {  	vm13 =	vlt.u32 v5, $0x186A1;
	vm14 =	vlt.f32 v4, v2  }
0x25: {  	vm0 =	vmand vm14, vm13  }
0x26: {  	v3 =	vsel vm0, v5, v3  }
0x27: {  	v51 =	vmin.u32 v3, $0x176A0  }
0x28: {  	v4 =	vadd.s32 $0xFFF, v51;
	_ =	sdelay $0x4  }
0x29: {  	v4 =	vld.idx.msk [tilespmem:v4+s2+$0x0], $0xffff;
	_ =	sdelay $0x4  }
0x2a: {  	vm0 =	vlt.u32 v3, $0x176A1;
	vm15 =	vlt.f32 v4, v2  }
0x2b: {  	v52 =	vadd.s32 $0x1000, v3;
	vm0 =	vmand vm15, vm0  }
0x2c: {  	v3 =	vsel vm0, v52, v3  }
0x2d: {  	v4 =	vmin.u32 v3, $0x17EA0  }
0x2e: {  	v4 =	vadd.s32 $0x7FF, v4;
	_ =	sdelay $0x4  }
0x2f: {  	v4 =	vld.idx.msk [tilespmem:v4+s2+$0x0], $0xffff;
	_ =	sdelay $0x4  }
0x30: {  	vm0 =	vlt.u32 v3, $0x17EA1;
	vm4 =	vlt.f32 v4, v2  }
0x31: {  	v53 =	vadd.s32 $0x800, v3;
	vm0 =	vmand vm4, vm0  }
0x32: {  	v3 =	vsel vm0, v53, v3  }
0x33: {  	v4 =	vmin.u32 v3, $0x182A0  }
0x34: {  	v4 =	vadd.s32 $0x3FF, v4;
	_ =	sdelay $0x4  }
0x35: {  	v4 =	vld.idx.msk [tilespmem:v4+s2+$0x0], $0xffff;
	_ =	sdelay $0x4  }
0x36: {  	vm0 =	vlt.u32 v3, $0x182A1;
	vm5 =	vlt.f32 v4, v2  }
0x37: {  	v54 =	vadd.s32 $0x400, v3;
	vm0 =	vmand vm5, vm0  }
0x38: {  	v3 =	vsel vm0, v54, v3  }
0x39: {  	v4 =	vmin.u32 v3, $0x184A0  }
0x3a: {  	v4 =	vadd.s32 $0x1FF, v4;
	_ =	sdelay $0x4  }
0x3b: {  	v4 =	vld.idx.msk [tilespmem:v4+s2+$0x0], $0xffff;
	_ =	sdelay $0x4  }
0x3c: {  	vm0 =	vlt.u32 v3, $0x184A1;
	vm6 =	vlt.f32 v4, v2  }
0x3d: {  	v55 =	vadd.s32 $0x200, v3;
	vm0 =	vmand vm6, vm0  }
0x3e: {  	v3 =	vsel vm0, v55, v3  }
0x3f: {  	v4 =	vmin.u32 v3, $0x185A0  }
0x40: {  	v4 =	vadd.s32 $0xFF, v4;
	_ =	sdelay $0x4  }
0x41: {  	v4 =	vld.idx.msk [tilespmem:v4+s2+$0x0], $0xffff;
	_ =	sdelay $0x4  }
0x42: {  	vm0 =	vlt.u32 v3, $0x185A1;
	vm7 =	vlt.f32 v4, v2  }
0x43: {  	v56 =	vadd.s32 $0x100, v3;
	vm0 =	vmand vm7, vm0  }
0x44: {  	v3 =	vsel vm0, v56, v3  }
0x45: {  	v4 =	vmin.u32 v3, $0x18620  }
0x46: {  	v4 =	vadd.s32 $0x7F, v4;
	_ =	sdelay $0x4  }
0x47: {  	v4 =	vld.idx.msk [tilespmem:v4+s2+$0x0], $0xffff;
	_ =	sdelay $0x4  }
0x48: {  	vm0 =	vlt.u32 v3, $0x18621;
	vm8 =	vlt.f32 v4, v2  }
0x49: {  	v57 =	vadd.s32 $0x80, v3;
	vm0 =	vmand vm8, vm0  }
0x4a: {  	v3 =	vsel vm0, v57, v3  }
0x4b: {  	v4 =	vmin.u32 v3, $0x18660  }
0x4c: {  	v4 =	vadd.s32 $0x3F, v4;
	_ =	sdelay $0x4  }
0x4d: {  	v4 =	vld.idx.msk [tilespmem:v4+s2+$0x0], $0xffff;
	_ =	sdelay $0x4  }
0x4e: {  	vm0 =	vlt.u32 v3, $0x18661;
	vm9 =	vlt.f32 v4, v2  }
0x4f: {  	v58 =	vadd.s32 $0x40, v3;
	vm0 =	vmand vm9, vm0  }
0x50: {  	v3 =	vsel vm0, v58, v3  }
0x51: {  	v4 =	vmin.u32 v3, $0x18680  }
0x52: {  	v4 =	vadd.s32 $0x1F, v4;
	_ =	sdelay $0x4  }
0x53: {  	v4 =	vld.idx.msk [tilespmem:v4+s2+$0x0], $0xffff;
	_ =	sdelay $0x4  }
0x54: {  	vm0 =	vlt.u32 v3, $0x18681;
	vm10 =	vlt.f32 v4, v2  }
0x55: {  	v59 =	vadd.s32 $0x20, v3;
	vm0 =	vmand vm10, vm0  }
0x56: {  	v3 =	vsel vm0, v59, v3  }
0x57: {  	v4 =	vmin.u32 v3, $0x18690  }
0x58: {  	v4 =	vadd.s32 $0xF, v4;
	_ =	sdelay $0x4  }
0x59: {  	v4 =	vld.idx.msk [tilespmem:v4+s2+$0x0], $0xffff;
	_ =	sdelay $0x4  }
0x5a: {  	vm0 =	vlt.u32 v3, $0x18691;
	vm11 =	vlt.f32 v4, v2  }
0x5b: {  	v60 =	vadd.s32 $0x10, v3;
	vm0 =	vmand vm11, vm0  }
0x5c: {  	v3 =	vsel vm0, v60, v3  }
0x5d: {  	v4 =	vmin.u32 v3, $0x18698  }
0x5e: {  	v4 =	vadd.s32 $0x7, v4;
	_ =	sdelay $0x4  }
0x5f: {  	v4 =	vld.idx.msk [tilespmem:v4+s2+$0x0], $0xffff;
	_ =	sdelay $0x4  }
0x60: {  	vm0 =	vlt.u32 v3, $0x18699;
	vm12 =	vlt.f32 v4, v2  }
0x61: {  	v61 =	vadd.s32 $0x8, v3;
	vm0 =	vmand vm12, vm0  }
0x62: {  	v3 =	vsel vm0, v61, v3  }
0x63: {  	v4 =	vmin.u32 v3, $0x1869C  }
0x64: {  	v4 =	vadd.s32 $0x3, v4;
	_ =	sdelay $0x4  }
0x65: {  	v4 =	vld.idx.msk [tilespmem:v4+s2+$0x0], $0xffff;
	_ =	sdelay $0x4  }
0x66: {  	vm0 =	vlt.u32 v3, $0x1869D;
	vm13 =	vlt.f32 v4, v2  }
0x67: {  	v62 =	vadd.s32 $0x4, v3;
	vm0 =	vmand vm13, vm0  }
0x68: {  	v3 =	vsel vm0, v62, v3  }
0x69: {  	v4 =	vmin.u32 v3, $0x1869E  }
0x6a: {  	v4 =	vadd.s32 $0x1, v4;
	_ =	sdelay $0x4  }
0x6b: {  	v4 =	vld.idx.msk [tilespmem:v4+s2+$0x0], $0xffff;
	_ =	sdelay $0x4  }
0x6c: {  	vm0 =	vlt.u32 v3, $0x1869F;
	vm14 =	vlt.f32 v4, v2  }
0x6d: {  	v63 =	vadd.s32 $0x2, v3;
	vm0 =	vmand vm14, vm0  }
0x6e: {  	v3 =	vsel vm0, v63, v3  }
0x6f: {  	v4 =	vmin.u32 v3, $0x1869F;
	_ =	sdelay $0x4  }
0x70: {  	v4 =	vld.idx.msk [tilespmem:v4+s2+$0x0], $0xffff;
	_ =	sdelay $0x3  }
0x71: {  	p0 =	sne.s32 s11, $0x1840  }
.Ltmp0:
0x72: {  	vm0 =	vlt.u32 v3, $0x186A0;
	vm15 =	vlt.f32 v4, v2;
	(pc) =	sbr.rel @p0 .LBB2_2-.Ltmp0, $4  }
0x73: {  	vm0 =	vmand vm15, vm0  }
0x74: {  	v2 =	vsel vm0, $0x1, v1  }
0x75: {  	v2 =	vadd.s32 v2, v3  }
0x76: {  	s11 =	sadd.s32 $0x40, s11;
	[tilespmem:s12+$0x18D80] =	vst v2  }
0x77: {  	s10 =	sadd.s32 $0x1, s10  }
0x78: {  	p0 =	sne.s32 s10, s6  }
.Ltmp1:
0x79: {  	_ = 	snop;
	(pc) =	sbr.rel @p0 .LBB2_1-.Ltmp1, $4  }
0x7a: {  	[hbm4b:s5+s2] =	stream.linear.scatter [tilespmem:s9], [sflag:$0x1], $0x620, $0x38;
	[tilespmem:$0x19400] =	vst v63  }
0x7b: {  	_ =	swait.ge [sflag:s7], $0x620  }
0x7c: {  	[sflag:s7] =	ssyncset.done $0x0  }
0x7d: {  	[sflag:s7] =	ssyncadd.s32 $0xFFFFF9E0  }
0x7e: {  	_ =	sfence.sel $0x180000  }
0x7f: {  	[bflag:$0x0] =	sbarrier.arrive $0xFFFF  }
0x80: {  	p0 =	sne.s32 s0, $0x0;
	_ =	strace $0x9000004D  }
0x81: {  	s0 =	sadd.s32 @!p0 $0x100000, s1;
	[bflag:$0x2] =	sbarrier.arrive $0xFFFF  }
0x82: {  	[sflag:s0] =	ssyncadd.tile.s32 @!p0 $0x1;
	_ =	shalt  }
.Lfunc_end2:
_tile_overlayer_lowered:
.L_overlay_start_2:
0x83: {  	(tag) =	ssettag $0x2  }
0x84: {  	s0 =	rddreg [dreg:$0x0];
	s2 =	stileid.u32  }
0x85: {  	s1 =	rddreg [dreg:$0x1];
	p0 =	sne.s32 s2, $0x0  }
0x86: {  	s3 =	rddreg [dreg:$0x2];
	[bflag:$0x3] =	sbarrier.arrive $0xFFFF;
	s2 =	simm.s32 @!p0 $0x1C01  }
0x87: {  	[timem:s3], [sflag:s2] =	dma.local @!p0 [hbm:s0], s1  }
0x88: {  	s0 =	simm.s32 @!p0 $0x1  }
0x89: {  	_ =	swait.ge @!p0 [sflag:s0], s1  }
0x8a: {  	s1 =	ssub.s32 @!p0 $0x0, s1;
	[sflag:s0] =	ssyncset.done @!p0 $0x0  }
0x8b: {  	[sflag:s0] =	ssyncadd.s32 @!p0 s1  }
0x8c: {  	[bflag:$0x3] =	sbarrier.arrive $0xFFFF  }
0x8d: {  	_ =	shalt  }

// kernel: kernel.13.cloned.1.call-start
scs
__scs_entry_jumppad:
0x0: {  	(pc) =	sbr.rel $0x88, $3  }
0x1: {  	(tag) =	ssettag $0x0;
	lr =	simm.s32 $0x1  }
0x2: {  	[smem:$0x3F9F] =	sst lr;
	_ =	strace $0xD0000000  }
0x3: {  	_ = 	snop  }
0x4: {  	_ = 	snop  }
0x5: {  	_ = 	snop  }
0x6: {  	_ = 	snop  }
0x7: {  	_ = 	snop  }
__scs_overlays_trampoline_lowered:
0x8: {  	[smem:$0x3FAE] =	sst s0  }
0x9: {  	[smem:$0x3FAF] =	sst s1  }
0xa: {  	[smem:$0x3FB0] =	sst s2  }
0xb: {  	[smem:$0x3FB1] =	sst s3  }
0xc: {  	[smem:$0x3FB2] =	sst s4  }
0xd: {  	[smem:$0x3FB3] =	sst s5  }
0xe: {  	[smem:$0x3FB4] =	sst s6  }
0xf: {  	[smem:$0x3FB5] =	sst s7  }
0x10: {  	[smem:$0x3FB6] =	sst s8  }
0x11: {  	[smem:$0x3FB7] =	sst s9;
	s0 =	simm.s32 @!p0 $0x0  }
0x12: {  	s1 =	sld [smem:$0x3F9D];
	s0 =	simm.s32 @p0 $0x1  }
0x13: {  	[smem:$0x3FB8] =	sst s0;
	s0 =	simm.s32 @!p1 $0x0  }
0x14: {  	s2 =	sld [smem:$0x3F9C];
	s0 =	simm.s32 @p1 $0x1  }
0x15: {  	[smem:$0x3FB9] =	sst s0;
	s0 =	simm.s32 @!p2 $0x0  }
0x16: {  	s3 =	sld [smem:$0x3FDB];
	s0 =	simm.s32 @p2 $0x1  }
0x17: {  	s4 =	simm.s32 $0x1BF5;
	[smem:$0x3FBB] =	sst s0  }
0x18: {  	s0 =	sld [smem:$0x3F9E];
	_ =	swait.ge [sflag:s4], $0x0  }
0x19: {  	s7 =	sld [smem:$0x3F9F]  }
0x1a: {  	s8 =	sadd.s32 $0xFFFFE003, lr  }
0x1b: {  	s9 =	sadd.s32 $0xFFFFFEF7, lr;
	s5 =	simm.s32 $0xFFFFFFFF;
	p2 =	slt.u32 s8, $0xFFFFF086  }
0x1c: {  	p1 =	slt.u32 s9, $0xF7A;
	s5 =	simm.s32 @!p2 $0x0  }
0x1d: {  	s5 =	simm.s32 @p1 $0x1;
	p0 =	seq.s32 s7, s2  }
0x1e: {  	s7 =	smul.u32 @!p0 $0xF7A, s2;
	p2 =	seq.s32 @!p0 s5, $0x0  }
0x1f: {  	s9 =	smul.u32 $0xF7A, s1;
	s8 =	simm.s32 @!p0 $0x1BF5;
	p2 =	por !p2, p0  }
0x20: {  	[sflag:s8] =	ssyncset.s32 @!p0 $0xFFFFF086;
	s6 =	sadd.s32 @!p0 s3, s7;
	s7 =	simm.s32 @!p0 $0x108  }
0x21: {  	s3 =	sadd.s32 s3, s9;
	s6 =	sadd.s32 @!p0 $0x88, s6;
	s7 =	simm.s32 @p2 $0x1082  }
0x22: {  	[simem:s7], [sflag:s8] =	dma.local @!p0 [hbm:s6], $0xF7A  }
0x23: {  	s9 =	sor.u32 $0xD0000000, s2;
	s6 =	simm.s32 $0x108;
	_ =	swait.ge @!p0 [sflag:s8], $0x0  }
0x24: {  	s3 =	sadd.s32 $0x88, s3;
	s6 =	simm.s32 @!p1 $0x1082;
	[sflag:s4] =	ssyncset.s32 $0xFFFFF086  }
0x25: {  	[simem:s6], [sflag:s4] =	dma.local [hbm:s3], $0xF7A  }
0x26: {  	[smem:$0x3F9F] =	sst s1;
	(tag) =	ssettag s2;
	_ =	strace s9  }
0x27: {  	s1 =	sld [smem:$0x3FAF]  }
0x28: {  	s2 =	sld [smem:$0x3FB0]  }
0x29: {  	s4 =	sld [smem:$0x3FB2]  }
0x2a: {  	p0 =	seq.s32 s5, $0x0;
	s5 =	sld [smem:$0x3FB3]  }
0x2b: {  	s6 =	sld [smem:$0x3FB4]  }
0x2c: {  	s7 =	sld [smem:$0x3FB5]  }
0x2d: {  	s3 =	simm.s32 $0x108;
	s8 =	sld [smem:$0x3FB6]  }
0x2e: {  	s3 =	simm.s32 @!p0 $0x1082;
	s9 =	sld [smem:$0x3FB7]  }
0x2f: {  	lr =	sadd.s32 s0, s3;
	s0 =	sld [smem:$0x3FAE]  }
0x30: {  	s3 =	sld [smem:$0x3FB1]  }
0x31: {  	[smem:$0x3FBA] =	sst s10  }
0x32: {  	s10 =	sld [smem:$0x3FB8];
	_ =	sdelay $0x3  }
0x33: {  	p0 =	seq.s32 s10, $0x1;
	s10 =	sld [smem:$0x3FBA];
	_ =	sdelay $0x3  }
0x34: {  	[smem:$0x3FBA] =	sst s10  }
0x35: {  	s10 =	sld [smem:$0x3FB9];
	_ =	sdelay $0x3  }
0x36: {  	p1 =	seq.s32 s10, $0x1;
	s10 =	sld [smem:$0x3FBA];
	_ =	sdelay $0x3  }
0x37: {  	[smem:$0x3FBA] =	sst s10  }
0x38: {  	s10 =	sld [smem:$0x3FBB]  }
0x39: {  	_ = 	snop;
	(pc) =	sbr.ind lr, $3  }
0x3a: {  	_ = 	snop  }
0x3b: {  	_ = 	snop  }
0x3c: {  	p2 =	seq.s32 s10, $0x1;
	s10 =	sld [smem:$0x3FBA]  }
0x3d: {  	_ =	shalt  }
0x3e: {  	_ =	shalt  }
0x3f: {  	_ =	shalt  }
0x40: {  	_ =	shalt  }
0x41: {  	_ =	shalt  }
0x42: {  	_ =	shalt  }
0x43: {  	_ =	shalt  }
0x44: {  	_ =	shalt  }
0x45: {  	_ =	shalt  }
0x46: {  	_ =	shalt  }
0x47: {  	_ =	shalt  }
0x48: {  	_ =	shalt  }
0x49: {  	_ =	shalt  }
0x4a: {  	_ =	shalt  }
0x4b: {  	_ =	shalt  }
0x4c: {  	_ =	shalt  }
0x4d: {  	_ =	shalt  }
0x4e: {  	_ =	shalt  }
0x4f: {  	_ =	shalt  }
0x50: {  	_ =	shalt  }
0x51: {  	_ =	shalt  }
0x52: {  	_ =	shalt  }
0x53: {  	_ =	shalt  }
0x54: {  	_ =	shalt  }
0x55: {  	_ =	shalt  }
0x56: {  	_ =	shalt  }
0x57: {  	_ =	shalt  }
0x58: {  	_ =	shalt  }
0x59: {  	_ =	shalt  }
0x5a: {  	_ =	shalt  }
0x5b: {  	_ =	shalt  }
0x5c: {  	_ =	shalt  }
0x5d: {  	_ =	shalt  }
0x5e: {  	_ =	shalt  }
0x5f: {  	_ =	shalt  }
0x60: {  	_ =	shalt  }
0x61: {  	_ =	shalt  }
0x62: {  	_ =	shalt  }
0x63: {  	_ =	shalt  }
0x64: {  	_ =	shalt  }
0x65: {  	_ =	shalt  }
0x66: {  	_ =	shalt  }
0x67: {  	_ =	shalt  }
0x68: {  	_ =	shalt  }
0x69: {  	_ =	shalt  }
0x6a: {  	_ =	shalt  }
0x6b: {  	_ =	shalt  }
0x6c: {  	_ =	shalt  }
0x6d: {  	_ =	shalt  }
0x6e: {  	_ =	shalt  }
0x6f: {  	_ =	shalt  }
0x70: {  	_ =	shalt  }
0x71: {  	_ =	shalt  }
0x72: {  	_ =	shalt  }
0x73: {  	_ =	shalt  }
0x74: {  	_ =	shalt  }
0x75: {  	_ =	shalt  }
0x76: {  	_ =	shalt  }
0x77: {  	_ =	shalt  }
0x78: {  	_ =	shalt  }
0x79: {  	_ =	shalt  }
0x7a: {  	_ =	shalt  }
0x7b: {  	_ =	shalt  }
0x7c: {  	_ =	shalt  }
0x7d: {  	_ =	shalt  }
0x7e: {  	_ =	shalt  }
0x7f: {  	_ =	shalt  }
0x80: {  	_ =	shalt  }
0x81: {  	_ =	shalt  }
0x82: {  	_ =	shalt  }
0x83: {  	_ =	shalt  }
0x84: {  	_ =	shalt  }
0x85: {  	_ =	shalt  }
0x86: {  	_ =	shalt  }
0x87: {  	_ =	shalt  }
.Lfunc_end0:
.L_simem_size_0:
called_computation.3_lowered:
.L_overlay_start_0:
0x88: {  	s2 =	sld [smem:$0x3FD9]  }
0x89: {  	s3 =	sld [smem:$0x3FFE];
	_ =	sdelay $0x1  }
0x8a: {  	s1 =	srdreg.scid  }
0x8b: {  	s0 =	sand.u32 $0x1, s1  }
0x8c: {  	s14 =	sshll.u32 s0, $0xA;
	s2 =	sadd.s32 s3, s2  }
0x8d: {  	s2 =	sadd.s32 s2, s14  }
0x8e: {  	[smem:$0x3FC6] =	sst s2  }
0x8f: {  	_ = 	snop  }
0x90: {  	s2 =	sld [smem:$0x3FD0];
	_ =	sdelay $0x2  }
0x91: {  	s15 =	simm.s32 $0xB;
	s4 =	simm.s32 $0x10  }
0x92: {  	[smem:s4], [sflag:s15] =	dma.local [hbm:s2], $0x1  }
0x93: {  	_ =	swait.eq [sflag:s15], $0x1  }
0x94: {  	[sflag:s15] =	ssyncset.done $0x0  }
0x95: {  	[sflag:s15] =	ssyncadd.s32 $0xFFFFFFFF  }
0x96: {  	s16 =	sld [smem:$0x10];
	(tm) =	ssettm $0x1  }
0x97: {  	s17 =	sld [smem:$0x3FFB];
	_ =	sdelay $0x3  }
0x98: {  	_ =	strace s17  }
0x99: {  	s3 =	sld [smem:$0x3FFC];
	_ =	sdelay $0x3  }
0x9a: {  	_ =	strace s3  }
0x9b: {  	s3 =	sld [smem:$0x3FFD];
	_ =	sdelay $0x3  }
0x9c: {  	_ =	strace s3  }
0x9d: {  	_ =	strace $0x8FFFFFFF  }
0x9e: {  	s18 =	sld [smem:$0x3FDB];
	_ =	sdelay $0x1  }
0x9f: {  	s19 =	simm.s32 $_scs_section_size  }
0xa0: {  	s5 =	simm.s32 $_size__tile_overlayer_lowered;
	s6 =	simm.s32 $_tile_overlayer_lowered  }
0xa1: {  	s22 =	simm.s32 $0x1BFF;
	s21 =	sshll.u32 s6, $0x1;
	s3 =	sadd.s32 s19, s18  }
0xa2: {  	s7 =	simm.s32 $0x0;
	s20 =	sshll.u32 s5, $0x1;
	s5 =	sadd.s32 s21, s3  }
0xa3: {  	[timem:s7], [sflag:s22] =	dma.local [hbm:s5], s20  }
0xa4: {  	_ =	swait.ge [sflag:s22], s20  }
0xa5: {  	s4 =	ssub.s32 $0x0, s20;
	[sflag:s22] =	ssyncset.done $0x0  }
0xa6: {  	[sflag:s22] =	ssyncadd.s32 s4;
	_ =	sdelay $0x1  }
0xa7: {  	s23 =	simm.s32 $0x1B8B  }
0xa8: {  	_ =	swait.ge [sflag:s23], $0x1  }
0xa9: {  	[sflag:s23] =	ssyncset.done $0x0  }
0xaa: {  	s25 =	simm.s32 $0x1B8E;
	s24 =	sld [smem:$0x3FFE];
	[sflag:s23] =	ssyncadd.s32 $0xFFFFFFFF  }
0xab: {  	s26 =	simm.s32 $execute0_lowered;
	[smem:$0x3FD2] =	sst s25  }
0xac: {  	s5 =	sshll.u32 s26, $0x1;
	_ =	strace $0x80000049;
	[dreg:$0x1] =	wrdreg $0xFFFFFFFF  }
0xad: {  	s28 =	simm.s32 $_size_execute0_lowered;
	s3 =	sadd.s32 s3, s5;
	[dreg:$0x0] =	wrdreg $0x0  }
0xae: {  	s5 =	sshll.u32 s28, $0x1;
	[dreg:$0x2] =	wrdreg s3  }
0xaf: {  	[dreg:$0x3] =	wrdreg s5  }
0xb0: {  	[dreg:$0x4] =	wrdreg $0xC0  }
0xb1: {  	_ =	task [dreg:s7], $0x5FFFF  }
0xb2: {  	[dreg:$0x1] =	wrdreg $0xFFFFFFFF  }
0xb3: {  	[dreg:$0x0] =	wrdreg $0x60  }
0xb4: {  	[dreg:$0x2] =	wrdreg s24  }
0xb5: {  	[dreg:$0x3] =	wrdreg s16  }
0xb6: {  	[dreg:$0x4] =	wrdreg $0xA  }
0xb7: {  	_ =	task.clear_ibuf [dreg:s7], $0x5FFFF;
	_ =	strace $0x90000049  }
0xb8: {  	s29 =	simm.s32 $0xA;
	_ =	strace $0x8000004B  }
0xb9: {  	_ =	swait.ge [sflag:s29], $0x1  }
0xba: {  	[sflag:s29] =	ssyncadd.s32 $0xFFFFFFFF  }
0xbb: {  	_ =	strace $0x9000004B  }
0xbc: {  	_ =	sfence  }
0xbd: {  	s30 =	sld [smem:$0x0];
	_ =	sdelay $0x2  }
0xbe: {  	s31 =	sshll.u32 s1, $0xD;
	s1 =	sshrl.u32 s1, $0x2  }
0xbf: {  	s3 =	sand.u32 $0x4000, s31;
	s1 =	sadd.s32 s1, s30  }
0xc0: {  	s0 =	sor.u32 s3, s0;
	s1 =	sshll.u32 s1, $0x11  }
0xc1: {  	s0 =	sor.u32 s1, s0  }
0xc2: {  	s0 =	sadd.s32 $0x8F2B, s0  }
0xc3: {  	[sflag:s0] =	ssyncadd.remote.s32 $0x1  }
0xc4: {  	_ =	sfence.sel $0xFFFF  }
0xc5: {  	[dreg:$0x0] =	wrdreg $0xFFFFFFFF;
	(pc) =	sbr.abs _section_cstart, $3  }
0xc6: {  	[dreg:$0x1] =	wrdreg $0xFFFFFFFF  }
0xc7: {  	_ =	task.clear_ibuf [dreg:s7], $0x2FFFF;
	_ =	strace $0x9FFFFFFF  }
0xc8: {  	(tm) =	ssettm $0x7FFFFFFF  }
0xc9: {  	_ =	shalt  }
tec
execute0_lowered:
.L_overlay_start_1:
0x0: {  	(tag) =	ssettag $0x1  }
0x1: {  	s2 =	rddreg [dreg:$0x0];
	s1 =	srdreg.scid  }
0x2: {  	s0 =	stileid.u32;
	s6 =	rddreg [dreg:$0x1];
	s3 =	simm.s32 $0x0  }
0x3: {  	s9 =	simm.s32 $0x18700;
	s4 =	sand.u32 $0x1, s1;
	s5 =	sshll.u32 s0, $0x1  }
0x4: {  	s10 =	simm.s32 $0x18F00;
	s11 =	simm.s32 $0x0;
	s5 =	sor.u32 s4, s5  }
0x5: {  	[smem:$0x7FF] =	sst s3;
	s7 =	ssub.s32 $0x2, s4;
	s4 =	smul.u32 $0x186A0, s5  }
0x6: {  	s1 =	rddreg [dreg:$0x2];
	_ =	strace $0x8000004A;
	s8 =	sshrl.u32 s7, $0x1  }
0x7: {  	s5 =	sadd.s32 $0x61E00, s2;
	s7 =	ssub.s32 s7, s8;
	s31 =	sshrl.u32 s4, $0x3  }
0x8: {  	s8 =	simm.s32 $0x1;
	s7 =	smax.u32 s7, $0x1;
	s6 =	sadd.s32 s6, s31  }
.LBB2_1:
0x9: {  	[tilespmem:s3], [sflag:$0x1] =	stream.linear.gather [hbm4b:s6+s3], $0x186A0, $0x38;
	[tilespmem:$0x19700] =	vst v63  }
0xa: {  	_ =	swait.ge [sflag:s8], $0x186A0  }
0xb: {  	[sflag:s8] =	ssyncset.done $0x0  }
0xc: {  	s12 =	simm.s32 $0x0;
	[sflag:s8] =	ssyncadd.s32 $0xFFFE7960  }
.LBB2_2:
0xd: {  	s13 =	smul.u32 $0x7D0, s12;
	_ =	sdelay $0x1  }
0xe: {  	s13 =	sadd.s32 s4, s13  }
0xf: {  	s13 =	sshrl.u32 s13, $0x3  }
0x10: {  	s15 =	simm.s32 $0x0;
	s14 =	sadd.s32 s2, s13  }
0x11: {  	[tilespmem:s9], [sflag:$0x1] =	stream.linear.gather [hbm4b:s14+s15], $0x7D0, $0x38;
	[tilespmem:$0x19700] =	vst v63  }
0x12: {  	_ =	swait.ge [sflag:s8], $0x7D0  }
0x13: {  	[sflag:s8] =	ssyncset.done $0x0  }
0x14: {  	s14 =	simm.s32 $0x0;
	[sflag:s8] =	ssyncadd.s32 $0xFFFFF830  }
0x15: {  	v1 =	vld [tilespmem:s14+$0x18700];
	_ =	sdelay $0x4  }
0x16: {  	(xrf1) =	vunique.msk.u32 $0xffff, v1;
	_ =	sdelay $0xd  }
0x17: {  	v0 =	vld.idx.msk [tilespmem:v1+s3+$0x0], $0xffff;
	_, v2, vm0 =	vpop (xrf1);
	_ =	sdelay $0x4  }
0x18: {  	v2 =	vadd.s32 v0, v2  }
0x19: {  	s16 =	simm.s32 $0x10;
	s15 =	simm.s32 $0x80;
	v0 =	vadd.s32 $0xFFFFFFFF, v2;
	[tilespmem:v1+s3+$0x0] =	vst.idx.msk vm0, v2  }
.LBB2_3:
0x1a: {  	p0 =	sne.s32 s15, $0x1F00;
	v1 =	vld [tilespmem:s16+$0x18700];
	[tilespmem:s14+$0x18F00] =	vst v0;
	s17 =	smov.u32 s15;
	s15 =	sadd.s32 $0x40, s15  }
0x1b: {  	s14 =	smov.u32 s16;
	_ =	sdelay $0x3  }
0x1c: {  	(xrf1) =	vunique.msk.u32 $0xffff, v1;
	_ =	sdelay $0xc  }
0x1d: {  	v0 =	vld.idx.msk [tilespmem:v1+s3+$0x0], $0xffff  }
0x1e: {  	_, v2, vm0 =	vpop (xrf1);
	_ =	sdelay $0x1  }
.Ltmp0:
0x1f: {  	(pc) =	sbr.rel @p0 .LBB2_3-.Ltmp0, $3  }
0x20: {  	_ =	sdelay $0x1  }
0x21: {  	v2 =	vadd.s32 v0, v2  }
0x22: {  	s16 =	sshra.s32 s17, $0x2;
	v0 =	vadd.s32 $0xFFFFFFFF, v2;
	[tilespmem:v1+s3+$0x0] =	vst.idx.msk vm0, v2  }
0x23: {  	v1 =	vld [tilespmem:s16+$0x18700];
	_ =	sdelay $0x4  }
0x24: {  	(xrf1) =	vunique.msk.u32 $0xffff, v1;
	_ =	sdelay $0xc  }
0x25: {  	[tilespmem:s14+$0x18F00] =	vst v0  }
0x26: {  	v0 =	vld.idx.msk [tilespmem:v1+s3+$0x0], $0xffff;
	_, v2, vm0 =	vpop (xrf1);
	_ =	sdelay $0x4  }
0x27: {  	s12 =	sadd.s32 $0x1, s12;
	v0 =	vadd.s32 v0, v2  }
0x28: {  	p0 =	sne.s32 s12, $0x32;
	v2 =	vadd.s32 $0xFFFFFFFF, v0;
	[tilespmem:v1+s3+$0x0] =	vst.idx.msk vm0, v0  }
.Ltmp1:
0x29: {  	s13 =	sadd.s32 s5, s13;
	[tilespmem:s16+$0x18F00] =	vst v2;
	(pc) =	sbr.rel @p0 .LBB2_2-.Ltmp1, $4  }
0x2a: {  	[hbm4b:s13+s3] =	stream.linear.scatter [tilespmem:s10], [sflag:$0x1], $0x7D0, $0x38;
	[tilespmem:$0x19700] =	vst v63  }
0x2b: {  	_ =	swait.ge [sflag:s8], $0x7D0  }
0x2c: {  	[sflag:s8] =	ssyncset.done $0x0  }
0x2d: {  	[sflag:s8] =	ssyncadd.s32 $0xFFFFF830  }
0x2e: {  	s11 =	sadd.s32 $0x1, s11  }
0x2f: {  	p0 =	sne.s32 s11, s7  }
.Ltmp2:
0x30: {  	_ = 	snop;
	(pc) =	sbr.rel @p0 .LBB2_1-.Ltmp2, $1  }
0x31: {  	_ =	sdelay $0x3  }
0x32: {  	_ =	sfence.sel $0x180000  }
0x33: {  	[bflag:$0x0] =	sbarrier.arrive $0xFFFF  }
0x34: {  	p0 =	sne.s32 s0, $0x0;
	_ =	strace $0x9000004A  }
0x35: {  	s0 =	sadd.s32 @!p0 $0x100000, s1;
	[bflag:$0x2] =	sbarrier.arrive $0xFFFF  }
0x36: {  	[sflag:s0] =	ssyncadd.tile.s32 @!p0 $0x1;
	_ =	shalt  }
.Lfunc_end2:
_tile_overlayer_lowered:
.L_overlay_start_2:
0x37: {  	(tag) =	ssettag $0x2  }
0x38: {  	s0 =	rddreg [dreg:$0x0];
	s2 =	stileid.u32  }
0x39: {  	s1 =	rddreg [dreg:$0x1];
	p0 =	sne.s32 s2, $0x0  }
0x3a: {  	s3 =	rddreg [dreg:$0x2];
	[bflag:$0x3] =	sbarrier.arrive $0xFFFF;
	s2 =	simm.s32 @!p0 $0x1C01  }
0x3b: {  	[timem:s3], [sflag:s2] =	dma.local @!p0 [hbm:s0], s1  }
0x3c: {  	s0 =	simm.s32 @!p0 $0x1  }
0x3d: {  	_ =	swait.ge @!p0 [sflag:s0], s1  }
0x3e: {  	s1 =	ssub.s32 @!p0 $0x0, s1;
	[sflag:s0] =	ssyncset.done @!p0 $0x0  }
0x3f: {  	[sflag:s0] =	ssyncadd.s32 @!p0 s1  }
0x40: {  	[bflag:$0x3] =	sbarrier.arrive $0xFFFF  }
0x41: {  	_ =	shalt  }

// kernel: kernel.16.cloned.1.call-start
scs
__scs_entry_jumppad:
0x0: {  	(pc) =	sbr.rel $0x88, $3  }
0x1: {  	(tag) =	ssettag $0x0;
	lr =	simm.s32 $0x1  }
0x2: {  	[smem:$0x3F9F] =	sst lr;
	_ =	strace $0xD0000000  }
0x3: {  	_ = 	snop  }
0x4: {  	_ = 	snop  }
0x5: {  	_ = 	snop  }
0x6: {  	_ = 	snop  }
0x7: {  	_ = 	snop  }
__scs_overlays_trampoline_lowered:
0x8: {  	[smem:$0x3FAE] =	sst s0  }
0x9: {  	[smem:$0x3FAF] =	sst s1  }
0xa: {  	[smem:$0x3FB0] =	sst s2  }
0xb: {  	[smem:$0x3FB1] =	sst s3  }
0xc: {  	[smem:$0x3FB2] =	sst s4  }
0xd: {  	[smem:$0x3FB3] =	sst s5  }
0xe: {  	[smem:$0x3FB4] =	sst s6  }
0xf: {  	[smem:$0x3FB5] =	sst s7  }
0x10: {  	[smem:$0x3FB6] =	sst s8  }
0x11: {  	[smem:$0x3FB7] =	sst s9;
	s0 =	simm.s32 @!p0 $0x0  }
0x12: {  	s1 =	sld [smem:$0x3F9D];
	s0 =	simm.s32 @p0 $0x1  }
0x13: {  	[smem:$0x3FB8] =	sst s0;
	s0 =	simm.s32 @!p1 $0x0  }
0x14: {  	s2 =	sld [smem:$0x3F9C];
	s0 =	simm.s32 @p1 $0x1  }
0x15: {  	[smem:$0x3FB9] =	sst s0;
	s0 =	simm.s32 @!p2 $0x0  }
0x16: {  	s3 =	sld [smem:$0x3FDB];
	s0 =	simm.s32 @p2 $0x1  }
0x17: {  	s4 =	simm.s32 $0x1BF5;
	[smem:$0x3FBB] =	sst s0  }
0x18: {  	s0 =	sld [smem:$0x3F9E];
	_ =	swait.ge [sflag:s4], $0x0  }
0x19: {  	s7 =	sld [smem:$0x3F9F]  }
0x1a: {  	s8 =	sadd.s32 $0xFFFFE003, lr  }
0x1b: {  	s9 =	sadd.s32 $0xFFFFFEF7, lr;
	s5 =	simm.s32 $0xFFFFFFFF;
	p2 =	slt.u32 s8, $0xFFFFF086  }
0x1c: {  	p1 =	slt.u32 s9, $0xF7A;
	s5 =	simm.s32 @!p2 $0x0  }
0x1d: {  	s5 =	simm.s32 @p1 $0x1;
	p0 =	seq.s32 s7, s2  }
0x1e: {  	s7 =	smul.u32 @!p0 $0xF7A, s2;
	p2 =	seq.s32 @!p0 s5, $0x0  }
0x1f: {  	s9 =	smul.u32 $0xF7A, s1;
	s8 =	simm.s32 @!p0 $0x1BF5;
	p2 =	por !p2, p0  }
0x20: {  	[sflag:s8] =	ssyncset.s32 @!p0 $0xFFFFF086;
	s6 =	sadd.s32 @!p0 s3, s7;
	s7 =	simm.s32 @!p0 $0x108  }
0x21: {  	s3 =	sadd.s32 s3, s9;
	s6 =	sadd.s32 @!p0 $0x88, s6;
	s7 =	simm.s32 @p2 $0x1082  }
0x22: {  	[simem:s7], [sflag:s8] =	dma.local @!p0 [hbm:s6], $0xF7A  }
0x23: {  	s9 =	sor.u32 $0xD0000000, s2;
	s6 =	simm.s32 $0x108;
	_ =	swait.ge @!p0 [sflag:s8], $0x0  }
0x24: {  	s3 =	sadd.s32 $0x88, s3;
	s6 =	simm.s32 @!p1 $0x1082;
	[sflag:s4] =	ssyncset.s32 $0xFFFFF086  }
0x25: {  	[simem:s6], [sflag:s4] =	dma.local [hbm:s3], $0xF7A  }
0x26: {  	[smem:$0x3F9F] =	sst s1;
	(tag) =	ssettag s2;
	_ =	strace s9  }
0x27: {  	s1 =	sld [smem:$0x3FAF]  }
0x28: {  	s2 =	sld [smem:$0x3FB0]  }
0x29: {  	s4 =	sld [smem:$0x3FB2]  }
0x2a: {  	p0 =	seq.s32 s5, $0x0;
	s5 =	sld [smem:$0x3FB3]  }
0x2b: {  	s6 =	sld [smem:$0x3FB4]  }
0x2c: {  	s7 =	sld [smem:$0x3FB5]  }
0x2d: {  	s3 =	simm.s32 $0x108;
	s8 =	sld [smem:$0x3FB6]  }
0x2e: {  	s3 =	simm.s32 @!p0 $0x1082;
	s9 =	sld [smem:$0x3FB7]  }
0x2f: {  	lr =	sadd.s32 s0, s3;
	s0 =	sld [smem:$0x3FAE]  }
0x30: {  	s3 =	sld [smem:$0x3FB1]  }
0x31: {  	[smem:$0x3FBA] =	sst s10  }
0x32: {  	s10 =	sld [smem:$0x3FB8];
	_ =	sdelay $0x3  }
0x33: {  	p0 =	seq.s32 s10, $0x1;
	s10 =	sld [smem:$0x3FBA];
	_ =	sdelay $0x3  }
0x34: {  	[smem:$0x3FBA] =	sst s10  }
0x35: {  	s10 =	sld [smem:$0x3FB9];
	_ =	sdelay $0x3  }
0x36: {  	p1 =	seq.s32 s10, $0x1;
	s10 =	sld [smem:$0x3FBA];
	_ =	sdelay $0x3  }
0x37: {  	[smem:$0x3FBA] =	sst s10  }
0x38: {  	s10 =	sld [smem:$0x3FBB]  }
0x39: {  	_ = 	snop;
	(pc) =	sbr.ind lr, $3  }
0x3a: {  	_ = 	snop  }
0x3b: {  	_ = 	snop  }
0x3c: {  	p2 =	seq.s32 s10, $0x1;
	s10 =	sld [smem:$0x3FBA]  }
0x3d: {  	_ =	shalt  }
0x3e: {  	_ =	shalt  }
0x3f: {  	_ =	shalt  }
0x40: {  	_ =	shalt  }
0x41: {  	_ =	shalt  }
0x42: {  	_ =	shalt  }
0x43: {  	_ =	shalt  }
0x44: {  	_ =	shalt  }
0x45: {  	_ =	shalt  }
0x46: {  	_ =	shalt  }
0x47: {  	_ =	shalt  }
0x48: {  	_ =	shalt  }
0x49: {  	_ =	shalt  }
0x4a: {  	_ =	shalt  }
0x4b: {  	_ =	shalt  }
0x4c: {  	_ =	shalt  }
0x4d: {  	_ =	shalt  }
0x4e: {  	_ =	shalt  }
0x4f: {  	_ =	shalt  }
0x50: {  	_ =	shalt  }
0x51: {  	_ =	shalt  }
0x52: {  	_ =	shalt  }
0x53: {  	_ =	shalt  }
0x54: {  	_ =	shalt  }
0x55: {  	_ =	shalt  }
0x56: {  	_ =	shalt  }
0x57: {  	_ =	shalt  }
0x58: {  	_ =	shalt  }
0x59: {  	_ =	shalt  }
0x5a: {  	_ =	shalt  }
0x5b: {  	_ =	shalt  }
0x5c: {  	_ =	shalt  }
0x5d: {  	_ =	shalt  }
0x5e: {  	_ =	shalt  }
0x5f: {  	_ =	shalt  }
0x60: {  	_ =	shalt  }
0x61: {  	_ =	shalt  }
0x62: {  	_ =	shalt  }
0x63: {  	_ =	shalt  }
0x64: {  	_ =	shalt  }
0x65: {  	_ =	shalt  }
0x66: {  	_ =	shalt  }
0x67: {  	_ =	shalt  }
0x68: {  	_ =	shalt  }
0x69: {  	_ =	shalt  }
0x6a: {  	_ =	shalt  }
0x6b: {  	_ =	shalt  }
0x6c: {  	_ =	shalt  }
0x6d: {  	_ =	shalt  }
0x6e: {  	_ =	shalt  }
0x6f: {  	_ =	shalt  }
0x70: {  	_ =	shalt  }
0x71: {  	_ =	shalt  }
0x72: {  	_ =	shalt  }
0x73: {  	_ =	shalt  }
0x74: {  	_ =	shalt  }
0x75: {  	_ =	shalt  }
0x76: {  	_ =	shalt  }
0x77: {  	_ =	shalt  }
0x78: {  	_ =	shalt  }
0x79: {  	_ =	shalt  }
0x7a: {  	_ =	shalt  }
0x7b: {  	_ =	shalt  }
0x7c: {  	_ =	shalt  }
0x7d: {  	_ =	shalt  }
0x7e: {  	_ =	shalt  }
0x7f: {  	_ =	shalt  }
0x80: {  	_ =	shalt  }
0x81: {  	_ =	shalt  }
0x82: {  	_ =	shalt  }
0x83: {  	_ =	shalt  }
0x84: {  	_ =	shalt  }
0x85: {  	_ =	shalt  }
0x86: {  	_ =	shalt  }
0x87: {  	_ =	shalt  }
.Lfunc_end0:
.L_simem_size_0:
called_computation.4_lowered:
.L_overlay_start_0:
0x88: {  	s2 =	sld [smem:$0x3FD9]  }
0x89: {  	s3 =	sld [smem:$0x3FFE];
	_ =	sdelay $0x1  }
0x8a: {  	s1 =	srdreg.scid  }
0x8b: {  	s0 =	sand.u32 $0x1, s1  }
0x8c: {  	s15 =	sshll.u32 s0, $0xA;
	s2 =	sadd.s32 s3, s2  }
0x8d: {  	s2 =	sadd.s32 s2, s15  }
0x8e: {  	[smem:$0x3FC6] =	sst s2  }
0x8f: {  	_ = 	snop  }
0x90: {  	s2 =	sld [smem:$0x3FD0];
	_ =	sdelay $0x2  }
0x91: {  	s16 =	simm.s32 $0xB;
	s4 =	simm.s32 $0x10  }
0x92: {  	[smem:s4], [sflag:s16] =	dma.local [hbm:s2], $0x1  }
0x93: {  	_ =	swait.eq [sflag:s16], $0x1  }
0x94: {  	[sflag:s16] =	ssyncset.done $0x0  }
0x95: {  	[sflag:s16] =	ssyncadd.s32 $0xFFFFFFFF  }
0x96: {  	s17 =	sld [smem:$0x10];
	(tm) =	ssettm $0x1  }
0x97: {  	s18 =	sld [smem:$0x3FFB];
	_ =	sdelay $0x3  }
0x98: {  	_ =	strace s18  }
0x99: {  	s2 =	sld [smem:$0x3FFC];
	_ =	sdelay $0x3  }
0x9a: {  	_ =	strace s2  }
0x9b: {  	s2 =	sld [smem:$0x3FFD];
	_ =	sdelay $0x3  }
0x9c: {  	_ =	strace s2  }
0x9d: {  	_ =	strace $0x8FFFFFFF  }
0x9e: {  	s19 =	sld [smem:$0x3FDB];
	_ =	sdelay $0x1  }
0x9f: {  	s20 =	simm.s32 $_scs_section_size  }
0xa0: {  	s5 =	simm.s32 $_size__tile_overlayer_lowered;
	s6 =	simm.s32 $_tile_overlayer_lowered  }
0xa1: {  	s7 =	simm.s32 $0x1BFF;
	s21 =	sshll.u32 s6, $0x1;
	s4 =	sadd.s32 s20, s19  }
0xa2: {  	s22 =	simm.s32 $0x0;
	s5 =	sshll.u32 s5, $0x1;
	s6 =	sadd.s32 s21, s4  }
0xa3: {  	[timem:s22], [sflag:s7] =	dma.local [hbm:s6], s5  }
0xa4: {  	_ =	swait.ge [sflag:s7], s5  }
0xa5: {  	s5 =	ssub.s32 $0x0, s5;
	[sflag:s7] =	ssyncset.done $0x0  }
0xa6: {  	[sflag:s7] =	ssyncadd.s32 s5;
	_ =	sdelay $0x1  }
0xa7: {  	s23 =	simm.s32 $0x1B8B  }
0xa8: {  	_ =	swait.ge [sflag:s23], $0x1  }
0xa9: {  	[sflag:s23] =	ssyncset.done $0x0  }
0xaa: {  	[sflag:s23] =	ssyncadd.s32 $0xFFFFFFFF  }
0xab: {  	s5 =	sld [smem:$0x0]  }
0xac: {  	s6 =	sand.u32 $0xFFFFFFFE, s1  }
0xad: {  	p0 =	sne.s32 s1, s6  }
0xae: {  	s6 =	sshll.u32 @p0 s6, $0xE  }
0xaf: {  	s6 =	sadd.s32 @p0 $0x11B8D, s6;
	s7 =	sshll.u32 @p0 s5, $0x11  }
0xb0: {  	s6 =	sor.u32 @p0 s7, s6  }
0xb1: {  	[sflag:s6] =	ssyncadd.remote.s32 @p0 $0x1;
	_ =	sdelay $0x1  }
0xb2: {  	s6 =	simm.s32 @p0 $0x1B8D  }
0xb3: {  	_ =	swait.eq @p0 [sflag:s6], $0x1  }
0xb4: {  	[sflag:s6] =	ssyncadd.s32 @p0 $0xFFFFFFFF  }
0xb5: {  	s7 =	sshll.u32 @!p0 s1, $0xE  }
0xb6: {  	s7 =	sor.u32 @!p0 $0x4000, s7;
	s6 =	simm.s32 @!p0 $0x1B8D  }
0xb7: {  	s5 =	sshll.u32 @!p0 s5, $0x11;
	s7 =	sadd.s32 @!p0 $0x11B8D, s7;
	_ =	swait.eq @!p0 [sflag:s6], $0x1  }
0xb8: {  	s5 =	sor.u32 @!p0 s5, s7;
	[sflag:s6] =	ssyncadd.s32 @!p0 $0xFFFFFFFF  }
0xb9: {  	s25 =	simm.s32 $0x1B8E;
	s24 =	sld [smem:$0x3FFE];
	[sflag:s5] =	ssyncadd.remote.s32 @!p0 $0x1  }
0xba: {  	s26 =	simm.s32 $execute0_lowered;
	[smem:$0x3FD2] =	sst s25  }
0xbb: {  	s6 =	sshll.u32 s26, $0x1;
	_ =	strace $0x8000004F;
	[dreg:$0x1] =	wrdreg $0xFFFFFFFF  }
0xbc: {  	s28 =	simm.s32 $_size_execute0_lowered;
	s4 =	sadd.s32 s4, s6;
	[dreg:$0x0] =	wrdreg $0x0  }
0xbd: {  	s6 =	sshll.u32 s28, $0x1;
	[dreg:$0x2] =	wrdreg s4  }
0xbe: {  	[dreg:$0x3] =	wrdreg s6  }
0xbf: {  	[dreg:$0x4] =	wrdreg $0xC0  }
0xc0: {  	_ =	task [dreg:s22], $0x5FFFF  }
0xc1: {  	[dreg:$0x1] =	wrdreg $0xFFFFFFFF  }
0xc2: {  	[dreg:$0x0] =	wrdreg $0x60  }
0xc3: {  	[dreg:$0x2] =	wrdreg s24  }
0xc4: {  	[dreg:$0x3] =	wrdreg s17  }
0xc5: {  	[dreg:$0x4] =	wrdreg $0x0  }
0xc6: {  	[dreg:$0x5] =	wrdreg $0xA  }
0xc7: {  	_ =	task.clear_ibuf [dreg:s22], $0x6FFFF;
	_ =	strace $0x9000004F  }
0xc8: {  	s29 =	simm.s32 $0xA;
	_ =	strace $0x80000051  }
0xc9: {  	_ =	swait.ge [sflag:s29], $0x1  }
0xca: {  	[sflag:s29] =	ssyncadd.s32 $0xFFFFFFFF  }
0xcb: {  	_ =	strace $0x90000051  }
0xcc: {  	_ =	sfence  }
0xcd: {  	s30 =	sld [smem:$0x0];
	_ =	sdelay $0x2  }
0xce: {  	s31 =	sshll.u32 s1, $0xD;
	s1 =	sshrl.u32 s1, $0x2  }
0xcf: {  	s4 =	sand.u32 $0x4000, s31;
	s1 =	sadd.s32 s1, s30  }
0xd0: {  	s0 =	sor.u32 s4, s0;
	s1 =	sshll.u32 s1, $0x11  }
0xd1: {  	s0 =	sor.u32 s1, s0  }
0xd2: {  	s0 =	sadd.s32 $0x8F2B, s0  }
0xd3: {  	[sflag:s0] =	ssyncadd.remote.s32 $0x1  }
0xd4: {  	_ =	sfence.sel $0xFFFF  }
0xd5: {  	[dreg:$0x0] =	wrdreg $0xFFFFFFFF;
	(pc) =	sbr.abs _section_cstart, $3  }
0xd6: {  	[dreg:$0x1] =	wrdreg $0xFFFFFFFF  }
0xd7: {  	_ =	task.clear_ibuf [dreg:s22], $0x2FFFF;
	_ =	strace $0x9FFFFFFF  }
0xd8: {  	(tm) =	ssettm $0x7FFFFFFF  }
0xd9: {  	_ =	shalt  }
tec
execute0_lowered:
.L_overlay_start_1:
0x0: {  	(tag) =	ssettag $0x1  }
0x1: {  	s0 =	rddreg [dreg:$0x0]  }
0x2: {  	s9 =	rddreg [dreg:$0x1]  }
0x3: {  	s1 =	rddreg [dreg:$0x2]  }
0x4: {  	s3 =	simm.s32 $0x0;
	s2 =	srdreg.scid;
	s11 =	simm.s32 $0x2  }
0x5: {  	s12 =	simm.s32 $0x7D0;
	s13 =	simm.s32 $0x18EA8;
	s14 =	simm.s32 $0x1AEA8  }
0x6: {  	s15 =	simm.s32 $0x196A8;
	s16 =	simm.s32 $0x1B6A8;
	s17 =	simm.s32 $0x19EA8  }
0x7: {  	s18 =	simm.s32 $0x1BEA8;
	s19 =	simm.s32 $0x1A6A8;
	s6 =	sand.u32 $0x1, s2  }
0x8: {  	s20 =	simm.s32 $0x1C6A8;
	s2 =	stileid.u32;
	s21 =	smul.u32 $0x186A00, s6  }
0x9: {  	[smem:$0x7FF] =	sst s3;
	s4 =	sadd.s32 $0x61E00, s0;
	s7 =	smul.u32 $0x186A0, s2  }
0xa: {  	_ =	strace $0x80000050;
	s5 =	ssub.s32 $0x2, s6;
	s8 =	smul.u32 $0x61A80, s2  }
0xb: {  	s22 =	sor.u32 s2, s6;
	s6 =	sadd.s32 $0x61A80, s9;
	s30 =	sshrl.u32 s5, $0x1  }
0xc: {  	p0 =	sne.s32 s22, $0x0;
	s22 =	simm.s32 $0x0;
	s0 =	ssub.s32 s5, s30  }
0xd: {  	s5 =	sshll.u32 s2, $0x1;
	s8 =	sshrl.u32 s8, $0x2;
	s10 =	sadd.s32 s7, s21  }
0xe: {  	v0 =	vmov s21;
	s21 =	simm.s32 $0x1CEA8;
	s7 =	smax.u32 s0, $0x1;
	s31 =	sshrl.u32 s10, $0x3  }
0xf: {  	v1 =	vlaneseq.u32;
	s8 =	sadd.s32 s8, s1;
	s10 =	simm.s32 $0x1;
	s9 =	sadd.s32 s31, s9  }
.LBB2_1:
0x10: {  	s23 =	simm.s32 $0x0  }
.LBB2_2:
0x11: {  	p1 =	sgt.u32 s23, $0xC;
	s0 =	simm.s32 $0x1  }
0x12: {  	s24 =	sshll.u32 s23, $0x2;
	s0 =	simm.s32 @!p1 $0x0  }
0x13: {  	p2 =	slt.u32 s23, $0xD;
	s26 =	sadd.s32 $0xFFFFFFCE, s24;
	s0 =	sor.u32 s0, s5  }
0x14: {  	p1 =	seq.s32 s23, $0x0;
	s26 =	smov.u32 @p2 s24;
	s25 =	smul.u32 $0x186A0, s0  }
0x15: {  	s0 =	simm.s32 @!p1 $0x1;
	s26 =	smul.u32 $0x7D0, s26  }
0x16: {  	_ =	swait.ge @!p1 [sflag:s0], $0x7D0  }
0x17: {  	[sflag:s0] =	ssyncset.done @!p1 $0x0;
	s26 =	sadd.s32 s26, s25  }
0x18: {  	[sflag:s0] =	ssyncadd.s32 @!p1 $0xFFFFF830;
	s0 =	sshrl.u32 s26, $0x3  }
0x19: {  	s28 =	simm.s32 $0x0;
	s29 =	simm.s32 $0x186A8;
	s0 =	sadd.s32 s4, s0  }
0x1a: {  	[tilespmem:s29], [sflag:$0x2] =	stream.linear.gather [hbm4b:s0+s28], $0x7D0, $0x38;
	[tilespmem:$0x1D6A8] =	vst v63  }
0x1b: {  	_ =	swait.ge [sflag:s11], $0x7D0  }
0x1c: {  	[sflag:s11] =	ssyncset.done $0x0  }
0x1d: {  	[sflag:s11] =	ssyncadd.s32 $0xFFFFF830  }
0x1e: {  	v2 =	vld [tilespmem:s29+$0x0];
	_ =	sdelay $0x4  }
0x1f: {  	v2 =	vsub.s32 v2, v0  }
0x20: {  	s28 =	simm.s32 $0x18EA8;
	s0 =	sadd.s32 $0x0, s26;
	v2 =	vmin.u32 v2, $0x186A00  }
0x21: {  	s29 =	simm.s32 $0x1AEA8;
	[tilespmem:s28+$0x0] =	vst v2;
	v2 =	vor.u32 s0, v1  }
0x22: {  	s30 =	simm.s32 $0x186B8;
	[tilespmem:s29+$0x0] =	vst v2  }
0x23: {  	v2 =	vld [tilespmem:s30+$0x0]  }
0x24: {  	s31 =	simm.s32 $0x10;
	s0 =	simm.s32 $0x20  }
.LBB2_3:
0x25: {  	p2 =	sne.s32 s0, $0x7C0;
	_ =	sdelay $0x2  }
0x26: {  	v2 =	vsub.s32 v2, v0  }
.Ltmp0:
0x27: {  	s31 =	sadd.s32 s26, s31;
	s28 =	sadd.s32 $0x10, s28;
	v2 =	vmin.u32 v2, $0x186A00;
	(pc) =	sbr.rel @p2 .LBB2_3-.Ltmp0, $4  }
0x28: {  	s29 =	sadd.s32 $0x10, s29;
	[tilespmem:s28+$0x0] =	vst v2;
	v2 =	vor.u32 s31, v1;
	s31 =	smov.u32 s0  }
0x29: {  	s30 =	sadd.s32 $0x10, s30;
	[tilespmem:s29+$0x0] =	vst v2  }
0x2a: {  	v2 =	vld [tilespmem:s30+$0x0]  }
0x2b: {  	s0 =	sadd.s32 $0x10, s0  }
0x2c: {  	_ =	sdelay $0x1  }
0x2d: {  	s0 =	sor.u32 $0x1, s24  }
0x2e: {  	s30 =	smulhi.u32 $0x51EB851F, s0;
	v2 =	vsub.s32 v2, v0  }
0x2f: {  	s26 =	sadd.s32 s26, s31;
	s28 =	sadd.s32 $0x10, s28;
	v2 =	vmin.u32 v2, $0x186A00  }
0x30: {  	s31 =	sadd.s32 $0x10, s29;
	[tilespmem:s28+$0x0] =	vst v2;
	v2 =	vor.u32 s26, v1;
	s28 =	sshrl.u32 s30, $0x4  }
0x31: {  	[tilespmem:s31+$0x0] =	vst v2;
	s31 =	smul.u32 $0x32, s28;
	_ =	sdelay $0x1  }
0x32: {  	s0 =	ssub.s32 s0, s31  }
0x33: {  	s26 =	simm.s32 @!p1 $0x1;
	s0 =	smul.u32 $0x7D0, s0  }
0x34: {  	[spmem:s1] =	stream.indirect.scatter [tilespmem:s14], [sflag:$0x1], $0x1, s13, s12, $0xb8;
	[tilespmem:$0x1D6A8] =	vst v63  }
0x35: {  	_ =	swait.ge @!p1 [sflag:s26], $0x7D0;
	s25 =	sadd.s32 s0, s25  }
0x36: {  	s28 =	simm.s32 $0x186A8;
	[sflag:s26] =	ssyncset.done @!p1 $0x0;
	s0 =	sshrl.u32 s25, $0x3  }
0x37: {  	s31 =	simm.s32 $0x0;
	[sflag:s26] =	ssyncadd.s32 @!p1 $0xFFFFF830;
	s0 =	sadd.s32 s4, s0  }
0x38: {  	[tilespmem:s28], [sflag:$0x2] =	stream.linear.gather [hbm4b:s0+s31], $0x7D0, $0x38;
	[tilespmem:$0x1D6A8] =	vst v63  }
0x39: {  	_ =	swait.ge [sflag:s11], $0x7D0  }
0x3a: {  	[sflag:s11] =	ssyncset.done $0x0  }
0x3b: {  	[sflag:s11] =	ssyncadd.s32 $0xFFFFF830  }
0x3c: {  	v2 =	vld [tilespmem:s28+$0x0];
	_ =	sdelay $0x4  }
0x3d: {  	v2 =	vsub.s32 v2, v0  }
0x3e: {  	s26 =	simm.s32 $0x196A8;
	s31 =	sadd.s32 $0x0, s25;
	v2 =	vmin.u32 v2, $0x186A00  }
0x3f: {  	s28 =	simm.s32 $0x1B6A8;
	[tilespmem:s26+$0x0] =	vst v2;
	v2 =	vor.u32 s31, v1  }
0x40: {  	s29 =	simm.s32 $0x186B8;
	[tilespmem:s28+$0x0] =	vst v2  }
0x41: {  	v2 =	vld [tilespmem:s29+$0x0]  }
0x42: {  	s30 =	simm.s32 $0x10;
	s0 =	simm.s32 $0x20  }
.LBB2_5:
0x43: {  	p2 =	sne.s32 s0, $0x7C0;
	_ =	sdelay $0x2  }
0x44: {  	v2 =	vsub.s32 v2, v0  }
.Ltmp1:
0x45: {  	s30 =	sadd.s32 s25, s30;
	s26 =	sadd.s32 $0x10, s26;
	v2 =	vmin.u32 v2, $0x186A00;
	(pc) =	sbr.rel @p2 .LBB2_5-.Ltmp1, $4  }
0x46: {  	s28 =	sadd.s32 $0x10, s28;
	[tilespmem:s26+$0x0] =	vst v2;
	v2 =	vor.u32 s30, v1;
	s30 =	smov.u32 s0  }
0x47: {  	s29 =	sadd.s32 $0x10, s29;
	[tilespmem:s28+$0x0] =	vst v2  }
0x48: {  	v2 =	vld [tilespmem:s29+$0x0]  }
0x49: {  	s0 =	sadd.s32 $0x10, s0  }
0x4a: {  	_ =	sdelay $0x2  }
0x4b: {  	v2 =	vsub.s32 v2, v0  }
0x4c: {  	s0 =	sadd.s32 s25, s30;
	s26 =	sadd.s32 $0x10, s26;
	v2 =	vmin.u32 v2, $0x186A00  }
0x4d: {  	s31 =	sadd.s32 $0x10, s28;
	s25 =	sor.u32 $0x2, s24;
	[tilespmem:s26+$0x0] =	vst v2;
	v2 =	vor.u32 s0, v1  }
0x4e: {  	s26 =	smulhi.u32 $0x51EB851F, s25;
	[tilespmem:s31+$0x0] =	vst v2  }
0x4f: {  	[spmem:s1] =	stream.indirect.scatter [tilespmem:s16], [sflag:$0x1], $0x1, s15, s12, $0xb8;
	[tilespmem:$0x1D6A8] =	vst v63  }
0x50: {  	s0 =	sshrl.u32 s26, $0x4  }
0x51: {  	s31 =	smul.u32 $0x32, s0  }
0x52: {  	s0 =	sadd.s32 s5, s0  }
0x53: {  	s0 =	smul.u32 $0x186A0, s0;
	s25 =	ssub.s32 s25, s31  }
0x54: {  	s25 =	smul.u32 $0x7D0, s25  }
0x55: {  	s26 =	simm.s32 @!p1 $0x1  }
0x56: {  	_ =	swait.ge @!p1 [sflag:s26], $0x7D0;
	s25 =	sadd.s32 s25, s0  }
0x57: {  	s28 =	simm.s32 $0x186A8;
	[sflag:s26] =	ssyncset.done @!p1 $0x0;
	s0 =	sshrl.u32 s25, $0x3  }
0x58: {  	[sflag:s26] =	ssyncadd.s32 @!p1 $0xFFFFF830;
	s31 =	simm.s32 $0x0;
	s0 =	sadd.s32 s4, s0  }
0x59: {  	[tilespmem:s28], [sflag:$0x2] =	stream.linear.gather [hbm4b:s0+s31], $0x7D0, $0x38;
	[tilespmem:$0x1D6A8] =	vst v63  }
0x5a: {  	_ =	swait.ge [sflag:s11], $0x7D0  }
0x5b: {  	[sflag:s11] =	ssyncset.done $0x0  }
0x5c: {  	[sflag:s11] =	ssyncadd.s32 $0xFFFFF830  }
0x5d: {  	v2 =	vld [tilespmem:s28+$0x0];
	_ =	sdelay $0x4  }
0x5e: {  	v2 =	vsub.s32 v2, v0  }
0x5f: {  	s26 =	simm.s32 $0x19EA8;
	s31 =	sadd.s32 $0x0, s25;
	v2 =	vmin.u32 v2, $0x186A00  }
0x60: {  	s28 =	simm.s32 $0x1BEA8;
	[tilespmem:s26+$0x0] =	vst v2;
	v2 =	vor.u32 s31, v1  }
0x61: {  	s29 =	simm.s32 $0x186B8;
	[tilespmem:s28+$0x0] =	vst v2  }
0x62: {  	v2 =	vld [tilespmem:s29+$0x0]  }
0x63: {  	s30 =	simm.s32 $0x10;
	s0 =	simm.s32 $0x20  }
.LBB2_7:
0x64: {  	p2 =	sne.s32 s0, $0x7C0;
	_ =	sdelay $0x2  }
0x65: {  	v2 =	vsub.s32 v2, v0  }
.Ltmp2:
0x66: {  	s30 =	sadd.s32 s25, s30;
	s26 =	sadd.s32 $0x10, s26;
	v2 =	vmin.u32 v2, $0x186A00;
	(pc) =	sbr.rel @p2 .LBB2_7-.Ltmp2, $4  }
0x67: {  	s28 =	sadd.s32 $0x10, s28;
	[tilespmem:s26+$0x0] =	vst v2;
	v2 =	vor.u32 s30, v1;
	s30 =	smov.u32 s0  }
0x68: {  	s29 =	sadd.s32 $0x10, s29;
	[tilespmem:s28+$0x0] =	vst v2  }
0x69: {  	v2 =	vld [tilespmem:s29+$0x0]  }
0x6a: {  	s0 =	sadd.s32 $0x10, s0  }
0x6b: {  	_ =	sdelay $0x1  }
0x6c: {  	s24 =	sor.u32 $0x3, s24  }
0x6d: {  	s0 =	sadd.s32 s25, s30;
	s30 =	smulhi.u32 $0x51EB851F, s24;
	v2 =	vsub.s32 v2, v0  }
0x6e: {  	s31 =	sadd.s32 $0x10, s26;
	v2 =	vmin.u32 v2, $0x186A00  }
0x6f: {  	[tilespmem:s31+$0x0] =	vst v2;
	v2 =	vor.u32 s0, v1;
	s0 =	sshrl.u32 s30, $0x4  }
0x70: {  	s31 =	smul.u32 $0x32, s0  }
0x71: {  	s0 =	sadd.s32 s5, s0  }
0x72: {  	s26 =	sadd.s32 $0x10, s28;
	s0 =	smul.u32 $0x186A0, s0;
	s24 =	ssub.s32 s24, s31  }
0x73: {  	s25 =	simm.s32 @!p1 $0x1;
	[tilespmem:s26+$0x0] =	vst v2;
	s24 =	smul.u32 $0x7D0, s24  }
0x74: {  	[spmem:s1] =	stream.indirect.scatter [tilespmem:s18], [sflag:$0x1], $0x1, s17, s12, $0xb8;
	[tilespmem:$0x1D6A8] =	vst v63  }
0x75: {  	_ =	swait.ge @!p1 [sflag:s25], $0x7D0;
	s24 =	sadd.s32 s24, s0  }
0x76: {  	s30 =	simm.s32 $0x186A8;
	[sflag:s25] =	ssyncset.done @!p1 $0x0;
	s0 =	sshrl.u32 s24, $0x3  }
0x77: {  	s26 =	simm.s32 $0x0;
	[sflag:s25] =	ssyncadd.s32 @!p1 $0xFFFFF830;
	s0 =	sadd.s32 s4, s0  }
0x78: {  	[tilespmem:s30], [sflag:$0x2] =	stream.linear.gather [hbm4b:s0+s26], $0x7D0, $0x38;
	[tilespmem:$0x1D6A8] =	vst v63  }
0x79: {  	_ =	swait.ge [sflag:s11], $0x7D0  }
0x7a: {  	[sflag:s11] =	ssyncset.done $0x0  }
0x7b: {  	[sflag:s11] =	ssyncadd.s32 $0xFFFFF830  }
0x7c: {  	v2 =	vld [tilespmem:s30+$0x0];
	_ =	sdelay $0x4  }
0x7d: {  	v2 =	vsub.s32 v2, v0  }
0x7e: {  	s25 =	simm.s32 $0x1A6A8;
	s31 =	sadd.s32 $0x0, s24;
	v2 =	vmin.u32 v2, $0x186A00  }
0x7f: {  	s26 =	simm.s32 $0x1C6A8;
	[tilespmem:s25+$0x0] =	vst v2;
	v2 =	vor.u32 s31, v1  }
0x80: {  	s28 =	simm.s32 $0x186B8;
	[tilespmem:s26+$0x0] =	vst v2  }
0x81: {  	v2 =	vld [tilespmem:s28+$0x0]  }
0x82: {  	s29 =	simm.s32 $0x10;
	s0 =	simm.s32 $0x20  }
.LBB2_9:
0x83: {  	p1 =	sne.s32 s0, $0x7C0;
	_ =	sdelay $0x2  }
0x84: {  	v2 =	vsub.s32 v2, v0  }
.Ltmp3:
0x85: {  	s29 =	sadd.s32 s24, s29;
	s25 =	sadd.s32 $0x10, s25;
	v2 =	vmin.u32 v2, $0x186A00;
	(pc) =	sbr.rel @p1 .LBB2_9-.Ltmp3, $4  }
0x86: {  	s26 =	sadd.s32 $0x10, s26;
	[tilespmem:s25+$0x0] =	vst v2;
	v2 =	vor.u32 s29, v1;
	s29 =	smov.u32 s0  }
0x87: {  	s28 =	sadd.s32 $0x10, s28;
	[tilespmem:s26+$0x0] =	vst v2  }
0x88: {  	v2 =	vld [tilespmem:s28+$0x0]  }
0x89: {  	s0 =	sadd.s32 $0x10, s0  }
0x8a: {  	_ = 	snop  }
0x8b: {  	s23 =	sadd.s32 $0x1, s23  }
0x8c: {  	p1 =	sne.s32 s23, $0x19  }
.Ltmp4:
0x8d: {  	v2 =	vsub.s32 v2, v0;
	(pc) =	sbr.rel @p1 .LBB2_2-.Ltmp4, $4  }
0x8e: {  	s0 =	sadd.s32 s24, s29;
	s30 =	sadd.s32 $0x10, s25;
	v2 =	vmin.u32 v2, $0x186A00  }
0x8f: {  	s31 =	sadd.s32 $0x10, s26;
	[tilespmem:s30+$0x0] =	vst v2;
	v2 =	vor.u32 s0, v1  }
0x90: {  	[tilespmem:s31+$0x0] =	vst v2  }
0x91: {  	[spmem:s1] =	stream.indirect.scatter [tilespmem:s20], [sflag:$0x1], $0x1, s19, s12, $0xb8;
	[tilespmem:$0x1D6A8] =	vst v63  }
0x92: {  	_ =	swait.ge [sflag:s10], $0x7D0  }
0x93: {  	[sflag:s10] =	ssyncset.done $0x0  }
0x94: {  	[sflag:s10] =	ssyncadd.s32 $0xFFFFF830  }
0x95: {  	_ =	swait.ge [sflag:s10], $0x7D0  }
0x96: {  	[sflag:s10] =	ssyncset.done $0x0  }
0x97: {  	[sflag:s10] =	ssyncadd.s32 $0xFFFFF830  }
0x98: {  	_ =	swait.ge [sflag:s10], $0x7D0  }
0x99: {  	[sflag:s10] =	ssyncset.done $0x0  }
0x9a: {  	[sflag:s10] =	ssyncadd.s32 $0xFFFFF830  }
0x9b: {  	_ =	swait.ge [sflag:s10], $0x7D0  }
0x9c: {  	[sflag:s10] =	ssyncset.done $0x0  }
0x9d: {  	[sflag:s10] =	ssyncadd.s32 $0xFFFFF830  }
0x9e: {  	[bflag:$0x0] =	sbarrier.arrive $0xFFFF  }
0x9f: {  	[tilespmem:s21], [sflag:$0x2] =	stream.linear.gather [spmem:s8], $0x7D0, $0x38;
	[tilespmem:$0x1D6A8] =	vst v63  }
0xa0: {  	_ =	swait.ge [sflag:s11], $0x7D0  }
0xa1: {  	[sflag:s11] =	ssyncset.done $0x0  }
0xa2: {  	s0 =	sadd.s32 $0x0, s9;
	[sflag:s11] =	ssyncadd.s32 $0xFFFFF830  }
0xa3: {  	[hbm4b:s0+s3] =	stream.linear.scatter [tilespmem:s21], [sflag:$0x2], $0x7D0, $0x38;
	[tilespmem:$0x1D6A8] =	vst v63  }
0xa4: {  	_ =	swait.ge [sflag:s11], $0x7D0  }
0xa5: {  	s23 =	simm.s32 $0xFA;
	s0 =	smov.u32 s8;
	[sflag:s11] =	ssyncset.done $0x0  }
.LBB2_12:
0xa6: {  	p1 =	sne.s32 s23, $0x2FDA;
	[sflag:s11] =	ssyncadd.s32 $0xFFFFF830;
	s0 =	sadd.s32 $0x7D0, s0  }
0xa7: {  	[tilespmem:s21], [sflag:$0x2] =	stream.linear.gather [spmem:s0], $0x7D0, $0x38;
	[tilespmem:$0x1D6A8] =	vst v63  }
0xa8: {  	s24 =	smov.u32 s23;
	s23 =	sadd.s32 $0xFA, s23;
	_ =	swait.ge [sflag:s11], $0x7D0  }
.Ltmp5:
0xa9: {  	[sflag:s11] =	ssyncset.done $0x0;
	(pc) =	sbr.rel @p1 .LBB2_12-.Ltmp5, $4  }
0xaa: {  	s24 =	sadd.s32 s24, s9;
	[sflag:s11] =	ssyncadd.s32 $0xFFFFF830  }
0xab: {  	[hbm4b:s24+s3] =	stream.linear.scatter [tilespmem:s21], [sflag:$0x2], $0x7D0, $0x38;
	[tilespmem:$0x1D6A8] =	vst v63  }
0xac: {  	_ =	swait.ge [sflag:s11], $0x7D0  }
0xad: {  	[sflag:s11] =	ssyncset.done $0x0  }
0xae: {  	[sflag:s11] =	ssyncadd.s32 $0xFFFFF830;
	v2 =	vimm.s32 @!p0 $0x0;
	s22 =	sadd.s32 $0x1, s22  }
0xaf: {  	s0 =	simm.s32 @!p0 $0x0;
	s23 =	simm.s32 @!p0 $0x1CEA8;
	[tilespmem:$0x1CEA8] =	vst @!p0 v2;
	p1 =	sne.s32 s22, s7  }
0xb0: {  	[hbm4b:s6+s0] =	stream.linear.scatter @!p0 [tilespmem:s23], [sflag:$0x2], $0x8, $0x38;
	[tilespmem:$0x1D6A8] =	vst v63  }
.Ltmp6:
0xb1: {  	_ = 	snop;
	(pc) =	sbr.rel @p1 .LBB2_1-.Ltmp6, $4  }
0xb2: {  	s0 =	simm.s32 @!p0 $0x2  }
0xb3: {  	_ =	swait.ge @!p0 [sflag:s0], $0x8  }
0xb4: {  	[sflag:s0] =	ssyncset.done @!p0 $0x0  }
0xb5: {  	[sflag:s0] =	ssyncadd.s32 @!p0 $0xFFFFFFF8  }
0xb6: {  	_ =	sfence.sel $0x180000  }
0xb7: {  	[bflag:$0x0] =	sbarrier.arrive $0xFFFF  }
0xb8: {  	_ =	strace $0x90000050  }
0xb9: {  	[bflag:$0x2] =	sbarrier.arrive $0xFFFF  }
0xba: {  	p0 =	sne.s32 s2, $0x0;
	s0 =	rddreg [dreg:$0x3]  }
0xbb: {  	s0 =	sadd.s32 @!p0 $0x100000, s0  }
0xbc: {  	[sflag:s0] =	ssyncadd.tile.s32 @!p0 $0x1;
	_ =	shalt  }
.Lfunc_end2:
_tile_overlayer_lowered:
.L_overlay_start_2:
0xbd: {  	(tag) =	ssettag $0x2  }
0xbe: {  	s0 =	rddreg [dreg:$0x0];
	s2 =	stileid.u32  }
0xbf: {  	s1 =	rddreg [dreg:$0x1];
	p0 =	sne.s32 s2, $0x0  }
0xc0: {  	s3 =	rddreg [dreg:$0x2];
	[bflag:$0x3] =	sbarrier.arrive $0xFFFF;
	s2 =	simm.s32 @!p0 $0x1C02  }
0xc1: {  	[timem:s3], [sflag:s2] =	dma.local @!p0 [hbm:s0], s1  }
0xc2: {  	s0 =	simm.s32 @!p0 $0x2  }
0xc3: {  	_ =	swait.ge @!p0 [sflag:s0], s1  }
0xc4: {  	s1 =	ssub.s32 @!p0 $0x0, s1;
	[sflag:s0] =	ssyncset.done @!p0 $0x0  }
0xc5: {  	[sflag:s0] =	ssyncadd.s32 @!p0 s1  }
0xc6: {  	[bflag:$0x3] =	sbarrier.arrive $0xFFFF  }
0xc7: {  	_ =	shalt  }

// kernel: kernel.19.cloned.1.call-start
scs
__scs_entry_jumppad:
0x0: {  	(pc) =	sbr.rel $0x88, $3  }
0x1: {  	(tag) =	ssettag $0x0;
	lr =	simm.s32 $0x1  }
0x2: {  	[smem:$0x3F9F] =	sst lr;
	_ =	strace $0xD0000000  }
0x3: {  	_ = 	snop  }
0x4: {  	_ = 	snop  }
0x5: {  	_ = 	snop  }
0x6: {  	_ = 	snop  }
0x7: {  	_ = 	snop  }
__scs_overlays_trampoline_lowered:
0x8: {  	[smem:$0x3FAE] =	sst s0  }
0x9: {  	[smem:$0x3FAF] =	sst s1  }
0xa: {  	[smem:$0x3FB0] =	sst s2  }
0xb: {  	[smem:$0x3FB1] =	sst s3  }
0xc: {  	[smem:$0x3FB2] =	sst s4  }
0xd: {  	[smem:$0x3FB3] =	sst s5  }
0xe: {  	[smem:$0x3FB4] =	sst s6  }
0xf: {  	[smem:$0x3FB5] =	sst s7  }
0x10: {  	[smem:$0x3FB6] =	sst s8  }
0x11: {  	[smem:$0x3FB7] =	sst s9;
	s0 =	simm.s32 @!p0 $0x0  }
0x12: {  	s1 =	sld [smem:$0x3F9D];
	s0 =	simm.s32 @p0 $0x1  }
0x13: {  	[smem:$0x3FB8] =	sst s0;
	s0 =	simm.s32 @!p1 $0x0  }
0x14: {  	s2 =	sld [smem:$0x3F9C];
	s0 =	simm.s32 @p1 $0x1  }
0x15: {  	[smem:$0x3FB9] =	sst s0;
	s0 =	simm.s32 @!p2 $0x0  }
0x16: {  	s3 =	sld [smem:$0x3FDB];
	s0 =	simm.s32 @p2 $0x1  }
0x17: {  	s4 =	simm.s32 $0x1BF5;
	[smem:$0x3FBB] =	sst s0  }
0x18: {  	s0 =	sld [smem:$0x3F9E];
	_ =	swait.ge [sflag:s4], $0x0  }
0x19: {  	s7 =	sld [smem:$0x3F9F]  }
0x1a: {  	s8 =	sadd.s32 $0xFFFFE003, lr  }
0x1b: {  	s9 =	sadd.s32 $0xFFFFFEF7, lr;
	s5 =	simm.s32 $0xFFFFFFFF;
	p2 =	slt.u32 s8, $0xFFFFF086  }
0x1c: {  	p1 =	slt.u32 s9, $0xF7A;
	s5 =	simm.s32 @!p2 $0x0  }
0x1d: {  	s5 =	simm.s32 @p1 $0x1;
	p0 =	seq.s32 s7, s2  }
0x1e: {  	s7 =	smul.u32 @!p0 $0xF7A, s2;
	p2 =	seq.s32 @!p0 s5, $0x0  }
0x1f: {  	s9 =	smul.u32 $0xF7A, s1;
	s8 =	simm.s32 @!p0 $0x1BF5;
	p2 =	por !p2, p0  }
0x20: {  	[sflag:s8] =	ssyncset.s32 @!p0 $0xFFFFF086;
	s6 =	sadd.s32 @!p0 s3, s7;
	s7 =	simm.s32 @!p0 $0x108  }
0x21: {  	s3 =	sadd.s32 s3, s9;
	s6 =	sadd.s32 @!p0 $0x88, s6;
	s7 =	simm.s32 @p2 $0x1082  }
0x22: {  	[simem:s7], [sflag:s8] =	dma.local @!p0 [hbm:s6], $0xF7A  }
0x23: {  	s9 =	sor.u32 $0xD0000000, s2;
	s6 =	simm.s32 $0x108;
	_ =	swait.ge @!p0 [sflag:s8], $0x0  }
0x24: {  	s3 =	sadd.s32 $0x88, s3;
	s6 =	simm.s32 @!p1 $0x1082;
	[sflag:s4] =	ssyncset.s32 $0xFFFFF086  }
0x25: {  	[simem:s6], [sflag:s4] =	dma.local [hbm:s3], $0xF7A  }
0x26: {  	[smem:$0x3F9F] =	sst s1;
	(tag) =	ssettag s2;
	_ =	strace s9  }
0x27: {  	s1 =	sld [smem:$0x3FAF]  }
0x28: {  	s2 =	sld [smem:$0x3FB0]  }
0x29: {  	s4 =	sld [smem:$0x3FB2]  }
0x2a: {  	p0 =	seq.s32 s5, $0x0;
	s5 =	sld [smem:$0x3FB3]  }
0x2b: {  	s6 =	sld [smem:$0x3FB4]  }
0x2c: {  	s7 =	sld [smem:$0x3FB5]  }
0x2d: {  	s3 =	simm.s32 $0x108;
	s8 =	sld [smem:$0x3FB6]  }
0x2e: {  	s3 =	simm.s32 @!p0 $0x1082;
	s9 =	sld [smem:$0x3FB7]  }
0x2f: {  	lr =	sadd.s32 s0, s3;
	s0 =	sld [smem:$0x3FAE]  }
0x30: {  	s3 =	sld [smem:$0x3FB1]  }
0x31: {  	[smem:$0x3FBA] =	sst s10  }
0x32: {  	s10 =	sld [smem:$0x3FB8];
	_ =	sdelay $0x3  }
0x33: {  	p0 =	seq.s32 s10, $0x1;
	s10 =	sld [smem:$0x3FBA];
	_ =	sdelay $0x3  }
0x34: {  	[smem:$0x3FBA] =	sst s10  }
0x35: {  	s10 =	sld [smem:$0x3FB9];
	_ =	sdelay $0x3  }
0x36: {  	p1 =	seq.s32 s10, $0x1;
	s10 =	sld [smem:$0x3FBA];
	_ =	sdelay $0x3  }
0x37: {  	[smem:$0x3FBA] =	sst s10  }
0x38: {  	s10 =	sld [smem:$0x3FBB]  }
0x39: {  	_ = 	snop;
	(pc) =	sbr.ind lr, $3  }
0x3a: {  	_ = 	snop  }
0x3b: {  	_ = 	snop  }
0x3c: {  	p2 =	seq.s32 s10, $0x1;
	s10 =	sld [smem:$0x3FBA]  }
0x3d: {  	_ =	shalt  }
0x3e: {  	_ =	shalt  }
0x3f: {  	_ =	shalt  }
0x40: {  	_ =	shalt  }
0x41: {  	_ =	shalt  }
0x42: {  	_ =	shalt  }
0x43: {  	_ =	shalt  }
0x44: {  	_ =	shalt  }
0x45: {  	_ =	shalt  }
0x46: {  	_ =	shalt  }
0x47: {  	_ =	shalt  }
0x48: {  	_ =	shalt  }
0x49: {  	_ =	shalt  }
0x4a: {  	_ =	shalt  }
0x4b: {  	_ =	shalt  }
0x4c: {  	_ =	shalt  }
0x4d: {  	_ =	shalt  }
0x4e: {  	_ =	shalt  }
0x4f: {  	_ =	shalt  }
0x50: {  	_ =	shalt  }
0x51: {  	_ =	shalt  }
0x52: {  	_ =	shalt  }
0x53: {  	_ =	shalt  }
0x54: {  	_ =	shalt  }
0x55: {  	_ =	shalt  }
0x56: {  	_ =	shalt  }
0x57: {  	_ =	shalt  }
0x58: {  	_ =	shalt  }
0x59: {  	_ =	shalt  }
0x5a: {  	_ =	shalt  }
0x5b: {  	_ =	shalt  }
0x5c: {  	_ =	shalt  }
0x5d: {  	_ =	shalt  }
0x5e: {  	_ =	shalt  }
0x5f: {  	_ =	shalt  }
0x60: {  	_ =	shalt  }
0x61: {  	_ =	shalt  }
0x62: {  	_ =	shalt  }
0x63: {  	_ =	shalt  }
0x64: {  	_ =	shalt  }
0x65: {  	_ =	shalt  }
0x66: {  	_ =	shalt  }
0x67: {  	_ =	shalt  }
0x68: {  	_ =	shalt  }
0x69: {  	_ =	shalt  }
0x6a: {  	_ =	shalt  }
0x6b: {  	_ =	shalt  }
0x6c: {  	_ =	shalt  }
0x6d: {  	_ =	shalt  }
0x6e: {  	_ =	shalt  }
0x6f: {  	_ =	shalt  }
0x70: {  	_ =	shalt  }
0x71: {  	_ =	shalt  }
0x72: {  	_ =	shalt  }
0x73: {  	_ =	shalt  }
0x74: {  	_ =	shalt  }
0x75: {  	_ =	shalt  }
0x76: {  	_ =	shalt  }
0x77: {  	_ =	shalt  }
0x78: {  	_ =	shalt  }
0x79: {  	_ =	shalt  }
0x7a: {  	_ =	shalt  }
0x7b: {  	_ =	shalt  }
0x7c: {  	_ =	shalt  }
0x7d: {  	_ =	shalt  }
0x7e: {  	_ =	shalt  }
0x7f: {  	_ =	shalt  }
0x80: {  	_ =	shalt  }
0x81: {  	_ =	shalt  }
0x82: {  	_ =	shalt  }
0x83: {  	_ =	shalt  }
0x84: {  	_ =	shalt  }
0x85: {  	_ =	shalt  }
0x86: {  	_ =	shalt  }
0x87: {  	_ =	shalt  }
.Lfunc_end0:
.L_simem_size_0:
called_computation.5_lowered:
.L_overlay_start_0:
0x88: {  	s2 =	sld [smem:$0x3FD9]  }
0x89: {  	s3 =	sld [smem:$0x3FFE];
	_ =	sdelay $0x1  }
0x8a: {  	s1 =	srdreg.scid  }
0x8b: {  	s0 =	sand.u32 $0x1, s1  }
0x8c: {  	s14 =	sshll.u32 s0, $0xA;
	s2 =	sadd.s32 s3, s2  }
0x8d: {  	s2 =	sadd.s32 s2, s14  }
0x8e: {  	[smem:$0x3FC6] =	sst s2  }
0x8f: {  	_ = 	snop  }
0x90: {  	s2 =	sld [smem:$0x3FD0];
	_ =	sdelay $0x2  }
0x91: {  	s15 =	simm.s32 $0xB;
	s4 =	simm.s32 $0x10  }
0x92: {  	[smem:s4], [sflag:s15] =	dma.local [hbm:s2], $0x1  }
0x93: {  	_ =	swait.eq [sflag:s15], $0x1  }
0x94: {  	[sflag:s15] =	ssyncset.done $0x0  }
0x95: {  	s16 =	sld [smem:$0x10];
	[sflag:s15] =	ssyncadd.s32 $0xFFFFFFFF  }
0x96: {  	s17 =	sld [smem:$0x11];
	(tm) =	ssettm $0x1  }
0x97: {  	s18 =	sld [smem:$0x3FFB];
	_ =	sdelay $0x3  }
0x98: {  	_ =	strace s18  }
0x99: {  	s4 =	sld [smem:$0x3FFC];
	_ =	sdelay $0x3  }
0x9a: {  	_ =	strace s4  }
0x9b: {  	s4 =	sld [smem:$0x3FFD];
	_ =	sdelay $0x3  }
0x9c: {  	_ =	strace s4  }
0x9d: {  	_ =	strace $0x8FFFFFFF  }
0x9e: {  	s19 =	sld [smem:$0x3FDB];
	_ =	sdelay $0x1  }
0x9f: {  	s5 =	simm.s32 $_scs_section_size  }
0xa0: {  	s6 =	simm.s32 $_size__tile_overlayer_lowered;
	s7 =	simm.s32 $_tile_overlayer_lowered  }
0xa1: {  	s22 =	simm.s32 $0x1BFF;
	s21 =	sshll.u32 s7, $0x1;
	s4 =	sadd.s32 s5, s19  }
0xa2: {  	s8 =	simm.s32 $0x0;
	s20 =	sshll.u32 s6, $0x1;
	s6 =	sadd.s32 s21, s4  }
0xa3: {  	[timem:s8], [sflag:s22] =	dma.local [hbm:s6], s20  }
0xa4: {  	_ =	swait.ge [sflag:s22], s20  }
0xa5: {  	s5 =	ssub.s32 $0x0, s20;
	[sflag:s22] =	ssyncset.done $0x0  }
0xa6: {  	[sflag:s22] =	ssyncadd.s32 s5;
	_ =	sdelay $0x1  }
0xa7: {  	s23 =	simm.s32 $0x1B8B  }
0xa8: {  	_ =	swait.ge [sflag:s23], $0x1  }
0xa9: {  	[sflag:s23] =	ssyncset.done $0x0  }
0xaa: {  	s25 =	simm.s32 $0x1B8E;
	s24 =	sld [smem:$0x3FFE];
	[sflag:s23] =	ssyncadd.s32 $0xFFFFFFFF  }
0xab: {  	s26 =	simm.s32 $execute0_lowered;
	[smem:$0x3FD2] =	sst s25  }
0xac: {  	s6 =	sshll.u32 s26, $0x1;
	_ =	strace $0x80000052;
	[dreg:$0x1] =	wrdreg $0xFFFFFFFF  }
0xad: {  	s28 =	simm.s32 $_size_execute0_lowered;
	s4 =	sadd.s32 s4, s6;
	[dreg:$0x0] =	wrdreg $0x0  }
0xae: {  	s6 =	sshll.u32 s28, $0x1;
	[dreg:$0x2] =	wrdreg s4  }
0xaf: {  	[dreg:$0x3] =	wrdreg s6  }
0xb0: {  	[dreg:$0x4] =	wrdreg $0xC0  }
0xb1: {  	_ =	task [dreg:s8], $0x5FFFF  }
0xb2: {  	[dreg:$0x1] =	wrdreg $0xFFFFFFFF  }
0xb3: {  	[dreg:$0x0] =	wrdreg $0x60  }
0xb4: {  	[dreg:$0x2] =	wrdreg s24  }
0xb5: {  	[dreg:$0x3] =	wrdreg s16  }
0xb6: {  	[dreg:$0x4] =	wrdreg s17  }
0xb7: {  	[dreg:$0x5] =	wrdreg $0x9  }
0xb8: {  	_ =	task.clear_ibuf [dreg:s8], $0x6FFFF;
	_ =	strace $0x90000052  }
0xb9: {  	s29 =	simm.s32 $0x9;
	_ =	strace $0x80000054  }
0xba: {  	_ =	swait.ge [sflag:s29], $0x1  }
0xbb: {  	[sflag:s29] =	ssyncadd.s32 $0xFFFFFFFF  }
0xbc: {  	_ =	strace $0x90000054  }
0xbd: {  	_ =	sfence  }
0xbe: {  	s30 =	sld [smem:$0x0];
	_ =	sdelay $0x2  }
0xbf: {  	s31 =	sshll.u32 s1, $0xD;
	s1 =	sshrl.u32 s1, $0x2  }
0xc0: {  	s3 =	sand.u32 $0x4000, s31;
	s1 =	sadd.s32 s1, s30  }
0xc1: {  	s0 =	sor.u32 s3, s0;
	s1 =	sshll.u32 s1, $0x11  }
0xc2: {  	s0 =	sor.u32 s1, s0  }
0xc3: {  	s0 =	sadd.s32 $0x8F2B, s0  }
0xc4: {  	[sflag:s0] =	ssyncadd.remote.s32 $0x1  }
0xc5: {  	_ =	sfence.sel $0xFFFF  }
0xc6: {  	[dreg:$0x0] =	wrdreg $0xFFFFFFFF;
	(pc) =	sbr.abs _section_cstart, $3  }
0xc7: {  	[dreg:$0x1] =	wrdreg $0xFFFFFFFF  }
0xc8: {  	_ =	task.clear_ibuf [dreg:s8], $0x2FFFF;
	_ =	strace $0x9FFFFFFF  }
0xc9: {  	(tm) =	ssettm $0x7FFFFFFF  }
tec
execute0_lowered:
.L_overlay_start_1:
0x0: {  	(tag) =	ssettag $0x1  }
0x1: {  	s0 =	rddreg [dreg:$0x0]  }
0x2: {  	s2 =	rddreg [dreg:$0x1]  }
0x3: {  	s1 =	srdreg.scid;
	s4 =	stileid.u32  }
0x4: {  	s3 =	rddreg [dreg:$0x2];
	s1 =	sand.u32 $0x1, s1;
	s5 =	sshll.u32 s4, $0x1  }
0x5: {  	s4 =	simm.s32 $0x0;
	s7 =	sadd.s32 $0xC800, s0;
	s5 =	sor.u32 s1, s5  }
0x6: {  	s23 =	sadd.s32 $0x12C00, s0;
	[smem:$0x7FF] =	sst s4;
	s6 =	smul.u32 $0x190, s5  }
0x7: {  	s1 =	ssub.s32 $0x2, s1;
	_ =	strace $0x80000053;
	s5 =	smul.u32 $0xC80, s5  }
0x8: {  	[dreg:$0x4] =	wrdreg s7;
	s8 =	sshrl.u32 s1, $0x1;
	s9 =	sadd.s32 s0, s6  }
0x9: {  	s1 =	ssub.s32 s1, s8;
	s6 =	sadd.s32 s23, s6;
	[dreg:$0x5] =	wrdreg s9  }
0xa: {  	s5 =	sshrl.u32 s5, $0x3;
	s31 =	smax.u32 s1, $0x1;
	[dreg:$0x7] =	wrdreg s6  }
0xb: {  	s24 =	sadd.s32 $0xFA00, s9;
	s25 =	sadd.s32 $0x3200, s5;
	[dreg:$0xe] =	wrdreg s31  }
0xc: {  	[dreg:$0x6] =	wrdreg s24;
	s26 =	sadd.s32 s0, s25  }
0xd: {  	s28 =	sadd.s32 $0x6400, s5;
	s8 =	sadd.s32 s23, s25;
	[dreg:$0x8] =	wrdreg s26  }
0xe: {  	s29 =	sadd.s32 s0, s28;
	[dreg:$0x9] =	wrdreg s8  }
0xf: {  	v0 =	vlaneseq.u32;
	s5 =	sadd.s32 $0x9600, s5;
	s6 =	sadd.s32 s23, s28;
	[dreg:$0xa] =	wrdreg s29  }
0x10: {  	s17 =	simm.s32 $0x80;
	v0 =	vmul.u32 $0xFFFFFFFF, v0;
	s0 =	sadd.s32 s0, s5;
	[dreg:$0xb] =	wrdreg s6  }
0x11: {  	s18 =	simm.s32 $0x1;
	s30 =	sadd.s32 s23, s5;
	[dreg:$0xc] =	wrdreg s0  }
0x12: {  	v0 =	vadd.s32 $0xC35, v0;
	s1 =	simm.s32 $0x0;
	[dreg:$0xd] =	wrdreg s30;
	s0 =	simm.s32 $0x2  }
.LBB2_1:
0x13: {  	[dreg:$0xf] =	wrdreg s1  }
0x14: {  	s21 =	rddreg [dreg:$0x4]  }
0x15: {  	[tilespmem:s4], [sflag:$0x2] =	stream.linear.gather [hbm4b:s21+s4], $0x18700, $0x38;
	[tilespmem:$0x1D200] =	vst v63  }
0x16: {  	_ =	swait.ge [sflag:s0], $0x18700  }
0x17: {  	[sflag:s0] =	ssyncset.done $0x0  }
0x18: {  	s23 =	simm.s32 $0x18700;
	s29 =	rddreg [dreg:$0x6];
	[sflag:s0] =	ssyncadd.s32 $0xFFFE7900  }
0x19: {  	[tilespmem:s23], [sflag:$0x2] =	stream.linear.gather [hbm4b:s29+s4], $0xC80, $0x38;
	[tilespmem:$0x1D200] =	vst v63  }
0x1a: {  	_ =	swait.ge [sflag:s0], $0xC80  }
0x1b: {  	[sflag:s0] =	ssyncset.done $0x0  }
0x1c: {  	s21 =	simm.s32 $0x19380;
	s25 =	rddreg [dreg:$0x5];
	[sflag:s0] =	ssyncadd.s32 $0xFFFFF380  }
0x1d: {  	[tilespmem:s21], [sflag:$0x2] =	stream.linear.gather [hbm4b:s25+s4], $0xC80, $0x38;
	[tilespmem:$0x1D200] =	vst v63  }
0x1e: {  	_ =	swait.ge [sflag:s0], $0xC80  }
0x1f: {  	[sflag:s0] =	ssyncset.done $0x0  }
0x20: {  	[sflag:s0] =	ssyncadd.s32 $0xFFFFF380  }
0x21: {  	v1 =	vld [tilespmem:s23+$0x0];
	_ =	sdelay $0x4  }
0x22: {  	v2 =	vadd.s32 $0x1, v1;
	_ =	sdelay $0x3  }
0x23: {  	v1 =	vld.idx.msk [tilespmem:v1+s4+$0x0], $0xffff  }
0x24: {  	v2 =	vld.idx.msk [tilespmem:v2+s4+$0x0], $0xffff;
	_ =	sdelay $0x2  }
0x25: {  	v3 =	vld [tilespmem:s21+$0x0];
	_ =	sdelay $0x1  }
0x26: {  	v2 =	vsub.s32 v2, v1  }
0x27: {  	v4 =	vcvt.s32.f32 v2;
	_ =	sdelay $0x1  }
0x28: {  	v3 =	vmul.f32 v4, v3;
	_ =	sdelay $0x1  }
0x29: {  	v63 =	vadd.s32 $0xFFFFFFFF, v2;
	v3 =	vtrunc.f32 v3  }
0x2a: {  	vm0 =	vgt.s32 v63, $0x0;
	v3 =	vcvt.f32.s32 v3  }
0x2b: {  	v4 =	vnsel vm0, $0x0, v63  }
0x2c: {  	v5 =	vmov s4;
	vm0 =	vlt.s32 v3, v4  }
0x2d: {  	vm1 =	vlt.u32 v5, v0;
	vm15 =	vgt.s32 v2, $0x0;
	v3 =	vsel vm0, v3, v4  }
0x2e: {  	vm0 =	vmand vm1, vm15;
	v1 =	vadd.s32 v1, v3  }
0x2f: {  	s31 =	simm.s32 $0x1A000;
	v1 =	vnsel vm0, $0x30D400, v1  }
0x30: {  	s28 =	simm.s32 $0x18710;
	[tilespmem:s31+$0x0] =	vst v1  }
0x31: {  	s30 =	simm.s32 $0x20;
	s25 =	simm.s32 $0x10;
	s23 =	simm.s32 $0x1A000;
	v1 =	vld [tilespmem:s28+$0x0]  }
.LBB2_2:
0x32: {  	p0 =	sne.s32 s30, $0xC70;
	_ =	sdelay $0x3  }
0x33: {  	v2 =	vadd.s32 $0x1, v1;
	_ =	sdelay $0x3  }
0x34: {  	v1 =	vld.idx.msk [tilespmem:v1+s4+$0x0], $0xffff  }
0x35: {  	v2 =	vld.idx.msk [tilespmem:v2+s4+$0x0], $0xffff;
	_ =	sdelay $0x2  }
0x36: {  	s21 =	sadd.s32 $0x10, s21  }
0x37: {  	v3 =	vld [tilespmem:s21+$0x0];
	_ =	sdelay $0x1  }
0x38: {  	v2 =	vsub.s32 v2, v1  }
0x39: {  	v4 =	vcvt.s32.f32 v2;
	_ =	sdelay $0x1  }
0x3a: {  	v3 =	vmul.f32 v4, v3;
	_ =	sdelay $0x1  }
0x3b: {  	v4 =	vadd.s32 $0xFFFFFFFF, v2;
	v3 =	vtrunc.f32 v3  }
0x3c: {  	vm0 =	vgt.s32 v4, $0x0;
	v3 =	vcvt.f32.s32 v3  }
0x3d: {  	v4 =	vnsel vm0, $0x0, v4  }
0x3e: {  	v5 =	vmov s25;
	s25 =	smov.u32 s30;
	vm0 =	vlt.s32 v3, v4  }
.Ltmp0:
0x3f: {  	vm1 =	vlt.u32 v5, v0;
	v3 =	vsel vm0, v3, v4;
	vm0 =	vgt.s32 v2, $0x0;
	(pc) =	sbr.rel @p0 .LBB2_2-.Ltmp0, $4  }
0x40: {  	vm0 =	vmand vm1, vm0;
	v1 =	vadd.s32 v1, v3  }
0x41: {  	s23 =	sadd.s32 $0x10, s23;
	v1 =	vnsel vm0, $0x30D400, v1  }
0x42: {  	s28 =	sadd.s32 $0x10, s28;
	[tilespmem:s23+$0x0] =	vst v1  }
0x43: {  	s30 =	sadd.s32 $0x10, s30;
	v1 =	vld [tilespmem:s28+$0x0]  }
0x44: {  	_ =	sdelay $0x3  }
0x45: {  	v2 =	vadd.s32 $0x1, v1;
	_ =	sdelay $0x3  }
0x46: {  	v1 =	vld.idx.msk [tilespmem:v1+s4+$0x0], $0xffff  }
0x47: {  	v2 =	vld.idx.msk [tilespmem:v2+s4+$0x0], $0xffff;
	_ =	sdelay $0x1  }
0x48: {  	s21 =	sadd.s32 $0x10, s21  }
0x49: {  	v3 =	vld [tilespmem:s21+$0x0];
	_ =	sdelay $0x1  }
0x4a: {  	v2 =	vsub.s32 v2, v1  }
0x4b: {  	v4 =	vcvt.s32.f32 v2;
	_ =	sdelay $0x1  }
0x4c: {  	v3 =	vmul.f32 v4, v3;
	_ =	sdelay $0x1  }
0x4d: {  	v4 =	vadd.s32 $0xFFFFFFFF, v2;
	v3 =	vtrunc.f32 v3  }
0x4e: {  	vm0 =	vgt.s32 v4, $0x0;
	v3 =	vcvt.f32.s32 v3  }
0x4f: {  	v4 =	vnsel vm0, $0x0, v4  }
0x50: {  	v5 =	vmov s25;
	vm0 =	vlt.s32 v3, v4  }
0x51: {  	vm1 =	vlt.u32 v5, v0;
	v3 =	vsel vm0, v3, v4;
	vm0 =	vgt.s32 v2, $0x0  }
0x52: {  	vm0 =	vmand vm1, vm0;
	v1 =	vadd.s32 v1, v3  }
0x53: {  	s13 =	sadd.s32 $0x10, s23;
	v1 =	vnsel vm0, $0x30D400, v1  }
0x54: {  	s14 =	simm.s32 $0x1A000;
	s23 =	simm.s32 $0x1AC80;
	[tilespmem:s13+$0x0] =	vst v1  }
0x55: {  	[tilespmem:s23], [sflag:$0x1] =	stream.indirect.gather [hbm4b:s2+s17], $0x1, s14, s17, $0xb8;
	[tilespmem:$0x1D200] =	vst v63  }
0x56: {  	s15 =	simm.s32 $0x1A080;
	s25 =	simm.s32 $0x1AD00  }
0x57: {  	[tilespmem:s25], [sflag:$0x1] =	stream.indirect.gather [hbm4b:s2+s17], $0x1, s15, s17, $0xb8;
	[tilespmem:$0x1D200] =	vst v63  }
0x58: {  	s16 =	simm.s32 $0x1A100;
	s28 =	simm.s32 $0x1AD80  }
0x59: {  	[tilespmem:s28], [sflag:$0x1] =	stream.indirect.gather [hbm4b:s2+s17], $0x1, s16, s17, $0xb8;
	[tilespmem:$0x1D200] =	vst v63  }
0x5a: {  	s19 =	simm.s32 $0x1A180;
	s30 =	simm.s32 $0x1AE00  }
0x5b: {  	[tilespmem:s30], [sflag:$0x1] =	stream.indirect.gather [hbm4b:s2+s17], $0x1, s19, s17, $0xb8;
	[tilespmem:$0x1D200] =	vst v63  }
0x5c: {  	s20 =	simm.s32 $0x1A200;
	s1 =	simm.s32 $0x1AE80  }
0x5d: {  	[tilespmem:s1], [sflag:$0x1] =	stream.indirect.gather [hbm4b:s2+s17], $0x1, s20, s17, $0xb8;
	[tilespmem:$0x1D200] =	vst v63  }
0x5e: {  	s22 =	simm.s32 $0x1A280;
	s5 =	simm.s32 $0x1AF00  }
0x5f: {  	[tilespmem:s5], [sflag:$0x1] =	stream.indirect.gather [hbm4b:s2+s17], $0x1, s22, s17, $0xb8;
	[tilespmem:$0x1D200] =	vst v63  }
0x60: {  	s24 =	simm.s32 $0x1A300;
	s8 =	simm.s32 $0x1AF80  }
0x61: {  	[tilespmem:s8], [sflag:$0x1] =	stream.indirect.gather [hbm4b:s2+s17], $0x1, s24, s17, $0xb8;
	[tilespmem:$0x1D200] =	vst v63  }
0x62: {  	s26 =	simm.s32 $0x1A380;
	s10 =	simm.s32 $0x1B000  }
0x63: {  	[tilespmem:s10], [sflag:$0x1] =	stream.indirect.gather [hbm4b:s2+s17], $0x1, s26, s17, $0xb8;
	[tilespmem:$0x1D200] =	vst v63  }
0x64: {  	s29 =	simm.s32 $0x1A400;
	s12 =	simm.s32 $0x1B080  }
0x65: {  	[tilespmem:s12], [sflag:$0x1] =	stream.indirect.gather [hbm4b:s2+s17], $0x1, s29, s17, $0xb8;
	[tilespmem:$0x1D200] =	vst v63  }
0x66: {  	s31 =	simm.s32 $0x1A480;
	s14 =	simm.s32 $0x1B100  }
0x67: {  	[tilespmem:s14], [sflag:$0x1] =	stream.indirect.gather [hbm4b:s2+s17], $0x1, s31, s17, $0xb8;
	[tilespmem:$0x1D200] =	vst v63  }
0x68: {  	s0 =	simm.s32 $0x1A500;
	s6 =	simm.s32 $0x1B180  }
0x69: {  	[tilespmem:s6], [sflag:$0x1] =	stream.indirect.gather [hbm4b:s2+s17], $0x1, s0, s17, $0xb8;
	[tilespmem:$0x1D200] =	vst v63  }
0x6a: {  	s7 =	simm.s32 $0x1A580;
	s22 =	simm.s32 $0x1B200  }
0x6b: {  	[tilespmem:s22], [sflag:$0x1] =	stream.indirect.gather [hbm4b:s2+s17], $0x1, s7, s17, $0xb8;
	[tilespmem:$0x1D200] =	vst v63  }
0x6c: {  	s9 =	simm.s32 $0x1A600;
	s26 =	simm.s32 $0x1B280  }
0x6d: {  	[tilespmem:s26], [sflag:$0x1] =	stream.indirect.gather [hbm4b:s2+s17], $0x1, s9, s17, $0xb8;
	[tilespmem:$0x1D200] =	vst v63  }
0x6e: {  	s11 =	simm.s32 $0x1A680;
	s31 =	simm.s32 $0x1B300  }
0x6f: {  	[tilespmem:s31], [sflag:$0x1] =	stream.indirect.gather [hbm4b:s2+s17], $0x1, s11, s17, $0xb8;
	[tilespmem:$0x1D200] =	vst v63  }
0x70: {  	s13 =	simm.s32 $0x1A700;
	s7 =	simm.s32 $0x1B380  }
0x71: {  	[tilespmem:s7], [sflag:$0x1] =	stream.indirect.gather [hbm4b:s2+s17], $0x1, s13, s17, $0xb8;
	[tilespmem:$0x1D200] =	vst v63  }
0x72: {  	s15 =	simm.s32 $0x1A780;
	s11 =	simm.s32 $0x1B400  }
0x73: {  	[tilespmem:s11], [sflag:$0x1] =	stream.indirect.gather [hbm4b:s2+s17], $0x1, s15, s17, $0xb8;
	[tilespmem:$0x1D200] =	vst v63  }
0x74: {  	s16 =	simm.s32 $0x1A800;
	s15 =	simm.s32 $0x1B480  }
0x75: {  	[tilespmem:s15], [sflag:$0x1] =	stream.indirect.gather [hbm4b:s2+s17], $0x1, s16, s17, $0xb8;
	[tilespmem:$0x1D200] =	vst v63  }
0x76: {  	s19 =	simm.s32 $0x1A880;
	s24 =	simm.s32 $0x1B500  }
0x77: {  	[tilespmem:s24], [sflag:$0x1] =	stream.indirect.gather [hbm4b:s2+s17], $0x1, s19, s17, $0xb8;
	[tilespmem:$0x1D200] =	vst v63  }
0x78: {  	s20 =	simm.s32 $0x1A900;
	s0 =	simm.s32 $0x1B580  }
0x79: {  	[tilespmem:s0], [sflag:$0x1] =	stream.indirect.gather [hbm4b:s2+s17], $0x1, s20, s17, $0xb8;
	[tilespmem:$0x1D200] =	vst v63  }
0x7a: {  	s29 =	simm.s32 $0x1A980;
	s13 =	simm.s32 $0x1B600  }
0x7b: {  	[tilespmem:s13], [sflag:$0x1] =	stream.indirect.gather [hbm4b:s2+s17], $0x1, s29, s17, $0xb8;
	[tilespmem:$0x1D200] =	vst v63  }
0x7c: {  	s9 =	simm.s32 $0x1AA00;
	s29 =	simm.s32 $0x1B680  }
0x7d: {  	[tilespmem:s29], [sflag:$0x1] =	stream.indirect.gather [hbm4b:s2+s17], $0x1, s9, s17, $0xb8;
	[tilespmem:$0x1D200] =	vst v63  }
0x7e: {  	s16 =	simm.s32 $0x1AA80;
	s20 =	simm.s32 $0x1B700  }
0x7f: {  	[tilespmem:s20], [sflag:$0x1] =	stream.indirect.gather [hbm4b:s2+s17], $0x1, s16, s17, $0xb8;
	[tilespmem:$0x1D200] =	vst v63  }
0x80: {  	s19 =	simm.s32 $0x1AB00;
	s9 =	simm.s32 $0x1B780  }
0x81: {  	[tilespmem:s9], [sflag:$0x1] =	stream.indirect.gather [hbm4b:s2+s17], $0x1, s19, s17, $0xb8;
	[tilespmem:$0x1D200] =	vst v63  }
0x82: {  	s16 =	simm.s32 $0x1AB80;
	s19 =	simm.s32 $0x1B800  }
0x83: {  	[tilespmem:s19], [sflag:$0x1] =	stream.indirect.gather [hbm4b:s2+s17], $0x1, s16, s17, $0xb8;
	[tilespmem:$0x1D200] =	vst v63  }
0x84: {  	s21 =	simm.s32 $0x1AC00;
	s16 =	simm.s32 $0x1B880  }
0x85: {  	[tilespmem:s16], [sflag:$0x1] =	stream.indirect.gather [hbm4b:s2+s17], $0x1, s21, s17, $0xb8;
	[tilespmem:$0x1D200] =	vst v63  }
0x86: {  	_ =	swait.ge [sflag:s18], $0x80  }
0x87: {  	[sflag:s18] =	ssyncset.done $0x0  }
0x88: {  	[sflag:s18] =	ssyncadd.s32 $0xFFFFFF80  }
0x89: {  	_ =	swait.ge [sflag:s18], $0x80  }
0x8a: {  	[sflag:s18] =	ssyncset.done $0x0  }
0x8b: {  	[sflag:s18] =	ssyncadd.s32 $0xFFFFFF80  }
0x8c: {  	_ =	swait.ge [sflag:s18], $0x80  }
0x8d: {  	[sflag:s18] =	ssyncset.done $0x0  }
0x8e: {  	[sflag:s18] =	ssyncadd.s32 $0xFFFFFF80  }
0x8f: {  	_ =	swait.ge [sflag:s18], $0x80  }
0x90: {  	[sflag:s18] =	ssyncset.done $0x0  }
0x91: {  	[sflag:s18] =	ssyncadd.s32 $0xFFFFFF80  }
0x92: {  	_ =	swait.ge [sflag:s18], $0x80  }
0x93: {  	[sflag:s18] =	ssyncset.done $0x0  }
0x94: {  	[sflag:s18] =	ssyncadd.s32 $0xFFFFFF80  }
0x95: {  	_ =	swait.ge [sflag:s18], $0x80  }
0x96: {  	[sflag:s18] =	ssyncset.done $0x0  }
0x97: {  	[sflag:s18] =	ssyncadd.s32 $0xFFFFFF80  }
0x98: {  	_ =	swait.ge [sflag:s18], $0x80  }
0x99: {  	[sflag:s18] =	ssyncset.done $0x0  }
0x9a: {  	[sflag:s18] =	ssyncadd.s32 $0xFFFFFF80  }
0x9b: {  	_ =	swait.ge [sflag:s18], $0x80  }
0x9c: {  	[sflag:s18] =	ssyncset.done $0x0  }
0x9d: {  	[sflag:s18] =	ssyncadd.s32 $0xFFFFFF80  }
0x9e: {  	_ =	swait.ge [sflag:s18], $0x80  }
0x9f: {  	[sflag:s18] =	ssyncset.done $0x0  }
0xa0: {  	[sflag:s18] =	ssyncadd.s32 $0xFFFFFF80  }
0xa1: {  	_ =	swait.ge [sflag:s18], $0x80  }
0xa2: {  	[sflag:s18] =	ssyncset.done $0x0  }
0xa3: {  	[sflag:s18] =	ssyncadd.s32 $0xFFFFFF80  }
0xa4: {  	_ =	swait.ge [sflag:s18], $0x80  }
0xa5: {  	[sflag:s18] =	ssyncset.done $0x0  }
0xa6: {  	[sflag:s18] =	ssyncadd.s32 $0xFFFFFF80  }
0xa7: {  	_ =	swait.ge [sflag:s18], $0x80  }
0xa8: {  	[sflag:s18] =	ssyncset.done $0x0  }
0xa9: {  	[sflag:s18] =	ssyncadd.s32 $0xFFFFFF80  }
0xaa: {  	_ =	swait.ge [sflag:s18], $0x80  }
0xab: {  	[sflag:s18] =	ssyncset.done $0x0  }
0xac: {  	[sflag:s18] =	ssyncadd.s32 $0xFFFFFF80  }
0xad: {  	_ =	swait.ge [sflag:s18], $0x80  }
0xae: {  	[sflag:s18] =	ssyncset.done $0x0  }
0xaf: {  	[sflag:s18] =	ssyncadd.s32 $0xFFFFFF80  }
0xb0: {  	_ =	swait.ge [sflag:s18], $0x80  }
0xb1: {  	[sflag:s18] =	ssyncset.done $0x0  }
0xb2: {  	[sflag:s18] =	ssyncadd.s32 $0xFFFFFF80  }
0xb3: {  	_ =	swait.ge [sflag:s18], $0x80  }
0xb4: {  	[sflag:s18] =	ssyncset.done $0x0  }
0xb5: {  	[sflag:s18] =	ssyncadd.s32 $0xFFFFFF80  }
0xb6: {  	_ =	swait.ge [sflag:s18], $0x80  }
0xb7: {  	[sflag:s18] =	ssyncset.done $0x0  }
0xb8: {  	[sflag:s18] =	ssyncadd.s32 $0xFFFFFF80  }
0xb9: {  	_ =	swait.ge [sflag:s18], $0x80  }
0xba: {  	[sflag:s18] =	ssyncset.done $0x0  }
0xbb: {  	[sflag:s18] =	ssyncadd.s32 $0xFFFFFF80  }
0xbc: {  	_ =	swait.ge [sflag:s18], $0x80  }
0xbd: {  	[sflag:s18] =	ssyncset.done $0x0  }
0xbe: {  	[sflag:s18] =	ssyncadd.s32 $0xFFFFFF80  }
0xbf: {  	_ =	swait.ge [sflag:s18], $0x80  }
0xc0: {  	[sflag:s18] =	ssyncset.done $0x0  }
0xc1: {  	[sflag:s18] =	ssyncadd.s32 $0xFFFFFF80  }
0xc2: {  	_ =	swait.ge [sflag:s18], $0x80  }
0xc3: {  	[sflag:s18] =	ssyncset.done $0x0  }
0xc4: {  	[sflag:s18] =	ssyncadd.s32 $0xFFFFFF80  }
0xc5: {  	_ =	swait.ge [sflag:s18], $0x80  }
0xc6: {  	[sflag:s18] =	ssyncset.done $0x0  }
0xc7: {  	[sflag:s18] =	ssyncadd.s32 $0xFFFFFF80  }
0xc8: {  	_ =	swait.ge [sflag:s18], $0x80  }
0xc9: {  	[sflag:s18] =	ssyncset.done $0x0  }
0xca: {  	[sflag:s18] =	ssyncadd.s32 $0xFFFFFF80  }
0xcb: {  	_ =	swait.ge [sflag:s18], $0x80  }
0xcc: {  	[sflag:s18] =	ssyncset.done $0x0  }
0xcd: {  	[sflag:s18] =	ssyncadd.s32 $0xFFFFFF80  }
0xce: {  	_ =	swait.ge [sflag:s18], $0x80  }
0xcf: {  	[sflag:s18] =	ssyncset.done $0x0  }
0xd0: {  	s21 =	simm.s32 $0x1B900;
	[sflag:s18] =	ssyncadd.s32 $0xFFFFFF80  }
0xd1: {  	[tilespmem:s21], [sflag:$0x1] =	stream.indirect.gather [hbm4b:s3+s17], $0x1, s23, s17, $0xb8;
	[tilespmem:$0x1D200] =	vst v63  }
0xd2: {  	s23 =	simm.s32 $0x1B980  }
0xd3: {  	[tilespmem:s23], [sflag:$0x1] =	stream.indirect.gather [hbm4b:s3+s17], $0x1, s25, s17, $0xb8;
	[tilespmem:$0x1D200] =	vst v63  }
0xd4: {  	s25 =	simm.s32 $0x1BA00  }
0xd5: {  	[tilespmem:s25], [sflag:$0x1] =	stream.indirect.gather [hbm4b:s3+s17], $0x1, s28, s17, $0xb8;
	[tilespmem:$0x1D200] =	vst v63  }
0xd6: {  	s28 =	simm.s32 $0x1BA80  }
0xd7: {  	[tilespmem:s28], [sflag:$0x1] =	stream.indirect.gather [hbm4b:s3+s17], $0x1, s30, s17, $0xb8;
	[tilespmem:$0x1D200] =	vst v63  }
0xd8: {  	s30 =	simm.s32 $0x1BB00  }
0xd9: {  	[tilespmem:s30], [sflag:$0x1] =	stream.indirect.gather [hbm4b:s3+s17], $0x1, s1, s17, $0xb8;
	[tilespmem:$0x1D200] =	vst v63  }
0xda: {  	s21 =	simm.s32 $0x1BB80  }
0xdb: {  	[tilespmem:s21], [sflag:$0x1] =	stream.indirect.gather [hbm4b:s3+s17], $0x1, s5, s17, $0xb8;
	[tilespmem:$0x1D200] =	vst v63  }
0xdc: {  	s23 =	simm.s32 $0x1BC00  }
0xdd: {  	[tilespmem:s23], [sflag:$0x1] =	stream.indirect.gather [hbm4b:s3+s17], $0x1, s8, s17, $0xb8;
	[tilespmem:$0x1D200] =	vst v63  }
0xde: {  	s25 =	simm.s32 $0x1BC80  }
0xdf: {  	[tilespmem:s25], [sflag:$0x1] =	stream.indirect.gather [hbm4b:s3+s17], $0x1, s10, s17, $0xb8;
	[tilespmem:$0x1D200] =	vst v63  }
0xe0: {  	s28 =	simm.s32 $0x1BD00  }
0xe1: {  	[tilespmem:s28], [sflag:$0x1] =	stream.indirect.gather [hbm4b:s3+s17], $0x1, s12, s17, $0xb8;
	[tilespmem:$0x1D200] =	vst v63  }
0xe2: {  	s30 =	simm.s32 $0x1BD80  }
0xe3: {  	[tilespmem:s30], [sflag:$0x1] =	stream.indirect.gather [hbm4b:s3+s17], $0x1, s14, s17, $0xb8;
	[tilespmem:$0x1D200] =	vst v63  }
0xe4: {  	s5 =	simm.s32 $0x1BE00  }
0xe5: {  	[tilespmem:s5], [sflag:$0x1] =	stream.indirect.gather [hbm4b:s3+s17], $0x1, s6, s17, $0xb8;
	[tilespmem:$0x1D200] =	vst v63  }
0xe6: {  	s8 =	simm.s32 $0x1BE80  }
0xe7: {  	[tilespmem:s8], [sflag:$0x1] =	stream.indirect.gather [hbm4b:s3+s17], $0x1, s22, s17, $0xb8;
	[tilespmem:$0x1D200] =	vst v63  }
0xe8: {  	s10 =	simm.s32 $0x1BF00  }
0xe9: {  	[tilespmem:s10], [sflag:$0x1] =	stream.indirect.gather [hbm4b:s3+s17], $0x1, s26, s17, $0xb8;
	[tilespmem:$0x1D200] =	vst v63  }
0xea: {  	s12 =	simm.s32 $0x1BF80  }
0xeb: {  	[tilespmem:s12], [sflag:$0x1] =	stream.indirect.gather [hbm4b:s3+s17], $0x1, s31, s17, $0xb8;
	[tilespmem:$0x1D200] =	vst v63  }
0xec: {  	s14 =	simm.s32 $0x1C000  }
0xed: {  	[tilespmem:s14], [sflag:$0x1] =	stream.indirect.gather [hbm4b:s3+s17], $0x1, s7, s17, $0xb8;
	[tilespmem:$0x1D200] =	vst v63  }
0xee: {  	s21 =	simm.s32 $0x1C080  }
0xef: {  	[tilespmem:s21], [sflag:$0x1] =	stream.indirect.gather [hbm4b:s3+s17], $0x1, s11, s17, $0xb8;
	[tilespmem:$0x1D200] =	vst v63  }
0xf0: {  	s22 =	simm.s32 $0x1C100  }
0xf1: {  	[tilespmem:s22], [sflag:$0x1] =	stream.indirect.gather [hbm4b:s3+s17], $0x1, s15, s17, $0xb8;
	[tilespmem:$0x1D200] =	vst v63  }
0xf2: {  	s23 =	simm.s32 $0x1C180  }
0xf3: {  	[tilespmem:s23], [sflag:$0x1] =	stream.indirect.gather [hbm4b:s3+s17], $0x1, s24, s17, $0xb8;
	[tilespmem:$0x1D200] =	vst v63  }
0xf4: {  	s24 =	simm.s32 $0x1C200  }
0xf5: {  	[tilespmem:s24], [sflag:$0x1] =	stream.indirect.gather [hbm4b:s3+s17], $0x1, s0, s17, $0xb8;
	[tilespmem:$0x1D200] =	vst v63  }
0xf6: {  	s25 =	simm.s32 $0x1C280  }
0xf7: {  	[tilespmem:s25], [sflag:$0x1] =	stream.indirect.gather [hbm4b:s3+s17], $0x1, s13, s17, $0xb8;
	[tilespmem:$0x1D200] =	vst v63  }
0xf8: {  	s26 =	simm.s32 $0x1C300  }
0xf9: {  	[tilespmem:s26], [sflag:$0x1] =	stream.indirect.gather [hbm4b:s3+s17], $0x1, s29, s17, $0xb8;
	[tilespmem:$0x1D200] =	vst v63  }
0xfa: {  	s28 =	simm.s32 $0x1C380  }
0xfb: {  	[tilespmem:s28], [sflag:$0x1] =	stream.indirect.gather [hbm4b:s3+s17], $0x1, s20, s17, $0xb8;
	[tilespmem:$0x1D200] =	vst v63  }
0xfc: {  	s29 =	simm.s32 $0x1C400  }
0xfd: {  	[tilespmem:s29], [sflag:$0x1] =	stream.indirect.gather [hbm4b:s3+s17], $0x1, s9, s17, $0xb8;
	[tilespmem:$0x1D200] =	vst v63  }
0xfe: {  	s30 =	simm.s32 $0x1C480  }
0xff: {  	[tilespmem:s30], [sflag:$0x1] =	stream.indirect.gather [hbm4b:s3+s17], $0x1, s19, s17, $0xb8;
	[tilespmem:$0x1D200] =	vst v63  }
0x100: {  	s31 =	simm.s32 $0x1C500  }
0x101: {  	[tilespmem:s31], [sflag:$0x1] =	stream.indirect.gather [hbm4b:s3+s17], $0x1, s16, s17, $0xb8;
	[tilespmem:$0x1D200] =	vst v63  }
0x102: {  	_ =	swait.ge [sflag:s18], $0x80  }
0x103: {  	[sflag:s18] =	ssyncset.done $0x0  }
0x104: {  	[sflag:s18] =	ssyncadd.s32 $0xFFFFFF80  }
0x105: {  	_ =	swait.ge [sflag:s18], $0x80  }
0x106: {  	[sflag:s18] =	ssyncset.done $0x0  }
0x107: {  	[sflag:s18] =	ssyncadd.s32 $0xFFFFFF80  }
0x108: {  	_ =	swait.ge [sflag:s18], $0x80  }
0x109: {  	[sflag:s18] =	ssyncset.done $0x0  }
0x10a: {  	[sflag:s18] =	ssyncadd.s32 $0xFFFFFF80  }
0x10b: {  	_ =	swait.ge [sflag:s18], $0x80  }
0x10c: {  	[sflag:s18] =	ssyncset.done $0x0  }
0x10d: {  	[sflag:s18] =	ssyncadd.s32 $0xFFFFFF80  }
0x10e: {  	_ =	swait.ge [sflag:s18], $0x80  }
0x10f: {  	[sflag:s18] =	ssyncset.done $0x0  }
0x110: {  	[sflag:s18] =	ssyncadd.s32 $0xFFFFFF80  }
0x111: {  	_ =	swait.ge [sflag:s18], $0x80  }
0x112: {  	[sflag:s18] =	ssyncset.done $0x0  }
0x113: {  	[sflag:s18] =	ssyncadd.s32 $0xFFFFFF80  }
0x114: {  	_ =	swait.ge [sflag:s18], $0x80  }
0x115: {  	[sflag:s18] =	ssyncset.done $0x0  }
0x116: {  	[sflag:s18] =	ssyncadd.s32 $0xFFFFFF80  }
0x117: {  	_ =	swait.ge [sflag:s18], $0x80  }
0x118: {  	[sflag:s18] =	ssyncset.done $0x0  }
0x119: {  	[sflag:s18] =	ssyncadd.s32 $0xFFFFFF80  }
0x11a: {  	_ =	swait.ge [sflag:s18], $0x80  }
0x11b: {  	[sflag:s18] =	ssyncset.done $0x0  }
0x11c: {  	[sflag:s18] =	ssyncadd.s32 $0xFFFFFF80  }
0x11d: {  	_ =	swait.ge [sflag:s18], $0x80  }
0x11e: {  	[sflag:s18] =	ssyncset.done $0x0  }
0x11f: {  	[sflag:s18] =	ssyncadd.s32 $0xFFFFFF80  }
0x120: {  	_ =	swait.ge [sflag:s18], $0x80  }
0x121: {  	[sflag:s18] =	ssyncset.done $0x0  }
0x122: {  	[sflag:s18] =	ssyncadd.s32 $0xFFFFFF80  }
0x123: {  	_ =	swait.ge [sflag:s18], $0x80  }
0x124: {  	[sflag:s18] =	ssyncset.done $0x0  }
0x125: {  	[sflag:s18] =	ssyncadd.s32 $0xFFFFFF80  }
0x126: {  	_ =	swait.ge [sflag:s18], $0x80  }
0x127: {  	[sflag:s18] =	ssyncset.done $0x0  }
0x128: {  	[sflag:s18] =	ssyncadd.s32 $0xFFFFFF80  }
0x129: {  	_ =	swait.ge [sflag:s18], $0x80  }
0x12a: {  	[sflag:s18] =	ssyncset.done $0x0  }
0x12b: {  	[sflag:s18] =	ssyncadd.s32 $0xFFFFFF80  }
0x12c: {  	_ =	swait.ge [sflag:s18], $0x80  }
0x12d: {  	[sflag:s18] =	ssyncset.done $0x0  }
0x12e: {  	[sflag:s18] =	ssyncadd.s32 $0xFFFFFF80  }
0x12f: {  	_ =	swait.ge [sflag:s18], $0x80  }
0x130: {  	[sflag:s18] =	ssyncset.done $0x0  }
0x131: {  	[sflag:s18] =	ssyncadd.s32 $0xFFFFFF80  }
0x132: {  	_ =	swait.ge [sflag:s18], $0x80  }
0x133: {  	[sflag:s18] =	ssyncset.done $0x0  }
0x134: {  	[sflag:s18] =	ssyncadd.s32 $0xFFFFFF80  }
0x135: {  	_ =	swait.ge [sflag:s18], $0x80  }
0x136: {  	[sflag:s18] =	ssyncset.done $0x0  }
0x137: {  	[sflag:s18] =	ssyncadd.s32 $0xFFFFFF80  }
0x138: {  	_ =	swait.ge [sflag:s18], $0x80  }
0x139: {  	[sflag:s18] =	ssyncset.done $0x0  }
0x13a: {  	[sflag:s18] =	ssyncadd.s32 $0xFFFFFF80  }
0x13b: {  	_ =	swait.ge [sflag:s18], $0x80  }
0x13c: {  	[sflag:s18] =	ssyncset.done $0x0  }
0x13d: {  	[sflag:s18] =	ssyncadd.s32 $0xFFFFFF80  }
0x13e: {  	_ =	swait.ge [sflag:s18], $0x80  }
0x13f: {  	[sflag:s18] =	ssyncset.done $0x0  }
0x140: {  	[sflag:s18] =	ssyncadd.s32 $0xFFFFFF80  }
0x141: {  	_ =	swait.ge [sflag:s18], $0x80  }
0x142: {  	[sflag:s18] =	ssyncset.done $0x0  }
0x143: {  	[sflag:s18] =	ssyncadd.s32 $0xFFFFFF80  }
0x144: {  	_ =	swait.ge [sflag:s18], $0x80  }
0x145: {  	[sflag:s18] =	ssyncset.done $0x0  }
0x146: {  	[sflag:s18] =	ssyncadd.s32 $0xFFFFFF80  }
0x147: {  	_ =	swait.ge [sflag:s18], $0x80  }
0x148: {  	[sflag:s18] =	ssyncset.done $0x0  }
0x149: {  	[sflag:s18] =	ssyncadd.s32 $0xFFFFFF80  }
0x14a: {  	_ =	swait.ge [sflag:s18], $0x80  }
0x14b: {  	[sflag:s18] =	ssyncset.done $0x0  }
0x14c: {  	s21 =	simm.s32 $0x0;
	[sflag:s18] =	ssyncadd.s32 $0xFFFFFF80  }
0x14d: {  	v3 =	vld [tilespmem:s21+$0x1B900]  }
0x14e: {  	v1 =	vld [tilespmem:s21+$0x1A000]  }
0x14f: {  	v4 =	vld [tilespmem:s21+$0x18700]  }
0x150: {  	v2 =	vld [tilespmem:s21+$0x1AC80];
	_ =	sdelay $0x2  }
0x151: {  	s23 =	simm.s32 $0x10;
	vm0 =	vlt.s32 v1, $0x30D400  }
0x152: {  	s25 =	simm.s32 $0x80;
	v1 =	vld [tilespmem:s23+$0x1B900];
	v3 =	vsel vm0, v3, v4  }
.LBB2_4:
0x153: {  	p0 =	sne.s32 s25, $0x31C0;
	v4 =	vld [tilespmem:s23+$0x1A000];
	[tilespmem:s21+$0x18700] =	vst v3;
	v2 =	vnsel vm0, $0x30D400, v2  }
0x154: {  	v3 =	vld [tilespmem:s23+$0x18700];
	[tilespmem:s21+$0x1C580] =	vst v2;
	s21 =	smov.u32 s23  }
.Ltmp1:
0x155: {  	v2 =	vld [tilespmem:s21+$0x1AC80];
	(pc) =	sbr.rel @p0 .LBB2_4-.Ltmp1, $3  }
0x156: {  	_ =	sdelay $0x1  }
0x157: {  	s23 =	sshra.s32 s25, $0x2;
	vm0 =	vlt.s32 v4, $0x30D400  }
0x158: {  	s25 =	sadd.s32 $0x40, s25;
	v3 =	vsel vm0, v1, v3;
	v1 =	vld [tilespmem:s23+$0x1B900]  }
0x159: {  	v4 =	vld [tilespmem:s23+$0x1A000];
	[tilespmem:s21+$0x18700] =	vst v3;
	v2 =	vnsel vm0, $0x30D400, v2  }
0x15a: {  	v3 =	vld [tilespmem:s23+$0x18700];
	[tilespmem:s21+$0x1C580] =	vst v2  }
0x15b: {  	v2 =	vld [tilespmem:s23+$0x1AC80];
	_ =	sdelay $0x2  }
0x15c: {  	vm13 =	vlt.s32 v4, $0x30D400  }
0x15d: {  	v1 =	vsel vm13, v1, v3  }
0x15e: {  	s24 =	simm.s32 $0x0;
	[tilespmem:s23+$0x18700] =	vst v1;
	v1 =	vnsel vm13, $0x30D400, v2  }
0x15f: {  	s26 =	rddreg [dreg:$0x7];
	s0 =	simm.s32 $0x1C580;
	s29 =	simm.s32 $0x2;
	[tilespmem:s23+$0x1C580] =	vst v1  }
0x160: {  	[hbm4b:s26+s24] =	stream.linear.scatter [tilespmem:s0], [sflag:$0x2], $0xC80, $0x38;
	[tilespmem:$0x1D200] =	vst v63  }
0x161: {  	_ =	swait.ge [sflag:s29], $0xC80  }
0x162: {  	[sflag:s29] =	ssyncset.done $0x0  }
0x163: {  	s21 =	simm.s32 $0x19380;
	s25 =	rddreg [dreg:$0x8];
	[sflag:s29] =	ssyncadd.s32 $0xFFFFF380  }
0x164: {  	[tilespmem:s21], [sflag:$0x2] =	stream.linear.gather [hbm4b:s25+s24], $0xC80, $0x38;
	[tilespmem:$0x1D200] =	vst v63  }
0x165: {  	_ =	swait.ge [sflag:s29], $0xC80  }
0x166: {  	[sflag:s29] =	ssyncset.done $0x0  }
0x167: {  	s31 =	simm.s32 $0x18700;
	[sflag:s29] =	ssyncadd.s32 $0xFFFFF380  }
0x168: {  	v1 =	vld [tilespmem:s31+$0x0];
	_ =	sdelay $0x4  }
0x169: {  	v2 =	vadd.s32 $0x1, v1;
	_ =	sdelay $0x3  }
0x16a: {  	v1 =	vld.idx.msk [tilespmem:v1+s4+$0x0], $0xffff  }
0x16b: {  	v2 =	vld.idx.msk [tilespmem:v2+s4+$0x0], $0xffff;
	_ =	sdelay $0x2  }
0x16c: {  	v3 =	vld [tilespmem:s21+$0x0];
	_ =	sdelay $0x1  }
0x16d: {  	v2 =	vsub.s32 v2, v1  }
0x16e: {  	v62 =	vcvt.s32.f32 v2;
	_ =	sdelay $0x1  }
0x16f: {  	v3 =	vmul.f32 v62, v3;
	_ =	sdelay $0x1  }
0x170: {  	v63 =	vadd.s32 $0xFFFFFFFF, v2;
	v3 =	vtrunc.f32 v3  }
0x171: {  	vm14 =	vgt.s32 v63, $0x0;
	v3 =	vcvt.f32.s32 v3  }
0x172: {  	v4 =	vnsel vm14, $0x0, v63  }
0x173: {  	v5 =	vmov s24;
	vm0 =	vlt.s32 v3, v4  }
0x174: {  	vm1 =	vlt.u32 v5, v0;
	vm15 =	vgt.s32 v2, $0x0;
	v3 =	vsel vm0, v3, v4  }
0x175: {  	vm0 =	vmand vm1, vm15;
	v1 =	vadd.s32 v1, v3  }
0x176: {  	s23 =	simm.s32 $0x1A000;
	v1 =	vnsel vm0, $0x30D400, v1  }
0x177: {  	s28 =	simm.s32 $0x18710;
	[tilespmem:s23+$0x0] =	vst v1  }
0x178: {  	s30 =	simm.s32 $0x20;
	s25 =	simm.s32 $0x10;
	v1 =	vld [tilespmem:s28+$0x0]  }
.LBB2_6:
0x179: {  	p0 =	sne.s32 s30, $0xC70;
	_ =	sdelay $0x3  }
0x17a: {  	v2 =	vadd.s32 $0x1, v1;
	_ =	sdelay $0x3  }
0x17b: {  	v1 =	vld.idx.msk [tilespmem:v1+s4+$0x0], $0xffff  }
0x17c: {  	v2 =	vld.idx.msk [tilespmem:v2+s4+$0x0], $0xffff;
	_ =	sdelay $0x2  }
0x17d: {  	s21 =	sadd.s32 $0x10, s21  }
0x17e: {  	v3 =	vld [tilespmem:s21+$0x0];
	_ =	sdelay $0x1  }
0x17f: {  	v2 =	vsub.s32 v2, v1  }
0x180: {  	v4 =	vcvt.s32.f32 v2;
	_ =	sdelay $0x1  }
0x181: {  	v3 =	vmul.f32 v4, v3;
	_ =	sdelay $0x1  }
0x182: {  	v4 =	vadd.s32 $0xFFFFFFFF, v2;
	v3 =	vtrunc.f32 v3  }
0x183: {  	vm0 =	vgt.s32 v4, $0x0;
	v3 =	vcvt.f32.s32 v3  }
0x184: {  	v4 =	vnsel vm0, $0x0, v4  }
0x185: {  	v5 =	vmov s25;
	s25 =	smov.u32 s30;
	vm0 =	vlt.s32 v3, v4  }
.Ltmp2:
0x186: {  	vm1 =	vlt.u32 v5, v0;
	v3 =	vsel vm0, v3, v4;
	vm0 =	vgt.s32 v2, $0x0;
	(pc) =	sbr.rel @p0 .LBB2_6-.Ltmp2, $4  }
0x187: {  	vm0 =	vmand vm1, vm0;
	v1 =	vadd.s32 v1, v3  }
0x188: {  	s23 =	sadd.s32 $0x10, s23;
	v1 =	vnsel vm0, $0x30D400, v1  }
0x189: {  	s28 =	sadd.s32 $0x10, s28;
	[tilespmem:s23+$0x0] =	vst v1  }
0x18a: {  	s30 =	sadd.s32 $0x10, s30;
	v1 =	vld [tilespmem:s28+$0x0]  }
0x18b: {  	_ =	sdelay $0x3  }
0x18c: {  	v2 =	vadd.s32 $0x1, v1;
	_ =	sdelay $0x3  }
0x18d: {  	v1 =	vld.idx.msk [tilespmem:v1+s4+$0x0], $0xffff  }
0x18e: {  	v2 =	vld.idx.msk [tilespmem:v2+s4+$0x0], $0xffff;
	_ =	sdelay $0x1  }
0x18f: {  	s21 =	sadd.s32 $0x10, s21  }
0x190: {  	v3 =	vld [tilespmem:s21+$0x0];
	_ =	sdelay $0x1  }
0x191: {  	v2 =	vsub.s32 v2, v1  }
0x192: {  	v4 =	vcvt.s32.f32 v2;
	_ =	sdelay $0x1  }
0x193: {  	v3 =	vmul.f32 v4, v3;
	_ =	sdelay $0x1  }
0x194: {  	v4 =	vadd.s32 $0xFFFFFFFF, v2;
	v3 =	vtrunc.f32 v3  }
0x195: {  	vm0 =	vgt.s32 v4, $0x0;
	v3 =	vcvt.f32.s32 v3  }
0x196: {  	v4 =	vnsel vm0, $0x0, v4  }
0x197: {  	v5 =	vmov s25;
	vm0 =	vlt.s32 v3, v4  }
0x198: {  	vm1 =	vlt.u32 v5, v0;
	v3 =	vsel vm0, v3, v4;
	vm0 =	vgt.s32 v2, $0x0  }
0x199: {  	vm0 =	vmand vm1, vm0;
	v1 =	vadd.s32 v1, v3  }
0x19a: {  	s13 =	sadd.s32 $0x10, s23;
	v1 =	vnsel vm0, $0x30D400, v1  }
0x19b: {  	s14 =	simm.s32 $0x1A000;
	s23 =	simm.s32 $0x1AC80;
	[tilespmem:s13+$0x0] =	vst v1  }
0x19c: {  	[tilespmem:s23], [sflag:$0x1] =	stream.indirect.gather [hbm4b:s2+s17], $0x1, s14, s17, $0xb8;
	[tilespmem:$0x1D200] =	vst v63  }
0x19d: {  	s15 =	simm.s32 $0x1A080;
	s25 =	simm.s32 $0x1AD00  }
0x19e: {  	[tilespmem:s25], [sflag:$0x1] =	stream.indirect.gather [hbm4b:s2+s17], $0x1, s15, s17, $0xb8;
	[tilespmem:$0x1D200] =	vst v63  }
0x19f: {  	s16 =	simm.s32 $0x1A100;
	s28 =	simm.s32 $0x1AD80  }
0x1a0: {  	[tilespmem:s28], [sflag:$0x1] =	stream.indirect.gather [hbm4b:s2+s17], $0x1, s16, s17, $0xb8;
	[tilespmem:$0x1D200] =	vst v63  }
0x1a1: {  	s19 =	simm.s32 $0x1A180;
	s30 =	simm.s32 $0x1AE00  }
0x1a2: {  	[tilespmem:s30], [sflag:$0x1] =	stream.indirect.gather [hbm4b:s2+s17], $0x1, s19, s17, $0xb8;
	[tilespmem:$0x1D200] =	vst v63  }
0x1a3: {  	s20 =	simm.s32 $0x1A200;
	s1 =	simm.s32 $0x1AE80  }
0x1a4: {  	[tilespmem:s1], [sflag:$0x1] =	stream.indirect.gather [hbm4b:s2+s17], $0x1, s20, s17, $0xb8;
	[tilespmem:$0x1D200] =	vst v63  }
0x1a5: {  	s22 =	simm.s32 $0x1A280;
	s5 =	simm.s32 $0x1AF00  }
0x1a6: {  	[tilespmem:s5], [sflag:$0x1] =	stream.indirect.gather [hbm4b:s2+s17], $0x1, s22, s17, $0xb8;
	[tilespmem:$0x1D200] =	vst v63  }
0x1a7: {  	s24 =	simm.s32 $0x1A300;
	s8 =	simm.s32 $0x1AF80  }
0x1a8: {  	[tilespmem:s8], [sflag:$0x1] =	stream.indirect.gather [hbm4b:s2+s17], $0x1, s24, s17, $0xb8;
	[tilespmem:$0x1D200] =	vst v63  }
0x1a9: {  	s26 =	simm.s32 $0x1A380;
	s10 =	simm.s32 $0x1B000  }
0x1aa: {  	[tilespmem:s10], [sflag:$0x1] =	stream.indirect.gather [hbm4b:s2+s17], $0x1, s26, s17, $0xb8;
	[tilespmem:$0x1D200] =	vst v63  }
0x1ab: {  	s29 =	simm.s32 $0x1A400;
	s12 =	simm.s32 $0x1B080  }
0x1ac: {  	[tilespmem:s12], [sflag:$0x1] =	stream.indirect.gather [hbm4b:s2+s17], $0x1, s29, s17, $0xb8;
	[tilespmem:$0x1D200] =	vst v63  }
0x1ad: {  	s31 =	simm.s32 $0x1A480;
	s14 =	simm.s32 $0x1B100  }
0x1ae: {  	[tilespmem:s14], [sflag:$0x1] =	stream.indirect.gather [hbm4b:s2+s17], $0x1, s31, s17, $0xb8;
	[tilespmem:$0x1D200] =	vst v63  }
0x1af: {  	s0 =	simm.s32 $0x1A500;
	s6 =	simm.s32 $0x1B180  }
0x1b0: {  	[tilespmem:s6], [sflag:$0x1] =	stream.indirect.gather [hbm4b:s2+s17], $0x1, s0, s17, $0xb8;
	[tilespmem:$0x1D200] =	vst v63  }
0x1b1: {  	s7 =	simm.s32 $0x1A580;
	s22 =	simm.s32 $0x1B200  }
0x1b2: {  	[tilespmem:s22], [sflag:$0x1] =	stream.indirect.gather [hbm4b:s2+s17], $0x1, s7, s17, $0xb8;
	[tilespmem:$0x1D200] =	vst v63  }
0x1b3: {  	s9 =	simm.s32 $0x1A600;
	s26 =	simm.s32 $0x1B280  }
0x1b4: {  	[tilespmem:s26], [sflag:$0x1] =	stream.indirect.gather [hbm4b:s2+s17], $0x1, s9, s17, $0xb8;
	[tilespmem:$0x1D200] =	vst v63  }
0x1b5: {  	s11 =	simm.s32 $0x1A680;
	s31 =	simm.s32 $0x1B300  }
0x1b6: {  	[tilespmem:s31], [sflag:$0x1] =	stream.indirect.gather [hbm4b:s2+s17], $0x1, s11, s17, $0xb8;
	[tilespmem:$0x1D200] =	vst v63  }
0x1b7: {  	s13 =	simm.s32 $0x1A700;
	s7 =	simm.s32 $0x1B380  }
0x1b8: {  	[tilespmem:s7], [sflag:$0x1] =	stream.indirect.gather [hbm4b:s2+s17], $0x1, s13, s17, $0xb8;
	[tilespmem:$0x1D200] =	vst v63  }
0x1b9: {  	s15 =	simm.s32 $0x1A780;
	s11 =	simm.s32 $0x1B400  }
0x1ba: {  	[tilespmem:s11], [sflag:$0x1] =	stream.indirect.gather [hbm4b:s2+s17], $0x1, s15, s17, $0xb8;
	[tilespmem:$0x1D200] =	vst v63  }
0x1bb: {  	s16 =	simm.s32 $0x1A800;
	s15 =	simm.s32 $0x1B480  }
0x1bc: {  	[tilespmem:s15], [sflag:$0x1] =	stream.indirect.gather [hbm4b:s2+s17], $0x1, s16, s17, $0xb8;
	[tilespmem:$0x1D200] =	vst v63  }
0x1bd: {  	s19 =	simm.s32 $0x1A880;
	s24 =	simm.s32 $0x1B500  }
0x1be: {  	[tilespmem:s24], [sflag:$0x1] =	stream.indirect.gather [hbm4b:s2+s17], $0x1, s19, s17, $0xb8;
	[tilespmem:$0x1D200] =	vst v63  }
0x1bf: {  	s20 =	simm.s32 $0x1A900;
	s0 =	simm.s32 $0x1B580  }
0x1c0: {  	[tilespmem:s0], [sflag:$0x1] =	stream.indirect.gather [hbm4b:s2+s17], $0x1, s20, s17, $0xb8;
	[tilespmem:$0x1D200] =	vst v63  }
0x1c1: {  	s29 =	simm.s32 $0x1A980;
	s13 =	simm.s32 $0x1B600  }
0x1c2: {  	[tilespmem:s13], [sflag:$0x1] =	stream.indirect.gather [hbm4b:s2+s17], $0x1, s29, s17, $0xb8;
	[tilespmem:$0x1D200] =	vst v63  }
0x1c3: {  	s9 =	simm.s32 $0x1AA00;
	s29 =	simm.s32 $0x1B680  }
0x1c4: {  	[tilespmem:s29], [sflag:$0x1] =	stream.indirect.gather [hbm4b:s2+s17], $0x1, s9, s17, $0xb8;
	[tilespmem:$0x1D200] =	vst v63  }
0x1c5: {  	s16 =	simm.s32 $0x1AA80;
	s20 =	simm.s32 $0x1B700  }
0x1c6: {  	[tilespmem:s20], [sflag:$0x1] =	stream.indirect.gather [hbm4b:s2+s17], $0x1, s16, s17, $0xb8;
	[tilespmem:$0x1D200] =	vst v63  }
0x1c7: {  	s19 =	simm.s32 $0x1AB00;
	s9 =	simm.s32 $0x1B780  }
0x1c8: {  	[tilespmem:s9], [sflag:$0x1] =	stream.indirect.gather [hbm4b:s2+s17], $0x1, s19, s17, $0xb8;
	[tilespmem:$0x1D200] =	vst v63  }
0x1c9: {  	s16 =	simm.s32 $0x1AB80;
	s19 =	simm.s32 $0x1B800  }
0x1ca: {  	[tilespmem:s19], [sflag:$0x1] =	stream.indirect.gather [hbm4b:s2+s17], $0x1, s16, s17, $0xb8;
	[tilespmem:$0x1D200] =	vst v63  }
0x1cb: {  	s21 =	simm.s32 $0x1AC00;
	s16 =	simm.s32 $0x1B880  }
0x1cc: {  	[tilespmem:s16], [sflag:$0x1] =	stream.indirect.gather [hbm4b:s2+s17], $0x1, s21, s17, $0xb8;
	[tilespmem:$0x1D200] =	vst v63  }
0x1cd: {  	_ =	swait.ge [sflag:s18], $0x80  }
0x1ce: {  	[sflag:s18] =	ssyncset.done $0x0  }
0x1cf: {  	[sflag:s18] =	ssyncadd.s32 $0xFFFFFF80  }
0x1d0: {  	_ =	swait.ge [sflag:s18], $0x80  }
0x1d1: {  	[sflag:s18] =	ssyncset.done $0x0  }
0x1d2: {  	[sflag:s18] =	ssyncadd.s32 $0xFFFFFF80  }
0x1d3: {  	_ =	swait.ge [sflag:s18], $0x80  }
0x1d4: {  	[sflag:s18] =	ssyncset.done $0x0  }
0x1d5: {  	[sflag:s18] =	ssyncadd.s32 $0xFFFFFF80  }
0x1d6: {  	_ =	swait.ge [sflag:s18], $0x80  }
0x1d7: {  	[sflag:s18] =	ssyncset.done $0x0  }
0x1d8: {  	[sflag:s18] =	ssyncadd.s32 $0xFFFFFF80  }
0x1d9: {  	_ =	swait.ge [sflag:s18], $0x80  }
0x1da: {  	[sflag:s18] =	ssyncset.done $0x0  }
0x1db: {  	[sflag:s18] =	ssyncadd.s32 $0xFFFFFF80  }
0x1dc: {  	_ =	swait.ge [sflag:s18], $0x80  }
0x1dd: {  	[sflag:s18] =	ssyncset.done $0x0  }
0x1de: {  	[sflag:s18] =	ssyncadd.s32 $0xFFFFFF80  }
0x1df: {  	_ =	swait.ge [sflag:s18], $0x80  }
0x1e0: {  	[sflag:s18] =	ssyncset.done $0x0  }
0x1e1: {  	[sflag:s18] =	ssyncadd.s32 $0xFFFFFF80  }
0x1e2: {  	_ =	swait.ge [sflag:s18], $0x80  }
0x1e3: {  	[sflag:s18] =	ssyncset.done $0x0  }
0x1e4: {  	[sflag:s18] =	ssyncadd.s32 $0xFFFFFF80  }
0x1e5: {  	_ =	swait.ge [sflag:s18], $0x80  }
0x1e6: {  	[sflag:s18] =	ssyncset.done $0x0  }
0x1e7: {  	[sflag:s18] =	ssyncadd.s32 $0xFFFFFF80  }
0x1e8: {  	_ =	swait.ge [sflag:s18], $0x80  }
0x1e9: {  	[sflag:s18] =	ssyncset.done $0x0  }
0x1ea: {  	[sflag:s18] =	ssyncadd.s32 $0xFFFFFF80  }
0x1eb: {  	_ =	swait.ge [sflag:s18], $0x80  }
0x1ec: {  	[sflag:s18] =	ssyncset.done $0x0  }
0x1ed: {  	[sflag:s18] =	ssyncadd.s32 $0xFFFFFF80  }
0x1ee: {  	_ =	swait.ge [sflag:s18], $0x80  }
0x1ef: {  	[sflag:s18] =	ssyncset.done $0x0  }
0x1f0: {  	[sflag:s18] =	ssyncadd.s32 $0xFFFFFF80  }
0x1f1: {  	_ =	swait.ge [sflag:s18], $0x80  }
0x1f2: {  	[sflag:s18] =	ssyncset.done $0x0  }
0x1f3: {  	[sflag:s18] =	ssyncadd.s32 $0xFFFFFF80  }
0x1f4: {  	_ =	swait.ge [sflag:s18], $0x80  }
0x1f5: {  	[sflag:s18] =	ssyncset.done $0x0  }
0x1f6: {  	[sflag:s18] =	ssyncadd.s32 $0xFFFFFF80  }
0x1f7: {  	_ =	swait.ge [sflag:s18], $0x80  }
0x1f8: {  	[sflag:s18] =	ssyncset.done $0x0  }
0x1f9: {  	[sflag:s18] =	ssyncadd.s32 $0xFFFFFF80  }
0x1fa: {  	_ =	swait.ge [sflag:s18], $0x80  }
0x1fb: {  	[sflag:s18] =	ssyncset.done $0x0  }
0x1fc: {  	[sflag:s18] =	ssyncadd.s32 $0xFFFFFF80  }
0x1fd: {  	_ =	swait.ge [sflag:s18], $0x80  }
0x1fe: {  	[sflag:s18] =	ssyncset.done $0x0  }
0x1ff: {  	[sflag:s18] =	ssyncadd.s32 $0xFFFFFF80  }
0x200: {  	_ =	swait.ge [sflag:s18], $0x80  }
0x201: {  	[sflag:s18] =	ssyncset.done $0x0  }
0x202: {  	[sflag:s18] =	ssyncadd.s32 $0xFFFFFF80  }
0x203: {  	_ =	swait.ge [sflag:s18], $0x80  }
0x204: {  	[sflag:s18] =	ssyncset.done $0x0  }
0x205: {  	[sflag:s18] =	ssyncadd.s32 $0xFFFFFF80  }
0x206: {  	_ =	swait.ge [sflag:s18], $0x80  }
0x207: {  	[sflag:s18] =	ssyncset.done $0x0  }
0x208: {  	[sflag:s18] =	ssyncadd.s32 $0xFFFFFF80  }
0x209: {  	_ =	swait.ge [sflag:s18], $0x80  }
0x20a: {  	[sflag:s18] =	ssyncset.done $0x0  }
0x20b: {  	[sflag:s18] =	ssyncadd.s32 $0xFFFFFF80  }
0x20c: {  	_ =	swait.ge [sflag:s18], $0x80  }
0x20d: {  	[sflag:s18] =	ssyncset.done $0x0  }
0x20e: {  	[sflag:s18] =	ssyncadd.s32 $0xFFFFFF80  }
0x20f: {  	_ =	swait.ge [sflag:s18], $0x80  }
0x210: {  	[sflag:s18] =	ssyncset.done $0x0  }
0x211: {  	[sflag:s18] =	ssyncadd.s32 $0xFFFFFF80  }
0x212: {  	_ =	swait.ge [sflag:s18], $0x80  }
0x213: {  	[sflag:s18] =	ssyncset.done $0x0  }
0x214: {  	[sflag:s18] =	ssyncadd.s32 $0xFFFFFF80  }
0x215: {  	_ =	swait.ge [sflag:s18], $0x80  }
0x216: {  	[sflag:s18] =	ssyncset.done $0x0  }
0x217: {  	s21 =	simm.s32 $0x1B900;
	[sflag:s18] =	ssyncadd.s32 $0xFFFFFF80  }
0x218: {  	[tilespmem:s21], [sflag:$0x1] =	stream.indirect.gather [hbm4b:s3+s17], $0x1, s23, s17, $0xb8;
	[tilespmem:$0x1D200] =	vst v63  }
0x219: {  	s23 =	simm.s32 $0x1B980  }
0x21a: {  	[tilespmem:s23], [sflag:$0x1] =	stream.indirect.gather [hbm4b:s3+s17], $0x1, s25, s17, $0xb8;
	[tilespmem:$0x1D200] =	vst v63  }
0x21b: {  	s25 =	simm.s32 $0x1BA00  }
0x21c: {  	[tilespmem:s25], [sflag:$0x1] =	stream.indirect.gather [hbm4b:s3+s17], $0x1, s28, s17, $0xb8;
	[tilespmem:$0x1D200] =	vst v63  }
0x21d: {  	s28 =	simm.s32 $0x1BA80  }
0x21e: {  	[tilespmem:s28], [sflag:$0x1] =	stream.indirect.gather [hbm4b:s3+s17], $0x1, s30, s17, $0xb8;
	[tilespmem:$0x1D200] =	vst v63  }
0x21f: {  	s30 =	simm.s32 $0x1BB00  }
0x220: {  	[tilespmem:s30], [sflag:$0x1] =	stream.indirect.gather [hbm4b:s3+s17], $0x1, s1, s17, $0xb8;
	[tilespmem:$0x1D200] =	vst v63  }
0x221: {  	s21 =	simm.s32 $0x1BB80  }
0x222: {  	[tilespmem:s21], [sflag:$0x1] =	stream.indirect.gather [hbm4b:s3+s17], $0x1, s5, s17, $0xb8;
	[tilespmem:$0x1D200] =	vst v63  }
0x223: {  	s23 =	simm.s32 $0x1BC00  }
0x224: {  	[tilespmem:s23], [sflag:$0x1] =	stream.indirect.gather [hbm4b:s3+s17], $0x1, s8, s17, $0xb8;
	[tilespmem:$0x1D200] =	vst v63  }
0x225: {  	s25 =	simm.s32 $0x1BC80  }
0x226: {  	[tilespmem:s25], [sflag:$0x1] =	stream.indirect.gather [hbm4b:s3+s17], $0x1, s10, s17, $0xb8;
	[tilespmem:$0x1D200] =	vst v63  }
0x227: {  	s28 =	simm.s32 $0x1BD00  }
0x228: {  	[tilespmem:s28], [sflag:$0x1] =	stream.indirect.gather [hbm4b:s3+s17], $0x1, s12, s17, $0xb8;
	[tilespmem:$0x1D200] =	vst v63  }
0x229: {  	s30 =	simm.s32 $0x1BD80  }
0x22a: {  	[tilespmem:s30], [sflag:$0x1] =	stream.indirect.gather [hbm4b:s3+s17], $0x1, s14, s17, $0xb8;
	[tilespmem:$0x1D200] =	vst v63  }
0x22b: {  	s5 =	simm.s32 $0x1BE00  }
0x22c: {  	[tilespmem:s5], [sflag:$0x1] =	stream.indirect.gather [hbm4b:s3+s17], $0x1, s6, s17, $0xb8;
	[tilespmem:$0x1D200] =	vst v63  }
0x22d: {  	s8 =	simm.s32 $0x1BE80  }
0x22e: {  	[tilespmem:s8], [sflag:$0x1] =	stream.indirect.gather [hbm4b:s3+s17], $0x1, s22, s17, $0xb8;
	[tilespmem:$0x1D200] =	vst v63  }
0x22f: {  	s10 =	simm.s32 $0x1BF00  }
0x230: {  	[tilespmem:s10], [sflag:$0x1] =	stream.indirect.gather [hbm4b:s3+s17], $0x1, s26, s17, $0xb8;
	[tilespmem:$0x1D200] =	vst v63  }
0x231: {  	s12 =	simm.s32 $0x1BF80  }
0x232: {  	[tilespmem:s12], [sflag:$0x1] =	stream.indirect.gather [hbm4b:s3+s17], $0x1, s31, s17, $0xb8;
	[tilespmem:$0x1D200] =	vst v63  }
0x233: {  	s14 =	simm.s32 $0x1C000  }
0x234: {  	[tilespmem:s14], [sflag:$0x1] =	stream.indirect.gather [hbm4b:s3+s17], $0x1, s7, s17, $0xb8;
	[tilespmem:$0x1D200] =	vst v63  }
0x235: {  	s21 =	simm.s32 $0x1C080  }
0x236: {  	[tilespmem:s21], [sflag:$0x1] =	stream.indirect.gather [hbm4b:s3+s17], $0x1, s11, s17, $0xb8;
	[tilespmem:$0x1D200] =	vst v63  }
0x237: {  	s22 =	simm.s32 $0x1C100  }
0x238: {  	[tilespmem:s22], [sflag:$0x1] =	stream.indirect.gather [hbm4b:s3+s17], $0x1, s15, s17, $0xb8;
	[tilespmem:$0x1D200] =	vst v63  }
0x239: {  	s23 =	simm.s32 $0x1C180  }
0x23a: {  	[tilespmem:s23], [sflag:$0x1] =	stream.indirect.gather [hbm4b:s3+s17], $0x1, s24, s17, $0xb8;
	[tilespmem:$0x1D200] =	vst v63  }
0x23b: {  	s24 =	simm.s32 $0x1C200  }
0x23c: {  	[tilespmem:s24], [sflag:$0x1] =	stream.indirect.gather [hbm4b:s3+s17], $0x1, s0, s17, $0xb8;
	[tilespmem:$0x1D200] =	vst v63  }
0x23d: {  	s25 =	simm.s32 $0x1C280  }
0x23e: {  	[tilespmem:s25], [sflag:$0x1] =	stream.indirect.gather [hbm4b:s3+s17], $0x1, s13, s17, $0xb8;
	[tilespmem:$0x1D200] =	vst v63  }
0x23f: {  	s26 =	simm.s32 $0x1C300  }
0x240: {  	[tilespmem:s26], [sflag:$0x1] =	stream.indirect.gather [hbm4b:s3+s17], $0x1, s29, s17, $0xb8;
	[tilespmem:$0x1D200] =	vst v63  }
0x241: {  	s28 =	simm.s32 $0x1C380  }
0x242: {  	[tilespmem:s28], [sflag:$0x1] =	stream.indirect.gather [hbm4b:s3+s17], $0x1, s20, s17, $0xb8;
	[tilespmem:$0x1D200] =	vst v63  }
0x243: {  	s29 =	simm.s32 $0x1C400  }
0x244: {  	[tilespmem:s29], [sflag:$0x1] =	stream.indirect.gather [hbm4b:s3+s17], $0x1, s9, s17, $0xb8;
	[tilespmem:$0x1D200] =	vst v63  }
0x245: {  	s30 =	simm.s32 $0x1C480  }
0x246: {  	[tilespmem:s30], [sflag:$0x1] =	stream.indirect.gather [hbm4b:s3+s17], $0x1, s19, s17, $0xb8;
	[tilespmem:$0x1D200] =	vst v63  }
0x247: {  	s31 =	simm.s32 $0x1C500  }
0x248: {  	[tilespmem:s31], [sflag:$0x1] =	stream.indirect.gather [hbm4b:s3+s17], $0x1, s16, s17, $0xb8;
	[tilespmem:$0x1D200] =	vst v63  }
0x249: {  	_ =	swait.ge [sflag:s18], $0x80  }
0x24a: {  	[sflag:s18] =	ssyncset.done $0x0  }
0x24b: {  	[sflag:s18] =	ssyncadd.s32 $0xFFFFFF80  }
0x24c: {  	_ =	swait.ge [sflag:s18], $0x80  }
0x24d: {  	[sflag:s18] =	ssyncset.done $0x0  }
0x24e: {  	[sflag:s18] =	ssyncadd.s32 $0xFFFFFF80  }
0x24f: {  	_ =	swait.ge [sflag:s18], $0x80  }
0x250: {  	[sflag:s18] =	ssyncset.done $0x0  }
0x251: {  	[sflag:s18] =	ssyncadd.s32 $0xFFFFFF80  }
0x252: {  	_ =	swait.ge [sflag:s18], $0x80  }
0x253: {  	[sflag:s18] =	ssyncset.done $0x0  }
0x254: {  	[sflag:s18] =	ssyncadd.s32 $0xFFFFFF80  }
0x255: {  	_ =	swait.ge [sflag:s18], $0x80  }
0x256: {  	[sflag:s18] =	ssyncset.done $0x0  }
0x257: {  	[sflag:s18] =	ssyncadd.s32 $0xFFFFFF80  }
0x258: {  	_ =	swait.ge [sflag:s18], $0x80  }
0x259: {  	[sflag:s18] =	ssyncset.done $0x0  }
0x25a: {  	[sflag:s18] =	ssyncadd.s32 $0xFFFFFF80  }
0x25b: {  	_ =	swait.ge [sflag:s18], $0x80  }
0x25c: {  	[sflag:s18] =	ssyncset.done $0x0  }
0x25d: {  	[sflag:s18] =	ssyncadd.s32 $0xFFFFFF80  }
0x25e: {  	_ =	swait.ge [sflag:s18], $0x80  }
0x25f: {  	[sflag:s18] =	ssyncset.done $0x0  }
0x260: {  	[sflag:s18] =	ssyncadd.s32 $0xFFFFFF80  }
0x261: {  	_ =	swait.ge [sflag:s18], $0x80  }
0x262: {  	[sflag:s18] =	ssyncset.done $0x0  }
0x263: {  	[sflag:s18] =	ssyncadd.s32 $0xFFFFFF80  }
0x264: {  	_ =	swait.ge [sflag:s18], $0x80  }
0x265: {  	[sflag:s18] =	ssyncset.done $0x0  }
0x266: {  	[sflag:s18] =	ssyncadd.s32 $0xFFFFFF80  }
0x267: {  	_ =	swait.ge [sflag:s18], $0x80  }
0x268: {  	[sflag:s18] =	ssyncset.done $0x0  }
0x269: {  	[sflag:s18] =	ssyncadd.s32 $0xFFFFFF80  }
0x26a: {  	_ =	swait.ge [sflag:s18], $0x80  }
0x26b: {  	[sflag:s18] =	ssyncset.done $0x0  }
0x26c: {  	[sflag:s18] =	ssyncadd.s32 $0xFFFFFF80  }
0x26d: {  	_ =	swait.ge [sflag:s18], $0x80  }
0x26e: {  	[sflag:s18] =	ssyncset.done $0x0  }
0x26f: {  	[sflag:s18] =	ssyncadd.s32 $0xFFFFFF80  }
0x270: {  	_ =	swait.ge [sflag:s18], $0x80  }
0x271: {  	[sflag:s18] =	ssyncset.done $0x0  }
0x272: {  	[sflag:s18] =	ssyncadd.s32 $0xFFFFFF80  }
0x273: {  	_ =	swait.ge [sflag:s18], $0x80  }
0x274: {  	[sflag:s18] =	ssyncset.done $0x0  }
0x275: {  	[sflag:s18] =	ssyncadd.s32 $0xFFFFFF80  }
0x276: {  	_ =	swait.ge [sflag:s18], $0x80  }
0x277: {  	[sflag:s18] =	ssyncset.done $0x0  }
0x278: {  	[sflag:s18] =	ssyncadd.s32 $0xFFFFFF80  }
0x279: {  	_ =	swait.ge [sflag:s18], $0x80  }
0x27a: {  	[sflag:s18] =	ssyncset.done $0x0  }
0x27b: {  	[sflag:s18] =	ssyncadd.s32 $0xFFFFFF80  }
0x27c: {  	_ =	swait.ge [sflag:s18], $0x80  }
0x27d: {  	[sflag:s18] =	ssyncset.done $0x0  }
0x27e: {  	[sflag:s18] =	ssyncadd.s32 $0xFFFFFF80  }
0x27f: {  	_ =	swait.ge [sflag:s18], $0x80  }
0x280: {  	[sflag:s18] =	ssyncset.done $0x0  }
0x281: {  	[sflag:s18] =	ssyncadd.s32 $0xFFFFFF80  }
0x282: {  	_ =	swait.ge [sflag:s18], $0x80  }
0x283: {  	[sflag:s18] =	ssyncset.done $0x0  }
0x284: {  	[sflag:s18] =	ssyncadd.s32 $0xFFFFFF80  }
0x285: {  	_ =	swait.ge [sflag:s18], $0x80  }
0x286: {  	[sflag:s18] =	ssyncset.done $0x0  }
0x287: {  	[sflag:s18] =	ssyncadd.s32 $0xFFFFFF80  }
0x288: {  	_ =	swait.ge [sflag:s18], $0x80  }
0x289: {  	[sflag:s18] =	ssyncset.done $0x0  }
0x28a: {  	[sflag:s18] =	ssyncadd.s32 $0xFFFFFF80  }
0x28b: {  	_ =	swait.ge [sflag:s18], $0x80  }
0x28c: {  	[sflag:s18] =	ssyncset.done $0x0  }
0x28d: {  	[sflag:s18] =	ssyncadd.s32 $0xFFFFFF80  }
0x28e: {  	_ =	swait.ge [sflag:s18], $0x80  }
0x28f: {  	[sflag:s18] =	ssyncset.done $0x0  }
0x290: {  	[sflag:s18] =	ssyncadd.s32 $0xFFFFFF80  }
0x291: {  	_ =	swait.ge [sflag:s18], $0x80  }
0x292: {  	[sflag:s18] =	ssyncset.done $0x0  }
0x293: {  	s21 =	simm.s32 $0x0;
	[sflag:s18] =	ssyncadd.s32 $0xFFFFFF80  }
0x294: {  	v3 =	vld [tilespmem:s21+$0x1B900]  }
0x295: {  	v1 =	vld [tilespmem:s21+$0x1A000]  }
0x296: {  	v4 =	vld [tilespmem:s21+$0x18700]  }
0x297: {  	v2 =	vld [tilespmem:s21+$0x1AC80];
	_ =	sdelay $0x2  }
0x298: {  	s23 =	simm.s32 $0x10;
	vm0 =	vlt.s32 v1, $0x30D400  }
0x299: {  	s25 =	simm.s32 $0x80;
	v1 =	vld [tilespmem:s23+$0x1B900];
	v3 =	vsel vm0, v3, v4  }
.LBB2_8:
0x29a: {  	p0 =	sne.s32 s25, $0x31C0;
	v4 =	vld [tilespmem:s23+$0x1A000];
	[tilespmem:s21+$0x18700] =	vst v3;
	v2 =	vnsel vm0, $0x30D400, v2  }
0x29b: {  	v3 =	vld [tilespmem:s23+$0x18700];
	[tilespmem:s21+$0x1C580] =	vst v2;
	s21 =	smov.u32 s23  }
.Ltmp3:
0x29c: {  	v2 =	vld [tilespmem:s21+$0x1AC80];
	(pc) =	sbr.rel @p0 .LBB2_8-.Ltmp3, $3  }
0x29d: {  	_ =	sdelay $0x1  }
0x29e: {  	s23 =	sshra.s32 s25, $0x2;
	vm0 =	vlt.s32 v4, $0x30D400  }
0x29f: {  	s25 =	sadd.s32 $0x40, s25;
	v3 =	vsel vm0, v1, v3;
	v1 =	vld [tilespmem:s23+$0x1B900]  }
0x2a0: {  	v4 =	vld [tilespmem:s23+$0x1A000];
	[tilespmem:s21+$0x18700] =	vst v3;
	v2 =	vnsel vm0, $0x30D400, v2  }
0x2a1: {  	v3 =	vld [tilespmem:s23+$0x18700];
	[tilespmem:s21+$0x1C580] =	vst v2  }
0x2a2: {  	v2 =	vld [tilespmem:s23+$0x1AC80];
	_ =	sdelay $0x2  }
0x2a3: {  	vm13 =	vlt.s32 v4, $0x30D400  }
0x2a4: {  	v1 =	vsel vm13, v1, v3  }
0x2a5: {  	s24 =	simm.s32 $0x0;
	[tilespmem:s23+$0x18700] =	vst v1;
	v1 =	vnsel vm13, $0x30D400, v2  }
0x2a6: {  	s26 =	rddreg [dreg:$0x9];
	s0 =	simm.s32 $0x1C580;
	s29 =	simm.s32 $0x2;
	[tilespmem:s23+$0x1C580] =	vst v1  }
0x2a7: {  	[hbm4b:s26+s24] =	stream.linear.scatter [tilespmem:s0], [sflag:$0x2], $0xC80, $0x38;
	[tilespmem:$0x1D200] =	vst v63  }
0x2a8: {  	_ =	swait.ge [sflag:s29], $0xC80  }
0x2a9: {  	[sflag:s29] =	ssyncset.done $0x0  }
0x2aa: {  	s21 =	simm.s32 $0x19380;
	s25 =	rddreg [dreg:$0xa];
	[sflag:s29] =	ssyncadd.s32 $0xFFFFF380  }
0x2ab: {  	[tilespmem:s21], [sflag:$0x2] =	stream.linear.gather [hbm4b:s25+s24], $0xC80, $0x38;
	[tilespmem:$0x1D200] =	vst v63  }
0x2ac: {  	_ =	swait.ge [sflag:s29], $0xC80  }
0x2ad: {  	[sflag:s29] =	ssyncset.done $0x0  }
0x2ae: {  	s31 =	simm.s32 $0x18700;
	[sflag:s29] =	ssyncadd.s32 $0xFFFFF380  }
0x2af: {  	v1 =	vld [tilespmem:s31+$0x0];
	_ =	sdelay $0x4  }
0x2b0: {  	v2 =	vadd.s32 $0x1, v1;
	_ =	sdelay $0x3  }
0x2b1: {  	v1 =	vld.idx.msk [tilespmem:v1+s4+$0x0], $0xffff  }
0x2b2: {  	v2 =	vld.idx.msk [tilespmem:v2+s4+$0x0], $0xffff;
	_ =	sdelay $0x2  }
0x2b3: {  	v3 =	vld [tilespmem:s21+$0x0];
	_ =	sdelay $0x1  }
0x2b4: {  	v2 =	vsub.s32 v2, v1  }
0x2b5: {  	v62 =	vcvt.s32.f32 v2;
	_ =	sdelay $0x1  }
0x2b6: {  	v3 =	vmul.f32 v62, v3;
	_ =	sdelay $0x1  }
0x2b7: {  	v63 =	vadd.s32 $0xFFFFFFFF, v2;
	v3 =	vtrunc.f32 v3  }
0x2b8: {  	vm14 =	vgt.s32 v63, $0x0;
	v3 =	vcvt.f32.s32 v3  }
0x2b9: {  	v4 =	vnsel vm14, $0x0, v63  }
0x2ba: {  	v5 =	vmov s24;
	vm0 =	vlt.s32 v3, v4  }
0x2bb: {  	vm1 =	vlt.u32 v5, v0;
	vm15 =	vgt.s32 v2, $0x0;
	v3 =	vsel vm0, v3, v4  }
0x2bc: {  	vm0 =	vmand vm1, vm15;
	v1 =	vadd.s32 v1, v3  }
0x2bd: {  	s23 =	simm.s32 $0x1A000;
	v1 =	vnsel vm0, $0x30D400, v1  }
0x2be: {  	s28 =	simm.s32 $0x18710;
	[tilespmem:s23+$0x0] =	vst v1  }
0x2bf: {  	s30 =	simm.s32 $0x20;
	s25 =	simm.s32 $0x10;
	v1 =	vld [tilespmem:s28+$0x0]  }
.LBB2_10:
0x2c0: {  	p0 =	sne.s32 s30, $0xC70;
	_ =	sdelay $0x3  }
0x2c1: {  	v2 =	vadd.s32 $0x1, v1;
	_ =	sdelay $0x3  }
0x2c2: {  	v1 =	vld.idx.msk [tilespmem:v1+s4+$0x0], $0xffff  }
0x2c3: {  	v2 =	vld.idx.msk [tilespmem:v2+s4+$0x0], $0xffff;
	_ =	sdelay $0x2  }
0x2c4: {  	s21 =	sadd.s32 $0x10, s21  }
0x2c5: {  	v3 =	vld [tilespmem:s21+$0x0];
	_ =	sdelay $0x1  }
0x2c6: {  	v2 =	vsub.s32 v2, v1  }
0x2c7: {  	v4 =	vcvt.s32.f32 v2;
	_ =	sdelay $0x1  }
0x2c8: {  	v3 =	vmul.f32 v4, v3;
	_ =	sdelay $0x1  }
0x2c9: {  	v4 =	vadd.s32 $0xFFFFFFFF, v2;
	v3 =	vtrunc.f32 v3  }
0x2ca: {  	vm0 =	vgt.s32 v4, $0x0;
	v3 =	vcvt.f32.s32 v3  }
0x2cb: {  	v4 =	vnsel vm0, $0x0, v4  }
0x2cc: {  	v5 =	vmov s25;
	s25 =	smov.u32 s30;
	vm0 =	vlt.s32 v3, v4  }
.Ltmp4:
0x2cd: {  	vm1 =	vlt.u32 v5, v0;
	v3 =	vsel vm0, v3, v4;
	vm0 =	vgt.s32 v2, $0x0;
	(pc) =	sbr.rel @p0 .LBB2_10-.Ltmp4, $4  }
0x2ce: {  	vm0 =	vmand vm1, vm0;
	v1 =	vadd.s32 v1, v3  }
0x2cf: {  	s23 =	sadd.s32 $0x10, s23;
	v1 =	vnsel vm0, $0x30D400, v1  }
0x2d0: {  	s28 =	sadd.s32 $0x10, s28;
	[tilespmem:s23+$0x0] =	vst v1  }
0x2d1: {  	s30 =	sadd.s32 $0x10, s30;
	v1 =	vld [tilespmem:s28+$0x0]  }
0x2d2: {  	_ =	sdelay $0x3  }
0x2d3: {  	v2 =	vadd.s32 $0x1, v1;
	_ =	sdelay $0x3  }
0x2d4: {  	v1 =	vld.idx.msk [tilespmem:v1+s4+$0x0], $0xffff  }
0x2d5: {  	v2 =	vld.idx.msk [tilespmem:v2+s4+$0x0], $0xffff;
	_ =	sdelay $0x1  }
0x2d6: {  	s21 =	sadd.s32 $0x10, s21  }
0x2d7: {  	v3 =	vld [tilespmem:s21+$0x0];
	_ =	sdelay $0x1  }
0x2d8: {  	v2 =	vsub.s32 v2, v1  }
0x2d9: {  	v4 =	vcvt.s32.f32 v2;
	_ =	sdelay $0x1  }
0x2da: {  	v3 =	vmul.f32 v4, v3;
	_ =	sdelay $0x1  }
0x2db: {  	v4 =	vadd.s32 $0xFFFFFFFF, v2;
	v3 =	vtrunc.f32 v3  }
0x2dc: {  	vm0 =	vgt.s32 v4, $0x0;
	v3 =	vcvt.f32.s32 v3  }
0x2dd: {  	v4 =	vnsel vm0, $0x0, v4  }
0x2de: {  	v5 =	vmov s25;
	vm0 =	vlt.s32 v3, v4  }
0x2df: {  	vm1 =	vlt.u32 v5, v0;
	v3 =	vsel vm0, v3, v4;
	vm0 =	vgt.s32 v2, $0x0  }
0x2e0: {  	vm0 =	vmand vm1, vm0;
	v1 =	vadd.s32 v1, v3  }
0x2e1: {  	s13 =	sadd.s32 $0x10, s23;
	v1 =	vnsel vm0, $0x30D400, v1  }
0x2e2: {  	s14 =	simm.s32 $0x1A000;
	s23 =	simm.s32 $0x1AC80;
	[tilespmem:s13+$0x0] =	vst v1  }
0x2e3: {  	[tilespmem:s23], [sflag:$0x1] =	stream.indirect.gather [hbm4b:s2+s17], $0x1, s14, s17, $0xb8;
	[tilespmem:$0x1D200] =	vst v63  }
0x2e4: {  	s15 =	simm.s32 $0x1A080;
	s25 =	simm.s32 $0x1AD00  }
0x2e5: {  	[tilespmem:s25], [sflag:$0x1] =	stream.indirect.gather [hbm4b:s2+s17], $0x1, s15, s17, $0xb8;
	[tilespmem:$0x1D200] =	vst v63  }
0x2e6: {  	s16 =	simm.s32 $0x1A100;
	s28 =	simm.s32 $0x1AD80  }
0x2e7: {  	[tilespmem:s28], [sflag:$0x1] =	stream.indirect.gather [hbm4b:s2+s17], $0x1, s16, s17, $0xb8;
	[tilespmem:$0x1D200] =	vst v63  }
0x2e8: {  	s19 =	simm.s32 $0x1A180;
	s30 =	simm.s32 $0x1AE00  }
0x2e9: {  	[tilespmem:s30], [sflag:$0x1] =	stream.indirect.gather [hbm4b:s2+s17], $0x1, s19, s17, $0xb8;
	[tilespmem:$0x1D200] =	vst v63  }
0x2ea: {  	s20 =	simm.s32 $0x1A200;
	s1 =	simm.s32 $0x1AE80  }
0x2eb: {  	[tilespmem:s1], [sflag:$0x1] =	stream.indirect.gather [hbm4b:s2+s17], $0x1, s20, s17, $0xb8;
	[tilespmem:$0x1D200] =	vst v63  }
0x2ec: {  	s22 =	simm.s32 $0x1A280;
	s5 =	simm.s32 $0x1AF00  }
0x2ed: {  	[tilespmem:s5], [sflag:$0x1] =	stream.indirect.gather [hbm4b:s2+s17], $0x1, s22, s17, $0xb8;
	[tilespmem:$0x1D200] =	vst v63  }
0x2ee: {  	s24 =	simm.s32 $0x1A300;
	s8 =	simm.s32 $0x1AF80  }
0x2ef: {  	[tilespmem:s8], [sflag:$0x1] =	stream.indirect.gather [hbm4b:s2+s17], $0x1, s24, s17, $0xb8;
	[tilespmem:$0x1D200] =	vst v63  }
0x2f0: {  	s26 =	simm.s32 $0x1A380;
	s10 =	simm.s32 $0x1B000  }
0x2f1: {  	[tilespmem:s10], [sflag:$0x1] =	stream.indirect.gather [hbm4b:s2+s17], $0x1, s26, s17, $0xb8;
	[tilespmem:$0x1D200] =	vst v63  }
0x2f2: {  	s29 =	simm.s32 $0x1A400;
	s12 =	simm.s32 $0x1B080  }
0x2f3: {  	[tilespmem:s12], [sflag:$0x1] =	stream.indirect.gather [hbm4b:s2+s17], $0x1, s29, s17, $0xb8;
	[tilespmem:$0x1D200] =	vst v63  }
0x2f4: {  	s31 =	simm.s32 $0x1A480;
	s14 =	simm.s32 $0x1B100  }
0x2f5: {  	[tilespmem:s14], [sflag:$0x1] =	stream.indirect.gather [hbm4b:s2+s17], $0x1, s31, s17, $0xb8;
	[tilespmem:$0x1D200] =	vst v63  }
0x2f6: {  	s0 =	simm.s32 $0x1A500;
	s6 =	simm.s32 $0x1B180  }
0x2f7: {  	[tilespmem:s6], [sflag:$0x1] =	stream.indirect.gather [hbm4b:s2+s17], $0x1, s0, s17, $0xb8;
	[tilespmem:$0x1D200] =	vst v63  }
0x2f8: {  	s7 =	simm.s32 $0x1A580;
	s22 =	simm.s32 $0x1B200  }
0x2f9: {  	[tilespmem:s22], [sflag:$0x1] =	stream.indirect.gather [hbm4b:s2+s17], $0x1, s7, s17, $0xb8;
	[tilespmem:$0x1D200] =	vst v63  }
0x2fa: {  	s9 =	simm.s32 $0x1A600;
	s26 =	simm.s32 $0x1B280  }
0x2fb: {  	[tilespmem:s26], [sflag:$0x1] =	stream.indirect.gather [hbm4b:s2+s17], $0x1, s9, s17, $0xb8;
	[tilespmem:$0x1D200] =	vst v63  }
0x2fc: {  	s11 =	simm.s32 $0x1A680;
	s31 =	simm.s32 $0x1B300  }
0x2fd: {  	[tilespmem:s31], [sflag:$0x1] =	stream.indirect.gather [hbm4b:s2+s17], $0x1, s11, s17, $0xb8;
	[tilespmem:$0x1D200] =	vst v63  }
0x2fe: {  	s13 =	simm.s32 $0x1A700;
	s7 =	simm.s32 $0x1B380  }
0x2ff: {  	[tilespmem:s7], [sflag:$0x1] =	stream.indirect.gather [hbm4b:s2+s17], $0x1, s13, s17, $0xb8;
	[tilespmem:$0x1D200] =	vst v63  }
0x300: {  	s15 =	simm.s32 $0x1A780;
	s11 =	simm.s32 $0x1B400  }
0x301: {  	[tilespmem:s11], [sflag:$0x1] =	stream.indirect.gather [hbm4b:s2+s17], $0x1, s15, s17, $0xb8;
	[tilespmem:$0x1D200] =	vst v63  }
0x302: {  	s16 =	simm.s32 $0x1A800;
	s15 =	simm.s32 $0x1B480  }
0x303: {  	[tilespmem:s15], [sflag:$0x1] =	stream.indirect.gather [hbm4b:s2+s17], $0x1, s16, s17, $0xb8;
	[tilespmem:$0x1D200] =	vst v63  }
0x304: {  	s19 =	simm.s32 $0x1A880;
	s24 =	simm.s32 $0x1B500  }
0x305: {  	[tilespmem:s24], [sflag:$0x1] =	stream.indirect.gather [hbm4b:s2+s17], $0x1, s19, s17, $0xb8;
	[tilespmem:$0x1D200] =	vst v63  }
0x306: {  	s20 =	simm.s32 $0x1A900;
	s0 =	simm.s32 $0x1B580  }
0x307: {  	[tilespmem:s0], [sflag:$0x1] =	stream.indirect.gather [hbm4b:s2+s17], $0x1, s20, s17, $0xb8;
	[tilespmem:$0x1D200] =	vst v63  }
0x308: {  	s29 =	simm.s32 $0x1A980;
	s13 =	simm.s32 $0x1B600  }
0x309: {  	[tilespmem:s13], [sflag:$0x1] =	stream.indirect.gather [hbm4b:s2+s17], $0x1, s29, s17, $0xb8;
	[tilespmem:$0x1D200] =	vst v63  }
0x30a: {  	s9 =	simm.s32 $0x1AA00;
	s29 =	simm.s32 $0x1B680  }
0x30b: {  	[tilespmem:s29], [sflag:$0x1] =	stream.indirect.gather [hbm4b:s2+s17], $0x1, s9, s17, $0xb8;
	[tilespmem:$0x1D200] =	vst v63  }
0x30c: {  	s16 =	simm.s32 $0x1AA80;
	s20 =	simm.s32 $0x1B700  }
0x30d: {  	[tilespmem:s20], [sflag:$0x1] =	stream.indirect.gather [hbm4b:s2+s17], $0x1, s16, s17, $0xb8;
	[tilespmem:$0x1D200] =	vst v63  }
0x30e: {  	s19 =	simm.s32 $0x1AB00;
	s9 =	simm.s32 $0x1B780  }
0x30f: {  	[tilespmem:s9], [sflag:$0x1] =	stream.indirect.gather [hbm4b:s2+s17], $0x1, s19, s17, $0xb8;
	[tilespmem:$0x1D200] =	vst v63  }
0x310: {  	s16 =	simm.s32 $0x1AB80;
	s19 =	simm.s32 $0x1B800  }
0x311: {  	[tilespmem:s19], [sflag:$0x1] =	stream.indirect.gather [hbm4b:s2+s17], $0x1, s16, s17, $0xb8;
	[tilespmem:$0x1D200] =	vst v63  }
0x312: {  	s21 =	simm.s32 $0x1AC00;
	s16 =	simm.s32 $0x1B880  }
0x313: {  	[tilespmem:s16], [sflag:$0x1] =	stream.indirect.gather [hbm4b:s2+s17], $0x1, s21, s17, $0xb8;
	[tilespmem:$0x1D200] =	vst v63  }
0x314: {  	_ =	swait.ge [sflag:s18], $0x80  }
0x315: {  	[sflag:s18] =	ssyncset.done $0x0  }
0x316: {  	[sflag:s18] =	ssyncadd.s32 $0xFFFFFF80  }
0x317: {  	_ =	swait.ge [sflag:s18], $0x80  }
0x318: {  	[sflag:s18] =	ssyncset.done $0x0  }
0x319: {  	[sflag:s18] =	ssyncadd.s32 $0xFFFFFF80  }
0x31a: {  	_ =	swait.ge [sflag:s18], $0x80  }
0x31b: {  	[sflag:s18] =	ssyncset.done $0x0  }
0x31c: {  	[sflag:s18] =	ssyncadd.s32 $0xFFFFFF80  }
0x31d: {  	_ =	swait.ge [sflag:s18], $0x80  }
0x31e: {  	[sflag:s18] =	ssyncset.done $0x0  }
0x31f: {  	[sflag:s18] =	ssyncadd.s32 $0xFFFFFF80  }
0x320: {  	_ =	swait.ge [sflag:s18], $0x80  }
0x321: {  	[sflag:s18] =	ssyncset.done $0x0  }
0x322: {  	[sflag:s18] =	ssyncadd.s32 $0xFFFFFF80  }
0x323: {  	_ =	swait.ge [sflag:s18], $0x80  }
0x324: {  	[sflag:s18] =	ssyncset.done $0x0  }
0x325: {  	[sflag:s18] =	ssyncadd.s32 $0xFFFFFF80  }
0x326: {  	_ =	swait.ge [sflag:s18], $0x80  }
0x327: {  	[sflag:s18] =	ssyncset.done $0x0  }
0x328: {  	[sflag:s18] =	ssyncadd.s32 $0xFFFFFF80  }
0x329: {  	_ =	swait.ge [sflag:s18], $0x80  }
0x32a: {  	[sflag:s18] =	ssyncset.done $0x0  }
0x32b: {  	[sflag:s18] =	ssyncadd.s32 $0xFFFFFF80  }
0x32c: {  	_ =	swait.ge [sflag:s18], $0x80  }
0x32d: {  	[sflag:s18] =	ssyncset.done $0x0  }
0x32e: {  	[sflag:s18] =	ssyncadd.s32 $0xFFFFFF80  }
0x32f: {  	_ =	swait.ge [sflag:s18], $0x80  }
0x330: {  	[sflag:s18] =	ssyncset.done $0x0  }
0x331: {  	[sflag:s18] =	ssyncadd.s32 $0xFFFFFF80  }
0x332: {  	_ =	swait.ge [sflag:s18], $0x80  }
0x333: {  	[sflag:s18] =	ssyncset.done $0x0  }
0x334: {  	[sflag:s18] =	ssyncadd.s32 $0xFFFFFF80  }
0x335: {  	_ =	swait.ge [sflag:s18], $0x80  }
0x336: {  	[sflag:s18] =	ssyncset.done $0x0  }
0x337: {  	[sflag:s18] =	ssyncadd.s32 $0xFFFFFF80  }
0x338: {  	_ =	swait.ge [sflag:s18], $0x80  }
0x339: {  	[sflag:s18] =	ssyncset.done $0x0  }
0x33a: {  	[sflag:s18] =	ssyncadd.s32 $0xFFFFFF80  }
0x33b: {  	_ =	swait.ge [sflag:s18], $0x80  }
0x33c: {  	[sflag:s18] =	ssyncset.done $0x0  }
0x33d: {  	[sflag:s18] =	ssyncadd.s32 $0xFFFFFF80  }
0x33e: {  	_ =	swait.ge [sflag:s18], $0x80  }
0x33f: {  	[sflag:s18] =	ssyncset.done $0x0  }
0x340: {  	[sflag:s18] =	ssyncadd.s32 $0xFFFFFF80  }
0x341: {  	_ =	swait.ge [sflag:s18], $0x80  }
0x342: {  	[sflag:s18] =	ssyncset.done $0x0  }
0x343: {  	[sflag:s18] =	ssyncadd.s32 $0xFFFFFF80  }
0x344: {  	_ =	swait.ge [sflag:s18], $0x80  }
0x345: {  	[sflag:s18] =	ssyncset.done $0x0  }
0x346: {  	[sflag:s18] =	ssyncadd.s32 $0xFFFFFF80  }
0x347: {  	_ =	swait.ge [sflag:s18], $0x80  }
0x348: {  	[sflag:s18] =	ssyncset.done $0x0  }
0x349: {  	[sflag:s18] =	ssyncadd.s32 $0xFFFFFF80  }
0x34a: {  	_ =	swait.ge [sflag:s18], $0x80  }
0x34b: {  	[sflag:s18] =	ssyncset.done $0x0  }
0x34c: {  	[sflag:s18] =	ssyncadd.s32 $0xFFFFFF80  }
0x34d: {  	_ =	swait.ge [sflag:s18], $0x80  }
0x34e: {  	[sflag:s18] =	ssyncset.done $0x0  }
0x34f: {  	[sflag:s18] =	ssyncadd.s32 $0xFFFFFF80  }
0x350: {  	_ =	swait.ge [sflag:s18], $0x80  }
0x351: {  	[sflag:s18] =	ssyncset.done $0x0  }
0x352: {  	[sflag:s18] =	ssyncadd.s32 $0xFFFFFF80  }
0x353: {  	_ =	swait.ge [sflag:s18], $0x80  }
0x354: {  	[sflag:s18] =	ssyncset.done $0x0  }
0x355: {  	[sflag:s18] =	ssyncadd.s32 $0xFFFFFF80  }
0x356: {  	_ =	swait.ge [sflag:s18], $0x80  }
0x357: {  	[sflag:s18] =	ssyncset.done $0x0  }
0x358: {  	[sflag:s18] =	ssyncadd.s32 $0xFFFFFF80  }
0x359: {  	_ =	swait.ge [sflag:s18], $0x80  }
0x35a: {  	[sflag:s18] =	ssyncset.done $0x0  }
0x35b: {  	[sflag:s18] =	ssyncadd.s32 $0xFFFFFF80  }
0x35c: {  	_ =	swait.ge [sflag:s18], $0x80  }
0x35d: {  	[sflag:s18] =	ssyncset.done $0x0  }
0x35e: {  	s21 =	simm.s32 $0x1B900;
	[sflag:s18] =	ssyncadd.s32 $0xFFFFFF80  }
0x35f: {  	[tilespmem:s21], [sflag:$0x1] =	stream.indirect.gather [hbm4b:s3+s17], $0x1, s23, s17, $0xb8;
	[tilespmem:$0x1D200] =	vst v63  }
0x360: {  	s23 =	simm.s32 $0x1B980  }
0x361: {  	[tilespmem:s23], [sflag:$0x1] =	stream.indirect.gather [hbm4b:s3+s17], $0x1, s25, s17, $0xb8;
	[tilespmem:$0x1D200] =	vst v63  }
0x362: {  	s25 =	simm.s32 $0x1BA00  }
0x363: {  	[tilespmem:s25], [sflag:$0x1] =	stream.indirect.gather [hbm4b:s3+s17], $0x1, s28, s17, $0xb8;
	[tilespmem:$0x1D200] =	vst v63  }
0x364: {  	s28 =	simm.s32 $0x1BA80  }
0x365: {  	[tilespmem:s28], [sflag:$0x1] =	stream.indirect.gather [hbm4b:s3+s17], $0x1, s30, s17, $0xb8;
	[tilespmem:$0x1D200] =	vst v63  }
0x366: {  	s30 =	simm.s32 $0x1BB00  }
0x367: {  	[tilespmem:s30], [sflag:$0x1] =	stream.indirect.gather [hbm4b:s3+s17], $0x1, s1, s17, $0xb8;
	[tilespmem:$0x1D200] =	vst v63  }
0x368: {  	s21 =	simm.s32 $0x1BB80  }
0x369: {  	[tilespmem:s21], [sflag:$0x1] =	stream.indirect.gather [hbm4b:s3+s17], $0x1, s5, s17, $0xb8;
	[tilespmem:$0x1D200] =	vst v63  }
0x36a: {  	s23 =	simm.s32 $0x1BC00  }
0x36b: {  	[tilespmem:s23], [sflag:$0x1] =	stream.indirect.gather [hbm4b:s3+s17], $0x1, s8, s17, $0xb8;
	[tilespmem:$0x1D200] =	vst v63  }
0x36c: {  	s25 =	simm.s32 $0x1BC80  }
0x36d: {  	[tilespmem:s25], [sflag:$0x1] =	stream.indirect.gather [hbm4b:s3+s17], $0x1, s10, s17, $0xb8;
	[tilespmem:$0x1D200] =	vst v63  }
0x36e: {  	s28 =	simm.s32 $0x1BD00  }
0x36f: {  	[tilespmem:s28], [sflag:$0x1] =	stream.indirect.gather [hbm4b:s3+s17], $0x1, s12, s17, $0xb8;
	[tilespmem:$0x1D200] =	vst v63  }
0x370: {  	s30 =	simm.s32 $0x1BD80  }
0x371: {  	[tilespmem:s30], [sflag:$0x1] =	stream.indirect.gather [hbm4b:s3+s17], $0x1, s14, s17, $0xb8;
	[tilespmem:$0x1D200] =	vst v63  }
0x372: {  	s5 =	simm.s32 $0x1BE00  }
0x373: {  	[tilespmem:s5], [sflag:$0x1] =	stream.indirect.gather [hbm4b:s3+s17], $0x1, s6, s17, $0xb8;
	[tilespmem:$0x1D200] =	vst v63  }
0x374: {  	s8 =	simm.s32 $0x1BE80  }
0x375: {  	[tilespmem:s8], [sflag:$0x1] =	stream.indirect.gather [hbm4b:s3+s17], $0x1, s22, s17, $0xb8;
	[tilespmem:$0x1D200] =	vst v63  }
0x376: {  	s10 =	simm.s32 $0x1BF00  }
0x377: {  	[tilespmem:s10], [sflag:$0x1] =	stream.indirect.gather [hbm4b:s3+s17], $0x1, s26, s17, $0xb8;
	[tilespmem:$0x1D200] =	vst v63  }
0x378: {  	s12 =	simm.s32 $0x1BF80  }
0x379: {  	[tilespmem:s12], [sflag:$0x1] =	stream.indirect.gather [hbm4b:s3+s17], $0x1, s31, s17, $0xb8;
	[tilespmem:$0x1D200] =	vst v63  }
0x37a: {  	s14 =	simm.s32 $0x1C000  }
0x37b: {  	[tilespmem:s14], [sflag:$0x1] =	stream.indirect.gather [hbm4b:s3+s17], $0x1, s7, s17, $0xb8;
	[tilespmem:$0x1D200] =	vst v63  }
0x37c: {  	s21 =	simm.s32 $0x1C080  }
0x37d: {  	[tilespmem:s21], [sflag:$0x1] =	stream.indirect.gather [hbm4b:s3+s17], $0x1, s11, s17, $0xb8;
	[tilespmem:$0x1D200] =	vst v63  }
0x37e: {  	s22 =	simm.s32 $0x1C100  }
0x37f: {  	[tilespmem:s22], [sflag:$0x1] =	stream.indirect.gather [hbm4b:s3+s17], $0x1, s15, s17, $0xb8;
	[tilespmem:$0x1D200] =	vst v63  }
0x380: {  	s23 =	simm.s32 $0x1C180  }
0x381: {  	[tilespmem:s23], [sflag:$0x1] =	stream.indirect.gather [hbm4b:s3+s17], $0x1, s24, s17, $0xb8;
	[tilespmem:$0x1D200] =	vst v63  }
0x382: {  	s24 =	simm.s32 $0x1C200  }
0x383: {  	[tilespmem:s24], [sflag:$0x1] =	stream.indirect.gather [hbm4b:s3+s17], $0x1, s0, s17, $0xb8;
	[tilespmem:$0x1D200] =	vst v63  }
0x384: {  	s25 =	simm.s32 $0x1C280  }
0x385: {  	[tilespmem:s25], [sflag:$0x1] =	stream.indirect.gather [hbm4b:s3+s17], $0x1, s13, s17, $0xb8;
	[tilespmem:$0x1D200] =	vst v63  }
0x386: {  	s26 =	simm.s32 $0x1C300  }
0x387: {  	[tilespmem:s26], [sflag:$0x1] =	stream.indirect.gather [hbm4b:s3+s17], $0x1, s29, s17, $0xb8;
	[tilespmem:$0x1D200] =	vst v63  }
0x388: {  	s28 =	simm.s32 $0x1C380  }
0x389: {  	[tilespmem:s28], [sflag:$0x1] =	stream.indirect.gather [hbm4b:s3+s17], $0x1, s20, s17, $0xb8;
	[tilespmem:$0x1D200] =	vst v63  }
0x38a: {  	s29 =	simm.s32 $0x1C400  }
0x38b: {  	[tilespmem:s29], [sflag:$0x1] =	stream.indirect.gather [hbm4b:s3+s17], $0x1, s9, s17, $0xb8;
	[tilespmem:$0x1D200] =	vst v63  }
0x38c: {  	s30 =	simm.s32 $0x1C480  }
0x38d: {  	[tilespmem:s30], [sflag:$0x1] =	stream.indirect.gather [hbm4b:s3+s17], $0x1, s19, s17, $0xb8;
	[tilespmem:$0x1D200] =	vst v63  }
0x38e: {  	s31 =	simm.s32 $0x1C500  }
0x38f: {  	[tilespmem:s31], [sflag:$0x1] =	stream.indirect.gather [hbm4b:s3+s17], $0x1, s16, s17, $0xb8;
	[tilespmem:$0x1D200] =	vst v63  }
0x390: {  	_ =	swait.ge [sflag:s18], $0x80  }
0x391: {  	[sflag:s18] =	ssyncset.done $0x0  }
0x392: {  	[sflag:s18] =	ssyncadd.s32 $0xFFFFFF80  }
0x393: {  	_ =	swait.ge [sflag:s18], $0x80  }
0x394: {  	[sflag:s18] =	ssyncset.done $0x0  }
0x395: {  	[sflag:s18] =	ssyncadd.s32 $0xFFFFFF80  }
0x396: {  	_ =	swait.ge [sflag:s18], $0x80  }
0x397: {  	[sflag:s18] =	ssyncset.done $0x0  }
0x398: {  	[sflag:s18] =	ssyncadd.s32 $0xFFFFFF80  }
0x399: {  	_ =	swait.ge [sflag:s18], $0x80  }
0x39a: {  	[sflag:s18] =	ssyncset.done $0x0  }
0x39b: {  	[sflag:s18] =	ssyncadd.s32 $0xFFFFFF80  }
0x39c: {  	_ =	swait.ge [sflag:s18], $0x80  }
0x39d: {  	[sflag:s18] =	ssyncset.done $0x0  }
0x39e: {  	[sflag:s18] =	ssyncadd.s32 $0xFFFFFF80  }
0x39f: {  	_ =	swait.ge [sflag:s18], $0x80  }
0x3a0: {  	[sflag:s18] =	ssyncset.done $0x0  }
0x3a1: {  	[sflag:s18] =	ssyncadd.s32 $0xFFFFFF80  }
0x3a2: {  	_ =	swait.ge [sflag:s18], $0x80  }
0x3a3: {  	[sflag:s18] =	ssyncset.done $0x0  }
0x3a4: {  	[sflag:s18] =	ssyncadd.s32 $0xFFFFFF80  }
0x3a5: {  	_ =	swait.ge [sflag:s18], $0x80  }
0x3a6: {  	[sflag:s18] =	ssyncset.done $0x0  }
0x3a7: {  	[sflag:s18] =	ssyncadd.s32 $0xFFFFFF80  }
0x3a8: {  	_ =	swait.ge [sflag:s18], $0x80  }
0x3a9: {  	[sflag:s18] =	ssyncset.done $0x0  }
0x3aa: {  	[sflag:s18] =	ssyncadd.s32 $0xFFFFFF80  }
0x3ab: {  	_ =	swait.ge [sflag:s18], $0x80  }
0x3ac: {  	[sflag:s18] =	ssyncset.done $0x0  }
0x3ad: {  	[sflag:s18] =	ssyncadd.s32 $0xFFFFFF80  }
0x3ae: {  	_ =	swait.ge [sflag:s18], $0x80  }
0x3af: {  	[sflag:s18] =	ssyncset.done $0x0  }
0x3b0: {  	[sflag:s18] =	ssyncadd.s32 $0xFFFFFF80  }
0x3b1: {  	_ =	swait.ge [sflag:s18], $0x80  }
0x3b2: {  	[sflag:s18] =	ssyncset.done $0x0  }
0x3b3: {  	[sflag:s18] =	ssyncadd.s32 $0xFFFFFF80  }
0x3b4: {  	_ =	swait.ge [sflag:s18], $0x80  }
0x3b5: {  	[sflag:s18] =	ssyncset.done $0x0  }
0x3b6: {  	[sflag:s18] =	ssyncadd.s32 $0xFFFFFF80  }
0x3b7: {  	_ =	swait.ge [sflag:s18], $0x80  }
0x3b8: {  	[sflag:s18] =	ssyncset.done $0x0  }
0x3b9: {  	[sflag:s18] =	ssyncadd.s32 $0xFFFFFF80  }
0x3ba: {  	_ =	swait.ge [sflag:s18], $0x80  }
0x3bb: {  	[sflag:s18] =	ssyncset.done $0x0  }
0x3bc: {  	[sflag:s18] =	ssyncadd.s32 $0xFFFFFF80  }
0x3bd: {  	_ =	swait.ge [sflag:s18], $0x80  }
0x3be: {  	[sflag:s18] =	ssyncset.done $0x0  }
0x3bf: {  	[sflag:s18] =	ssyncadd.s32 $0xFFFFFF80  }
0x3c0: {  	_ =	swait.ge [sflag:s18], $0x80  }
0x3c1: {  	[sflag:s18] =	ssyncset.done $0x0  }
0x3c2: {  	[sflag:s18] =	ssyncadd.s32 $0xFFFFFF80  }
0x3c3: {  	_ =	swait.ge [sflag:s18], $0x80  }
0x3c4: {  	[sflag:s18] =	ssyncset.done $0x0  }
0x3c5: {  	[sflag:s18] =	ssyncadd.s32 $0xFFFFFF80  }
0x3c6: {  	_ =	swait.ge [sflag:s18], $0x80  }
0x3c7: {  	[sflag:s18] =	ssyncset.done $0x0  }
0x3c8: {  	[sflag:s18] =	ssyncadd.s32 $0xFFFFFF80  }
0x3c9: {  	_ =	swait.ge [sflag:s18], $0x80  }
0x3ca: {  	[sflag:s18] =	ssyncset.done $0x0  }
0x3cb: {  	[sflag:s18] =	ssyncadd.s32 $0xFFFFFF80  }
0x3cc: {  	_ =	swait.ge [sflag:s18], $0x80  }
0x3cd: {  	[sflag:s18] =	ssyncset.done $0x0  }
0x3ce: {  	[sflag:s18] =	ssyncadd.s32 $0xFFFFFF80  }
0x3cf: {  	_ =	swait.ge [sflag:s18], $0x80  }
0x3d0: {  	[sflag:s18] =	ssyncset.done $0x0  }
0x3d1: {  	[sflag:s18] =	ssyncadd.s32 $0xFFFFFF80  }
0x3d2: {  	_ =	swait.ge [sflag:s18], $0x80  }
0x3d3: {  	[sflag:s18] =	ssyncset.done $0x0  }
0x3d4: {  	[sflag:s18] =	ssyncadd.s32 $0xFFFFFF80  }
0x3d5: {  	_ =	swait.ge [sflag:s18], $0x80  }
0x3d6: {  	[sflag:s18] =	ssyncset.done $0x0  }
0x3d7: {  	[sflag:s18] =	ssyncadd.s32 $0xFFFFFF80  }
0x3d8: {  	_ =	swait.ge [sflag:s18], $0x80  }
0x3d9: {  	[sflag:s18] =	ssyncset.done $0x0  }
0x3da: {  	s21 =	simm.s32 $0x0;
	[sflag:s18] =	ssyncadd.s32 $0xFFFFFF80  }
0x3db: {  	v3 =	vld [tilespmem:s21+$0x1B900]  }
0x3dc: {  	v1 =	vld [tilespmem:s21+$0x1A000]  }
0x3dd: {  	v4 =	vld [tilespmem:s21+$0x18700]  }
0x3de: {  	v2 =	vld [tilespmem:s21+$0x1AC80];
	_ =	sdelay $0x2  }
0x3df: {  	s23 =	simm.s32 $0x10;
	vm0 =	vlt.s32 v1, $0x30D400  }
0x3e0: {  	s25 =	simm.s32 $0x80;
	v1 =	vld [tilespmem:s23+$0x1B900];
	v3 =	vsel vm0, v3, v4  }
.LBB2_12:
0x3e1: {  	p0 =	sne.s32 s25, $0x31C0;
	v4 =	vld [tilespmem:s23+$0x1A000];
	[tilespmem:s21+$0x18700] =	vst v3;
	v2 =	vnsel vm0, $0x30D400, v2  }
0x3e2: {  	v3 =	vld [tilespmem:s23+$0x18700];
	[tilespmem:s21+$0x1C580] =	vst v2;
	s21 =	smov.u32 s23  }
.Ltmp5:
0x3e3: {  	v2 =	vld [tilespmem:s21+$0x1AC80];
	(pc) =	sbr.rel @p0 .LBB2_12-.Ltmp5, $3  }
0x3e4: {  	_ =	sdelay $0x1  }
0x3e5: {  	s23 =	sshra.s32 s25, $0x2;
	vm0 =	vlt.s32 v4, $0x30D400  }
0x3e6: {  	s25 =	sadd.s32 $0x40, s25;
	v3 =	vsel vm0, v1, v3;
	v1 =	vld [tilespmem:s23+$0x1B900]  }
0x3e7: {  	v4 =	vld [tilespmem:s23+$0x1A000];
	[tilespmem:s21+$0x18700] =	vst v3;
	v2 =	vnsel vm0, $0x30D400, v2  }
0x3e8: {  	v3 =	vld [tilespmem:s23+$0x18700];
	[tilespmem:s21+$0x1C580] =	vst v2  }
0x3e9: {  	v2 =	vld [tilespmem:s23+$0x1AC80];
	_ =	sdelay $0x2  }
0x3ea: {  	vm13 =	vlt.s32 v4, $0x30D400  }
0x3eb: {  	v1 =	vsel vm13, v1, v3  }
0x3ec: {  	s24 =	simm.s32 $0x0;
	[tilespmem:s23+$0x18700] =	vst v1;
	v1 =	vnsel vm13, $0x30D400, v2  }
0x3ed: {  	s26 =	rddreg [dreg:$0xb];
	s0 =	simm.s32 $0x1C580;
	s29 =	simm.s32 $0x2;
	[tilespmem:s23+$0x1C580] =	vst v1  }
0x3ee: {  	[hbm4b:s26+s24] =	stream.linear.scatter [tilespmem:s0], [sflag:$0x2], $0xC80, $0x38;
	[tilespmem:$0x1D200] =	vst v63  }
0x3ef: {  	_ =	swait.ge [sflag:s29], $0xC80  }
0x3f0: {  	[sflag:s29] =	ssyncset.done $0x0  }
0x3f1: {  	s21 =	simm.s32 $0x19380;
	s25 =	rddreg [dreg:$0xc];
	[sflag:s29] =	ssyncadd.s32 $0xFFFFF380  }
0x3f2: {  	[tilespmem:s21], [sflag:$0x2] =	stream.linear.gather [hbm4b:s25+s24], $0xC80, $0x38;
	[tilespmem:$0x1D200] =	vst v63  }
0x3f3: {  	_ =	swait.ge [sflag:s29], $0xC80  }
0x3f4: {  	[sflag:s29] =	ssyncset.done $0x0  }
0x3f5: {  	s31 =	simm.s32 $0x18700;
	[sflag:s29] =	ssyncadd.s32 $0xFFFFF380  }
0x3f6: {  	v1 =	vld [tilespmem:s31+$0x0];
	_ =	sdelay $0x4  }
0x3f7: {  	v2 =	vadd.s32 $0x1, v1;
	_ =	sdelay $0x3  }
0x3f8: {  	v1 =	vld.idx.msk [tilespmem:v1+s4+$0x0], $0xffff  }
0x3f9: {  	v2 =	vld.idx.msk [tilespmem:v2+s4+$0x0], $0xffff;
	_ =	sdelay $0x2  }
0x3fa: {  	v3 =	vld [tilespmem:s21+$0x0];
	_ =	sdelay $0x1  }
0x3fb: {  	v2 =	vsub.s32 v2, v1  }
0x3fc: {  	v62 =	vcvt.s32.f32 v2;
	_ =	sdelay $0x1  }
0x3fd: {  	v3 =	vmul.f32 v62, v3;
	_ =	sdelay $0x1  }
0x3fe: {  	v63 =	vadd.s32 $0xFFFFFFFF, v2;
	v3 =	vtrunc.f32 v3  }
0x3ff: {  	vm14 =	vgt.s32 v63, $0x0;
	v3 =	vcvt.f32.s32 v3  }
0x400: {  	v4 =	vnsel vm14, $0x0, v63  }
0x401: {  	v5 =	vmov s24;
	vm0 =	vlt.s32 v3, v4  }
0x402: {  	vm1 =	vlt.u32 v5, v0;
	vm15 =	vgt.s32 v2, $0x0;
	v3 =	vsel vm0, v3, v4  }
0x403: {  	vm0 =	vmand vm1, vm15;
	v1 =	vadd.s32 v1, v3  }
0x404: {  	s23 =	simm.s32 $0x1A000;
	v1 =	vnsel vm0, $0x30D400, v1  }
0x405: {  	s28 =	simm.s32 $0x18710;
	[tilespmem:s23+$0x0] =	vst v1  }
0x406: {  	s30 =	simm.s32 $0x20;
	s25 =	simm.s32 $0x10;
	v1 =	vld [tilespmem:s28+$0x0]  }
.LBB2_14:
0x407: {  	p0 =	sne.s32 s30, $0xC70;
	_ =	sdelay $0x3  }
0x408: {  	v2 =	vadd.s32 $0x1, v1;
	_ =	sdelay $0x3  }
0x409: {  	v1 =	vld.idx.msk [tilespmem:v1+s4+$0x0], $0xffff  }
0x40a: {  	v2 =	vld.idx.msk [tilespmem:v2+s4+$0x0], $0xffff;
	_ =	sdelay $0x2  }
0x40b: {  	s21 =	sadd.s32 $0x10, s21  }
0x40c: {  	v3 =	vld [tilespmem:s21+$0x0];
	_ =	sdelay $0x1  }
0x40d: {  	v2 =	vsub.s32 v2, v1  }
0x40e: {  	v4 =	vcvt.s32.f32 v2;
	_ =	sdelay $0x1  }
0x40f: {  	v3 =	vmul.f32 v4, v3;
	_ =	sdelay $0x1  }
0x410: {  	v4 =	vadd.s32 $0xFFFFFFFF, v2;
	v3 =	vtrunc.f32 v3  }
0x411: {  	vm0 =	vgt.s32 v4, $0x0;
	v3 =	vcvt.f32.s32 v3  }
0x412: {  	v4 =	vnsel vm0, $0x0, v4  }
0x413: {  	v5 =	vmov s25;
	s25 =	smov.u32 s30;
	vm0 =	vlt.s32 v3, v4  }
.Ltmp6:
0x414: {  	vm1 =	vlt.u32 v5, v0;
	v3 =	vsel vm0, v3, v4;
	vm0 =	vgt.s32 v2, $0x0;
	(pc) =	sbr.rel @p0 .LBB2_14-.Ltmp6, $4  }
0x415: {  	vm0 =	vmand vm1, vm0;
	v1 =	vadd.s32 v1, v3  }
0x416: {  	s23 =	sadd.s32 $0x10, s23;
	v1 =	vnsel vm0, $0x30D400, v1  }
0x417: {  	s28 =	sadd.s32 $0x10, s28;
	[tilespmem:s23+$0x0] =	vst v1  }
0x418: {  	s30 =	sadd.s32 $0x10, s30;
	v1 =	vld [tilespmem:s28+$0x0]  }
0x419: {  	_ =	sdelay $0x3  }
0x41a: {  	v2 =	vadd.s32 $0x1, v1;
	_ =	sdelay $0x3  }
0x41b: {  	v1 =	vld.idx.msk [tilespmem:v1+s4+$0x0], $0xffff  }
0x41c: {  	v2 =	vld.idx.msk [tilespmem:v2+s4+$0x0], $0xffff;
	_ =	sdelay $0x1  }
0x41d: {  	s21 =	sadd.s32 $0x10, s21  }
0x41e: {  	v3 =	vld [tilespmem:s21+$0x0];
	_ =	sdelay $0x1  }
0x41f: {  	v2 =	vsub.s32 v2, v1  }
0x420: {  	v4 =	vcvt.s32.f32 v2;
	_ =	sdelay $0x1  }
0x421: {  	v3 =	vmul.f32 v4, v3;
	_ =	sdelay $0x1  }
0x422: {  	v4 =	vadd.s32 $0xFFFFFFFF, v2;
	v3 =	vtrunc.f32 v3  }
0x423: {  	vm0 =	vgt.s32 v4, $0x0;
	v3 =	vcvt.f32.s32 v3  }
0x424: {  	v4 =	vnsel vm0, $0x0, v4  }
0x425: {  	v5 =	vmov s25;
	vm0 =	vlt.s32 v3, v4  }
0x426: {  	vm1 =	vlt.u32 v5, v0;
	v3 =	vsel vm0, v3, v4;
	vm0 =	vgt.s32 v2, $0x0  }
0x427: {  	vm0 =	vmand vm1, vm0;
	v1 =	vadd.s32 v1, v3  }
0x428: {  	s13 =	sadd.s32 $0x10, s23;
	v1 =	vnsel vm0, $0x30D400, v1  }
0x429: {  	s14 =	simm.s32 $0x1A000;
	s23 =	simm.s32 $0x1AC80;
	[tilespmem:s13+$0x0] =	vst v1  }
0x42a: {  	[tilespmem:s23], [sflag:$0x1] =	stream.indirect.gather [hbm4b:s2+s17], $0x1, s14, s17, $0xb8;
	[tilespmem:$0x1D200] =	vst v63  }
0x42b: {  	s15 =	simm.s32 $0x1A080;
	s25 =	simm.s32 $0x1AD00  }
0x42c: {  	[tilespmem:s25], [sflag:$0x1] =	stream.indirect.gather [hbm4b:s2+s17], $0x1, s15, s17, $0xb8;
	[tilespmem:$0x1D200] =	vst v63  }
0x42d: {  	s16 =	simm.s32 $0x1A100;
	s28 =	simm.s32 $0x1AD80  }
0x42e: {  	[tilespmem:s28], [sflag:$0x1] =	stream.indirect.gather [hbm4b:s2+s17], $0x1, s16, s17, $0xb8;
	[tilespmem:$0x1D200] =	vst v63  }
0x42f: {  	s19 =	simm.s32 $0x1A180;
	s30 =	simm.s32 $0x1AE00  }
0x430: {  	[tilespmem:s30], [sflag:$0x1] =	stream.indirect.gather [hbm4b:s2+s17], $0x1, s19, s17, $0xb8;
	[tilespmem:$0x1D200] =	vst v63  }
0x431: {  	s20 =	simm.s32 $0x1A200;
	s1 =	simm.s32 $0x1AE80  }
0x432: {  	[tilespmem:s1], [sflag:$0x1] =	stream.indirect.gather [hbm4b:s2+s17], $0x1, s20, s17, $0xb8;
	[tilespmem:$0x1D200] =	vst v63  }
0x433: {  	s22 =	simm.s32 $0x1A280;
	s5 =	simm.s32 $0x1AF00  }
0x434: {  	[tilespmem:s5], [sflag:$0x1] =	stream.indirect.gather [hbm4b:s2+s17], $0x1, s22, s17, $0xb8;
	[tilespmem:$0x1D200] =	vst v63  }
0x435: {  	s24 =	simm.s32 $0x1A300;
	s8 =	simm.s32 $0x1AF80  }
0x436: {  	[tilespmem:s8], [sflag:$0x1] =	stream.indirect.gather [hbm4b:s2+s17], $0x1, s24, s17, $0xb8;
	[tilespmem:$0x1D200] =	vst v63  }
0x437: {  	s26 =	simm.s32 $0x1A380;
	s10 =	simm.s32 $0x1B000  }
0x438: {  	[tilespmem:s10], [sflag:$0x1] =	stream.indirect.gather [hbm4b:s2+s17], $0x1, s26, s17, $0xb8;
	[tilespmem:$0x1D200] =	vst v63  }
0x439: {  	s29 =	simm.s32 $0x1A400;
	s12 =	simm.s32 $0x1B080  }
0x43a: {  	[tilespmem:s12], [sflag:$0x1] =	stream.indirect.gather [hbm4b:s2+s17], $0x1, s29, s17, $0xb8;
	[tilespmem:$0x1D200] =	vst v63  }
0x43b: {  	s31 =	simm.s32 $0x1A480;
	s14 =	simm.s32 $0x1B100  }
0x43c: {  	[tilespmem:s14], [sflag:$0x1] =	stream.indirect.gather [hbm4b:s2+s17], $0x1, s31, s17, $0xb8;
	[tilespmem:$0x1D200] =	vst v63  }
0x43d: {  	s0 =	simm.s32 $0x1A500;
	s6 =	simm.s32 $0x1B180  }
0x43e: {  	[tilespmem:s6], [sflag:$0x1] =	stream.indirect.gather [hbm4b:s2+s17], $0x1, s0, s17, $0xb8;
	[tilespmem:$0x1D200] =	vst v63  }
0x43f: {  	s7 =	simm.s32 $0x1A580;
	s22 =	simm.s32 $0x1B200  }
0x440: {  	[tilespmem:s22], [sflag:$0x1] =	stream.indirect.gather [hbm4b:s2+s17], $0x1, s7, s17, $0xb8;
	[tilespmem:$0x1D200] =	vst v63  }
0x441: {  	s9 =	simm.s32 $0x1A600;
	s26 =	simm.s32 $0x1B280  }
0x442: {  	[tilespmem:s26], [sflag:$0x1] =	stream.indirect.gather [hbm4b:s2+s17], $0x1, s9, s17, $0xb8;
	[tilespmem:$0x1D200] =	vst v63  }
0x443: {  	s11 =	simm.s32 $0x1A680;
	s31 =	simm.s32 $0x1B300  }
0x444: {  	[tilespmem:s31], [sflag:$0x1] =	stream.indirect.gather [hbm4b:s2+s17], $0x1, s11, s17, $0xb8;
	[tilespmem:$0x1D200] =	vst v63  }
0x445: {  	s13 =	simm.s32 $0x1A700;
	s7 =	simm.s32 $0x1B380  }
0x446: {  	[tilespmem:s7], [sflag:$0x1] =	stream.indirect.gather [hbm4b:s2+s17], $0x1, s13, s17, $0xb8;
	[tilespmem:$0x1D200] =	vst v63  }
0x447: {  	s15 =	simm.s32 $0x1A780;
	s11 =	simm.s32 $0x1B400  }
0x448: {  	[tilespmem:s11], [sflag:$0x1] =	stream.indirect.gather [hbm4b:s2+s17], $0x1, s15, s17, $0xb8;
	[tilespmem:$0x1D200] =	vst v63  }
0x449: {  	s16 =	simm.s32 $0x1A800;
	s15 =	simm.s32 $0x1B480  }
0x44a: {  	[tilespmem:s15], [sflag:$0x1] =	stream.indirect.gather [hbm4b:s2+s17], $0x1, s16, s17, $0xb8;
	[tilespmem:$0x1D200] =	vst v63  }
0x44b: {  	s19 =	simm.s32 $0x1A880;
	s24 =	simm.s32 $0x1B500  }
0x44c: {  	[tilespmem:s24], [sflag:$0x1] =	stream.indirect.gather [hbm4b:s2+s17], $0x1, s19, s17, $0xb8;
	[tilespmem:$0x1D200] =	vst v63  }
0x44d: {  	s20 =	simm.s32 $0x1A900;
	s0 =	simm.s32 $0x1B580  }
0x44e: {  	[tilespmem:s0], [sflag:$0x1] =	stream.indirect.gather [hbm4b:s2+s17], $0x1, s20, s17, $0xb8;
	[tilespmem:$0x1D200] =	vst v63  }
0x44f: {  	s29 =	simm.s32 $0x1A980;
	s13 =	simm.s32 $0x1B600  }
0x450: {  	[tilespmem:s13], [sflag:$0x1] =	stream.indirect.gather [hbm4b:s2+s17], $0x1, s29, s17, $0xb8;
	[tilespmem:$0x1D200] =	vst v63  }
0x451: {  	s9 =	simm.s32 $0x1AA00;
	s29 =	simm.s32 $0x1B680  }
0x452: {  	[tilespmem:s29], [sflag:$0x1] =	stream.indirect.gather [hbm4b:s2+s17], $0x1, s9, s17, $0xb8;
	[tilespmem:$0x1D200] =	vst v63  }
0x453: {  	s16 =	simm.s32 $0x1AA80;
	s20 =	simm.s32 $0x1B700  }
0x454: {  	[tilespmem:s20], [sflag:$0x1] =	stream.indirect.gather [hbm4b:s2+s17], $0x1, s16, s17, $0xb8;
	[tilespmem:$0x1D200] =	vst v63  }
0x455: {  	s19 =	simm.s32 $0x1AB00;
	s9 =	simm.s32 $0x1B780  }
0x456: {  	[tilespmem:s9], [sflag:$0x1] =	stream.indirect.gather [hbm4b:s2+s17], $0x1, s19, s17, $0xb8;
	[tilespmem:$0x1D200] =	vst v63  }
0x457: {  	s16 =	simm.s32 $0x1AB80;
	s19 =	simm.s32 $0x1B800  }
0x458: {  	[tilespmem:s19], [sflag:$0x1] =	stream.indirect.gather [hbm4b:s2+s17], $0x1, s16, s17, $0xb8;
	[tilespmem:$0x1D200] =	vst v63  }
0x459: {  	s21 =	simm.s32 $0x1AC00;
	s16 =	simm.s32 $0x1B880  }
0x45a: {  	[tilespmem:s16], [sflag:$0x1] =	stream.indirect.gather [hbm4b:s2+s17], $0x1, s21, s17, $0xb8;
	[tilespmem:$0x1D200] =	vst v63  }
0x45b: {  	_ =	swait.ge [sflag:s18], $0x80  }
0x45c: {  	[sflag:s18] =	ssyncset.done $0x0  }
0x45d: {  	[sflag:s18] =	ssyncadd.s32 $0xFFFFFF80  }
0x45e: {  	_ =	swait.ge [sflag:s18], $0x80  }
0x45f: {  	[sflag:s18] =	ssyncset.done $0x0  }
0x460: {  	[sflag:s18] =	ssyncadd.s32 $0xFFFFFF80  }
0x461: {  	_ =	swait.ge [sflag:s18], $0x80  }
0x462: {  	[sflag:s18] =	ssyncset.done $0x0  }
0x463: {  	[sflag:s18] =	ssyncadd.s32 $0xFFFFFF80  }
0x464: {  	_ =	swait.ge [sflag:s18], $0x80  }
0x465: {  	[sflag:s18] =	ssyncset.done $0x0  }
0x466: {  	[sflag:s18] =	ssyncadd.s32 $0xFFFFFF80  }
0x467: {  	_ =	swait.ge [sflag:s18], $0x80  }
0x468: {  	[sflag:s18] =	ssyncset.done $0x0  }
0x469: {  	[sflag:s18] =	ssyncadd.s32 $0xFFFFFF80  }
0x46a: {  	_ =	swait.ge [sflag:s18], $0x80  }
0x46b: {  	[sflag:s18] =	ssyncset.done $0x0  }
0x46c: {  	[sflag:s18] =	ssyncadd.s32 $0xFFFFFF80  }
0x46d: {  	_ =	swait.ge [sflag:s18], $0x80  }
0x46e: {  	[sflag:s18] =	ssyncset.done $0x0  }
0x46f: {  	[sflag:s18] =	ssyncadd.s32 $0xFFFFFF80  }
0x470: {  	_ =	swait.ge [sflag:s18], $0x80  }
0x471: {  	[sflag:s18] =	ssyncset.done $0x0  }
0x472: {  	[sflag:s18] =	ssyncadd.s32 $0xFFFFFF80  }
0x473: {  	_ =	swait.ge [sflag:s18], $0x80  }
0x474: {  	[sflag:s18] =	ssyncset.done $0x0  }
0x475: {  	[sflag:s18] =	ssyncadd.s32 $0xFFFFFF80  }
0x476: {  	_ =	swait.ge [sflag:s18], $0x80  }
0x477: {  	[sflag:s18] =	ssyncset.done $0x0  }
0x478: {  	[sflag:s18] =	ssyncadd.s32 $0xFFFFFF80  }
0x479: {  	_ =	swait.ge [sflag:s18], $0x80  }
0x47a: {  	[sflag:s18] =	ssyncset.done $0x0  }
0x47b: {  	[sflag:s18] =	ssyncadd.s32 $0xFFFFFF80  }
0x47c: {  	_ =	swait.ge [sflag:s18], $0x80  }
0x47d: {  	[sflag:s18] =	ssyncset.done $0x0  }
0x47e: {  	[sflag:s18] =	ssyncadd.s32 $0xFFFFFF80  }
0x47f: {  	_ =	swait.ge [sflag:s18], $0x80  }
0x480: {  	[sflag:s18] =	ssyncset.done $0x0  }
0x481: {  	[sflag:s18] =	ssyncadd.s32 $0xFFFFFF80  }
0x482: {  	_ =	swait.ge [sflag:s18], $0x80  }
0x483: {  	[sflag:s18] =	ssyncset.done $0x0  }
0x484: {  	[sflag:s18] =	ssyncadd.s32 $0xFFFFFF80  }
0x485: {  	_ =	swait.ge [sflag:s18], $0x80  }
0x486: {  	[sflag:s18] =	ssyncset.done $0x0  }
0x487: {  	[sflag:s18] =	ssyncadd.s32 $0xFFFFFF80  }
0x488: {  	_ =	swait.ge [sflag:s18], $0x80  }
0x489: {  	[sflag:s18] =	ssyncset.done $0x0  }
0x48a: {  	[sflag:s18] =	ssyncadd.s32 $0xFFFFFF80  }
0x48b: {  	_ =	swait.ge [sflag:s18], $0x80  }
0x48c: {  	[sflag:s18] =	ssyncset.done $0x0  }
0x48d: {  	[sflag:s18] =	ssyncadd.s32 $0xFFFFFF80  }
0x48e: {  	_ =	swait.ge [sflag:s18], $0x80  }
0x48f: {  	[sflag:s18] =	ssyncset.done $0x0  }
0x490: {  	[sflag:s18] =	ssyncadd.s32 $0xFFFFFF80  }
0x491: {  	_ =	swait.ge [sflag:s18], $0x80  }
0x492: {  	[sflag:s18] =	ssyncset.done $0x0  }
0x493: {  	[sflag:s18] =	ssyncadd.s32 $0xFFFFFF80  }
0x494: {  	_ =	swait.ge [sflag:s18], $0x80  }
0x495: {  	[sflag:s18] =	ssyncset.done $0x0  }
0x496: {  	[sflag:s18] =	ssyncadd.s32 $0xFFFFFF80  }
0x497: {  	_ =	swait.ge [sflag:s18], $0x80  }
0x498: {  	[sflag:s18] =	ssyncset.done $0x0  }
0x499: {  	[sflag:s18] =	ssyncadd.s32 $0xFFFFFF80  }
0x49a: {  	_ =	swait.ge [sflag:s18], $0x80  }
0x49b: {  	[sflag:s18] =	ssyncset.done $0x0  }
0x49c: {  	[sflag:s18] =	ssyncadd.s32 $0xFFFFFF80  }
0x49d: {  	_ =	swait.ge [sflag:s18], $0x80  }
0x49e: {  	[sflag:s18] =	ssyncset.done $0x0  }
0x49f: {  	[sflag:s18] =	ssyncadd.s32 $0xFFFFFF80  }
0x4a0: {  	_ =	swait.ge [sflag:s18], $0x80  }
0x4a1: {  	[sflag:s18] =	ssyncset.done $0x0  }
0x4a2: {  	[sflag:s18] =	ssyncadd.s32 $0xFFFFFF80  }
0x4a3: {  	_ =	swait.ge [sflag:s18], $0x80  }
0x4a4: {  	[sflag:s18] =	ssyncset.done $0x0  }
0x4a5: {  	s21 =	simm.s32 $0x1B900;
	[sflag:s18] =	ssyncadd.s32 $0xFFFFFF80  }
0x4a6: {  	[tilespmem:s21], [sflag:$0x1] =	stream.indirect.gather [hbm4b:s3+s17], $0x1, s23, s17, $0xb8;
	[tilespmem:$0x1D200] =	vst v63  }
0x4a7: {  	s23 =	simm.s32 $0x1B980  }
0x4a8: {  	[tilespmem:s23], [sflag:$0x1] =	stream.indirect.gather [hbm4b:s3+s17], $0x1, s25, s17, $0xb8;
	[tilespmem:$0x1D200] =	vst v63  }
0x4a9: {  	s25 =	simm.s32 $0x1BA00  }
0x4aa: {  	[tilespmem:s25], [sflag:$0x1] =	stream.indirect.gather [hbm4b:s3+s17], $0x1, s28, s17, $0xb8;
	[tilespmem:$0x1D200] =	vst v63  }
0x4ab: {  	s28 =	simm.s32 $0x1BA80  }
0x4ac: {  	[tilespmem:s28], [sflag:$0x1] =	stream.indirect.gather [hbm4b:s3+s17], $0x1, s30, s17, $0xb8;
	[tilespmem:$0x1D200] =	vst v63  }
0x4ad: {  	s30 =	simm.s32 $0x1BB00  }
0x4ae: {  	[tilespmem:s30], [sflag:$0x1] =	stream.indirect.gather [hbm4b:s3+s17], $0x1, s1, s17, $0xb8;
	[tilespmem:$0x1D200] =	vst v63  }
0x4af: {  	s21 =	simm.s32 $0x1BB80  }
0x4b0: {  	[tilespmem:s21], [sflag:$0x1] =	stream.indirect.gather [hbm4b:s3+s17], $0x1, s5, s17, $0xb8;
	[tilespmem:$0x1D200] =	vst v63  }
0x4b1: {  	s23 =	simm.s32 $0x1BC00  }
0x4b2: {  	[tilespmem:s23], [sflag:$0x1] =	stream.indirect.gather [hbm4b:s3+s17], $0x1, s8, s17, $0xb8;
	[tilespmem:$0x1D200] =	vst v63  }
0x4b3: {  	s25 =	simm.s32 $0x1BC80  }
0x4b4: {  	[tilespmem:s25], [sflag:$0x1] =	stream.indirect.gather [hbm4b:s3+s17], $0x1, s10, s17, $0xb8;
	[tilespmem:$0x1D200] =	vst v63  }
0x4b5: {  	s28 =	simm.s32 $0x1BD00  }
0x4b6: {  	[tilespmem:s28], [sflag:$0x1] =	stream.indirect.gather [hbm4b:s3+s17], $0x1, s12, s17, $0xb8;
	[tilespmem:$0x1D200] =	vst v63  }
0x4b7: {  	s30 =	simm.s32 $0x1BD80  }
0x4b8: {  	[tilespmem:s30], [sflag:$0x1] =	stream.indirect.gather [hbm4b:s3+s17], $0x1, s14, s17, $0xb8;
	[tilespmem:$0x1D200] =	vst v63  }
0x4b9: {  	s5 =	simm.s32 $0x1BE00  }
0x4ba: {  	[tilespmem:s5], [sflag:$0x1] =	stream.indirect.gather [hbm4b:s3+s17], $0x1, s6, s17, $0xb8;
	[tilespmem:$0x1D200] =	vst v63  }
0x4bb: {  	s8 =	simm.s32 $0x1BE80  }
0x4bc: {  	[tilespmem:s8], [sflag:$0x1] =	stream.indirect.gather [hbm4b:s3+s17], $0x1, s22, s17, $0xb8;
	[tilespmem:$0x1D200] =	vst v63  }
0x4bd: {  	s10 =	simm.s32 $0x1BF00  }
0x4be: {  	[tilespmem:s10], [sflag:$0x1] =	stream.indirect.gather [hbm4b:s3+s17], $0x1, s26, s17, $0xb8;
	[tilespmem:$0x1D200] =	vst v63  }
0x4bf: {  	s12 =	simm.s32 $0x1BF80  }
0x4c0: {  	[tilespmem:s12], [sflag:$0x1] =	stream.indirect.gather [hbm4b:s3+s17], $0x1, s31, s17, $0xb8;
	[tilespmem:$0x1D200] =	vst v63  }
0x4c1: {  	s14 =	simm.s32 $0x1C000  }
0x4c2: {  	[tilespmem:s14], [sflag:$0x1] =	stream.indirect.gather [hbm4b:s3+s17], $0x1, s7, s17, $0xb8;
	[tilespmem:$0x1D200] =	vst v63  }
0x4c3: {  	s21 =	simm.s32 $0x1C080  }
0x4c4: {  	[tilespmem:s21], [sflag:$0x1] =	stream.indirect.gather [hbm4b:s3+s17], $0x1, s11, s17, $0xb8;
	[tilespmem:$0x1D200] =	vst v63  }
0x4c5: {  	s22 =	simm.s32 $0x1C100  }
0x4c6: {  	[tilespmem:s22], [sflag:$0x1] =	stream.indirect.gather [hbm4b:s3+s17], $0x1, s15, s17, $0xb8;
	[tilespmem:$0x1D200] =	vst v63  }
0x4c7: {  	s23 =	simm.s32 $0x1C180  }
0x4c8: {  	[tilespmem:s23], [sflag:$0x1] =	stream.indirect.gather [hbm4b:s3+s17], $0x1, s24, s17, $0xb8;
	[tilespmem:$0x1D200] =	vst v63  }
0x4c9: {  	s24 =	simm.s32 $0x1C200  }
0x4ca: {  	[tilespmem:s24], [sflag:$0x1] =	stream.indirect.gather [hbm4b:s3+s17], $0x1, s0, s17, $0xb8;
	[tilespmem:$0x1D200] =	vst v63  }
0x4cb: {  	s25 =	simm.s32 $0x1C280  }
0x4cc: {  	[tilespmem:s25], [sflag:$0x1] =	stream.indirect.gather [hbm4b:s3+s17], $0x1, s13, s17, $0xb8;
	[tilespmem:$0x1D200] =	vst v63  }
0x4cd: {  	s26 =	simm.s32 $0x1C300  }
0x4ce: {  	[tilespmem:s26], [sflag:$0x1] =	stream.indirect.gather [hbm4b:s3+s17], $0x1, s29, s17, $0xb8;
	[tilespmem:$0x1D200] =	vst v63  }
0x4cf: {  	s28 =	simm.s32 $0x1C380  }
0x4d0: {  	[tilespmem:s28], [sflag:$0x1] =	stream.indirect.gather [hbm4b:s3+s17], $0x1, s20, s17, $0xb8;
	[tilespmem:$0x1D200] =	vst v63  }
0x4d1: {  	s29 =	simm.s32 $0x1C400  }
0x4d2: {  	[tilespmem:s29], [sflag:$0x1] =	stream.indirect.gather [hbm4b:s3+s17], $0x1, s9, s17, $0xb8;
	[tilespmem:$0x1D200] =	vst v63  }
0x4d3: {  	s30 =	simm.s32 $0x1C480  }
0x4d4: {  	[tilespmem:s30], [sflag:$0x1] =	stream.indirect.gather [hbm4b:s3+s17], $0x1, s19, s17, $0xb8;
	[tilespmem:$0x1D200] =	vst v63  }
0x4d5: {  	s31 =	simm.s32 $0x1C500  }
0x4d6: {  	[tilespmem:s31], [sflag:$0x1] =	stream.indirect.gather [hbm4b:s3+s17], $0x1, s16, s17, $0xb8;
	[tilespmem:$0x1D200] =	vst v63  }
0x4d7: {  	_ =	swait.ge [sflag:s18], $0x80  }
0x4d8: {  	[sflag:s18] =	ssyncset.done $0x0  }
0x4d9: {  	[sflag:s18] =	ssyncadd.s32 $0xFFFFFF80  }
0x4da: {  	_ =	swait.ge [sflag:s18], $0x80  }
0x4db: {  	[sflag:s18] =	ssyncset.done $0x0  }
0x4dc: {  	[sflag:s18] =	ssyncadd.s32 $0xFFFFFF80  }
0x4dd: {  	_ =	swait.ge [sflag:s18], $0x80  }
0x4de: {  	[sflag:s18] =	ssyncset.done $0x0  }
0x4df: {  	[sflag:s18] =	ssyncadd.s32 $0xFFFFFF80  }
0x4e0: {  	_ =	swait.ge [sflag:s18], $0x80  }
0x4e1: {  	[sflag:s18] =	ssyncset.done $0x0  }
0x4e2: {  	[sflag:s18] =	ssyncadd.s32 $0xFFFFFF80  }
0x4e3: {  	_ =	swait.ge [sflag:s18], $0x80  }
0x4e4: {  	[sflag:s18] =	ssyncset.done $0x0  }
0x4e5: {  	[sflag:s18] =	ssyncadd.s32 $0xFFFFFF80  }
0x4e6: {  	_ =	swait.ge [sflag:s18], $0x80  }
0x4e7: {  	[sflag:s18] =	ssyncset.done $0x0  }
0x4e8: {  	[sflag:s18] =	ssyncadd.s32 $0xFFFFFF80  }
0x4e9: {  	_ =	swait.ge [sflag:s18], $0x80  }
0x4ea: {  	[sflag:s18] =	ssyncset.done $0x0  }
0x4eb: {  	[sflag:s18] =	ssyncadd.s32 $0xFFFFFF80  }
0x4ec: {  	_ =	swait.ge [sflag:s18], $0x80  }
0x4ed: {  	[sflag:s18] =	ssyncset.done $0x0  }
0x4ee: {  	[sflag:s18] =	ssyncadd.s32 $0xFFFFFF80  }
0x4ef: {  	_ =	swait.ge [sflag:s18], $0x80  }
0x4f0: {  	[sflag:s18] =	ssyncset.done $0x0  }
0x4f1: {  	[sflag:s18] =	ssyncadd.s32 $0xFFFFFF80  }
0x4f2: {  	_ =	swait.ge [sflag:s18], $0x80  }
0x4f3: {  	[sflag:s18] =	ssyncset.done $0x0  }
0x4f4: {  	[sflag:s18] =	ssyncadd.s32 $0xFFFFFF80  }
0x4f5: {  	_ =	swait.ge [sflag:s18], $0x80  }
0x4f6: {  	[sflag:s18] =	ssyncset.done $0x0  }
0x4f7: {  	[sflag:s18] =	ssyncadd.s32 $0xFFFFFF80  }
0x4f8: {  	_ =	swait.ge [sflag:s18], $0x80  }
0x4f9: {  	[sflag:s18] =	ssyncset.done $0x0  }
0x4fa: {  	[sflag:s18] =	ssyncadd.s32 $0xFFFFFF80  }
0x4fb: {  	_ =	swait.ge [sflag:s18], $0x80  }
0x4fc: {  	[sflag:s18] =	ssyncset.done $0x0  }
0x4fd: {  	[sflag:s18] =	ssyncadd.s32 $0xFFFFFF80  }
0x4fe: {  	_ =	swait.ge [sflag:s18], $0x80  }
0x4ff: {  	[sflag:s18] =	ssyncset.done $0x0  }
0x500: {  	[sflag:s18] =	ssyncadd.s32 $0xFFFFFF80  }
0x501: {  	_ =	swait.ge [sflag:s18], $0x80  }
0x502: {  	[sflag:s18] =	ssyncset.done $0x0  }
0x503: {  	[sflag:s18] =	ssyncadd.s32 $0xFFFFFF80  }
0x504: {  	_ =	swait.ge [sflag:s18], $0x80  }
0x505: {  	[sflag:s18] =	ssyncset.done $0x0  }
0x506: {  	[sflag:s18] =	ssyncadd.s32 $0xFFFFFF80  }
0x507: {  	_ =	swait.ge [sflag:s18], $0x80  }
0x508: {  	[sflag:s18] =	ssyncset.done $0x0  }
0x509: {  	[sflag:s18] =	ssyncadd.s32 $0xFFFFFF80  }
0x50a: {  	_ =	swait.ge [sflag:s18], $0x80  }
0x50b: {  	[sflag:s18] =	ssyncset.done $0x0  }
0x50c: {  	[sflag:s18] =	ssyncadd.s32 $0xFFFFFF80  }
0x50d: {  	_ =	swait.ge [sflag:s18], $0x80  }
0x50e: {  	[sflag:s18] =	ssyncset.done $0x0  }
0x50f: {  	[sflag:s18] =	ssyncadd.s32 $0xFFFFFF80  }
0x510: {  	_ =	swait.ge [sflag:s18], $0x80  }
0x511: {  	[sflag:s18] =	ssyncset.done $0x0  }
0x512: {  	[sflag:s18] =	ssyncadd.s32 $0xFFFFFF80  }
0x513: {  	_ =	swait.ge [sflag:s18], $0x80  }
0x514: {  	[sflag:s18] =	ssyncset.done $0x0  }
0x515: {  	[sflag:s18] =	ssyncadd.s32 $0xFFFFFF80  }
0x516: {  	_ =	swait.ge [sflag:s18], $0x80  }
0x517: {  	[sflag:s18] =	ssyncset.done $0x0  }
0x518: {  	[sflag:s18] =	ssyncadd.s32 $0xFFFFFF80  }
0x519: {  	_ =	swait.ge [sflag:s18], $0x80  }
0x51a: {  	[sflag:s18] =	ssyncset.done $0x0  }
0x51b: {  	[sflag:s18] =	ssyncadd.s32 $0xFFFFFF80  }
0x51c: {  	_ =	swait.ge [sflag:s18], $0x80  }
0x51d: {  	[sflag:s18] =	ssyncset.done $0x0  }
0x51e: {  	[sflag:s18] =	ssyncadd.s32 $0xFFFFFF80  }
0x51f: {  	_ =	swait.ge [sflag:s18], $0x80  }
0x520: {  	[sflag:s18] =	ssyncset.done $0x0  }
0x521: {  	s21 =	simm.s32 $0x0;
	[sflag:s18] =	ssyncadd.s32 $0xFFFFFF80  }
0x522: {  	v3 =	vld [tilespmem:s21+$0x1B900]  }
0x523: {  	v1 =	vld [tilespmem:s21+$0x1A000]  }
0x524: {  	v4 =	vld [tilespmem:s21+$0x18700]  }
0x525: {  	v2 =	vld [tilespmem:s21+$0x1AC80];
	_ =	sdelay $0x2  }
0x526: {  	s23 =	simm.s32 $0x10;
	vm0 =	vlt.s32 v1, $0x30D400  }
0x527: {  	s25 =	simm.s32 $0x80;
	v1 =	vld [tilespmem:s23+$0x1B900];
	v3 =	vsel vm0, v3, v4  }
.LBB2_16:
0x528: {  	p0 =	sne.s32 s25, $0x31C0;
	v4 =	vld [tilespmem:s23+$0x1A000];
	[tilespmem:s21+$0x18700] =	vst v3;
	v2 =	vnsel vm0, $0x30D400, v2  }
0x529: {  	v3 =	vld [tilespmem:s23+$0x18700];
	[tilespmem:s21+$0x1C580] =	vst v2;
	s21 =	smov.u32 s23  }
.Ltmp7:
0x52a: {  	v2 =	vld [tilespmem:s21+$0x1AC80];
	(pc) =	sbr.rel @p0 .LBB2_16-.Ltmp7, $3  }
0x52b: {  	_ =	sdelay $0x1  }
0x52c: {  	s23 =	sshra.s32 s25, $0x2;
	vm0 =	vlt.s32 v4, $0x30D400  }
0x52d: {  	s25 =	sadd.s32 $0x40, s25;
	v3 =	vsel vm0, v1, v3;
	v1 =	vld [tilespmem:s23+$0x1B900]  }
0x52e: {  	v4 =	vld [tilespmem:s23+$0x1A000];
	[tilespmem:s21+$0x18700] =	vst v3;
	v2 =	vnsel vm0, $0x30D400, v2  }
0x52f: {  	v3 =	vld [tilespmem:s23+$0x18700];
	[tilespmem:s21+$0x1C580] =	vst v2  }
0x530: {  	v2 =	vld [tilespmem:s23+$0x1AC80];
	_ =	sdelay $0x2  }
0x531: {  	vm15 =	vlt.s32 v4, $0x30D400  }
0x532: {  	v1 =	vsel vm15, v1, v3  }
0x533: {  	[tilespmem:s23+$0x18700] =	vst v1;
	v1 =	vnsel vm15, $0x30D400, v2  }
0x534: {  	s30 =	rddreg [dreg:$0xd];
	s0 =	simm.s32 $0x1C580;
	[tilespmem:s23+$0x1C580] =	vst v1  }
0x535: {  	[hbm4b:s30+s4] =	stream.linear.scatter [tilespmem:s0], [sflag:$0x2], $0xC80, $0x38;
	[tilespmem:$0x1D200] =	vst v63  }
0x536: {  	s0 =	simm.s32 $0x2  }
0x537: {  	_ =	swait.ge [sflag:s0], $0xC80  }
0x538: {  	s1 =	rddreg [dreg:$0xf]  }
0x539: {  	s31 =	rddreg [dreg:$0xe];
	s1 =	sadd.s32 $0x1, s1  }
0x53a: {  	p0 =	sne.s32 s1, s31  }
.Ltmp8:
0x53b: {  	_ = 	snop;
	(pc) =	sbr.rel @p0 .LBB2_1-.Ltmp8, $3  }
0x53c: {  	_ =	sdelay $0x1  }
0x53d: {  	[sflag:s0] =	ssyncset.done $0x0  }
0x53e: {  	[sflag:s0] =	ssyncadd.s32 $0xFFFFF380  }
0x53f: {  	_ =	sfence.sel $0x180000  }
0x540: {  	[bflag:$0x0] =	sbarrier.arrive $0xFFFF  }
0x541: {  	_ =	strace $0x90000053  }
0x542: {  	s0 =	stileid.u32;
	[bflag:$0x2] =	sbarrier.arrive $0xFFFF  }
0x543: {  	p0 =	sne.s32 s0, $0x0;
	s0 =	rddreg [dreg:$0x3]  }
0x544: {  	s0 =	sadd.s32 @!p0 $0x100000, s0  }
0x545: {  	[sflag:s0] =	ssyncadd.tile.s32 @!p0 $0x1;
	_ =	shalt  }
.Lfunc_end2:
_tile_overlayer_lowered:
.L_overlay_start_2:
0x546: {  	(tag) =	ssettag $0x2  }
0x547: {  	s0 =	rddreg [dreg:$0x0];
	s2 =	stileid.u32  }
0x548: {  	s1 =	rddreg [dreg:$0x1];
	p0 =	sne.s32 s2, $0x0  }
0x549: {  	s3 =	rddreg [dreg:$0x2];
	[bflag:$0x3] =	sbarrier.arrive $0xFFFF;
	s2 =	simm.s32 @!p0 $0x1C02  }
0x54a: {  	[timem:s3], [sflag:s2] =	dma.local @!p0 [hbm:s0], s1  }
0x54b: {  	s0 =	simm.s32 @!p0 $0x2  }
0x54c: {  	_ =	swait.ge @!p0 [sflag:s0], s1  }
0x54d: {  	s1 =	ssub.s32 @!p0 $0x0, s1;
	[sflag:s0] =	ssyncset.done @!p0 $0x0  }
0x54e: {  	[sflag:s0] =	ssyncadd.s32 @!p0 s1  }
0x54f: {  	[bflag:$0x3] =	sbarrier.arrive $0xFFFF  }
0x550: {  	_ =	shalt  }

// kernel: kernel.7.cloned.1.call-start
scs
__scs_entry_jumppad:
0x0: {  	(pc) =	sbr.rel $0x88, $3  }
0x1: {  	(tag) =	ssettag $0x0;
	lr =	simm.s32 $0x1  }
0x2: {  	[smem:$0x3F9F] =	sst lr;
	_ =	strace $0xD0000000  }
0x3: {  	_ = 	snop  }
0x4: {  	_ = 	snop  }
0x5: {  	_ = 	snop  }
0x6: {  	_ = 	snop  }
0x7: {  	_ = 	snop  }
__scs_overlays_trampoline_lowered:
0x8: {  	[smem:$0x3FAE] =	sst s0  }
0x9: {  	[smem:$0x3FAF] =	sst s1  }
0xa: {  	[smem:$0x3FB0] =	sst s2  }
0xb: {  	[smem:$0x3FB1] =	sst s3  }
0xc: {  	[smem:$0x3FB2] =	sst s4  }
0xd: {  	[smem:$0x3FB3] =	sst s5  }
0xe: {  	[smem:$0x3FB4] =	sst s6  }
0xf: {  	[smem:$0x3FB5] =	sst s7  }
0x10: {  	[smem:$0x3FB6] =	sst s8  }
0x11: {  	[smem:$0x3FB7] =	sst s9;
	s0 =	simm.s32 @!p0 $0x0  }
0x12: {  	s1 =	sld [smem:$0x3F9D];
	s0 =	simm.s32 @p0 $0x1  }
0x13: {  	[smem:$0x3FB8] =	sst s0;
	s0 =	simm.s32 @!p1 $0x0  }
0x14: {  	s2 =	sld [smem:$0x3F9C];
	s0 =	simm.s32 @p1 $0x1  }
0x15: {  	[smem:$0x3FB9] =	sst s0;
	s0 =	simm.s32 @!p2 $0x0  }
0x16: {  	s3 =	sld [smem:$0x3FDB];
	s0 =	simm.s32 @p2 $0x1  }
0x17: {  	s4 =	simm.s32 $0x1BF5;
	[smem:$0x3FBB] =	sst s0  }
0x18: {  	s0 =	sld [smem:$0x3F9E];
	_ =	swait.ge [sflag:s4], $0x0  }
0x19: {  	s7 =	sld [smem:$0x3F9F]  }
0x1a: {  	s8 =	sadd.s32 $0xFFFFE003, lr  }
0x1b: {  	s9 =	sadd.s32 $0xFFFFFEF7, lr;
	s5 =	simm.s32 $0xFFFFFFFF;
	p2 =	slt.u32 s8, $0xFFFFF086  }
0x1c: {  	p1 =	slt.u32 s9, $0xF7A;
	s5 =	simm.s32 @!p2 $0x0  }
0x1d: {  	s5 =	simm.s32 @p1 $0x1;
	p0 =	seq.s32 s7, s2  }
0x1e: {  	s7 =	smul.u32 @!p0 $0xF7A, s2;
	p2 =	seq.s32 @!p0 s5, $0x0  }
0x1f: {  	s9 =	smul.u32 $0xF7A, s1;
	s8 =	simm.s32 @!p0 $0x1BF5;
	p2 =	por !p2, p0  }
0x20: {  	[sflag:s8] =	ssyncset.s32 @!p0 $0xFFFFF086;
	s6 =	sadd.s32 @!p0 s3, s7;
	s7 =	simm.s32 @!p0 $0x108  }
0x21: {  	s3 =	sadd.s32 s3, s9;
	s6 =	sadd.s32 @!p0 $0x88, s6;
	s7 =	simm.s32 @p2 $0x1082  }
0x22: {  	[simem:s7], [sflag:s8] =	dma.local @!p0 [hbm:s6], $0xF7A  }
0x23: {  	s9 =	sor.u32 $0xD0000000, s2;
	s6 =	simm.s32 $0x108;
	_ =	swait.ge @!p0 [sflag:s8], $0x0  }
0x24: {  	s3 =	sadd.s32 $0x88, s3;
	s6 =	simm.s32 @!p1 $0x1082;
	[sflag:s4] =	ssyncset.s32 $0xFFFFF086  }
0x25: {  	[simem:s6], [sflag:s4] =	dma.local [hbm:s3], $0xF7A  }
0x26: {  	[smem:$0x3F9F] =	sst s1;
	(tag) =	ssettag s2;
	_ =	strace s9  }
0x27: {  	s1 =	sld [smem:$0x3FAF]  }
0x28: {  	s2 =	sld [smem:$0x3FB0]  }
0x29: {  	s4 =	sld [smem:$0x3FB2]  }
0x2a: {  	p0 =	seq.s32 s5, $0x0;
	s5 =	sld [smem:$0x3FB3]  }
0x2b: {  	s6 =	sld [smem:$0x3FB4]  }
0x2c: {  	s7 =	sld [smem:$0x3FB5]  }
0x2d: {  	s3 =	simm.s32 $0x108;
	s8 =	sld [smem:$0x3FB6]  }
0x2e: {  	s3 =	simm.s32 @!p0 $0x1082;
	s9 =	sld [smem:$0x3FB7]  }
0x2f: {  	lr =	sadd.s32 s0, s3;
	s0 =	sld [smem:$0x3FAE]  }
0x30: {  	s3 =	sld [smem:$0x3FB1]  }
0x31: {  	[smem:$0x3FBA] =	sst s10  }
0x32: {  	s10 =	sld [smem:$0x3FB8];
	_ =	sdelay $0x3  }
0x33: {  	p0 =	seq.s32 s10, $0x1;
	s10 =	sld [smem:$0x3FBA];
	_ =	sdelay $0x3  }
0x34: {  	[smem:$0x3FBA] =	sst s10  }
0x35: {  	s10 =	sld [smem:$0x3FB9];
	_ =	sdelay $0x3  }
0x36: {  	p1 =	seq.s32 s10, $0x1;
	s10 =	sld [smem:$0x3FBA];
	_ =	sdelay $0x3  }
0x37: {  	[smem:$0x3FBA] =	sst s10  }
0x38: {  	s10 =	sld [smem:$0x3FBB]  }
0x39: {  	_ = 	snop;
	(pc) =	sbr.ind lr, $3  }
0x3a: {  	_ = 	snop  }
0x3b: {  	_ = 	snop  }
0x3c: {  	p2 =	seq.s32 s10, $0x1;
	s10 =	sld [smem:$0x3FBA]  }
0x3d: {  	_ =	shalt  }
0x3e: {  	_ =	shalt  }
0x3f: {  	_ =	shalt  }
0x40: {  	_ =	shalt  }
0x41: {  	_ =	shalt  }
0x42: {  	_ =	shalt  }
0x43: {  	_ =	shalt  }
0x44: {  	_ =	shalt  }
0x45: {  	_ =	shalt  }
0x46: {  	_ =	shalt  }
0x47: {  	_ =	shalt  }
0x48: {  	_ =	shalt  }
0x49: {  	_ =	shalt  }
0x4a: {  	_ =	shalt  }
0x4b: {  	_ =	shalt  }
0x4c: {  	_ =	shalt  }
0x4d: {  	_ =	shalt  }
0x4e: {  	_ =	shalt  }
0x4f: {  	_ =	shalt  }
0x50: {  	_ =	shalt  }
0x51: {  	_ =	shalt  }
0x52: {  	_ =	shalt  }
0x53: {  	_ =	shalt  }
0x54: {  	_ =	shalt  }
0x55: {  	_ =	shalt  }
0x56: {  	_ =	shalt  }
0x57: {  	_ =	shalt  }
0x58: {  	_ =	shalt  }
0x59: {  	_ =	shalt  }
0x5a: {  	_ =	shalt  }
0x5b: {  	_ =	shalt  }
0x5c: {  	_ =	shalt  }
0x5d: {  	_ =	shalt  }
0x5e: {  	_ =	shalt  }
0x5f: {  	_ =	shalt  }
0x60: {  	_ =	shalt  }
0x61: {  	_ =	shalt  }
0x62: {  	_ =	shalt  }
0x63: {  	_ =	shalt  }
0x64: {  	_ =	shalt  }
0x65: {  	_ =	shalt  }
0x66: {  	_ =	shalt  }
0x67: {  	_ =	shalt  }
0x68: {  	_ =	shalt  }
0x69: {  	_ =	shalt  }
0x6a: {  	_ =	shalt  }
0x6b: {  	_ =	shalt  }
0x6c: {  	_ =	shalt  }
0x6d: {  	_ =	shalt  }
0x6e: {  	_ =	shalt  }
0x6f: {  	_ =	shalt  }
0x70: {  	_ =	shalt  }
0x71: {  	_ =	shalt  }
0x72: {  	_ =	shalt  }
0x73: {  	_ =	shalt  }
0x74: {  	_ =	shalt  }
0x75: {  	_ =	shalt  }
0x76: {  	_ =	shalt  }
0x77: {  	_ =	shalt  }
0x78: {  	_ =	shalt  }
0x79: {  	_ =	shalt  }
0x7a: {  	_ =	shalt  }
0x7b: {  	_ =	shalt  }
0x7c: {  	_ =	shalt  }
0x7d: {  	_ =	shalt  }
0x7e: {  	_ =	shalt  }
0x7f: {  	_ =	shalt  }
0x80: {  	_ =	shalt  }
0x81: {  	_ =	shalt  }
0x82: {  	_ =	shalt  }
0x83: {  	_ =	shalt  }
0x84: {  	_ =	shalt  }
0x85: {  	_ =	shalt  }
0x86: {  	_ =	shalt  }
0x87: {  	_ =	shalt  }
.Lfunc_end0:
.L_simem_size_0:
called_computation.1_lowered:
.L_overlay_start_0:
0x88: {  	s2 =	sld [smem:$0x3FD9]  }
0x89: {  	s3 =	sld [smem:$0x3FFE];
	_ =	sdelay $0x1  }
0x8a: {  	s1 =	srdreg.scid  }
0x8b: {  	s0 =	sand.u32 $0x1, s1  }
0x8c: {  	s16 =	sshll.u32 s0, $0xA;
	s2 =	sadd.s32 s3, s2  }
0x8d: {  	s2 =	sadd.s32 s2, s16  }
0x8e: {  	[smem:$0x3FC6] =	sst s2  }
0x8f: {  	_ = 	snop  }
0x90: {  	(tm) =	ssettm $0x1  }
0x91: {  	s17 =	sld [smem:$0x3FFB];
	_ =	sdelay $0x3  }
0x92: {  	_ =	strace s17  }
0x93: {  	s2 =	sld [smem:$0x3FFC];
	_ =	sdelay $0x3  }
0x94: {  	_ =	strace s2  }
0x95: {  	s2 =	sld [smem:$0x3FFD];
	_ =	sdelay $0x3  }
0x96: {  	_ =	strace s2  }
0x97: {  	_ =	strace $0x8FFFFFFF  }
0x98: {  	s18 =	sld [smem:$0x3FDB];
	_ =	sdelay $0x1  }
0x99: {  	s19 =	simm.s32 $_scs_section_size  }
0x9a: {  	s4 =	simm.s32 $_size__tile_overlayer_lowered;
	s5 =	simm.s32 $_tile_overlayer_lowered  }
0x9b: {  	s22 =	simm.s32 $0x1BFF;
	s21 =	sshll.u32 s5, $0x1;
	s2 =	sadd.s32 s19, s18  }
0x9c: {  	s6 =	simm.s32 $0x0;
	s20 =	sshll.u32 s4, $0x1;
	s4 =	sadd.s32 s21, s2  }
0x9d: {  	[timem:s6], [sflag:s22] =	dma.local [hbm:s4], s20  }
0x9e: {  	_ =	swait.ge [sflag:s22], s20  }
0x9f: {  	s3 =	ssub.s32 $0x0, s20;
	[sflag:s22] =	ssyncset.done $0x0  }
0xa0: {  	[sflag:s22] =	ssyncadd.s32 s3;
	_ =	sdelay $0x1  }
0xa1: {  	s23 =	simm.s32 $0x1B8B  }
0xa2: {  	_ =	swait.ge [sflag:s23], $0x1  }
0xa3: {  	[sflag:s23] =	ssyncset.done $0x0  }
0xa4: {  	s25 =	simm.s32 $0x1B8E;
	s24 =	sld [smem:$0x3FFE];
	[sflag:s23] =	ssyncadd.s32 $0xFFFFFFFF  }
0xa5: {  	s26 =	simm.s32 $execute0_lowered;
	[smem:$0x3FD2] =	sst s25  }
0xa6: {  	s4 =	sshll.u32 s26, $0x1;
	_ =	strace $0x80000046;
	[dreg:$0x1] =	wrdreg $0xFFFFFFFF  }
0xa7: {  	s28 =	simm.s32 $_size_execute0_lowered;
	s2 =	sadd.s32 s2, s4;
	[dreg:$0x0] =	wrdreg $0x0  }
0xa8: {  	s4 =	sshll.u32 s28, $0x1;
	[dreg:$0x2] =	wrdreg s2  }
0xa9: {  	[dreg:$0x3] =	wrdreg s4  }
0xaa: {  	[dreg:$0x4] =	wrdreg $0xC0  }
0xab: {  	_ =	task [dreg:s6], $0x5FFFF  }
0xac: {  	[dreg:$0x1] =	wrdreg $0xFFFFFFFF  }
0xad: {  	[dreg:$0x0] =	wrdreg $0x60  }
0xae: {  	[dreg:$0x2] =	wrdreg s24  }
0xaf: {  	[dreg:$0x3] =	wrdreg $0x9  }
0xb0: {  	_ =	task.clear_ibuf [dreg:s6], $0x4FFFF;
	_ =	strace $0x90000046  }
0xb1: {  	s29 =	simm.s32 $0x9;
	_ =	strace $0x80000048  }
0xb2: {  	_ =	swait.ge [sflag:s29], $0x1  }
0xb3: {  	[sflag:s29] =	ssyncadd.s32 $0xFFFFFFFF  }
0xb4: {  	_ =	strace $0x90000048  }
0xb5: {  	_ =	sfence  }
0xb6: {  	s30 =	sld [smem:$0x0];
	_ =	sdelay $0x2  }
0xb7: {  	s31 =	sshll.u32 s1, $0xD;
	s1 =	sshrl.u32 s1, $0x2  }
0xb8: {  	s3 =	sand.u32 $0x4000, s31;
	s1 =	sadd.s32 s1, s30  }
0xb9: {  	s0 =	sor.u32 s3, s0;
	s1 =	sshll.u32 s1, $0x11  }
0xba: {  	s0 =	sor.u32 s1, s0  }
0xbb: {  	s0 =	sadd.s32 $0x8F2B, s0  }
0xbc: {  	[sflag:s0] =	ssyncadd.remote.s32 $0x1  }
0xbd: {  	_ =	sfence.sel $0xFFFF  }
0xbe: {  	[dreg:$0x0] =	wrdreg $0xFFFFFFFF;
	(pc) =	sbr.abs _section_cstart, $3  }
0xbf: {  	[dreg:$0x1] =	wrdreg $0xFFFFFFFF  }
0xc0: {  	_ =	task.clear_ibuf [dreg:s6], $0x2FFFF;
	_ =	strace $0x9FFFFFFF  }
0xc1: {  	(tm) =	ssettm $0x7FFFFFFF  }
tec
execute0_lowered:
.L_overlay_start_1:
0x0: {  	(tag) =	ssettag $0x1  }
0x1: {  	s1 =	srdreg.scid  }
0x2: {  	s0 =	stileid.u32;
	s2 =	rddreg [dreg:$0x0]  }
0x3: {  	s8 =	simm.s32 $0x1;
	s4 =	sand.u32 $0x1, s1;
	s3 =	sshll.u32 s0, $0x1  }
0x4: {  	s9 =	simm.s32 $0x0;
	s5 =	sor.u32 s4, s3;
	s3 =	simm.s32 $0x0  }
0x5: {  	s4 =	ssub.s32 $0x2, s4;
	s6 =	smul.u32 $0x30D4, s5;
	[smem:$0x7FF] =	sst s3  }
0x6: {  	s1 =	rddreg [dreg:$0x1];
	s7 =	sshrl.u32 s4, $0x1;
	_ =	strace $0x80000047  }
0x7: {  	s7 =	ssub.s32 s4, s7;
	s4 =	smul.u32 $0x186A0, s5;
	s6 =	sadd.s32 s6, s2  }
0x8: {  	v0 =	vimm.s32 $0x0;
	s5 =	sadd.s32 $0x61C00, s6;
	s6 =	smax.u32 s7, $0x1;
	s7 =	simm.s32 $0x18700  }
.LBB2_1:
0x9: {  	s10 =	simm.s32 $0x40;
	s11 =	simm.s32 $0x0  }
.LBB2_2:
0xa: {  	p0 =	sne.s32 s10, $0x61A80;
	[tilespmem:s11+$0x0] =	vst v0;
	s11 =	smov.u32 s10;
	s10 =	sadd.s32 $0x40, s10  }
.Ltmp0:
0xb: {  	(pc) =	sbr.rel @p0 .LBB2_2-.Ltmp0, $2  }
0xc: {  	_ =	sdelay $0x2  }
0xd: {  	s11 =	sshra.s32 s11, $0x2  }
0xe: {  	[tilespmem:s11+$0x0] =	vst v0;
	s10 =	simm.s32 $0x0;
	s11 =	simm.s32 $0x0  }
.LBB2_4:
0xf: {  	s12 =	smul.u32 $0x7D0, s11;
	_ =	sdelay $0x1  }
0x10: {  	s12 =	sadd.s32 s4, s12  }
0x11: {  	s12 =	sshrl.u32 s12, $0x3  }
0x12: {  	s12 =	sadd.s32 s2, s12  }
0x13: {  	[tilespmem:s7], [sflag:$0x1] =	stream.linear.gather [hbm4b:s12+s10], $0x7D0, $0x38;
	[tilespmem:$0x18F00] =	vst v63  }
0x14: {  	_ =	swait.ge [sflag:s8], $0x7D0  }
0x15: {  	[sflag:s8] =	ssyncset.done $0x0  }
0x16: {  	s13 =	simm.s32 $0x0;
	s12 =	simm.s32 $0x40;
	[sflag:s8] =	ssyncadd.s32 $0xFFFFF830  }
.LBB2_5:
0x17: {  	p0 =	sne.s32 s12, $0x1F00;
	v1 =	vld [tilespmem:s13+$0x18700];
	_ =	sdelay $0x4  }
0x18: {  	(xrf1) =	vunique.msk.u32 $0xffff, v1;
	_ =	sdelay $0xc  }
0x19: {  	v2 =	vld.idx.msk [tilespmem:v1+s3+$0x0], $0xffff  }
0x1a: {  	_, v3, vm0 =	vpop (xrf1);
	_ =	sdelay $0x1  }
.Ltmp1:
0x1b: {  	(pc) =	sbr.rel @p0 .LBB2_5-.Ltmp1, $3  }
0x1c: {  	_ =	sdelay $0x1  }
0x1d: {  	v2 =	vadd.s32 v2, v3  }
0x1e: {  	s13 =	sshra.s32 s12, $0x2;
	s12 =	sadd.s32 $0x40, s12;
	[tilespmem:v1+s3+$0x0] =	vst.idx.msk vm0, v2  }
0x1f: {  	v1 =	vld [tilespmem:s13+$0x18700];
	_ =	sdelay $0x4  }
0x20: {  	(xrf1) =	vunique.msk.u32 $0xffff, v1;
	_ =	sdelay $0xd  }
0x21: {  	s11 =	sadd.s32 $0x1, s11;
	v2 =	vld.idx.msk [tilespmem:v1+s3+$0x0], $0xffff;
	_, v3, vm0 =	vpop (xrf1)  }
0x22: {  	p0 =	sne.s32 s11, $0x32  }
.Ltmp2:
0x23: {  	_ = 	snop;
	(pc) =	sbr.rel @p0 .LBB2_4-.Ltmp2, $3  }
0x24: {  	_ =	sdelay $0x1  }
0x25: {  	v2 =	vadd.s32 v2, v3  }
0x26: {  	[tilespmem:v1+s3+$0x0] =	vst.idx.msk vm0, v2  }
0x27: {  	s9 =	sadd.s32 $0x1, s9  }
0x28: {  	p0 =	sne.s32 s9, s6  }
.Ltmp3:
0x29: {  	_ = 	snop;
	(pc) =	sbr.rel @p0 .LBB2_1-.Ltmp3, $4  }
0x2a: {  	[hbm4b:s5+s3] =	stream.linear.scatter [tilespmem:s3], [sflag:$0x1], $0x186A0, $0x38;
	[tilespmem:$0x18F00] =	vst v63  }
0x2b: {  	_ =	swait.ge [sflag:s8], $0x186A0  }
0x2c: {  	[sflag:s8] =	ssyncset.done $0x0  }
0x2d: {  	[sflag:s8] =	ssyncadd.s32 $0xFFFE7960  }
0x2e: {  	_ =	sfence.sel $0x180000  }
0x2f: {  	[bflag:$0x0] =	sbarrier.arrive $0xFFFF  }
0x30: {  	p0 =	sne.s32 s0, $0x0;
	_ =	strace $0x90000047  }
0x31: {  	s0 =	sadd.s32 @!p0 $0x100000, s1;
	[bflag:$0x2] =	sbarrier.arrive $0xFFFF  }
0x32: {  	[sflag:s0] =	ssyncadd.tile.s32 @!p0 $0x1;
	_ =	shalt  }
.Lfunc_end2:
_tile_overlayer_lowered:
.L_overlay_start_2:
0x33: {  	(tag) =	ssettag $0x2  }
0x34: {  	s0 =	rddreg [dreg:$0x0];
	s2 =	stileid.u32  }
0x35: {  	s1 =	rddreg [dreg:$0x1];
	p0 =	sne.s32 s2, $0x0  }
0x36: {  	s3 =	rddreg [dreg:$0x2];
	[bflag:$0x3] =	sbarrier.arrive $0xFFFF;
	s2 =	simm.s32 @!p0 $0x1C01  }
0x37: {  	[timem:s3], [sflag:s2] =	dma.local @!p0 [hbm:s0], s1  }
0x38: {  	s0 =	simm.s32 @!p0 $0x1  }
0x39: {  	_ =	swait.ge @!p0 [sflag:s0], s1  }
0x3a: {  	s1 =	ssub.s32 @!p0 $0x0, s1;
	[sflag:s0] =	ssyncset.done @!p0 $0x0  }
0x3b: {  	[sflag:s0] =	ssyncadd.s32 @!p0 s1  }
0x3c: {  	[bflag:$0x3] =	sbarrier.arrive $0xFFFF  }
0x3d: {  	_ =	shalt  }

// kernel: scatter_offload_async_start
scs
__scs_entry_jumppad:
0x0: {  	(pc) =	sbr.rel $0x88, $3  }
0x1: {  	(tag) =	ssettag $0x0;
	lr =	simm.s32 $0x1  }
0x2: {  	[smem:$0x3F9F] =	sst lr;
	_ =	strace $0xD0000000  }
0x3: {  	_ = 	snop  }
0x4: {  	_ = 	snop  }
0x5: {  	_ = 	snop  }
0x6: {  	_ = 	snop  }
0x7: {  	_ = 	snop  }
__scs_overlays_trampoline_lowered:
0x8: {  	[smem:$0x3FAE] =	sst s0  }
0x9: {  	[smem:$0x3FAF] =	sst s1  }
0xa: {  	[smem:$0x3FB0] =	sst s2  }
0xb: {  	[smem:$0x3FB1] =	sst s3  }
0xc: {  	[smem:$0x3FB2] =	sst s4  }
0xd: {  	[smem:$0x3FB3] =	sst s5  }
0xe: {  	[smem:$0x3FB4] =	sst s6  }
0xf: {  	[smem:$0x3FB5] =	sst s7  }
0x10: {  	[smem:$0x3FB6] =	sst s8  }
0x11: {  	[smem:$0x3FB7] =	sst s9;
	s0 =	simm.s32 @!p0 $0x0  }
0x12: {  	s1 =	sld [smem:$0x3F9D];
	s0 =	simm.s32 @p0 $0x1  }
0x13: {  	[smem:$0x3FB8] =	sst s0;
	s0 =	simm.s32 @!p1 $0x0  }
0x14: {  	s2 =	sld [smem:$0x3F9C];
	s0 =	simm.s32 @p1 $0x1  }
0x15: {  	[smem:$0x3FB9] =	sst s0;
	s0 =	simm.s32 @!p2 $0x0  }
0x16: {  	s3 =	sld [smem:$0x3FDB];
	s0 =	simm.s32 @p2 $0x1  }
0x17: {  	s4 =	simm.s32 $0x1BF5;
	[smem:$0x3FBB] =	sst s0  }
0x18: {  	s0 =	sld [smem:$0x3F9E];
	_ =	swait.ge [sflag:s4], $0x0  }
0x19: {  	s7 =	sld [smem:$0x3F9F]  }
0x1a: {  	s8 =	sadd.s32 $0xFFFFE003, lr  }
0x1b: {  	s9 =	sadd.s32 $0xFFFFFEF7, lr;
	s5 =	simm.s32 $0xFFFFFFFF;
	p2 =	slt.u32 s8, $0xFFFFF086  }
0x1c: {  	p1 =	slt.u32 s9, $0xF7A;
	s5 =	simm.s32 @!p2 $0x0  }
0x1d: {  	s5 =	simm.s32 @p1 $0x1;
	p0 =	seq.s32 s7, s2  }
0x1e: {  	s7 =	smul.u32 @!p0 $0xF7A, s2;
	p2 =	seq.s32 @!p0 s5, $0x0  }
0x1f: {  	s9 =	smul.u32 $0xF7A, s1;
	s8 =	simm.s32 @!p0 $0x1BF5;
	p2 =	por !p2, p0  }
0x20: {  	[sflag:s8] =	ssyncset.s32 @!p0 $0xFFFFF086;
	s6 =	sadd.s32 @!p0 s3, s7;
	s7 =	simm.s32 @!p0 $0x108  }
0x21: {  	s3 =	sadd.s32 s3, s9;
	s6 =	sadd.s32 @!p0 $0x88, s6;
	s7 =	simm.s32 @p2 $0x1082  }
0x22: {  	[simem:s7], [sflag:s8] =	dma.local @!p0 [hbm:s6], $0xF7A  }
0x23: {  	s9 =	sor.u32 $0xD0000000, s2;
	s6 =	simm.s32 $0x108;
	_ =	swait.ge @!p0 [sflag:s8], $0x0  }
0x24: {  	s3 =	sadd.s32 $0x88, s3;
	s6 =	simm.s32 @!p1 $0x1082;
	[sflag:s4] =	ssyncset.s32 $0xFFFFF086  }
0x25: {  	[simem:s6], [sflag:s4] =	dma.local [hbm:s3], $0xF7A  }
0x26: {  	[smem:$0x3F9F] =	sst s1;
	(tag) =	ssettag s2;
	_ =	strace s9  }
0x27: {  	s1 =	sld [smem:$0x3FAF]  }
0x28: {  	s2 =	sld [smem:$0x3FB0]  }
0x29: {  	s4 =	sld [smem:$0x3FB2]  }
0x2a: {  	p0 =	seq.s32 s5, $0x0;
	s5 =	sld [smem:$0x3FB3]  }
0x2b: {  	s6 =	sld [smem:$0x3FB4]  }
0x2c: {  	s7 =	sld [smem:$0x3FB5]  }
0x2d: {  	s3 =	simm.s32 $0x108;
	s8 =	sld [smem:$0x3FB6]  }
0x2e: {  	s3 =	simm.s32 @!p0 $0x1082;
	s9 =	sld [smem:$0x3FB7]  }
0x2f: {  	lr =	sadd.s32 s0, s3;
	s0 =	sld [smem:$0x3FAE]  }
0x30: {  	s3 =	sld [smem:$0x3FB1]  }
0x31: {  	[smem:$0x3FBA] =	sst s10  }
0x32: {  	s10 =	sld [smem:$0x3FB8];
	_ =	sdelay $0x3  }
0x33: {  	p0 =	seq.s32 s10, $0x1;
	s10 =	sld [smem:$0x3FBA];
	_ =	sdelay $0x3  }
0x34: {  	[smem:$0x3FBA] =	sst s10  }
0x35: {  	s10 =	sld [smem:$0x3FB9];
	_ =	sdelay $0x3  }
0x36: {  	p1 =	seq.s32 s10, $0x1;
	s10 =	sld [smem:$0x3FBA];
	_ =	sdelay $0x3  }
0x37: {  	[smem:$0x3FBA] =	sst s10  }
0x38: {  	s10 =	sld [smem:$0x3FBB]  }
0x39: {  	_ = 	snop;
	(pc) =	sbr.ind lr, $3  }
0x3a: {  	_ = 	snop  }
0x3b: {  	_ = 	snop  }
0x3c: {  	p2 =	seq.s32 s10, $0x1;
	s10 =	sld [smem:$0x3FBA]  }
0x3d: {  	_ =	shalt  }
0x3e: {  	_ =	shalt  }
0x3f: {  	_ =	shalt  }
0x40: {  	_ =	shalt  }
0x41: {  	_ =	shalt  }
0x42: {  	_ =	shalt  }
0x43: {  	_ =	shalt  }
0x44: {  	_ =	shalt  }
0x45: {  	_ =	shalt  }
0x46: {  	_ =	shalt  }
0x47: {  	_ =	shalt  }
0x48: {  	_ =	shalt  }
0x49: {  	_ =	shalt  }
0x4a: {  	_ =	shalt  }
0x4b: {  	_ =	shalt  }
0x4c: {  	_ =	shalt  }
0x4d: {  	_ =	shalt  }
0x4e: {  	_ =	shalt  }
0x4f: {  	_ =	shalt  }
0x50: {  	_ =	shalt  }
0x51: {  	_ =	shalt  }
0x52: {  	_ =	shalt  }
0x53: {  	_ =	shalt  }
0x54: {  	_ =	shalt  }
0x55: {  	_ =	shalt  }
0x56: {  	_ =	shalt  }
0x57: {  	_ =	shalt  }
0x58: {  	_ =	shalt  }
0x59: {  	_ =	shalt  }
0x5a: {  	_ =	shalt  }
0x5b: {  	_ =	shalt  }
0x5c: {  	_ =	shalt  }
0x5d: {  	_ =	shalt  }
0x5e: {  	_ =	shalt  }
0x5f: {  	_ =	shalt  }
0x60: {  	_ =	shalt  }
0x61: {  	_ =	shalt  }
0x62: {  	_ =	shalt  }
0x63: {  	_ =	shalt  }
0x64: {  	_ =	shalt  }
0x65: {  	_ =	shalt  }
0x66: {  	_ =	shalt  }
0x67: {  	_ =	shalt  }
0x68: {  	_ =	shalt  }
0x69: {  	_ =	shalt  }
0x6a: {  	_ =	shalt  }
0x6b: {  	_ =	shalt  }
0x6c: {  	_ =	shalt  }
0x6d: {  	_ =	shalt  }
0x6e: {  	_ =	shalt  }
0x6f: {  	_ =	shalt  }
0x70: {  	_ =	shalt  }
0x71: {  	_ =	shalt  }
0x72: {  	_ =	shalt  }
0x73: {  	_ =	shalt  }
0x74: {  	_ =	shalt  }
0x75: {  	_ =	shalt  }
0x76: {  	_ =	shalt  }
0x77: {  	_ =	shalt  }
0x78: {  	_ =	shalt  }
0x79: {  	_ =	shalt  }
0x7a: {  	_ =	shalt  }
0x7b: {  	_ =	shalt  }
0x7c: {  	_ =	shalt  }
0x7d: {  	_ =	shalt  }
0x7e: {  	_ =	shalt  }
0x7f: {  	_ =	shalt  }
0x80: {  	_ =	shalt  }
0x81: {  	_ =	shalt  }
0x82: {  	_ =	shalt  }
0x83: {  	_ =	shalt  }
0x84: {  	_ =	shalt  }
0x85: {  	_ =	shalt  }
0x86: {  	_ =	shalt  }
0x87: {  	_ =	shalt  }
.Lfunc_end0:
.L_simem_size_0:
called_computation_lowered:
.L_overlay_start_0:
0x88: {  	s2 =	sld [smem:$0x3FD9]  }
0x89: {  	s3 =	sld [smem:$0x3FFE];
	_ =	sdelay $0x1  }
0x8a: {  	s1 =	srdreg.scid  }
0x8b: {  	s0 =	sand.u32 $0x1, s1  }
0x8c: {  	s14 =	sshll.u32 s0, $0xA;
	s2 =	sadd.s32 s3, s2  }
0x8d: {  	s2 =	sadd.s32 s2, s14  }
0x8e: {  	[smem:$0x3FC6] =	sst s2  }
0x8f: {  	_ = 	snop  }
0x90: {  	s2 =	sld [smem:$0x3FD0];
	_ =	sdelay $0x2  }
0x91: {  	s15 =	simm.s32 $0xB;
	s4 =	simm.s32 $0x10  }
0x92: {  	[smem:s4], [sflag:s15] =	dma.local [hbm:s2], $0x1  }
0x93: {  	_ =	swait.eq [sflag:s15], $0x1  }
0x94: {  	[sflag:s15] =	ssyncset.done $0x0  }
0x95: {  	s16 =	sld [smem:$0x10];
	[sflag:s15] =	ssyncadd.s32 $0xFFFFFFFF  }
0x96: {  	s17 =	sld [smem:$0x11];
	(tm) =	ssettm $0x1  }
0x97: {  	s18 =	sld [smem:$0x3FFB];
	_ =	sdelay $0x3  }
0x98: {  	_ =	strace s18  }
0x99: {  	s4 =	sld [smem:$0x3FFC];
	_ =	sdelay $0x3  }
0x9a: {  	_ =	strace s4  }
0x9b: {  	s4 =	sld [smem:$0x3FFD];
	_ =	sdelay $0x3  }
0x9c: {  	_ =	strace s4  }
0x9d: {  	_ =	strace $0x8FFFFFFF  }
0x9e: {  	s19 =	sld [smem:$0x3FDB];
	_ =	sdelay $0x1  }
0x9f: {  	s5 =	simm.s32 $_scs_section_size  }
0xa0: {  	s6 =	simm.s32 $_size__tile_overlayer_lowered;
	s7 =	simm.s32 $_tile_overlayer_lowered  }
0xa1: {  	s22 =	simm.s32 $0x1BFF;
	s21 =	sshll.u32 s7, $0x1;
	s4 =	sadd.s32 s5, s19  }
0xa2: {  	s8 =	simm.s32 $0x0;
	s20 =	sshll.u32 s6, $0x1;
	s6 =	sadd.s32 s21, s4  }
0xa3: {  	[timem:s8], [sflag:s22] =	dma.local [hbm:s6], s20  }
0xa4: {  	_ =	swait.ge [sflag:s22], s20  }
0xa5: {  	s5 =	ssub.s32 $0x0, s20;
	[sflag:s22] =	ssyncset.done $0x0  }
0xa6: {  	[sflag:s22] =	ssyncadd.s32 s5;
	_ =	sdelay $0x1  }
0xa7: {  	s23 =	simm.s32 $0x1B8B  }
0xa8: {  	_ =	swait.ge [sflag:s23], $0x1  }
0xa9: {  	[sflag:s23] =	ssyncset.done $0x0  }
0xaa: {  	s25 =	simm.s32 $0x1B8E;
	s24 =	sld [smem:$0x3FFE];
	[sflag:s23] =	ssyncadd.s32 $0xFFFFFFFF  }
0xab: {  	s26 =	simm.s32 $execute0_lowered;
	[smem:$0x3FD2] =	sst s25  }
0xac: {  	s6 =	sshll.u32 s26, $0x1;
	_ =	strace $0x80000055;
	[dreg:$0x1] =	wrdreg $0xFFFFFFFF  }
0xad: {  	s28 =	simm.s32 $_size_execute0_lowered;
	s4 =	sadd.s32 s4, s6;
	[dreg:$0x0] =	wrdreg $0x0  }
0xae: {  	s6 =	sshll.u32 s28, $0x1;
	[dreg:$0x2] =	wrdreg s4  }
0xaf: {  	[dreg:$0x3] =	wrdreg s6  }
0xb0: {  	[dreg:$0x4] =	wrdreg $0xC0  }
0xb1: {  	_ =	task [dreg:s8], $0x5FFFF  }
0xb2: {  	[dreg:$0x1] =	wrdreg $0xFFFFFFFF  }
0xb3: {  	[dreg:$0x0] =	wrdreg $0x60  }
0xb4: {  	[dreg:$0x2] =	wrdreg s17  }
0xb5: {  	[dreg:$0x3] =	wrdreg s16  }
0xb6: {  	[dreg:$0x4] =	wrdreg s24  }
0xb7: {  	[dreg:$0x5] =	wrdreg s1  }
0xb8: {  	[dreg:$0x6] =	wrdreg $0x9  }
0xb9: {  	_ =	task.clear_ibuf [dreg:s8], $0x7FFFF;
	_ =	strace $0x90000055  }
0xba: {  	s29 =	simm.s32 $0x9;
	_ =	strace $0x80000057  }
0xbb: {  	_ =	swait.ge [sflag:s29], $0x1  }
0xbc: {  	[sflag:s29] =	ssyncadd.s32 $0xFFFFFFFF  }
0xbd: {  	_ =	strace $0x90000057  }
0xbe: {  	_ =	sfence  }
0xbf: {  	s30 =	sld [smem:$0x0];
	_ =	sdelay $0x2  }
0xc0: {  	s31 =	sshll.u32 s1, $0xD;
	s1 =	sshrl.u32 s1, $0x2  }
0xc1: {  	s3 =	sand.u32 $0x4000, s31;
	s1 =	sadd.s32 s1, s30  }
0xc2: {  	s0 =	sor.u32 s3, s0;
	s1 =	sshll.u32 s1, $0x11  }
0xc3: {  	s0 =	sor.u32 s1, s0  }
0xc4: {  	s0 =	sadd.s32 $0x8F2B, s0  }
0xc5: {  	[sflag:s0] =	ssyncadd.remote.s32 $0x1  }
0xc6: {  	_ =	sfence.sel $0xFFFF  }
0xc7: {  	[dreg:$0x0] =	wrdreg $0xFFFFFFFF;
	(pc) =	sbr.abs _section_cstart, $3  }
0xc8: {  	[dreg:$0x1] =	wrdreg $0xFFFFFFFF  }
0xc9: {  	_ =	task.clear_ibuf [dreg:s8], $0x2FFFF;
	_ =	strace $0x9FFFFFFF  }
0xca: {  	(tm) =	ssettm $0x7FFFFFFF  }
0xcb: {  	_ =	shalt  }
tec
execute0_lowered:
.L_overlay_start_1:
0x0: {  	(tag) =	ssettag $0x1  }
0x1: {  	s1 =	rddreg [dreg:$0x0]  }
0x2: {  	s2 =	rddreg [dreg:$0x1]  }
0x3: {  	s3 =	rddreg [dreg:$0x2]  }
0x4: {  	s4 =	rddreg [dreg:$0x3]  }
0x5: {  	s0 =	rddreg [dreg:$0x4];
	_ =	strace $0x80000056;
	s4 =	sand.u32 $0x1, s4  }
0x6: {  	s8 =	simm.s32 $0x186A00;
	s5 =	stileid.u32;
	p0 =	seq.s32 s4, $0x1  }
0x7: {  	s31 =	simm.s32 $0x3E;
	s8 =	simm.s32 @!p0 $0x0;
	p0 =	sne.s32 s5, $0x0  }
0x8: {  	[sflag:s31] =	ssyncpa.u1 $0x0;
	s6 =	sshrl.u32 @!p0 s8, $0x3  }
0x9: {  	s7 =	simm.s32 @!p0 $0x0;
	s1 =	sadd.s32 @!p0 s6, s1;
	s6 =	simm.s32 @!p0 $0x1C3E  }
0xa: {  	[spmem:s7], [sflag:s6] =	dma.local @!p0 [hbm:s1], $0x30D40  }
0xb: {  	s6 =	simm.s32 @!p0 $0x3E  }
0xc: {  	_ =	swait.ge @!p0 [sflag:s6], $0x30D40  }
0xd: {  	s5 =	smul.u32 $0x6400, s5;
	[sflag:s6] =	ssyncset.done @!p0 $0x0  }
.Ltmp0:
0xe: {  	[sflag:s6] =	ssyncadd.s32 @!p0 $0xFFFCF2C0;
	(pc) =	sbr.rel .LBB2_1-.Ltmp0, $4  }
0xf: {  	s4 =	simm.s32 $0x1;
	s9 =	sadd.s32 $0x186A00, s8;
	[bflag:$0x0] =	sbarrier.arrive $0xFFFF  }
0x10: {  	v0 =	vmov s8;
	s8 =	simm.s32 $0x0;
	s10 =	smov.u32 s5;
	[sflag:s31] =	ssyncpa.u1 $0x1  }
0x11: {  	v1 =	vmov s9;
	s9 =	simm.s32 $0x0;
	s7 =	simm.s32 $0x2;
	[sflag:s4] =	ssyncpa.u1 $0x0  }
0x12: {  	vm0 =	vmmov $0xffff;
	s6 =	sadd.s32 $0x6400, s5;
	(ifvalue) =	ssetifvalue $0x186A00;
	[sflag:s7] =	ssyncpa.u1 $0x0  }
.LBB2_5:
0x13: {  	s9 =	sadd.s32 $0x1, s9  }
0x14: {  	p2 =	sne.s32 s9, $0x5  }
.Ltmp1:
0x15: {  	_ = 	snop;
	(pc) =	sbr.rel @!p2 .LBB2_6-.Ltmp1, $4  }
0x16: {  	_ = 	snop  }
0x17: {  	s11 =	sadd.s32 $0x1900, s10  }
0x18: {  	s10 =	smov.u32 s5;
	p1 =	slt.s32 s11, s6  }
0x19: {  	s10 =	smov.u32 @p1 s11  }
.LBB2_1:
0x1a: {  	p1 =	seq.s32 s9, $0x4  }
0x1b: {  	s11 =	sxor.u32 @!p1 $0xFFFFFFFF, s9  }
0x1c: {  	s11 =	sand.u32 @!p1 $0x1, s11  }
0x1d: {  	s11 =	smul.u32 @!p1 $0x1900, s11  }
0x1e: {  	s12 =	sshrl.u32 @!p1 s10, $0x3  }
0x1f: {  	s15 =	sand.u32 @!p1 $0x7, s10;
	s13 =	sadd.s32 @!p1 s2, s12;
	s14 =	sadd.s32 @!p1 $0x186A0, s11  }
0x20: {  	[tilespmem:s14], [sflag:$0x2] =	stream.linear.gather @!p1 [hbm4b:s13+s15], $0x1900, $0x38;
	[tilespmem:$0x1EAA0] =	vst v63  }
0x21: {  	p2 =	seq.s32 @!p1 s9, $0x0;
	s12 =	sadd.s32 @!p1 s3, s12;
	s11 =	sadd.s32 @!p1 $0x1B8A0, s11  }
0x22: {  	[tilespmem:s11], [sflag:$0x2] =	stream.linear.gather @!p1 [hbm4b:s12+s15], $0x1900, $0x38;
	[tilespmem:$0x1EAA0] =	vst v63  }
0x23: {  	p1 =	por p1, !p2  }
.Ltmp2:
0x24: {  	_ = 	snop;
	(pc) =	sbr.rel @!p1 .LBB2_5-.Ltmp2, $1  }
0x25: {  	_ =	sdelay $0x3  }
0x26: {  	s11 =	sand.u32 $0x1, s9  }
0x27: {  	_ =	swait.ge [sflag:s7], $0x3200;
	p1 =	seq.s32 s11, $0x1;
	s11 =	simm.s32 $0x1900  }
0x28: {  	[sflag:s7] =	ssyncset.done $0x0;
	s11 =	simm.s32 @!p1 $0x0  }
0x29: {  	[sflag:s7] =	ssyncadd.s32 $0xFFFFCE00;
	s13 =	sor.u32 $0x186A0, s11  }
0x2a: {  	v2 =	vld.msk [tilespmem:s13+$0x0 ss:$0x1], $0xffff;
	_ =	sdelay $0x4  }
0x2b: {  	vm1 =	vge.s32 v2, v0;
	vm2 =	vlt.s32 v2, v1  }
0x2c: {  	v2 =	vsub.s32 v2, v0;
	vm1 =	vmand vm1, vm2  }
0x2d: {  	v2 =	vnsel vm1, $0x186A00, v2;
	_ =	sdelay $0x3  }
0x2e: {  	s12 =	simm.s32 $0x0;
	s11 =	sadd.s32 $0x1B8A0, s11;
	s13 =	sadd.s32 $0x10, s13  }
0x2f: {  	[spmem:s8] =	stream.indirect_vreg.scatter.add.s32 [tilespmem:s11], [sflag:$0x1], $0x1, v2, vm0, $0x4038;
	[tilespmem:$0x1EAA0] =	vst v63  }
.LBB2_3:
0x30: {  	v2 =	vld.msk [tilespmem:s13+$0x0 ss:$0x1], $0xffff;
	s12 =	sadd.s32 $0x10, s12  }
0x31: {  	p1 =	slt.u32 s12, $0x18F0;
	_ =	sdelay $0x4  }
0x32: {  	vm1 =	vge.s32 v2, v0;
	vm2 =	vlt.s32 v2, v1  }
0x33: {  	v2 =	vsub.s32 v2, v0;
	vm1 =	vmand vm1, vm2  }
0x34: {  	v2 =	vnsel vm1, $0x186A00, v2  }
.Ltmp3:
0x35: {  	(pc) =	sbr.rel @p1 .LBB2_3-.Ltmp3, $3  }
0x36: {  	_ =	sdelay $0x1  }
0x37: {  	s13 =	sadd.s32 $0x10, s13;
	s11 =	sadd.s32 $0x10, s11  }
0x38: {  	[spmem:s8] =	stream.indirect_vreg.scatter.add.s32 [tilespmem:s11], [sflag:$0x1], $0x1, v2, vm0, $0x4038;
	[tilespmem:$0x1EAA0] =	vst v63  }
.Ltmp4:
0x39: {  	(pc) =	sbr.rel .LBB2_5-.Ltmp4, $4  }
0x3a: {  	_ = 	snop  }
0x3b: {  	_ =	swait.ge [sflag:s4], $0x1900  }
0x3c: {  	[sflag:s4] =	ssyncset.done $0x0  }
0x3d: {  	[sflag:s4] =	ssyncadd.s32 $0xFFFFE700  }
.LBB2_6:
0x3e: {  	_ =	sfence.sel $0x180000  }
0x3f: {  	s2 =	simm.s32 $0x2;
	[bflag:$0x0] =	sbarrier.arrive $0xFFFF  }
0x40: {  	s30 =	simm.s32 $0x1;
	[sflag:s2] =	ssyncpa.u1 $0x1  }
0x41: {  	[sflag:s30] =	ssyncpa.u1 $0x1  }
0x42: {  	_ =	sfence.stream.spmem  }
0x43: {  	s31 =	simm.s32 $0x3D;
	[bflag:$0x0] =	sbarrier.arrive $0xFFFF  }
0x44: {  	s2 =	simm.s32 @p0 $0x3D;
	[sflag:s31] =	ssyncpa.u1 $0x0  }
0x45: {  	[sflag:s2] =	ssyncpa.u1 @p0 $0x1  }
0x46: {  	[bflag:$0x0] =	sbarrier.arrive @p0 $0xFFFF  }
0x47: {  	_ =	strace @p0 $0x90000056  }
0x48: {  	s3 =	simm.s32 @!p0 $0x1C3D;
	s2 =	simm.s32 @!p0 $0x0;
	[bflag:$0x2] =	sbarrier.arrive @p0 $0xFFFF  }
0x49: {  	[hbm:s1], [sflag:s3] =	dma.local @!p0 [spmem:s2], $0x30D40  }
0x4a: {  	s1 =	simm.s32 @!p0 $0x3D  }
0x4b: {  	_ =	swait.ge @!p0 [sflag:s1], $0x30D40  }
0x4c: {  	[sflag:s1] =	ssyncset.done @!p0 $0x0  }
0x4d: {  	[sflag:s1] =	ssyncadd.s32 @!p0 $0xFFFCF2C0  }
0x4e: {  	[sflag:s1] =	ssyncpa.u1 @!p0 $0x1  }
0x4f: {  	[bflag:$0x0] =	sbarrier.arrive @!p0 $0xFFFF  }
0x50: {  	_ =	strace @!p0 $0x90000056  }
0x51: {  	s0 =	sadd.s32 @!p0 $0x100000, s0;
	[bflag:$0x2] =	sbarrier.arrive @!p0 $0xFFFF  }
0x52: {  	[sflag:s0] =	ssyncadd.tile.s32 @!p0 $0x1;
	_ =	shalt  }
.Lfunc_end2:
_tile_overlayer_lowered:
.L_overlay_start_2:
0x53: {  	(tag) =	ssettag $0x2  }
0x54: {  	s0 =	rddreg [dreg:$0x0];
	s2 =	stileid.u32  }
0x55: {  	s1 =	rddreg [dreg:$0x1];
	p0 =	sne.s32 s2, $0x0  }
0x56: {  	s3 =	rddreg [dreg:$0x2];
	[bflag:$0x3] =	sbarrier.arrive $0xFFFF;
	s2 =	simm.s32 @!p0 $0x1C01  }
0x57: {  	[timem:s3], [sflag:s2] =	dma.local @!p0 [hbm:s0], s1  }
0x58: {  	s0 =	simm.s32 @!p0 $0x1  }
0x59: {  	_ =	swait.ge @!p0 [sflag:s0], s1  }
0x5a: {  	s1 =	ssub.s32 @!p0 $0x0, s1;
	[sflag:s0] =	ssyncset.done @!p0 $0x0  }
0x5b: {  	[sflag:s0] =	ssyncadd.s32 @!p0 s1  }
0x5c: {  	[bflag:$0x3] =	sbarrier.arrive $0xFFFF  }
0x5d: {  	_ =	shalt  }

</sc_bundles>
